<compile_context>
chip_gen: v7x
topology: tpu7x:2x2x1
jax: 0.10.2.dev20260603
libtpu: 0.0.44.dev20260713+nightly
codegen_flags: <defaults>
</compile_context>

<pallas_src>
import functools

import jax
import jax.numpy as jnp
from jax import lax
from jax.experimental import pallas as pl
from jax.experimental.pallas import tpu as pltpu
from jax.experimental.pallas import tpu_sc as plsc

NUM_ENTITIES = 100000
X_DIM = 16
N_TABLES = 8
BATCH = 16384

NC = 2
NS = 16
NW = NC * NS
N_ROWS = N_TABLES * X_DIM
ROWS_PER_W = N_ROWS // NW
FB = X_DIM // 8
L = 16
BB = BATCH // 128
HALF_BB = BB // 2


@functools.partial(
    pl.kernel,
    mesh=plsc.VectorSubcoreMesh(core_axis_name="c", subcore_axis_name="s"),
    out_type=jax.ShapeDtypeStruct(
        (N_TABLES, FB, NW, 4, 8, 128), jnp.float32
    ),
    scratch_types=[
        pltpu.VMEM((BATCH,), jnp.int32),
        pltpu.VMEM((NUM_ENTITIES,), jnp.float32),
        pltpu.VMEM((HALF_BB * 128,), jnp.float32),
        pltpu.SemaphoreType.DMA,
        pltpu.SemaphoreType.DMA,
    ],
    compiler_params=pltpu.CompilerParams(
        use_tc_tiling_on_sc=True, needs_layout_passes=False
    ),
)
def _stacked_gather(x_hbm, tab_hbm, out_hbm, idx_v, row_v, ostage_v, wsem, rsem):
    wid = lax.axis_index("s") * NC + lax.axis_index("c")
    idx_copy = pltpu.async_copy(x_hbm, idx_v, rsem)

    def drain_half():
        pltpu.make_async_copy(
            x_hbm.at[pl.ds(0, HALF_BB * 128)],
            idx_v.at[pl.ds(0, HALF_BB * 128)],
            wsem,
        ).wait()

    for k in range(ROWS_PER_W):
        r = wid * ROWS_PER_W + k
        t = r // X_DIM
        f = r % X_DIM
        fb = f // 8
        f_in = f % 8
        row_copy = pltpu.async_copy(tab_hbm.at[t, f], row_v, rsem)
        if k == 0:
            idx_copy.wait()
        row_copy.wait()
        for half in range(2):
            if k > 0 or half > 0:
                drain_half()

            def bb_body(bb, _):
                bb_g = half * HALF_BB + bb
                b0 = bb_g * 128
                for j in range(8):
                    ivec = idx_v[pl.ds(b0 + j * L, L)]
                    vec = plsc.load_gather(row_v, [ivec])
                    ostage_v[pl.ds(bb * 128 + j * L, L)] = vec
                pltpu.async_copy(
                    ostage_v.at[pl.ds(bb * 128, 128)],
                    out_hbm.at[t, fb, bb_g // 4, bb_g % 4, f_in],
                    wsem,
                )
                return None

            lax.fori_loop(0, HALF_BB, bb_body, None, unroll=4)
    drain_half()


def kernel(x, ent_tables):
    tt = ent_tables.transpose(0, 2, 1)
    raw = _stacked_gather(x, tt)
    return raw.transpose(0, 2, 3, 5, 1, 4).reshape(N_TABLES, BATCH, X_DIM)

# --- scband reference (transcript-rebuilt; emitter-appended) ---
"""Pipeline reference for scband-embeddings-60069412602244 (READ-ONLY COPY).

The authoritative reference and input builder live on the scoring server;
editing this copy changes nothing except your own understanding.
"""

import jax, jax.numpy as jnp
import numpy as np

NUM_ENTITIES = 100000
X_DIM = 16
N_TABLES = 8
BATCH = 16384


def setup_inputs(seed: int = 0) -> dict:
    key = jax.random.key(seed)
    k_idx, k_tab = jax.random.split(key)
    # entity indices to look up (forward arg)
    x = jax.random.randint(k_idx, (BATCH,), 0, NUM_ENTITIES, dtype=jnp.int32)
    # learned parameters: 8 separate entity embedding tables, stacked along dim 0
    # (entity_embedding .. entity_embedding7 in the torch module)
    ent_tables = jax.random.normal(k_tab, (N_TABLES, NUM_ENTITIES, X_DIM), dtype=jnp.float32)
    return {"x": x, "ent_tables": ent_tables}


def reference(x, ent_tables):
    # Faithful translation of get_vectorised_value_entity:
    # a_i = entity_embedding_i(x) for i in 0..7, then torch.stack(..., dim=0).
    # Gathering along axis=1 of the stacked tables is exactly the stack of the
    # 8 independent embedding lookups -> output shape [8, BATCH, X_DIM].
    a = jnp.take(ent_tables, x, axis=1)
    return a

if __name__ == "__main__":
    import jax
    _d = setup_inputs()
    print(jax.jit(kernel)(*tuple(_d.values())))

</pallas_src>

<mosaic_0001>
#map = affine_map<(d0, d1) -> (0)>
#map1 = affine_map<(d0, d1) -> (0, 0, 0)>
#map2 = affine_map<(d0, d1) -> (0, 0, 0, 0, 0, 0)>
module attributes {stable_mosaic.version = 14 : i64} {
  func.func @_stacked_gather(%arg0: i32, %arg1: i32, %arg2: memref<16384xi32, #tpu.memory_space<hbm>>, %arg3: memref<8x16x100000xf32, #tpu.memory_space<hbm>>, %arg4: memref<8x2x32x4x8x128xf32, #tpu.memory_space<hbm>>, %arg5: memref<16384xi32, #tpu.memory_space<vmem>>, %arg6: memref<100000xf32, #tpu.memory_space<vmem>>, %arg7: memref<8192xf32, #tpu.memory_space<vmem>>, %arg8: memref<!tpu.dma_semaphore, #tpu.memory_space<semaphore_mem>>, %arg9: memref<!tpu.dma_semaphore, #tpu.memory_space<semaphore_mem>>) attributes {dimension_semantics = [#tpu.dimension_semantics<core_parallel>, #tpu.dimension_semantics<subcore_parallel>], iteration_bounds = array<i64: 2, 16>, scalar_prefetch = 0 : i64, scratch_operands = 5 : i64, tpu.core_type = #tpu.core_type<sc_vector_subcore>, window_params = [{transform_indices = #map}, {transform_indices = #map1}, {transform_indices = #map2}]} {
    %mul3A = arith.constant 2 : i32
    %mul3A_0 = arith.muli %arg1, %mul3A : i32
    %add3A = arith.addi %mul3A_0, %arg0 : i32
    tpu.enqueue_dma source(%arg2 : memref<16384xi32, #tpu.memory_space<hbm>>) target(%arg5 : memref<16384xi32, #tpu.memory_space<vmem>>) target_semaphore(%arg9 : memref<!tpu.dma_semaphore, #tpu.memory_space<semaphore_mem>>)
    %mul3A_1 = arith.constant 4 : i32
    %mul3A_2 = arith.muli %add3A, %mul3A_1 : i32
    %add3A_3 = arith.constant 0 : i32
    %add3A_4 = arith.addi %mul3A_2, %add3A_3 : i32
    %jit3A = arith.constant 16 : i32
    %div3A = arith.divsi %add3A_4, %jit3A : i32
    %sign3A = arith.constant 0 : i32
    %sign3A_5 = arith.cmpi sgt, %add3A_4, %sign3A : i32
    %sign3A_6 = arith.extui %sign3A_5 : i1 to i32
    %sign3A_7 = arith.constant 0 : i32
    %sign3A_8 = arith.cmpi slt, %add3A_4, %sign3A_7 : i32
    %sign3A_9 = arith.extui %sign3A_8 : i1 to i32
    %sign3A_10 = arith.subi %sign3A_6, %sign3A_9 : i32
    %sign3A_11 = arith.constant 0 : i32
    %sign3A_12 = arith.cmpi sgt, %jit3A, %sign3A_11 : i32
    %sign3A_13 = arith.extui %sign3A_12 : i1 to i32
    %sign3A_14 = arith.constant 0 : i32
    %sign3A_15 = arith.cmpi slt, %jit3A, %sign3A_14 : i32
    %sign3A_16 = arith.extui %sign3A_15 : i1 to i32
    %sign3A_17 = arith.subi %sign3A_13, %sign3A_16 : i32
    %ne3A = arith.cmpi ne, %sign3A_10, %sign3A_17 : i32
    %rem3A = arith.remsi %add3A_4, %jit3A : i32
    %ne3A_18 = arith.constant 0 : i32
    %ne3A_19 = arith.cmpi ne, %rem3A, %ne3A_18 : i32
    %and3A = arith.andi %ne3A, %ne3A_19 : i1
    %sub3A = arith.constant 1 : i32
    %sub3A_20 = arith.subi %div3A, %sub3A : i32
    %select_n3A = arith.select %and3A, %sub3A_20, %div3A : i32
    %jit3A_21 = arith.constant 16 : i32
    %eq3A = arith.constant 0 : i32
    %eq3A_22 = arith.cmpi eq, %jit3A_21, %eq3A : i32
    %jit3A_23 = arith.constant 1 : i32
    %select_n3A_24 = arith.select %eq3A_22, %jit3A_23, %jit3A_21 : i32
    %rem3A_25 = arith.remsi %add3A_4, %select_n3A_24 : i32
    %ne3A_26 = arith.constant 0 : i32
    %ne3A_27 = arith.cmpi ne, %rem3A_25, %ne3A_26 : i32
    %lt3A = arith.constant 0 : i32
    %lt3A_28 = arith.cmpi slt, %rem3A_25, %lt3A : i32
    %lt3A_29 = arith.constant 0 : i32
    %lt3A_30 = arith.cmpi slt, %select_n3A_24, %lt3A_29 : i32
    %ne3A_31 = arith.xori %lt3A_28, %lt3A_30 : i1
    %and3A_32 = arith.andi %ne3A_31, %ne3A_27 : i1
    %add3A_33 = arith.addi %rem3A_25, %select_n3A_24 : i32
    %select_n3A_34 = arith.select %and3A_32, %add3A_33, %rem3A_25 : i32
    %jit3A_35 = arith.constant 8 : i32
    %div3A_36 = arith.divsi %select_n3A_34, %jit3A_35 : i32
    %sign3A_37 = arith.constant 0 : i32
    %sign3A_38 = arith.cmpi sgt, %select_n3A_34, %sign3A_37 : i32
    %sign3A_39 = arith.extui %sign3A_38 : i1 to i32
    %sign3A_40 = arith.constant 0 : i32
    %sign3A_41 = arith.cmpi slt, %select_n3A_34, %sign3A_40 : i32
    %sign3A_42 = arith.extui %sign3A_41 : i1 to i32
    %sign3A_43 = arith.subi %sign3A_39, %sign3A_42 : i32
    %sign3A_44 = arith.constant 0 : i32
    %sign3A_45 = arith.cmpi sgt, %jit3A_35, %sign3A_44 : i32
    %sign3A_46 = arith.extui %sign3A_45 : i1 to i32
    %sign3A_47 = arith.constant 0 : i32
    %sign3A_48 = arith.cmpi slt, %jit3A_35, %sign3A_47 : i32
    %sign3A_49 = arith.extui %sign3A_48 : i1 to i32
    %sign3A_50 = arith.subi %sign3A_46, %sign3A_49 : i32
    %ne3A_51 = arith.cmpi ne, %sign3A_43, %sign3A_50 : i32
    %rem3A_52 = arith.remsi %select_n3A_34, %jit3A_35 : i32
    %ne3A_53 = arith.constant 0 : i32
    %ne3A_54 = arith.cmpi ne, %rem3A_52, %ne3A_53 : i32
    %and3A_55 = arith.andi %ne3A_51, %ne3A_54 : i1
    %sub3A_56 = arith.constant 1 : i32
    %sub3A_57 = arith.subi %div3A_36, %sub3A_56 : i32
    %select_n3A_58 = arith.select %and3A_55, %sub3A_57, %div3A_36 : i32
    %jit3A_59 = arith.constant 8 : i32
    %eq3A_60 = arith.constant 0 : i32
    %eq3A_61 = arith.cmpi eq, %jit3A_59, %eq3A_60 : i32
    %jit3A_62 = arith.constant 1 : i32
    %select_n3A_63 = arith.select %eq3A_61, %jit3A_62, %jit3A_59 : i32
    %rem3A_64 = arith.remsi %select_n3A_34, %select_n3A_63 : i32
    %ne3A_65 = arith.constant 0 : i32
    %ne3A_66 = arith.cmpi ne, %rem3A_64, %ne3A_65 : i32
    %lt3A_67 = arith.constant 0 : i32
    %lt3A_68 = arith.cmpi slt, %rem3A_64, %lt3A_67 : i32
    %lt3A_69 = arith.constant 0 : i32
    %lt3A_70 = arith.cmpi slt, %select_n3A_63, %lt3A_69 : i32
    %ne3A_71 = arith.xori %lt3A_68, %lt3A_70 : i1
    %and3A_72 = arith.andi %ne3A_71, %ne3A_66 : i1
    %add3A_73 = arith.addi %rem3A_64, %select_n3A_63 : i32
    %select_n3A_74 = arith.select %and3A_72, %add3A_73, %rem3A_64 : i32
    %dma_start3A = arith.constant 0 : i32
    %dma_start3A_75 = tpu.memref_slice %arg3[%select_n3A, %select_n3A_34, %dma_start3A] : memref<8x16x100000xf32, #tpu.memory_space<hbm>> -> memref<1x1x100000xf32, #tpu.memory_space<hbm>>
    %dma_start3A_76 = tpu.memref_squeeze %dma_start3A_75 : memref<1x1x100000xf32, #tpu.memory_space<hbm>> -> memref<100000xf32, #tpu.memory_space<hbm>>
    %dma_start3A_77 = arith.constant 0 : i32
    %dma_start3A_78 = tpu.memref_slice %arg3[%select_n3A, %select_n3A_34, %dma_start3A_77] : memref<8x16x100000xf32, #tpu.memory_space<hbm>> -> memref<1x1x100000xf32, #tpu.memory_space<hbm>>
    %dma_start3A_79 = tpu.memref_squeeze %dma_start3A_78 : memref<1x1x100000xf32, #tpu.memory_space<hbm>> -> memref<100000xf32, #tpu.memory_space<hbm>>
    tpu.enqueue_dma source(%dma_start3A_79 : memref<100000xf32, #tpu.memory_space<hbm>>) target(%arg6 : memref<100000xf32, #tpu.memory_space<vmem>>) target_semaphore(%arg9 : memref<!tpu.dma_semaphore, #tpu.memory_space<semaphore_mem>>)
    tpu.wait_dma2 semaphore(%arg9 : memref<!tpu.dma_semaphore, #tpu.memory_space<semaphore_mem>>) src(%arg2 : memref<16384xi32, #tpu.memory_space<hbm>>) dst(%arg5 : memref<16384xi32, #tpu.memory_space<vmem>>)
    %dma_wait3A = arith.constant 0 : i32
    %dma_wait3A_80 = tpu.memref_slice %arg3[%select_n3A, %select_n3A_34, %dma_wait3A] : memref<8x16x100000xf32, #tpu.memory_space<hbm>> -> memref<1x1x100000xf32, #tpu.memory_space<hbm>>
    %dma_wait3A_81 = tpu.memref_squeeze %dma_wait3A_80 : memref<1x1x100000xf32, #tpu.memory_space<hbm>> -> memref<100000xf32, #tpu.memory_space<hbm>>
    %dma_wait3A_82 = arith.constant 0 : i32
    %dma_wait3A_83 = tpu.memref_slice %arg3[%select_n3A, %select_n3A_34, %dma_wait3A_82] : memref<8x16x100000xf32, #tpu.memory_space<hbm>> -> memref<1x1x100000xf32, #tpu.memory_space<hbm>>
    %dma_wait3A_84 = tpu.memref_squeeze %dma_wait3A_83 : memref<1x1x100000xf32, #tpu.memory_space<hbm>> -> memref<100000xf32, #tpu.memory_space<hbm>>
    tpu.wait_dma2 semaphore(%arg9 : memref<!tpu.dma_semaphore, #tpu.memory_space<semaphore_mem>>) src(%dma_wait3A_84 : memref<100000xf32, #tpu.memory_space<hbm>>) dst(%arg6 : memref<100000xf32, #tpu.memory_space<vmem>>)
    %scan3A = arith.constant 0 : i32
    %scan3A_85 = arith.constant 64 : i32
    %scan3A_86 = arith.addi %scan3A, %scan3A_85 : i32
    %scan3A_87 = arith.constant 4 : i32
    scf.for %scan3A_476 = %scan3A to %scan3A_86 step %scan3A_87  : i32 {
      %add3A_477 = arith.constant 0 : i32
      %add3A_478 = arith.addi %add3A_477, %scan3A_476 : i32
      %mul3A_479 = arith.constant 128 : i32
      %mul3A_480 = arith.muli %add3A_478, %mul3A_479 : i32
      %add3A_481 = arith.constant 0 : i32
      %add3A_482 = arith.addi %mul3A_480, %add3A_481 : i32
      %get3A = arith.index_cast %add3A_482 : i32 to index
      %get3A_483 = tpu.vector_load %arg5[%get3A] {strides = array<i32>} : memref<16384xi32, #tpu.memory_space<vmem>>, vector<16xi32>,
      %gather3A = tpu.vector_load_idx %arg6[%get3A_483] : memref<100000xf32, #tpu.memory_space<vmem>>[vector<16xi32>], vector<16xf32>,
      %mul3A_484 = arith.constant 128 : i32
      %mul3A_485 = arith.muli %scan3A_476, %mul3A_484 : i32
      %add3A_486 = arith.constant 0 : i32
      %add3A_487 = arith.addi %mul3A_485, %add3A_486 : i32
      %swap3A = arith.index_cast %add3A_487 : i32 to index
      %swap3A_488 = tpu.vector_load %arg7[%swap3A] {strides = array<i32>} : memref<8192xf32, #tpu.memory_space<vmem>>, vector<16xf32>,
      tpu.vector_store %arg7[%swap3A], %gather3A {strides = array<i32>} : memref<8192xf32, #tpu.memory_space<vmem>>, vector<16xf32>,
      %add3A_489 = arith.constant 16 : i32
      %add3A_490 = arith.addi %mul3A_480, %add3A_489 : i32
      %get3A_491 = arith.index_cast %add3A_490 : i32 to index
      %get3A_492 = tpu.vector_load %arg5[%get3A_491] {strides = array<i32>} : memref<16384xi32, #tpu.memory_space<vmem>>, vector<16xi32>,
      %gather3A_493 = tpu.vector_load_idx %arg6[%get3A_492] : memref<100000xf32, #tpu.memory_space<vmem>>[vector<16xi32>], vector<16xf32>,
      %mul3A_494 = arith.constant 128 : i32
      %mul3A_495 = arith.muli %scan3A_476, %mul3A_494 : i32
      %add3A_496 = arith.constant 16 : i32
      %add3A_497 = arith.addi %mul3A_495, %add3A_496 : i32
      %swap3A_498 = arith.index_cast %add3A_497 : i32 to index
      %swap3A_499 = tpu.vector_load %arg7[%swap3A_498] {strides = array<i32>} : memref<8192xf32, #tpu.memory_space<vmem>>, vector<16xf32>,
      tpu.vector_store %arg7[%swap3A_498], %gather3A_493 {strides = array<i32>} : memref<8192xf32, #tpu.memory_space<vmem>>, vector<16xf32>,
      %add3A_500 = arith.constant 32 : i32
      %add3A_501 = arith.addi %mul3A_480, %add3A_500 : i32
      %get3A_502 = arith.index_cast %add3A_501 : i32 to index
      %get3A_503 = tpu.vector_load %arg5[%get3A_502] {strides = array<i32>} : memref<16384xi32, #tpu.memory_space<vmem>>, vector<16xi32>,
      %gather3A_504 = tpu.vector_load_idx %arg6[%get3A_503] : memref<100000xf32, #tpu.memory_space<vmem>>[vector<16xi32>], vector<16xf32>,
      %mul3A_505 = arith.constant 128 : i32
      %mul3A_506 = arith.muli %scan3A_476, %mul3A_505 : i32
      %add3A_507 = arith.constant 32 : i32
      %add3A_508 = arith.addi %mul3A_506, %add3A_507 : i32
      %swap3A_509 = arith.index_cast %add3A_508 : i32 to index
      %swap3A_510 = tpu.vector_load %arg7[%swap3A_509] {strides = array<i32>} : memref<8192xf32, #tpu.memory_space<vmem>>, vector<16xf32>,
      tpu.vector_store %arg7[%swap3A_509], %gather3A_504 {strides = array<i32>} : memref<8192xf32, #tpu.memory_space<vmem>>, vector<16xf32>,
      %add3A_511 = arith.constant 48 : i32
      %add3A_512 = arith.addi %mul3A_480, %add3A_511 : i32
      %get3A_513 = arith.index_cast %add3A_512 : i32 to index
      %get3A_514 = tpu.vector_load %arg5[%get3A_513] {strides = array<i32>} : memref<16384xi32, #tpu.memory_space<vmem>>, vector<16xi32>,
      %gather3A_515 = tpu.vector_load_idx %arg6[%get3A_514] : memref<100000xf32, #tpu.memory_space<vmem>>[vector<16xi32>], vector<16xf32>,
      %mul3A_516 = arith.constant 128 : i32
      %mul3A_517 = arith.muli %scan3A_476, %mul3A_516 : i32
      %add3A_518 = arith.constant 48 : i32
      %add3A_519 = arith.addi %mul3A_517, %add3A_518 : i32
      %swap3A_520 = arith.index_cast %add3A_519 : i32 to index
      %swap3A_521 = tpu.vector_load %arg7[%swap3A_520] {strides = array<i32>} : memref<8192xf32, #tpu.memory_space<vmem>>, vector<16xf32>,
      tpu.vector_store %arg7[%swap3A_520], %gather3A_515 {strides = array<i32>} : memref<8192xf32, #tpu.memory_space<vmem>>, vector<16xf32>,
      %add3A_522 = arith.constant 64 : i32
      %add3A_523 = arith.addi %mul3A_480, %add3A_522 : i32
      %get3A_524 = arith.index_cast %add3A_523 : i32 to index
      %get3A_525 = tpu.vector_load %arg5[%get3A_524] {strides = array<i32>} : memref<16384xi32, #tpu.memory_space<vmem>>, vector<16xi32>,
      %gather3A_526 = tpu.vector_load_idx %arg6[%get3A_525] : memref<100000xf32, #tpu.memory_space<vmem>>[vector<16xi32>], vector<16xf32>,
      %mul3A_527 = arith.constant 128 : i32
      %mul3A_528 = arith.muli %scan3A_476, %mul3A_527 : i32
      %add3A_529 = arith.constant 64 : i32
      %add3A_530 = arith.addi %mul3A_528, %add3A_529 : i32
      %swap3A_531 = arith.index_cast %add3A_530 : i32 to index
      %swap3A_532 = tpu.vector_load %arg7[%swap3A_531] {strides = array<i32>} : memref<8192xf32, #tpu.memory_space<vmem>>, vector<16xf32>,
      tpu.vector_store %arg7[%swap3A_531], %gather3A_526 {strides = array<i32>} : memref<8192xf32, #tpu.memory_space<vmem>>, vector<16xf32>,
      %add3A_533 = arith.constant 80 : i32
      %add3A_534 = arith.addi %mul3A_480, %add3A_533 : i32
      %get3A_535 = arith.index_cast %add3A_534 : i32 to index
      %get3A_536 = tpu.vector_load %arg5[%get3A_535] {strides = array<i32>} : memref<16384xi32, #tpu.memory_space<vmem>>, vector<16xi32>,
      %gather3A_537 = tpu.vector_load_idx %arg6[%get3A_536] : memref<100000xf32, #tpu.memory_space<vmem>>[vector<16xi32>], vector<16xf32>,
      %mul3A_538 = arith.constant 128 : i32
      %mul3A_539 = arith.muli %scan3A_476, %mul3A_538 : i32
      %add3A_540 = arith.constant 80 : i32
      %add3A_541 = arith.addi %mul3A_539, %add3A_540 : i32
      %swap3A_542 = arith.index_cast %add3A_541 : i32 to index
      %swap3A_543 = tpu.vector_load %arg7[%swap3A_542] {strides = array<i32>} : memref<8192xf32, #tpu.memory_space<vmem>>, vector<16xf32>,
      tpu.vector_store %arg7[%swap3A_542], %gather3A_537 {strides = array<i32>} : memref<8192xf32, #tpu.memory_space<vmem>>, vector<16xf32>,
      %add3A_544 = arith.constant 96 : i32
      %add3A_545 = arith.addi %mul3A_480, %add3A_544 : i32
      %get3A_546 = arith.index_cast %add3A_545 : i32 to index
      %get3A_547 = tpu.vector_load %arg5[%get3A_546] {strides = array<i32>} : memref<16384xi32, #tpu.memory_space<vmem>>, vector<16xi32>,
      %gather3A_548 = tpu.vector_load_idx %arg6[%get3A_547] : memref<100000xf32, #tpu.memory_space<vmem>>[vector<16xi32>], vector<16xf32>,
      %mul3A_549 = arith.constant 128 : i32
      %mul3A_550 = arith.muli %scan3A_476, %mul3A_549 : i32
      %add3A_551 = arith.constant 96 : i32
      %add3A_552 = arith.addi %mul3A_550, %add3A_551 : i32
      %swap3A_553 = arith.index_cast %add3A_552 : i32 to index
      %swap3A_554 = tpu.vector_load %arg7[%swap3A_553] {strides = array<i32>} : memref<8192xf32, #tpu.memory_space<vmem>>, vector<16xf32>,
      tpu.vector_store %arg7[%swap3A_553], %gather3A_548 {strides = array<i32>} : memref<8192xf32, #tpu.memory_space<vmem>>, vector<16xf32>,
      %add3A_555 = arith.constant 112 : i32
      %add3A_556 = arith.addi %mul3A_480, %add3A_555 : i32
      %get3A_557 = arith.index_cast %add3A_556 : i32 to index
      %get3A_558 = tpu.vector_load %arg5[%get3A_557] {strides = array<i32>} : memref<16384xi32, #tpu.memory_space<vmem>>, vector<16xi32>,
      %gather3A_559 = tpu.vector_load_idx %arg6[%get3A_558] : memref<100000xf32, #tpu.memory_space<vmem>>[vector<16xi32>], vector<16xf32>,
      %mul3A_560 = arith.constant 128 : i32
      %mul3A_561 = arith.muli %scan3A_476, %mul3A_560 : i32
      %add3A_562 = arith.constant 112 : i32
      %add3A_563 = arith.addi %mul3A_561, %add3A_562 : i32
      %swap3A_564 = arith.index_cast %add3A_563 : i32 to index
      %swap3A_565 = tpu.vector_load %arg7[%swap3A_564] {strides = array<i32>} : memref<8192xf32, #tpu.memory_space<vmem>>, vector<16xf32>,
      tpu.vector_store %arg7[%swap3A_564], %gather3A_559 {strides = array<i32>} : memref<8192xf32, #tpu.memory_space<vmem>>, vector<16xf32>,
      %mul3A_566 = arith.constant 128 : i32
      %mul3A_567 = arith.muli %scan3A_476, %mul3A_566 : i32
      %jit3A_568 = arith.constant 4 : i32
      %div3A_569 = arith.divsi %add3A_478, %jit3A_568 : i32
      %sign3A_570 = arith.constant 0 : i32
      %sign3A_571 = arith.cmpi sgt, %add3A_478, %sign3A_570 : i32
      %sign3A_572 = arith.extui %sign3A_571 : i1 to i32
      %sign3A_573 = arith.constant 0 : i32
      %sign3A_574 = arith.cmpi slt, %add3A_478, %sign3A_573 : i32
      %sign3A_575 = arith.extui %sign3A_574 : i1 to i32
      %sign3A_576 = arith.subi %sign3A_572, %sign3A_575 : i32
      %sign3A_577 = arith.constant 0 : i32
      %sign3A_578 = arith.cmpi sgt, %jit3A_568, %sign3A_577 : i32
      %sign3A_579 = arith.extui %sign3A_578 : i1 to i32
      %sign3A_580 = arith.constant 0 : i32
      %sign3A_581 = arith.cmpi slt, %jit3A_568, %sign3A_580 : i32
      %sign3A_582 = arith.extui %sign3A_581 : i1 to i32
      %sign3A_583 = arith.subi %sign3A_579, %sign3A_582 : i32
      %ne3A_584 = arith.cmpi ne, %sign3A_576, %sign3A_583 : i32
      %rem3A_585 = arith.remsi %add3A_478, %jit3A_568 : i32
      %ne3A_586 = arith.constant 0 : i32
      %ne3A_587 = arith.cmpi ne, %rem3A_585, %ne3A_586 : i32
      %and3A_588 = arith.andi %ne3A_584, %ne3A_587 : i1
      %sub3A_589 = arith.constant 1 : i32
      %sub3A_590 = arith.subi %div3A_569, %sub3A_589 : i32
      %select_n3A_591 = arith.select %and3A_588, %sub3A_590, %div3A_569 : i32
      %jit3A_592 = arith.constant 4 : i32
      %eq3A_593 = arith.constant 0 : i32
      %eq3A_594 = arith.cmpi eq, %jit3A_592, %eq3A_593 : i32
      %jit3A_595 = arith.constant 1 : i32
      %select_n3A_596 = arith.select %eq3A_594, %jit3A_595, %jit3A_592 : i32
      %rem3A_597 = arith.remsi %add3A_478, %select_n3A_596 : i32
      %ne3A_598 = arith.constant 0 : i32
      %ne3A_599 = arith.cmpi ne, %rem3A_597, %ne3A_598 : i32
      %lt3A_600 = arith.constant 0 : i32
      %lt3A_601 = arith.cmpi slt, %rem3A_597, %lt3A_600 : i32
      %lt3A_602 = arith.constant 0 : i32
      %lt3A_603 = arith.cmpi slt, %select_n3A_596, %lt3A_602 : i32
      %ne3A_604 = arith.xori %lt3A_601, %lt3A_603 : i1
      %and3A_605 = arith.andi %ne3A_604, %ne3A_599 : i1
      %add3A_606 = arith.addi %rem3A_597, %select_n3A_596 : i32
      %select_n3A_607 = arith.select %and3A_605, %add3A_606, %rem3A_597 : i32
      %dma_start3A_608 = tpu.memref_slice %arg7[%mul3A_567] : memref<8192xf32, #tpu.memory_space<vmem>> -> memref<128xf32, #tpu.memory_space<vmem>>
      %dma_start3A_609 = arith.constant 0 : i32
      %dma_start3A_610 = tpu.memref_slice %arg4[%select_n3A, %select_n3A_58, %select_n3A_591, %select_n3A_607, %select_n3A_74, %dma_start3A_609] : memref<8x2x32x4x8x128xf32, #tpu.memory_space<hbm>> -> memref<1x1x1x1x1x128xf32, #tpu.memory_space<hbm>>
      %dma_start3A_611 = tpu.memref_squeeze %dma_start3A_610 : memref<1x1x1x1x1x128xf32, #tpu.memory_space<hbm>> -> memref<128xf32, #tpu.memory_space<hbm>>
      %dma_start3A_612 = arith.constant 0 : i32
      %dma_start3A_613 = tpu.memref_slice %arg4[%select_n3A, %select_n3A_58, %select_n3A_591, %select_n3A_607, %select_n3A_74, %dma_start3A_612] : memref<8x2x32x4x8x128xf32, #tpu.memory_space<hbm>> -> memref<1x1x1x1x1x128xf32, #tpu.memory_space<hbm>>
      %dma_start3A_614 = tpu.memref_squeeze %dma_start3A_613 : memref<1x1x1x1x1x128xf32, #tpu.memory_space<hbm>> -> memref<128xf32, #tpu.memory_space<hbm>>
      %dma_start3A_615 = tpu.memref_slice %arg7[%mul3A_567] : memref<8192xf32, #tpu.memory_space<vmem>> -> memref<128xf32, #tpu.memory_space<vmem>>
      tpu.enqueue_dma source(%dma_start3A_615 : memref<128xf32, #tpu.memory_space<vmem>>) target(%dma_start3A_614 : memref<128xf32, #tpu.memory_space<hbm>>) target_semaphore(%arg8 : memref<!tpu.dma_semaphore, #tpu.memory_space<semaphore_mem>>)
      %scan3A_616 = arith.constant 1 : i32
      %scan3A_617 = arith.addi %scan3A_476, %scan3A_616 : i32
      %add3A_618 = arith.constant 0 : i32
      %add3A_619 = arith.addi %add3A_618, %scan3A_617 : i32
      %mul3A_620 = arith.constant 128 : i32
      %mul3A_621 = arith.muli %add3A_619, %mul3A_620 : i32
      %add3A_622 = arith.constant 0 : i32
      %add3A_623 = arith.addi %mul3A_621, %add3A_622 : i32
      %get3A_624 = arith.index_cast %add3A_623 : i32 to index
      %get3A_625 = tpu.vector_load %arg5[%get3A_624] {strides = array<i32>} : memref<16384xi32, #tpu.memory_space<vmem>>, vector<16xi32>,
      %gather3A_626 = tpu.vector_load_idx %arg6[%get3A_625] : memref<100000xf32, #tpu.memory_space<vmem>>[vector<16xi32>], vector<16xf32>,
      %mul3A_627 = arith.constant 128 : i32
      %mul3A_628 = arith.muli %scan3A_617, %mul3A_627 : i32
      %add3A_629 = arith.constant 0 : i32
      %add3A_630 = arith.addi %mul3A_628, %add3A_629 : i32
      %swap3A_631 = arith.index_cast %add3A_630 : i32 to index
      %swap3A_632 = tpu.vector_load %arg7[%swap3A_631] {strides = array<i32>} : memref<8192xf32, #tpu.memory_space<vmem>>, vector<16xf32>,
      tpu.vector_store %arg7[%swap3A_631], %gather3A_626 {strides = array<i32>} : memref<8192xf32, #tpu.memory_space<vmem>>, vector<16xf32>,
      %add3A_633 = arith.constant 16 : i32
      %add3A_634 = arith.addi %mul3A_621, %add3A_633 : i32
      %get3A_635 = arith.index_cast %add3A_634 : i32 to index
      %get3A_636 = tpu.vector_load %arg5[%get3A_635] {strides = array<i32>} : memref<16384xi32, #tpu.memory_space<vmem>>, vector<16xi32>,
      %gather3A_637 = tpu.vector_load_idx %arg6[%get3A_636] : memref<100000xf32, #tpu.memory_space<vmem>>[vector<16xi32>], vector<16xf32>,
      %mul3A_638 = arith.constant 128 : i32
      %mul3A_639 = arith.muli %scan3A_617, %mul3A_638 : i32
      %add3A_640 = arith.constant 16 : i32
      %add3A_641 = arith.addi %mul3A_639, %add3A_640 : i32
      %swap3A_642 = arith.index_cast %add3A_641 : i32 to index
      %swap3A_643 = tpu.vector_load %arg7[%swap3A_642] {strides = array<i32>} : memref<8192xf32, #tpu.memory_space<vmem>>, vector<16xf32>,
      tpu.vector_store %arg7[%swap3A_642], %gather3A_637 {strides = array<i32>} : memref<8192xf32, #tpu.memory_space<vmem>>, vector<16xf32>,
      %add3A_644 = arith.constant 32 : i32
      %add3A_645 = arith.addi %mul3A_621, %add3A_644 : i32
      %get3A_646 = arith.index_cast %add3A_645 : i32 to index
      %get3A_647 = tpu.vector_load %arg5[%get3A_646] {strides = array<i32>} : memref<16384xi32, #tpu.memory_space<vmem>>, vector<16xi32>,
      %gather3A_648 = tpu.vector_load_idx %arg6[%get3A_647] : memref<100000xf32, #tpu.memory_space<vmem>>[vector<16xi32>], vector<16xf32>,
      %mul3A_649 = arith.constant 128 : i32
      %mul3A_650 = arith.muli %scan3A_617, %mul3A_649 : i32
      %add3A_651 = arith.constant 32 : i32
      %add3A_652 = arith.addi %mul3A_650, %add3A_651 : i32
      %swap3A_653 = arith.index_cast %add3A_652 : i32 to index
      %swap3A_654 = tpu.vector_load %arg7[%swap3A_653] {strides = array<i32>} : memref<8192xf32, #tpu.memory_space<vmem>>, vector<16xf32>,
      tpu.vector_store %arg7[%swap3A_653], %gather3A_648 {strides = array<i32>} : memref<8192xf32, #tpu.memory_space<vmem>>, vector<16xf32>,
      %add3A_655 = arith.constant 48 : i32
      %add3A_656 = arith.addi %mul3A_621, %add3A_655 : i32
      %get3A_657 = arith.index_cast %add3A_656 : i32 to index
      %get3A_658 = tpu.vector_load %arg5[%get3A_657] {strides = array<i32>} : memref<16384xi32, #tpu.memory_space<vmem>>, vector<16xi32>,
      %gather3A_659 = tpu.vector_load_idx %arg6[%get3A_658] : memref<100000xf32, #tpu.memory_space<vmem>>[vector<16xi32>], vector<16xf32>,
      %mul3A_660 = arith.constant 128 : i32
      %mul3A_661 = arith.muli %scan3A_617, %mul3A_660 : i32
      %add3A_662 = arith.constant 48 : i32
      %add3A_663 = arith.addi %mul3A_661, %add3A_662 : i32
      %swap3A_664 = arith.index_cast %add3A_663 : i32 to index
      %swap3A_665 = tpu.vector_load %arg7[%swap3A_664] {strides = array<i32>} : memref<8192xf32, #tpu.memory_space<vmem>>, vector<16xf32>,
      tpu.vector_store %arg7[%swap3A_664], %gather3A_659 {strides = array<i32>} : memref<8192xf32, #tpu.memory_space<vmem>>, vector<16xf32>,
      %add3A_666 = arith.constant 64 : i32
      %add3A_667 = arith.addi %mul3A_621, %add3A_666 : i32
      %get3A_668 = arith.index_cast %add3A_667 : i32 to index
      %get3A_669 = tpu.vector_load %arg5[%get3A_668] {strides = array<i32>} : memref<16384xi32, #tpu.memory_space<vmem>>, vector<16xi32>,
      %gather3A_670 = tpu.vector_load_idx %arg6[%get3A_669] : memref<100000xf32, #tpu.memory_space<vmem>>[vector<16xi32>], vector<16xf32>,
      %mul3A_671 = arith.constant 128 : i32
      %mul3A_672 = arith.muli %scan3A_617, %mul3A_671 : i32
      %add3A_673 = arith.constant 64 : i32
      %add3A_674 = arith.addi %mul3A_672, %add3A_673 : i32
      %swap3A_675 = arith.index_cast %add3A_674 : i32 to index
      %swap3A_676 = tpu.vector_load %arg7[%swap3A_675] {strides = array<i32>} : memref<8192xf32, #tpu.memory_space<vmem>>, vector<16xf32>,
      tpu.vector_store %arg7[%swap3A_675], %gather3A_670 {strides = array<i32>} : memref<8192xf32, #tpu.memory_space<vmem>>, vector<16xf32>,
      %add3A_677 = arith.constant 80 : i32
      %add3A_678 = arith.addi %mul3A_621, %add3A_677 : i32
      %get3A_679 = arith.index_cast %add3A_678 : i32 to index
      %get3A_680 = tpu.vector_load %arg5[%get3A_679] {strides = array<i32>} : memref<16384xi32, #tpu.memory_space<vmem>>, vector<16xi32>,
      %gather3A_681 = tpu.vector_load_idx %arg6[%get3A_680] : memref<100000xf32, #tpu.memory_space<vmem>>[vector<16xi32>], vector<16xf32>,
      %mul3A_682 = arith.constant 128 : i32
      %mul3A_683 = arith.muli %scan3A_617, %mul3A_682 : i32
      %add3A_684 = arith.constant 80 : i32
      %add3A_685 = arith.addi %mul3A_683, %add3A_684 : i32
      %swap3A_686 = arith.index_cast %add3A_685 : i32 to index
      %swap3A_687 = tpu.vector_load %arg7[%swap3A_686] {strides = array<i32>} : memref<8192xf32, #tpu.memory_space<vmem>>, vector<16xf32>,
      tpu.vector_store %arg7[%swap3A_686], %gather3A_681 {strides = array<i32>} : memref<8192xf32, #tpu.memory_space<vmem>>, vector<16xf32>,
      %add3A_688 = arith.constant 96 : i32
      %add3A_689 = arith.addi %mul3A_621, %add3A_688 : i32
      %get3A_690 = arith.index_cast %add3A_689 : i32 to index
      %get3A_691 = tpu.vector_load %arg5[%get3A_690] {strides = array<i32>} : memref<16384xi32, #tpu.memory_space<vmem>>, vector<16xi32>,
      %gather3A_692 = tpu.vector_load_idx %arg6[%get3A_691] : memref<100000xf32, #tpu.memory_space<vmem>>[vector<16xi32>], vector<16xf32>,
      %mul3A_693 = arith.constant 128 : i32
      %mul3A_694 = arith.muli %scan3A_617, %mul3A_693 : i32
      %add3A_695 = arith.constant 96 : i32
      %add3A_696 = arith.addi %mul3A_694, %add3A_695 : i32
      %swap3A_697 = arith.index_cast %add3A_696 : i32 to index
      %swap3A_698 = tpu.vector_load %arg7[%swap3A_697] {strides = array<i32>} : memref<8192xf32, #tpu.memory_space<vmem>>, vector<16xf32>,
      tpu.vector_store %arg7[%swap3A_697], %gather3A_692 {strides = array<i32>} : memref<8192xf32, #tpu.memory_space<vmem>>, vector<16xf32>,
      %add3A_699 = arith.constant 112 : i32
      %add3A_700 = arith.addi %mul3A_621, %add3A_699 : i32
      %get3A_701 = arith.index_cast %add3A_700 : i32 to index
      %get3A_702 = tpu.vector_load %arg5[%get3A_701] {strides = array<i32>} : memref<16384xi32, #tpu.memory_space<vmem>>, vector<16xi32>,
      %gather3A_703 = tpu.vector_load_idx %arg6[%get3A_702] : memref<100000xf32, #tpu.memory_space<vmem>>[vector<16xi32>], vector<16xf32>,
      %mul3A_704 = arith.constant 128 : i32
      %mul3A_705 = arith.muli %scan3A_617, %mul3A_704 : i32
      %add3A_706 = arith.constant 112 : i32
      %add3A_707 = arith.addi %mul3A_705, %add3A_706 : i32
      %swap3A_708 = arith.index_cast %add3A_707 : i32 to index
      %swap3A_709 = tpu.vector_load %arg7[%swap3A_708] {strides = array<i32>} : memref<8192xf32, #tpu.memory_space<vmem>>, vector<16xf32>,
      tpu.vector_store %arg7[%swap3A_708], %gather3A_703 {strides = array<i32>} : memref<8192xf32, #tpu.memory_space<vmem>>, vector<16xf32>,
      %mul3A_710 = arith.constant 128 : i32
      %mul3A_711 = arith.muli %scan3A_617, %mul3A_710 : i32
      %jit3A_712 = arith.constant 4 : i32
      %div3A_713 = arith.divsi %add3A_619, %jit3A_712 : i32
      %sign3A_714 = arith.constant 0 : i32
      %sign3A_715 = arith.cmpi sgt, %add3A_619, %sign3A_714 : i32
      %sign3A_716 = arith.extui %sign3A_715 : i1 to i32
      %sign3A_717 = arith.constant 0 : i32
      %sign3A_718 = arith.cmpi slt, %add3A_619, %sign3A_717 : i32
      %sign3A_719 = arith.extui %sign3A_718 : i1 to i32
      %sign3A_720 = arith.subi %sign3A_716, %sign3A_719 : i32
      %sign3A_721 = arith.constant 0 : i32
      %sign3A_722 = arith.cmpi sgt, %jit3A_712, %sign3A_721 : i32
      %sign3A_723 = arith.extui %sign3A_722 : i1 to i32
      %sign3A_724 = arith.constant 0 : i32
      %sign3A_725 = arith.cmpi slt, %jit3A_712, %sign3A_724 : i32
      %sign3A_726 = arith.extui %sign3A_725 : i1 to i32
      %sign3A_727 = arith.subi %sign3A_723, %sign3A_726 : i32
      %ne3A_728 = arith.cmpi ne, %sign3A_720, %sign3A_727 : i32
      %rem3A_729 = arith.remsi %add3A_619, %jit3A_712 : i32
      %ne3A_730 = arith.constant 0 : i32
      %ne3A_731 = arith.cmpi ne, %rem3A_729, %ne3A_730 : i32
      %and3A_732 = arith.andi %ne3A_728, %ne3A_731 : i1
      %sub3A_733 = arith.constant 1 : i32
      %sub3A_734 = arith.subi %div3A_713, %sub3A_733 : i32
      %select_n3A_735 = arith.select %and3A_732, %sub3A_734, %div3A_713 : i32
      %jit3A_736 = arith.constant 4 : i32
      %eq3A_737 = arith.constant 0 : i32
      %eq3A_738 = arith.cmpi eq, %jit3A_736, %eq3A_737 : i32
      %jit3A_739 = arith.constant 1 : i32
      %select_n3A_740 = arith.select %eq3A_738, %jit3A_739, %jit3A_736 : i32
      %rem3A_741 = arith.remsi %add3A_619, %select_n3A_740 : i32
      %ne3A_742 = arith.constant 0 : i32
      %ne3A_743 = arith.cmpi ne, %rem3A_741, %ne3A_742 : i32
      %lt3A_744 = arith.constant 0 : i32
      %lt3A_745 = arith.cmpi slt, %rem3A_741, %lt3A_744 : i32
      %lt3A_746 = arith.constant 0 : i32
      %lt3A_747 = arith.cmpi slt, %select_n3A_740, %lt3A_746 : i32
      %ne3A_748 = arith.xori %lt3A_745, %lt3A_747 : i1
      %and3A_749 = arith.andi %ne3A_748, %ne3A_743 : i1
      %add3A_750 = arith.addi %rem3A_741, %select_n3A_740 : i32
      %select_n3A_751 = arith.select %and3A_749, %add3A_750, %rem3A_741 : i32
      %dma_start3A_752 = tpu.memref_slice %arg7[%mul3A_711] : memref<8192xf32, #tpu.memory_space<vmem>> -> memref<128xf32, #tpu.memory_space<vmem>>
      %dma_start3A_753 = arith.constant 0 : i32
      %dma_start3A_754 = tpu.memref_slice %arg4[%select_n3A, %select_n3A_58, %select_n3A_735, %select_n3A_751, %select_n3A_74, %dma_start3A_753] : memref<8x2x32x4x8x128xf32, #tpu.memory_space<hbm>> -> memref<1x1x1x1x1x128xf32, #tpu.memory_space<hbm>>
      %dma_start3A_755 = tpu.memref_squeeze %dma_start3A_754 : memref<1x1x1x1x1x128xf32, #tpu.memory_space<hbm>> -> memref<128xf32, #tpu.memory_space<hbm>>
      %dma_start3A_756 = arith.constant 0 : i32
      %dma_start3A_757 = tpu.memref_slice %arg4[%select_n3A, %select_n3A_58, %select_n3A_735, %select_n3A_751, %select_n3A_74, %dma_start3A_756] : memref<8x2x32x4x8x128xf32, #tpu.memory_space<hbm>> -> memref<1x1x1x1x1x128xf32, #tpu.memory_space<hbm>>
      %dma_start3A_758 = tpu.memref_squeeze %dma_start3A_757 : memref<1x1x1x1x1x128xf32, #tpu.memory_space<hbm>> -> memref<128xf32, #tpu.memory_space<hbm>>
      %dma_start3A_759 = tpu.memref_slice %arg7[%mul3A_711] : memref<8192xf32, #tpu.memory_space<vmem>> -> memref<128xf32, #tpu.memory_space<vmem>>
      tpu.enqueue_dma source(%dma_start3A_759 : memref<128xf32, #tpu.memory_space<vmem>>) target(%dma_start3A_758 : memref<128xf32, #tpu.memory_space<hbm>>) target_semaphore(%arg8 : memref<!tpu.dma_semaphore, #tpu.memory_space<semaphore_mem>>)
      %scan3A_760 = arith.constant 2 : i32
      %scan3A_761 = arith.addi %scan3A_476, %scan3A_760 : i32
      %add3A_762 = arith.constant 0 : i32
      %add3A_763 = arith.addi %add3A_762, %scan3A_761 : i32
      %mul3A_764 = arith.constant 128 : i32
      %mul3A_765 = arith.muli %add3A_763, %mul3A_764 : i32
      %add3A_766 = arith.constant 0 : i32
      %add3A_767 = arith.addi %mul3A_765, %add3A_766 : i32
      %get3A_768 = arith.index_cast %add3A_767 : i32 to index
      %get3A_769 = tpu.vector_load %arg5[%get3A_768] {strides = array<i32>} : memref<16384xi32, #tpu.memory_space<vmem>>, vector<16xi32>,
      %gather3A_770 = tpu.vector_load_idx %arg6[%get3A_769] : memref<100000xf32, #tpu.memory_space<vmem>>[vector<16xi32>], vector<16xf32>,
      %mul3A_771 = arith.constant 128 : i32
      %mul3A_772 = arith.muli %scan3A_761, %mul3A_771 : i32
      %add3A_773 = arith.constant 0 : i32
      %add3A_774 = arith.addi %mul3A_772, %add3A_773 : i32
      %swap3A_775 = arith.index_cast %add3A_774 : i32 to index
      %swap3A_776 = tpu.vector_load %arg7[%swap3A_775] {strides = array<i32>} : memref<8192xf32, #tpu.memory_space<vmem>>, vector<16xf32>,
      tpu.vector_store %arg7[%swap3A_775], %gather3A_770 {strides = array<i32>} : memref<8192xf32, #tpu.memory_space<vmem>>, vector<16xf32>,
      %add3A_777 = arith.constant 16 : i32
      %add3A_778 = arith.addi %mul3A_765, %add3A_777 : i32
      %get3A_779 = arith.index_cast %add3A_778 : i32 to index
      %get3A_780 = tpu.vector_load %arg5[%get3A_779] {strides = array<i32>} : memref<16384xi32, #tpu.memory_space<vmem>>, vector<16xi32>,
      %gather3A_781 = tpu.vector_load_idx %arg6[%get3A_780] : memref<100000xf32, #tpu.memory_space<vmem>>[vector<16xi32>], vector<16xf32>,
      %mul3A_782 = arith.constant 128 : i32
      %mul3A_783 = arith.muli %scan3A_761, %mul3A_782 : i32
      %add3A_784 = arith.constant 16 : i32
      %add3A_785 = arith.addi %mul3A_783, %add3A_784 : i32
      %swap3A_786 = arith.index_cast %add3A_785 : i32 to index
      %swap3A_787 = tpu.vector_load %arg7[%swap3A_786] {strides = array<i32>} : memref<8192xf32, #tpu.memory_space<vmem>>, vector<16xf32>,
      tpu.vector_store %arg7[%swap3A_786], %gather3A_781 {strides = array<i32>} : memref<8192xf32, #tpu.memory_space<vmem>>, vector<16xf32>,
      %add3A_788 = arith.constant 32 : i32
      %add3A_789 = arith.addi %mul3A_765, %add3A_788 : i32
      %get3A_790 = arith.index_cast %add3A_789 : i32 to index
      %get3A_791 = tpu.vector_load %arg5[%get3A_790] {strides = array<i32>} : memref<16384xi32, #tpu.memory_space<vmem>>, vector<16xi32>,
      %gather3A_792 = tpu.vector_load_idx %arg6[%get3A_791] : memref<100000xf32, #tpu.memory_space<vmem>>[vector<16xi32>], vector<16xf32>,
      %mul3A_793 = arith.constant 128 : i32
      %mul3A_794 = arith.muli %scan3A_761, %mul3A_793 : i32
      %add3A_795 = arith.constant 32 : i32
      %add3A_796 = arith.addi %mul3A_794, %add3A_795 : i32
      %swap3A_797 = arith.index_cast %add3A_796 : i32 to index
      %swap3A_798 = tpu.vector_load %arg7[%swap3A_797] {strides = array<i32>} : memref<8192xf32, #tpu.memory_space<vmem>>, vector<16xf32>,
      tpu.vector_store %arg7[%swap3A_797], %gather3A_792 {strides = array<i32>} : memref<8192xf32, #tpu.memory_space<vmem>>, vector<16xf32>,
      %add3A_799 = arith.constant 48 : i32
      %add3A_800 = arith.addi %mul3A_765, %add3A_799 : i32
      %get3A_801 = arith.index_cast %add3A_800 : i32 to index
      %get3A_802 = tpu.vector_load %arg5[%get3A_801] {strides = array<i32>} : memref<16384xi32, #tpu.memory_space<vmem>>, vector<16xi32>,
      %gather3A_803 = tpu.vector_load_idx %arg6[%get3A_802] : memref<100000xf32, #tpu.memory_space<vmem>>[vector<16xi32>], vector<16xf32>,
      %mul3A_804 = arith.constant 128 : i32
      %mul3A_805 = arith.muli %scan3A_761, %mul3A_804 : i32
      %add3A_806 = arith.constant 48 : i32
      %add3A_807 = arith.addi %mul3A_805, %add3A_806 : i32
      %swap3A_808 = arith.index_cast %add3A_807 : i32 to index
      %swap3A_809 = tpu.vector_load %arg7[%swap3A_808] {strides = array<i32>} : memref<8192xf32, #tpu.memory_space<vmem>>, vector<16xf32>,
      tpu.vector_store %arg7[%swap3A_808], %gather3A_803 {strides = array<i32>} : memref<8192xf32, #tpu.memory_space<vmem>>, vector<16xf32>,
      %add3A_810 = arith.constant 64 : i32
      %add3A_811 = arith.addi %mul3A_765, %add3A_810 : i32
      %get3A_812 = arith.index_cast %add3A_811 : i32 to index
      %get3A_813 = tpu.vector_load %arg5[%get3A_812] {strides = array<i32>} : memref<16384xi32, #tpu.memory_space<vmem>>, vector<16xi32>,
      %gather3A_814 = tpu.vector_load_idx %arg6[%get3A_813] : memref<100000xf32, #tpu.memory_space<vmem>>[vector<16xi32>], vector<16xf32>,
      %mul3A_815 = arith.constant 128 : i32
      %mul3A_816 = arith.muli %scan3A_761, %mul3A_815 : i32
      %add3A_817 = arith.constant 64 : i32
      %add3A_818 = arith.addi %mul3A_816, %add3A_817 : i32
      %swap3A_819 = arith.index_cast %add3A_818 : i32 to index
      %swap3A_820 = tpu.vector_load %arg7[%swap3A_819] {strides = array<i32>} : memref<8192xf32, #tpu.memory_space<vmem>>, vector<16xf32>,
      tpu.vector_store %arg7[%swap3A_819], %gather3A_814 {strides = array<i32>} : memref<8192xf32, #tpu.memory_space<vmem>>, vector<16xf32>,
      %add3A_821 = arith.constant 80 : i32
      %add3A_822 = arith.addi %mul3A_765, %add3A_821 : i32
      %get3A_823 = arith.index_cast %add3A_822 : i32 to index
      %get3A_824 = tpu.vector_load %arg5[%get3A_823] {strides = array<i32>} : memref<16384xi32, #tpu.memory_space<vmem>>, vector<16xi32>,
      %gather3A_825 = tpu.vector_load_idx %arg6[%get3A_824] : memref<100000xf32, #tpu.memory_space<vmem>>[vector<16xi32>], vector<16xf32>,
      %mul3A_826 = arith.constant 128 : i32
      %mul3A_827 = arith.muli %scan3A_761, %mul3A_826 : i32
      %add3A_828 = arith.constant 80 : i32
      %add3A_829 = arith.addi %mul3A_827, %add3A_828 : i32
      %swap3A_830 = arith.index_cast %add3A_829 : i32 to index
      %swap3A_831 = tpu.vector_load %arg7[%swap3A_830] {strides = array<i32>} : memref<8192xf32, #tpu.memory_space<vmem>>, vector<16xf32>,
      tpu.vector_store %arg7[%swap3A_830], %gather3A_825 {strides = array<i32>} : memref<8192xf32, #tpu.memory_space<vmem>>, vector<16xf32>,
      %add3A_832 = arith.constant 96 : i32
      %add3A_833 = arith.addi %mul3A_765, %add3A_832 : i32
      %get3A_834 = arith.index_cast %add3A_833 : i32 to index
      %get3A_835 = tpu.vector_load %arg5[%get3A_834] {strides = array<i32>} : memref<16384xi32, #tpu.memory_space<vmem>>, vector<16xi32>,
      %gather3A_836 = tpu.vector_load_idx %arg6[%get3A_835] : memref<100000xf32, #tpu.memory_space<vmem>>[vector<16xi32>], vector<16xf32>,
      %mul3A_837 = arith.constant 128 : i32
      %mul3A_838 = arith.muli %scan3A_761, %mul3A_837 : i32
      %add3A_839 = arith.constant 96 : i32
      %add3A_840 = arith.addi %mul3A_838, %add3A_839 : i32
      %swap3A_841 = arith.index_cast %add3A_840 : i32 to index
      %swap3A_842 = tpu.vector_load %arg7[%swap3A_841] {strides = array<i32>} : memref<8192xf32, #tpu.memory_space<vmem>>, vector<16xf32>,
      tpu.vector_store %arg7[%swap3A_841], %gather3A_836 {strides = array<i32>} : memref<8192xf32, #tpu.memory_space<vmem>>, vector<16xf32>,
      %add3A_843 = arith.constant 112 : i32
      %add3A_844 = arith.addi %mul3A_765, %add3A_843 : i32
      %get3A_845 = arith.index_cast %add3A_844 : i32 to index
      %get3A_846 = tpu.vector_load %arg5[%get3A_845] {strides = array<i32>} : memref<16384xi32, #tpu.memory_space<vmem>>, vector<16xi32>,
      %gather3A_847 = tpu.vector_load_idx %arg6[%get3A_846] : memref<100000xf32, #tpu.memory_space<vmem>>[vector<16xi32>], vector<16xf32>,
      %mul3A_848 = arith.constant 128 : i32
      %mul3A_849 = arith.muli %scan3A_761, %mul3A_848 : i32
      %add3A_850 = arith.constant 112 : i32
      %add3A_851 = arith.addi %mul3A_849, %add3A_850 : i32
      %swap3A_852 = arith.index_cast %add3A_851 : i32 to index
      %swap3A_853 = tpu.vector_load %arg7[%swap3A_852] {strides = array<i32>} : memref<8192xf32, #tpu.memory_space<vmem>>, vector<16xf32>,
      tpu.vector_store %arg7[%swap3A_852], %gather3A_847 {strides = array<i32>} : memref<8192xf32, #tpu.memory_space<vmem>>, vector<16xf32>,
      %mul3A_854 = arith.constant 128 : i32
      %mul3A_855 = arith.muli %scan3A_761, %mul3A_854 : i32
      %jit3A_856 = arith.constant 4 : i32
      %div3A_857 = arith.divsi %add3A_763, %jit3A_856 : i32
      %sign3A_858 = arith.constant 0 : i32
      %sign3A_859 = arith.cmpi sgt, %add3A_763, %sign3A_858 : i32
      %sign3A_860 = arith.extui %sign3A_859 : i1 to i32
      %sign3A_861 = arith.constant 0 : i32
      %sign3A_862 = arith.cmpi slt, %add3A_763, %sign3A_861 : i32
      %sign3A_863 = arith.extui %sign3A_862 : i1 to i32
      %sign3A_864 = arith.subi %sign3A_860, %sign3A_863 : i32
      %sign3A_865 = arith.constant 0 : i32
      %sign3A_866 = arith.cmpi sgt, %jit3A_856, %sign3A_865 : i32
      %sign3A_867 = arith.extui %sign3A_866 : i1 to i32
      %sign3A_868 = arith.constant 0 : i32
      %sign3A_869 = arith.cmpi slt, %jit3A_856, %sign3A_868 : i32
      %sign3A_870 = arith.extui %sign3A_869 : i1 to i32
      %sign3A_871 = arith.subi %sign3A_867, %sign3A_870 : i32
      %ne3A_872 = arith.cmpi ne, %sign3A_864, %sign3A_871 : i32
      %rem3A_873 = arith.remsi %add3A_763, %jit3A_856 : i32
      %ne3A_874 = arith.constant 0 : i32
      %ne3A_875 = arith.cmpi ne, %rem3A_873, %ne3A_874 : i32
      %and3A_876 = arith.andi %ne3A_872, %ne3A_875 : i1
      %sub3A_877 = arith.constant 1 : i32
      %sub3A_878 = arith.subi %div3A_857, %sub3A_877 : i32
      %select_n3A_879 = arith.select %and3A_876, %sub3A_878, %div3A_857 : i32
      %jit3A_880 = arith.constant 4 : i32
      %eq3A_881 = arith.constant 0 : i32
      %eq3A_882 = arith.cmpi eq, %jit3A_880, %eq3A_881 : i32
      %jit3A_883 = arith.constant 1 : i32
      %select_n3A_884 = arith.select %eq3A_882, %jit3A_883, %jit3A_880 : i32
      %rem3A_885 = arith.remsi %add3A_763, %select_n3A_884 : i32
      %ne3A_886 = arith.constant 0 : i32
      %ne3A_887 = arith.cmpi ne, %rem3A_885, %ne3A_886 : i32
      %lt3A_888 = arith.constant 0 : i32
      %lt3A_889 = arith.cmpi slt, %rem3A_885, %lt3A_888 : i32
      %lt3A_890 = arith.constant 0 : i32
      %lt3A_891 = arith.cmpi slt, %select_n3A_884, %lt3A_890 : i32
      %ne3A_892 = arith.xori %lt3A_889, %lt3A_891 : i1
      %and3A_893 = arith.andi %ne3A_892, %ne3A_887 : i1
      %add3A_894 = arith.addi %rem3A_885, %select_n3A_884 : i32
      %select_n3A_895 = arith.select %and3A_893, %add3A_894, %rem3A_885 : i32
      %dma_start3A_896 = tpu.memref_slice %arg7[%mul3A_855] : memref<8192xf32, #tpu.memory_space<vmem>> -> memref<128xf32, #tpu.memory_space<vmem>>
      %dma_start3A_897 = arith.constant 0 : i32
      %dma_start3A_898 = tpu.memref_slice %arg4[%select_n3A, %select_n3A_58, %select_n3A_879, %select_n3A_895, %select_n3A_74, %dma_start3A_897] : memref<8x2x32x4x8x128xf32, #tpu.memory_space<hbm>> -> memref<1x1x1x1x1x128xf32, #tpu.memory_space<hbm>>
      %dma_start3A_899 = tpu.memref_squeeze %dma_start3A_898 : memref<1x1x1x1x1x128xf32, #tpu.memory_space<hbm>> -> memref<128xf32, #tpu.memory_space<hbm>>
      %dma_start3A_900 = arith.constant 0 : i32
      %dma_start3A_901 = tpu.memref_slice %arg4[%select_n3A, %select_n3A_58, %select_n3A_879, %select_n3A_895, %select_n3A_74, %dma_start3A_900] : memref<8x2x32x4x8x128xf32, #tpu.memory_space<hbm>> -> memref<1x1x1x1x1x128xf32, #tpu.memory_space<hbm>>
      %dma_start3A_902 = tpu.memref_squeeze %dma_start3A_901 : memref<1x1x1x1x1x128xf32, #tpu.memory_space<hbm>> -> memref<128xf32, #tpu.memory_space<hbm>>
      %dma_start3A_903 = tpu.memref_slice %arg7[%mul3A_855] : memref<8192xf32, #tpu.memory_space<vmem>> -> memref<128xf32, #tpu.memory_space<vmem>>
      tpu.enqueue_dma source(%dma_start3A_903 : memref<128xf32, #tpu.memory_space<vmem>>) target(%dma_start3A_902 : memref<128xf32, #tpu.memory_space<hbm>>) target_semaphore(%arg8 : memref<!tpu.dma_semaphore, #tpu.memory_space<semaphore_mem>>)
      %scan3A_904 = arith.constant 3 : i32
      %scan3A_905 = arith.addi %scan3A_476, %scan3A_904 : i32
      %add3A_906 = arith.constant 0 : i32
      %add3A_907 = arith.addi %add3A_906, %scan3A_905 : i32
      %mul3A_908 = arith.constant 128 : i32
      %mul3A_909 = arith.muli %add3A_907, %mul3A_908 : i32
      %add3A_910 = arith.constant 0 : i32
      %add3A_911 = arith.addi %mul3A_909, %add3A_910 : i32
      %get3A_912 = arith.index_cast %add3A_911 : i32 to index
      %get3A_913 = tpu.vector_load %arg5[%get3A_912] {strides = array<i32>} : memref<16384xi32, #tpu.memory_space<vmem>>, vector<16xi32>,
      %gather3A_914 = tpu.vector_load_idx %arg6[%get3A_913] : memref<100000xf32, #tpu.memory_space<vmem>>[vector<16xi32>], vector<16xf32>,
      %mul3A_915 = arith.constant 128 : i32
      %mul3A_916 = arith.muli %scan3A_905, %mul3A_915 : i32
      %add3A_917 = arith.constant 0 : i32
      %add3A_918 = arith.addi %mul3A_916, %add3A_917 : i32
      %swap3A_919 = arith.index_cast %add3A_918 : i32 to index
      %swap3A_920 = tpu.vector_load %arg7[%swap3A_919] {strides = array<i32>} : memref<8192xf32, #tpu.memory_space<vmem>>, vector<16xf32>,
      tpu.vector_store %arg7[%swap3A_919], %gather3A_914 {strides = array<i32>} : memref<8192xf32, #tpu.memory_space<vmem>>, vector<16xf32>,
      %add3A_921 = arith.constant 16 : i32
      %add3A_922 = arith.addi %mul3A_909, %add3A_921 : i32
      %get3A_923 = arith.index_cast %add3A_922 : i32 to index
      %get3A_924 = tpu.vector_load %arg5[%get3A_923] {strides = array<i32>} : memref<16384xi32, #tpu.memory_space<vmem>>, vector<16xi32>,
      %gather3A_925 = tpu.vector_load_idx %arg6[%get3A_924] : memref<100000xf32, #tpu.memory_space<vmem>>[vector<16xi32>], vector<16xf32>,
      %mul3A_926 = arith.constant 128 : i32
      %mul3A_927 = arith.muli %scan3A_905, %mul3A_926 : i32
      %add3A_928 = arith.constant 16 : i32
      %add3A_929 = arith.addi %mul3A_927, %add3A_928 : i32
      %swap3A_930 = arith.index_cast %add3A_929 : i32 to index
      %swap3A_931 = tpu.vector_load %arg7[%swap3A_930] {strides = array<i32>} : memref<8192xf32, #tpu.memory_space<vmem>>, vector<16xf32>,
      tpu.vector_store %arg7[%swap3A_930], %gather3A_925 {strides = array<i32>} : memref<8192xf32, #tpu.memory_space<vmem>>, vector<16xf32>,
      %add3A_932 = arith.constant 32 : i32
      %add3A_933 = arith.addi %mul3A_909, %add3A_932 : i32
      %get3A_934 = arith.index_cast %add3A_933 : i32 to index
      %get3A_935 = tpu.vector_load %arg5[%get3A_934] {strides = array<i32>} : memref<16384xi32, #tpu.memory_space<vmem>>, vector<16xi32>,
      %gather3A_936 = tpu.vector_load_idx %arg6[%get3A_935] : memref<100000xf32, #tpu.memory_space<vmem>>[vector<16xi32>], vector<16xf32>,
      %mul3A_937 = arith.constant 128 : i32
      %mul3A_938 = arith.muli %scan3A_905, %mul3A_937 : i32
      %add3A_939 = arith.constant 32 : i32
      %add3A_940 = arith.addi %mul3A_938, %add3A_939 : i32
      %swap3A_941 = arith.index_cast %add3A_940 : i32 to index
      %swap3A_942 = tpu.vector_load %arg7[%swap3A_941] {strides = array<i32>} : memref<8192xf32, #tpu.memory_space<vmem>>, vector<16xf32>,
      tpu.vector_store %arg7[%swap3A_941], %gather3A_936 {strides = array<i32>} : memref<8192xf32, #tpu.memory_space<vmem>>, vector<16xf32>,
      %add3A_943 = arith.constant 48 : i32
      %add3A_944 = arith.addi %mul3A_909, %add3A_943 : i32
      %get3A_945 = arith.index_cast %add3A_944 : i32 to index
      %get3A_946 = tpu.vector_load %arg5[%get3A_945] {strides = array<i32>} : memref<16384xi32, #tpu.memory_space<vmem>>, vector<16xi32>,
      %gather3A_947 = tpu.vector_load_idx %arg6[%get3A_946] : memref<100000xf32, #tpu.memory_space<vmem>>[vector<16xi32>], vector<16xf32>,
      %mul3A_948 = arith.constant 128 : i32
      %mul3A_949 = arith.muli %scan3A_905, %mul3A_948 : i32
      %add3A_950 = arith.constant 48 : i32
      %add3A_951 = arith.addi %mul3A_949, %add3A_950 : i32
      %swap3A_952 = arith.index_cast %add3A_951 : i32 to index
      %swap3A_953 = tpu.vector_load %arg7[%swap3A_952] {strides = array<i32>} : memref<8192xf32, #tpu.memory_space<vmem>>, vector<16xf32>,
      tpu.vector_store %arg7[%swap3A_952], %gather3A_947 {strides = array<i32>} : memref<8192xf32, #tpu.memory_space<vmem>>, vector<16xf32>,
      %add3A_954 = arith.constant 64 : i32
      %add3A_955 = arith.addi %mul3A_909, %add3A_954 : i32
      %get3A_956 = arith.index_cast %add3A_955 : i32 to index
      %get3A_957 = tpu.vector_load %arg5[%get3A_956] {strides = array<i32>} : memref<16384xi32, #tpu.memory_space<vmem>>, vector<16xi32>,
      %gather3A_958 = tpu.vector_load_idx %arg6[%get3A_957] : memref<100000xf32, #tpu.memory_space<vmem>>[vector<16xi32>], vector<16xf32>,
      %mul3A_959 = arith.constant 128 : i32
      %mul3A_960 = arith.muli %scan3A_905, %mul3A_959 : i32
      %add3A_961 = arith.constant 64 : i32
      %add3A_962 = arith.addi %mul3A_960, %add3A_961 : i32
      %swap3A_963 = arith.index_cast %add3A_962 : i32 to index
      %swap3A_964 = tpu.vector_load %arg7[%swap3A_963] {strides = array<i32>} : memref<8192xf32, #tpu.memory_space<vmem>>, vector<16xf32>,
      tpu.vector_store %arg7[%swap3A_963], %gather3A_958 {strides = array<i32>} : memref<8192xf32, #tpu.memory_space<vmem>>, vector<16xf32>,
      %add3A_965 = arith.constant 80 : i32
      %add3A_966 = arith.addi %mul3A_909, %add3A_965 : i32
      %get3A_967 = arith.index_cast %add3A_966 : i32 to index
      %get3A_968 = tpu.vector_load %arg5[%get3A_967] {strides = array<i32>} : memref<16384xi32, #tpu.memory_space<vmem>>, vector<16xi32>,
      %gather3A_969 = tpu.vector_load_idx %arg6[%get3A_968] : memref<100000xf32, #tpu.memory_space<vmem>>[vector<16xi32>], vector<16xf32>,
      %mul3A_970 = arith.constant 128 : i32
      %mul3A_971 = arith.muli %scan3A_905, %mul3A_970 : i32
      %add3A_972 = arith.constant 80 : i32
      %add3A_973 = arith.addi %mul3A_971, %add3A_972 : i32
      %swap3A_974 = arith.index_cast %add3A_973 : i32 to index
      %swap3A_975 = tpu.vector_load %arg7[%swap3A_974] {strides = array<i32>} : memref<8192xf32, #tpu.memory_space<vmem>>, vector<16xf32>,
      tpu.vector_store %arg7[%swap3A_974], %gather3A_969 {strides = array<i32>} : memref<8192xf32, #tpu.memory_space<vmem>>, vector<16xf32>,
      %add3A_976 = arith.constant 96 : i32
      %add3A_977 = arith.addi %mul3A_909, %add3A_976 : i32
      %get3A_978 = arith.index_cast %add3A_977 : i32 to index
      %get3A_979 = tpu.vector_load %arg5[%get3A_978] {strides = array<i32>} : memref<16384xi32, #tpu.memory_space<vmem>>, vector<16xi32>,
      %gather3A_980 = tpu.vector_load_idx %arg6[%get3A_979] : memref<100000xf32, #tpu.memory_space<vmem>>[vector<16xi32>], vector<16xf32>,
      %mul3A_981 = arith.constant 128 : i32
      %mul3A_982 = arith.muli %scan3A_905, %mul3A_981 : i32
      %add3A_983 = arith.constant 96 : i32
      %add3A_984 = arith.addi %mul3A_982, %add3A_983 : i32
      %swap3A_985 = arith.index_cast %add3A_984 : i32 to index
      %swap3A_986 = tpu.vector_load %arg7[%swap3A_985] {strides = array<i32>} : memref<8192xf32, #tpu.memory_space<vmem>>, vector<16xf32>,
      tpu.vector_store %arg7[%swap3A_985], %gather3A_980 {strides = array<i32>} : memref<8192xf32, #tpu.memory_space<vmem>>, vector<16xf32>,
      %add3A_987 = arith.constant 112 : i32
      %add3A_988 = arith.addi %mul3A_909, %add3A_987 : i32
      %get3A_989 = arith.index_cast %add3A_988 : i32 to index
      %get3A_990 = tpu.vector_load %arg5[%get3A_989] {strides = array<i32>} : memref<16384xi32, #tpu.memory_space<vmem>>, vector<16xi32>,
      %gather3A_991 = tpu.vector_load_idx %arg6[%get3A_990] : memref<100000xf32, #tpu.memory_space<vmem>>[vector<16xi32>], vector<16xf32>,
      %mul3A_992 = arith.constant 128 : i32
      %mul3A_993 = arith.muli %scan3A_905, %mul3A_992 : i32
      %add3A_994 = arith.constant 112 : i32
      %add3A_995 = arith.addi %mul3A_993, %add3A_994 : i32
      %swap3A_996 = arith.index_cast %add3A_995 : i32 to index
      %swap3A_997 = tpu.vector_load %arg7[%swap3A_996] {strides = array<i32>} : memref<8192xf32, #tpu.memory_space<vmem>>, vector<16xf32>,
      tpu.vector_store %arg7[%swap3A_996], %gather3A_991 {strides = array<i32>} : memref<8192xf32, #tpu.memory_space<vmem>>, vector<16xf32>,
      %mul3A_998 = arith.constant 128 : i32
      %mul3A_999 = arith.muli %scan3A_905, %mul3A_998 : i32
      %jit3A_1000 = arith.constant 4 : i32
      %div3A_1001 = arith.divsi %add3A_907, %jit3A_1000 : i32
      %sign3A_1002 = arith.constant 0 : i32
      %sign3A_1003 = arith.cmpi sgt, %add3A_907, %sign3A_1002 : i32
      %sign3A_1004 = arith.extui %sign3A_1003 : i1 to i32
      %sign3A_1005 = arith.constant 0 : i32
      %sign3A_1006 = arith.cmpi slt, %add3A_907, %sign3A_1005 : i32
      %sign3A_1007 = arith.extui %sign3A_1006 : i1 to i32
      %sign3A_1008 = arith.subi %sign3A_1004, %sign3A_1007 : i32
      %sign3A_1009 = arith.constant 0 : i32
      %sign3A_1010 = arith.cmpi sgt, %jit3A_1000, %sign3A_1009 : i32
      %sign3A_1011 = arith.extui %sign3A_1010 : i1 to i32
      %sign3A_1012 = arith.constant 0 : i32
      %sign3A_1013 = arith.cmpi slt, %jit3A_1000, %sign3A_1012 : i32
      %sign3A_1014 = arith.extui %sign3A_1013 : i1 to i32
      %sign3A_1015 = arith.subi %sign3A_1011, %sign3A_1014 : i32
      %ne3A_1016 = arith.cmpi ne, %sign3A_1008, %sign3A_1015 : i32
      %rem3A_1017 = arith.remsi %add3A_907, %jit3A_1000 : i32
      %ne3A_1018 = arith.constant 0 : i32
      %ne3A_1019 = arith.cmpi ne, %rem3A_1017, %ne3A_1018 : i32
      %and3A_1020 = arith.andi %ne3A_1016, %ne3A_1019 : i1
      %sub3A_1021 = arith.constant 1 : i32
      %sub3A_1022 = arith.subi %div3A_1001, %sub3A_1021 : i32
      %select_n3A_1023 = arith.select %and3A_1020, %sub3A_1022, %div3A_1001 : i32
      %jit3A_1024 = arith.constant 4 : i32
      %eq3A_1025 = arith.constant 0 : i32
      %eq3A_1026 = arith.cmpi eq, %jit3A_1024, %eq3A_1025 : i32
      %jit3A_1027 = arith.constant 1 : i32
      %select_n3A_1028 = arith.select %eq3A_1026, %jit3A_1027, %jit3A_1024 : i32
      %rem3A_1029 = arith.remsi %add3A_907, %select_n3A_1028 : i32
      %ne3A_1030 = arith.constant 0 : i32
      %ne3A_1031 = arith.cmpi ne, %rem3A_1029, %ne3A_1030 : i32
      %lt3A_1032 = arith.constant 0 : i32
      %lt3A_1033 = arith.cmpi slt, %rem3A_1029, %lt3A_1032 : i32
      %lt3A_1034 = arith.constant 0 : i32
      %lt3A_1035 = arith.cmpi slt, %select_n3A_1028, %lt3A_1034 : i32
      %ne3A_1036 = arith.xori %lt3A_1033, %lt3A_1035 : i1
      %and3A_1037 = arith.andi %ne3A_1036, %ne3A_1031 : i1
      %add3A_1038 = arith.addi %rem3A_1029, %select_n3A_1028 : i32
      %select_n3A_1039 = arith.select %and3A_1037, %add3A_1038, %rem3A_1029 : i32
      %dma_start3A_1040 = tpu.memref_slice %arg7[%mul3A_999] : memref<8192xf32, #tpu.memory_space<vmem>> -> memref<128xf32, #tpu.memory_space<vmem>>
      %dma_start3A_1041 = arith.constant 0 : i32
      %dma_start3A_1042 = tpu.memref_slice %arg4[%select_n3A, %select_n3A_58, %select_n3A_1023, %select_n3A_1039, %select_n3A_74, %dma_start3A_1041] : memref<8x2x32x4x8x128xf32, #tpu.memory_space<hbm>> -> memref<1x1x1x1x1x128xf32, #tpu.memory_space<hbm>>
      %dma_start3A_1043 = tpu.memref_squeeze %dma_start3A_1042 : memref<1x1x1x1x1x128xf32, #tpu.memory_space<hbm>> -> memref<128xf32, #tpu.memory_space<hbm>>
      %dma_start3A_1044 = arith.constant 0 : i32
      %dma_start3A_1045 = tpu.memref_slice %arg4[%select_n3A, %select_n3A_58, %select_n3A_1023, %select_n3A_1039, %select_n3A_74, %dma_start3A_1044] : memref<8x2x32x4x8x128xf32, #tpu.memory_space<hbm>> -> memref<1x1x1x1x1x128xf32, #tpu.memory_space<hbm>>
      %dma_start3A_1046 = tpu.memref_squeeze %dma_start3A_1045 : memref<1x1x1x1x1x128xf32, #tpu.memory_space<hbm>> -> memref<128xf32, #tpu.memory_space<hbm>>
      %dma_start3A_1047 = tpu.memref_slice %arg7[%mul3A_999] : memref<8192xf32, #tpu.memory_space<vmem>> -> memref<128xf32, #tpu.memory_space<vmem>>
      tpu.enqueue_dma source(%dma_start3A_1047 : memref<128xf32, #tpu.memory_space<vmem>>) target(%dma_start3A_1046 : memref<128xf32, #tpu.memory_space<hbm>>) target_semaphore(%arg8 : memref<!tpu.dma_semaphore, #tpu.memory_space<semaphore_mem>>)
    }
    %scan3A_88 = arith.constant 64 : i32
    %dma_wait3A_89 = arith.constant 0 : i32
    %dma_wait3A_90 = tpu.memref_slice %arg5[%dma_wait3A_89] : memref<16384xi32, #tpu.memory_space<vmem>> -> memref<8192xi32, #tpu.memory_space<vmem>>
    %dma_wait3A_91 = arith.constant 0 : i32
    %dma_wait3A_92 = tpu.memref_slice %arg2[%dma_wait3A_91] : memref<16384xi32, #tpu.memory_space<hbm>> -> memref<8192xi32, #tpu.memory_space<hbm>>
    %dma_wait3A_93 = arith.constant 0 : i32
    %dma_wait3A_94 = tpu.memref_slice %arg5[%dma_wait3A_93] : memref<16384xi32, #tpu.memory_space<vmem>> -> memref<8192xi32, #tpu.memory_space<vmem>>
    %dma_wait3A_95 = arith.constant 0 : i32
    %dma_wait3A_96 = tpu.memref_slice %arg2[%dma_wait3A_95] : memref<16384xi32, #tpu.memory_space<hbm>> -> memref<8192xi32, #tpu.memory_space<hbm>>
    tpu.wait_dma2 semaphore(%arg8 : memref<!tpu.dma_semaphore, #tpu.memory_space<semaphore_mem>>) src(%dma_wait3A_96 : memref<8192xi32, #tpu.memory_space<hbm>>) dst(%dma_wait3A_94 : memref<8192xi32, #tpu.memory_space<vmem>>)
    %scan3A_97 = arith.constant 0 : i32
    %scan3A_98 = arith.constant 64 : i32
    %scan3A_99 = arith.addi %scan3A_97, %scan3A_98 : i32
    %scan3A_100 = arith.constant 4 : i32
    scf.for %scan3A_476 = %scan3A_97 to %scan3A_99 step %scan3A_100  : i32 {
      %add3A_477 = arith.constant 64 : i32
      %add3A_478 = arith.addi %add3A_477, %scan3A_476 : i32
      %mul3A_479 = arith.constant 128 : i32
      %mul3A_480 = arith.muli %add3A_478, %mul3A_479 : i32
      %add3A_481 = arith.constant 0 : i32
      %add3A_482 = arith.addi %mul3A_480, %add3A_481 : i32
      %get3A = arith.index_cast %add3A_482 : i32 to index
      %get3A_483 = tpu.vector_load %arg5[%get3A] {strides = array<i32>} : memref<16384xi32, #tpu.memory_space<vmem>>, vector<16xi32>,
      %gather3A = tpu.vector_load_idx %arg6[%get3A_483] : memref<100000xf32, #tpu.memory_space<vmem>>[vector<16xi32>], vector<16xf32>,
      %mul3A_484 = arith.constant 128 : i32
      %mul3A_485 = arith.muli %scan3A_476, %mul3A_484 : i32
      %add3A_486 = arith.constant 0 : i32
      %add3A_487 = arith.addi %mul3A_485, %add3A_486 : i32
      %swap3A = arith.index_cast %add3A_487 : i32 to index
      %swap3A_488 = tpu.vector_load %arg7[%swap3A] {strides = array<i32>} : memref<8192xf32, #tpu.memory_space<vmem>>, vector<16xf32>,
      tpu.vector_store %arg7[%swap3A], %gather3A {strides = array<i32>} : memref<8192xf32, #tpu.memory_space<vmem>>, vector<16xf32>,
      %add3A_489 = arith.constant 16 : i32
      %add3A_490 = arith.addi %mul3A_480, %add3A_489 : i32
      %get3A_491 = arith.index_cast %add3A_490 : i32 to index
      %get3A_492 = tpu.vector_load %arg5[%get3A_491] {strides = array<i32>} : memref<16384xi32, #tpu.memory_space<vmem>>, vector<16xi32>,
      %gather3A_493 = tpu.vector_load_idx %arg6[%get3A_492] : memref<100000xf32, #tpu.memory_space<vmem>>[vector<16xi32>], vector<16xf32>,
      %mul3A_494 = arith.constant 128 : i32
      %mul3A_495 = arith.muli %scan3A_476, %mul3A_494 : i32
      %add3A_496 = arith.constant 16 : i32
      %add3A_497 = arith.addi %mul3A_495, %add3A_496 : i32
      %swap3A_498 = arith.index_cast %add3A_497 : i32 to index
      %swap3A_499 = tpu.vector_load %arg7[%swap3A_498] {strides = array<i32>} : memref<8192xf32, #tpu.memory_space<vmem>>, vector<16xf32>,
      tpu.vector_store %arg7[%swap3A_498], %gather3A_493 {strides = array<i32>} : memref<8192xf32, #tpu.memory_space<vmem>>, vector<16xf32>,
      %add3A_500 = arith.constant 32 : i32
      %add3A_501 = arith.addi %mul3A_480, %add3A_500 : i32
      %get3A_502 = arith.index_cast %add3A_501 : i32 to index
      %get3A_503 = tpu.vector_load %arg5[%get3A_502] {strides = array<i32>} : memref<16384xi32, #tpu.memory_space<vmem>>, vector<16xi32>,
      %gather3A_504 = tpu.vector_load_idx %arg6[%get3A_503] : memref<100000xf32, #tpu.memory_space<vmem>>[vector<16xi32>], vector<16xf32>,
      %mul3A_505 = arith.constant 128 : i32
      %mul3A_506 = arith.muli %scan3A_476, %mul3A_505 : i32
      %add3A_507 = arith.constant 32 : i32
      %add3A_508 = arith.addi %mul3A_506, %add3A_507 : i32
      %swap3A_509 = arith.index_cast %add3A_508 : i32 to index
      %swap3A_510 = tpu.vector_load %arg7[%swap3A_509] {strides = array<i32>} : memref<8192xf32, #tpu.memory_space<vmem>>, vector<16xf32>,
      tpu.vector_store %arg7[%swap3A_509], %gather3A_504 {strides = array<i32>} : memref<8192xf32, #tpu.memory_space<vmem>>, vector<16xf32>,
      %add3A_511 = arith.constant 48 : i32
      %add3A_512 = arith.addi %mul3A_480, %add3A_511 : i32
      %get3A_513 = arith.index_cast %add3A_512 : i32 to index
      %get3A_514 = tpu.vector_load %arg5[%get3A_513] {strides = array<i32>} : memref<16384xi32, #tpu.memory_space<vmem>>, vector<16xi32>,
      %gather3A_515 = tpu.vector_load_idx %arg6[%get3A_514] : memref<100000xf32, #tpu.memory_space<vmem>>[vector<16xi32>], vector<16xf32>,
      %mul3A_516 = arith.constant 128 : i32
      %mul3A_517 = arith.muli %scan3A_476, %mul3A_516 : i32
      %add3A_518 = arith.constant 48 : i32
      %add3A_519 = arith.addi %mul3A_517, %add3A_518 : i32
      %swap3A_520 = arith.index_cast %add3A_519 : i32 to index
      %swap3A_521 = tpu.vector_load %arg7[%swap3A_520] {strides = array<i32>} : memref<8192xf32, #tpu.memory_space<vmem>>, vector<16xf32>,
      tpu.vector_store %arg7[%swap3A_520], %gather3A_515 {strides = array<i32>} : memref<8192xf32, #tpu.memory_space<vmem>>, vector<16xf32>,
      %add3A_522 = arith.constant 64 : i32
      %add3A_523 = arith.addi %mul3A_480, %add3A_522 : i32
      %get3A_524 = arith.index_cast %add3A_523 : i32 to index
      %get3A_525 = tpu.vector_load %arg5[%get3A_524] {strides = array<i32>} : memref<16384xi32, #tpu.memory_space<vmem>>, vector<16xi32>,
      %gather3A_526 = tpu.vector_load_idx %arg6[%get3A_525] : memref<100000xf32, #tpu.memory_space<vmem>>[vector<16xi32>], vector<16xf32>,
      %mul3A_527 = arith.constant 128 : i32
      %mul3A_528 = arith.muli %scan3A_476, %mul3A_527 : i32
      %add3A_529 = arith.constant 64 : i32
      %add3A_530 = arith.addi %mul3A_528, %add3A_529 : i32
      %swap3A_531 = arith.index_cast %add3A_530 : i32 to index
      %swap3A_532 = tpu.vector_load %arg7[%swap3A_531] {strides = array<i32>} : memref<8192xf32, #tpu.memory_space<vmem>>, vector<16xf32>,
      tpu.vector_store %arg7[%swap3A_531], %gather3A_526 {strides = array<i32>} : memref<8192xf32, #tpu.memory_space<vmem>>, vector<16xf32>,
      %add3A_533 = arith.constant 80 : i32
      %add3A_534 = arith.addi %mul3A_480, %add3A_533 : i32
      %get3A_535 = arith.index_cast %add3A_534 : i32 to index
      %get3A_536 = tpu.vector_load %arg5[%get3A_535] {strides = array<i32>} : memref<16384xi32, #tpu.memory_space<vmem>>, vector<16xi32>,
      %gather3A_537 = tpu.vector_load_idx %arg6[%get3A_536] : memref<100000xf32, #tpu.memory_space<vmem>>[vector<16xi32>], vector<16xf32>,
      %mul3A_538 = arith.constant 128 : i32
      %mul3A_539 = arith.muli %scan3A_476, %mul3A_538 : i32
      %add3A_540 = arith.constant 80 : i32
      %add3A_541 = arith.addi %mul3A_539, %add3A_540 : i32
      %swap3A_542 = arith.index_cast %add3A_541 : i32 to index
      %swap3A_543 = tpu.vector_load %arg7[%swap3A_542] {strides = array<i32>} : memref<8192xf32, #tpu.memory_space<vmem>>, vector<16xf32>,
      tpu.vector_store %arg7[%swap3A_542], %gather3A_537 {strides = array<i32>} : memref<8192xf32, #tpu.memory_space<vmem>>, vector<16xf32>,
      %add3A_544 = arith.constant 96 : i32
      %add3A_545 = arith.addi %mul3A_480, %add3A_544 : i32
      %get3A_546 = arith.index_cast %add3A_545 : i32 to index
      %get3A_547 = tpu.vector_load %arg5[%get3A_546] {strides = array<i32>} : memref<16384xi32, #tpu.memory_space<vmem>>, vector<16xi32>,
      %gather3A_548 = tpu.vector_load_idx %arg6[%get3A_547] : memref<100000xf32, #tpu.memory_space<vmem>>[vector<16xi32>], vector<16xf32>,
      %mul3A_549 = arith.constant 128 : i32
      %mul3A_550 = arith.muli %scan3A_476, %mul3A_549 : i32
      %add3A_551 = arith.constant 96 : i32
      %add3A_552 = arith.addi %mul3A_550, %add3A_551 : i32
      %swap3A_553 = arith.index_cast %add3A_552 : i32 to index
      %swap3A_554 = tpu.vector_load %arg7[%swap3A_553] {strides = array<i32>} : memref<8192xf32, #tpu.memory_space<vmem>>, vector<16xf32>,
      tpu.vector_store %arg7[%swap3A_553], %gather3A_548 {strides = array<i32>} : memref<8192xf32, #tpu.memory_space<vmem>>, vector<16xf32>,
      %add3A_555 = arith.constant 112 : i32
      %add3A_556 = arith.addi %mul3A_480, %add3A_555 : i32
      %get3A_557 = arith.index_cast %add3A_556 : i32 to index
      %get3A_558 = tpu.vector_load %arg5[%get3A_557] {strides = array<i32>} : memref<16384xi32, #tpu.memory_space<vmem>>, vector<16xi32>,
      %gather3A_559 = tpu.vector_load_idx %arg6[%get3A_558] : memref<100000xf32, #tpu.memory_space<vmem>>[vector<16xi32>], vector<16xf32>,
      %mul3A_560 = arith.constant 128 : i32
      %mul3A_561 = arith.muli %scan3A_476, %mul3A_560 : i32
      %add3A_562 = arith.constant 112 : i32
      %add3A_563 = arith.addi %mul3A_561, %add3A_562 : i32
      %swap3A_564 = arith.index_cast %add3A_563 : i32 to index
      %swap3A_565 = tpu.vector_load %arg7[%swap3A_564] {strides = array<i32>} : memref<8192xf32, #tpu.memory_space<vmem>>, vector<16xf32>,
      tpu.vector_store %arg7[%swap3A_564], %gather3A_559 {strides = array<i32>} : memref<8192xf32, #tpu.memory_space<vmem>>, vector<16xf32>,
      %mul3A_566 = arith.constant 128 : i32
      %mul3A_567 = arith.muli %scan3A_476, %mul3A_566 : i32
      %jit3A_568 = arith.constant 4 : i32
      %div3A_569 = arith.divsi %add3A_478, %jit3A_568 : i32
      %sign3A_570 = arith.constant 0 : i32
      %sign3A_571 = arith.cmpi sgt, %add3A_478, %sign3A_570 : i32
      %sign3A_572 = arith.extui %sign3A_571 : i1 to i32
      %sign3A_573 = arith.constant 0 : i32
      %sign3A_574 = arith.cmpi slt, %add3A_478, %sign3A_573 : i32
      %sign3A_575 = arith.extui %sign3A_574 : i1 to i32
      %sign3A_576 = arith.subi %sign3A_572, %sign3A_575 : i32
      %sign3A_577 = arith.constant 0 : i32
      %sign3A_578 = arith.cmpi sgt, %jit3A_568, %sign3A_577 : i32
      %sign3A_579 = arith.extui %sign3A_578 : i1 to i32
      %sign3A_580 = arith.constant 0 : i32
      %sign3A_581 = arith.cmpi slt, %jit3A_568, %sign3A_580 : i32
      %sign3A_582 = arith.extui %sign3A_581 : i1 to i32
      %sign3A_583 = arith.subi %sign3A_579, %sign3A_582 : i32
      %ne3A_584 = arith.cmpi ne, %sign3A_576, %sign3A_583 : i32
      %rem3A_585 = arith.remsi %add3A_478, %jit3A_568 : i32
      %ne3A_586 = arith.constant 0 : i32
      %ne3A_587 = arith.cmpi ne, %rem3A_585, %ne3A_586 : i32
      %and3A_588 = arith.andi %ne3A_584, %ne3A_587 : i1
      %sub3A_589 = arith.constant 1 : i32
      %sub3A_590 = arith.subi %div3A_569, %sub3A_589 : i32
      %select_n3A_591 = arith.select %and3A_588, %sub3A_590, %div3A_569 : i32
      %jit3A_592 = arith.constant 4 : i32
      %eq3A_593 = arith.constant 0 : i32
      %eq3A_594 = arith.cmpi eq, %jit3A_592, %eq3A_593 : i32
      %jit3A_595 = arith.constant 1 : i32
      %select_n3A_596 = arith.select %eq3A_594, %jit3A_595, %jit3A_592 : i32
      %rem3A_597 = arith.remsi %add3A_478, %select_n3A_596 : i32
      %ne3A_598 = arith.constant 0 : i32
      %ne3A_599 = arith.cmpi ne, %rem3A_597, %ne3A_598 : i32
      %lt3A_600 = arith.constant 0 : i32
      %lt3A_601 = arith.cmpi slt, %rem3A_597, %lt3A_600 : i32
      %lt3A_602 = arith.constant 0 : i32
      %lt3A_603 = arith.cmpi slt, %select_n3A_596, %lt3A_602 : i32
      %ne3A_604 = arith.xori %lt3A_601, %lt3A_603 : i1
      %and3A_605 = arith.andi %ne3A_604, %ne3A_599 : i1
      %add3A_606 = arith.addi %rem3A_597, %select_n3A_596 : i32
      %select_n3A_607 = arith.select %and3A_605, %add3A_606, %rem3A_597 : i32
      %dma_start3A_608 = tpu.memref_slice %arg7[%mul3A_567] : memref<8192xf32, #tpu.memory_space<vmem>> -> memref<128xf32, #tpu.memory_space<vmem>>
      %dma_start3A_609 = arith.constant 0 : i32
      %dma_start3A_610 = tpu.memref_slice %arg4[%select_n3A, %select_n3A_58, %select_n3A_591, %select_n3A_607, %select_n3A_74, %dma_start3A_609] : memref<8x2x32x4x8x128xf32, #tpu.memory_space<hbm>> -> memref<1x1x1x1x1x128xf32, #tpu.memory_space<hbm>>
      %dma_start3A_611 = tpu.memref_squeeze %dma_start3A_610 : memref<1x1x1x1x1x128xf32, #tpu.memory_space<hbm>> -> memref<128xf32, #tpu.memory_space<hbm>>
      %dma_start3A_612 = arith.constant 0 : i32
      %dma_start3A_613 = tpu.memref_slice %arg4[%select_n3A, %select_n3A_58, %select_n3A_591, %select_n3A_607, %select_n3A_74, %dma_start3A_612] : memref<8x2x32x4x8x128xf32, #tpu.memory_space<hbm>> -> memref<1x1x1x1x1x128xf32, #tpu.memory_space<hbm>>
      %dma_start3A_614 = tpu.memref_squeeze %dma_start3A_613 : memref<1x1x1x1x1x128xf32, #tpu.memory_space<hbm>> -> memref<128xf32, #tpu.memory_space<hbm>>
      %dma_start3A_615 = tpu.memref_slice %arg7[%mul3A_567] : memref<8192xf32, #tpu.memory_space<vmem>> -> memref<128xf32, #tpu.memory_space<vmem>>
      tpu.enqueue_dma source(%dma_start3A_615 : memref<128xf32, #tpu.memory_space<vmem>>) target(%dma_start3A_614 : memref<128xf32, #tpu.memory_space<hbm>>) target_semaphore(%arg8 : memref<!tpu.dma_semaphore, #tpu.memory_space<semaphore_mem>>)
      %scan3A_616 = arith.constant 1 : i32
      %scan3A_617 = arith.addi %scan3A_476, %scan3A_616 : i32
      %add3A_618 = arith.constant 64 : i32
      %add3A_619 = arith.addi %add3A_618, %scan3A_617 : i32
      %mul3A_620 = arith.constant 128 : i32
      %mul3A_621 = arith.muli %add3A_619, %mul3A_620 : i32
      %add3A_622 = arith.constant 0 : i32
      %add3A_623 = arith.addi %mul3A_621, %add3A_622 : i32
      %get3A_624 = arith.index_cast %add3A_623 : i32 to index
      %get3A_625 = tpu.vector_load %arg5[%get3A_624] {strides = array<i32>} : memref<16384xi32, #tpu.memory_space<vmem>>, vector<16xi32>,
      %gather3A_626 = tpu.vector_load_idx %arg6[%get3A_625] : memref<100000xf32, #tpu.memory_space<vmem>>[vector<16xi32>], vector<16xf32>,
      %mul3A_627 = arith.constant 128 : i32
      %mul3A_628 = arith.muli %scan3A_617, %mul3A_627 : i32
      %add3A_629 = arith.constant 0 : i32
      %add3A_630 = arith.addi %mul3A_628, %add3A_629 : i32
      %swap3A_631 = arith.index_cast %add3A_630 : i32 to index
      %swap3A_632 = tpu.vector_load %arg7[%swap3A_631] {strides = array<i32>} : memref<8192xf32, #tpu.memory_space<vmem>>, vector<16xf32>,
      tpu.vector_store %arg7[%swap3A_631], %gather3A_626 {strides = array<i32>} : memref<8192xf32, #tpu.memory_space<vmem>>, vector<16xf32>,
      %add3A_633 = arith.constant 16 : i32
      %add3A_634 = arith.addi %mul3A_621, %add3A_633 : i32
      %get3A_635 = arith.index_cast %add3A_634 : i32 to index
      %get3A_636 = tpu.vector_load %arg5[%get3A_635] {strides = array<i32>} : memref<16384xi32, #tpu.memory_space<vmem>>, vector<16xi32>,
      %gather3A_637 = tpu.vector_load_idx %arg6[%get3A_636] : memref<100000xf32, #tpu.memory_space<vmem>>[vector<16xi32>], vector<16xf32>,
      %mul3A_638 = arith.constant 128 : i32
      %mul3A_639 = arith.muli %scan3A_617, %mul3A_638 : i32
      %add3A_640 = arith.constant 16 : i32
      %add3A_641 = arith.addi %mul3A_639, %add3A_640 : i32
      %swap3A_642 = arith.index_cast %add3A_641 : i32 to index
      %swap3A_643 = tpu.vector_load %arg7[%swap3A_642] {strides = array<i32>} : memref<8192xf32, #tpu.memory_space<vmem>>, vector<16xf32>,
      tpu.vector_store %arg7[%swap3A_642], %gather3A_637 {strides = array<i32>} : memref<8192xf32, #tpu.memory_space<vmem>>, vector<16xf32>,
      %add3A_644 = arith.constant 32 : i32
      %add3A_645 = arith.addi %mul3A_621, %add3A_644 : i32
      %get3A_646 = arith.index_cast %add3A_645 : i32 to index
      %get3A_647 = tpu.vector_load %arg5[%get3A_646] {strides = array<i32>} : memref<16384xi32, #tpu.memory_space<vmem>>, vector<16xi32>,
      %gather3A_648 = tpu.vector_load_idx %arg6[%get3A_647] : memref<100000xf32, #tpu.memory_space<vmem>>[vector<16xi32>], vector<16xf32>,
      %mul3A_649 = arith.constant 128 : i32
      %mul3A_650 = arith.muli %scan3A_617, %mul3A_649 : i32
      %add3A_651 = arith.constant 32 : i32
      %add3A_652 = arith.addi %mul3A_650, %add3A_651 : i32
      %swap3A_653 = arith.index_cast %add3A_652 : i32 to index
      %swap3A_654 = tpu.vector_load %arg7[%swap3A_653] {strides = array<i32>} : memref<8192xf32, #tpu.memory_space<vmem>>, vector<16xf32>,
      tpu.vector_store %arg7[%swap3A_653], %gather3A_648 {strides = array<i32>} : memref<8192xf32, #tpu.memory_space<vmem>>, vector<16xf32>,
      %add3A_655 = arith.constant 48 : i32
      %add3A_656 = arith.addi %mul3A_621, %add3A_655 : i32
      %get3A_657 = arith.index_cast %add3A_656 : i32 to index
      %get3A_658 = tpu.vector_load %arg5[%get3A_657] {strides = array<i32>} : memref<16384xi32, #tpu.memory_space<vmem>>, vector<16xi32>,
      %gather3A_659 = tpu.vector_load_idx %arg6[%get3A_658] : memref<100000xf32, #tpu.memory_space<vmem>>[vector<16xi32>], vector<16xf32>,
      %mul3A_660 = arith.constant 128 : i32
      %mul3A_661 = arith.muli %scan3A_617, %mul3A_660 : i32
      %add3A_662 = arith.constant 48 : i32
      %add3A_663 = arith.addi %mul3A_661, %add3A_662 : i32
      %swap3A_664 = arith.index_cast %add3A_663 : i32 to index
      %swap3A_665 = tpu.vector_load %arg7[%swap3A_664] {strides = array<i32>} : memref<8192xf32, #tpu.memory_space<vmem>>, vector<16xf32>,
      tpu.vector_store %arg7[%swap3A_664], %gather3A_659 {strides = array<i32>} : memref<8192xf32, #tpu.memory_space<vmem>>, vector<16xf32>,
      %add3A_666 = arith.constant 64 : i32
      %add3A_667 = arith.addi %mul3A_621, %add3A_666 : i32
      %get3A_668 = arith.index_cast %add3A_667 : i32 to index
      %get3A_669 = tpu.vector_load %arg5[%get3A_668] {strides = array<i32>} : memref<16384xi32, #tpu.memory_space<vmem>>, vector<16xi32>,
      %gather3A_670 = tpu.vector_load_idx %arg6[%get3A_669] : memref<100000xf32, #tpu.memory_space<vmem>>[vector<16xi32>], vector<16xf32>,
      %mul3A_671 = arith.constant 128 : i32
      %mul3A_672 = arith.muli %scan3A_617, %mul3A_671 : i32
      %add3A_673 = arith.constant 64 : i32
      %add3A_674 = arith.addi %mul3A_672, %add3A_673 : i32
      %swap3A_675 = arith.index_cast %add3A_674 : i32 to index
      %swap3A_676 = tpu.vector_load %arg7[%swap3A_675] {strides = array<i32>} : memref<8192xf32, #tpu.memory_space<vmem>>, vector<16xf32>,
      tpu.vector_store %arg7[%swap3A_675], %gather3A_670 {strides = array<i32>} : memref<8192xf32, #tpu.memory_space<vmem>>, vector<16xf32>,
      %add3A_677 = arith.constant 80 : i32
      %add3A_678 = arith.addi %mul3A_621, %add3A_677 : i32
      %get3A_679 = arith.index_cast %add3A_678 : i32 to index
      %get3A_680 = tpu.vector_load %arg5[%get3A_679] {strides = array<i32>} : memref<16384xi32, #tpu.memory_space<vmem>>, vector<16xi32>,
      %gather3A_681 = tpu.vector_load_idx %arg6[%get3A_680] : memref<100000xf32, #tpu.memory_space<vmem>>[vector<16xi32>], vector<16xf32>,
      %mul3A_682 = arith.constant 128 : i32
      %mul3A_683 = arith.muli %scan3A_617, %mul3A_682 : i32
      %add3A_684 = arith.constant 80 : i32
      %add3A_685 = arith.addi %mul3A_683, %add3A_684 : i32
      %swap3A_686 = arith.index_cast %add3A_685 : i32 to index
      %swap3A_687 = tpu.vector_load %arg7[%swap3A_686] {strides = array<i32>} : memref<8192xf32, #tpu.memory_space<vmem>>, vector<16xf32>,
      tpu.vector_store %arg7[%swap3A_686], %gather3A_681 {strides = array<i32>} : memref<8192xf32, #tpu.memory_space<vmem>>, vector<16xf32>,
      %add3A_688 = arith.constant 96 : i32
      %add3A_689 = arith.addi %mul3A_621, %add3A_688 : i32
      %get3A_690 = arith.index_cast %add3A_689 : i32 to index
      %get3A_691 = tpu.vector_load %arg5[%get3A_690] {strides = array<i32>} : memref<16384xi32, #tpu.memory_space<vmem>>, vector<16xi32>,
      %gather3A_692 = tpu.vector_load_idx %arg6[%get3A_691] : memref<100000xf32, #tpu.memory_space<vmem>>[vector<16xi32>], vector<16xf32>,
      %mul3A_693 = arith.constant 128 : i32
      %mul3A_694 = arith.muli %scan3A_617, %mul3A_693 : i32
      %add3A_695 = arith.constant 96 : i32
      %add3A_696 = arith.addi %mul3A_694, %add3A_695 : i32
      %swap3A_697 = arith.index_cast %add3A_696 : i32 to index
      %swap3A_698 = tpu.vector_load %arg7[%swap3A_697] {strides = array<i32>} : memref<8192xf32, #tpu.memory_space<vmem>>, vector<16xf32>,
      tpu.vector_store %arg7[%swap3A_697], %gather3A_692 {strides = array<i32>} : memref<8192xf32, #tpu.memory_space<vmem>>, vector<16xf32>,
      %add3A_699 = arith.constant 112 : i32
      %add3A_700 = arith.addi %mul3A_621, %add3A_699 : i32
      %get3A_701 = arith.index_cast %add3A_700 : i32 to index
      %get3A_702 = tpu.vector_load %arg5[%get3A_701] {strides = array<i32>} : memref<16384xi32, #tpu.memory_space<vmem>>, vector<16xi32>,
      %gather3A_703 = tpu.vector_load_idx %arg6[%get3A_702] : memref<100000xf32, #tpu.memory_space<vmem>>[vector<16xi32>], vector<16xf32>,
      %mul3A_704 = arith.constant 128 : i32
      %mul3A_705 = arith.muli %scan3A_617, %mul3A_704 : i32
      %add3A_706 = arith.constant 112 : i32
      %add3A_707 = arith.addi %mul3A_705, %add3A_706 : i32
      %swap3A_708 = arith.index_cast %add3A_707 : i32 to index
      %swap3A_709 = tpu.vector_load %arg7[%swap3A_708] {strides = array<i32>} : memref<8192xf32, #tpu.memory_space<vmem>>, vector<16xf32>,
      tpu.vector_store %arg7[%swap3A_708], %gather3A_703 {strides = array<i32>} : memref<8192xf32, #tpu.memory_space<vmem>>, vector<16xf32>,
      %mul3A_710 = arith.constant 128 : i32
      %mul3A_711 = arith.muli %scan3A_617, %mul3A_710 : i32
      %jit3A_712 = arith.constant 4 : i32
      %div3A_713 = arith.divsi %add3A_619, %jit3A_712 : i32
      %sign3A_714 = arith.constant 0 : i32
      %sign3A_715 = arith.cmpi sgt, %add3A_619, %sign3A_714 : i32
      %sign3A_716 = arith.extui %sign3A_715 : i1 to i32
      %sign3A_717 = arith.constant 0 : i32
      %sign3A_718 = arith.cmpi slt, %add3A_619, %sign3A_717 : i32
      %sign3A_719 = arith.extui %sign3A_718 : i1 to i32
      %sign3A_720 = arith.subi %sign3A_716, %sign3A_719 : i32
      %sign3A_721 = arith.constant 0 : i32
      %sign3A_722 = arith.cmpi sgt, %jit3A_712, %sign3A_721 : i32
      %sign3A_723 = arith.extui %sign3A_722 : i1 to i32
      %sign3A_724 = arith.constant 0 : i32
      %sign3A_725 = arith.cmpi slt, %jit3A_712, %sign3A_724 : i32
      %sign3A_726 = arith.extui %sign3A_725 : i1 to i32
      %sign3A_727 = arith.subi %sign3A_723, %sign3A_726 : i32
      %ne3A_728 = arith.cmpi ne, %sign3A_720, %sign3A_727 : i32
      %rem3A_729 = arith.remsi %add3A_619, %jit3A_712 : i32
      %ne3A_730 = arith.constant 0 : i32
      %ne3A_731 = arith.cmpi ne, %rem3A_729, %ne3A_730 : i32
      %and3A_732 = arith.andi %ne3A_728, %ne3A_731 : i1
      %sub3A_733 = arith.constant 1 : i32
      %sub3A_734 = arith.subi %div3A_713, %sub3A_733 : i32
      %select_n3A_735 = arith.select %and3A_732, %sub3A_734, %div3A_713 : i32
      %jit3A_736 = arith.constant 4 : i32
      %eq3A_737 = arith.constant 0 : i32
      %eq3A_738 = arith.cmpi eq, %jit3A_736, %eq3A_737 : i32
      %jit3A_739 = arith.constant 1 : i32
      %select_n3A_740 = arith.select %eq3A_738, %jit3A_739, %jit3A_736 : i32
      %rem3A_741 = arith.remsi %add3A_619, %select_n3A_740 : i32
      %ne3A_742 = arith.constant 0 : i32
      %ne3A_743 = arith.cmpi ne, %rem3A_741, %ne3A_742 : i32
      %lt3A_744 = arith.constant 0 : i32
      %lt3A_745 = arith.cmpi slt, %rem3A_741, %lt3A_744 : i32
      %lt3A_746 = arith.constant 0 : i32
      %lt3A_747 = arith.cmpi slt, %select_n3A_740, %lt3A_746 : i32
      %ne3A_748 = arith.xori %lt3A_745, %lt3A_747 : i1
      %and3A_749 = arith.andi %ne3A_748, %ne3A_743 : i1
      %add3A_750 = arith.addi %rem3A_741, %select_n3A_740 : i32
      %select_n3A_751 = arith.select %and3A_749, %add3A_750, %rem3A_741 : i32
      %dma_start3A_752 = tpu.memref_slice %arg7[%mul3A_711] : memref<8192xf32, #tpu.memory_space<vmem>> -> memref<128xf32, #tpu.memory_space<vmem>>
      %dma_start3A_753 = arith.constant 0 : i32
      %dma_start3A_754 = tpu.memref_slice %arg4[%select_n3A, %select_n3A_58, %select_n3A_735, %select_n3A_751, %select_n3A_74, %dma_start3A_753] : memref<8x2x32x4x8x128xf32, #tpu.memory_space<hbm>> -> memref<1x1x1x1x1x128xf32, #tpu.memory_space<hbm>>
      %dma_start3A_755 = tpu.memref_squeeze %dma_start3A_754 : memref<1x1x1x1x1x128xf32, #tpu.memory_space<hbm>> -> memref<128xf32, #tpu.memory_space<hbm>>
      %dma_start3A_756 = arith.constant 0 : i32
      %dma_start3A_757 = tpu.memref_slice %arg4[%select_n3A, %select_n3A_58, %select_n3A_735, %select_n3A_751, %select_n3A_74, %dma_start3A_756] : memref<8x2x32x4x8x128xf32, #tpu.memory_space<hbm>> -> memref<1x1x1x1x1x128xf32, #tpu.memory_space<hbm>>
      %dma_start3A_758 = tpu.memref_squeeze %dma_start3A_757 : memref<1x1x1x1x1x128xf32, #tpu.memory_space<hbm>> -> memref<128xf32, #tpu.memory_space<hbm>>
      %dma_start3A_759 = tpu.memref_slice %arg7[%mul3A_711] : memref<8192xf32, #tpu.memory_space<vmem>> -> memref<128xf32, #tpu.memory_space<vmem>>
      tpu.enqueue_dma source(%dma_start3A_759 : memref<128xf32, #tpu.memory_space<vmem>>) target(%dma_start3A_758 : memref<128xf32, #tpu.memory_space<hbm>>) target_semaphore(%arg8 : memref<!tpu.dma_semaphore, #tpu.memory_space<semaphore_mem>>)
      %scan3A_760 = arith.constant 2 : i32
      %scan3A_761 = arith.addi %scan3A_476, %scan3A_760 : i32
      %add3A_762 = arith.constant 64 : i32
      %add3A_763 = arith.addi %add3A_762, %scan3A_761 : i32
      %mul3A_764 = arith.constant 128 : i32
      %mul3A_765 = arith.muli %add3A_763, %mul3A_764 : i32
      %add3A_766 = arith.constant 0 : i32
      %add3A_767 = arith.addi %mul3A_765, %add3A_766 : i32
      %get3A_768 = arith.index_cast %add3A_767 : i32 to index
      %get3A_769 = tpu.vector_load %arg5[%get3A_768] {strides = array<i32>} : memref<16384xi32, #tpu.memory_space<vmem>>, vector<16xi32>,
      %gather3A_770 = tpu.vector_load_idx %arg6[%get3A_769] : memref<100000xf32, #tpu.memory_space<vmem>>[vector<16xi32>], vector<16xf32>,
      %mul3A_771 = arith.constant 128 : i32
      %mul3A_772 = arith.muli %scan3A_761, %mul3A_771 : i32
      %add3A_773 = arith.constant 0 : i32
      %add3A_774 = arith.addi %mul3A_772, %add3A_773 : i32
      %swap3A_775 = arith.index_cast %add3A_774 : i32 to index
      %swap3A_776 = tpu.vector_load %arg7[%swap3A_775] {strides = array<i32>} : memref<8192xf32, #tpu.memory_space<vmem>>, vector<16xf32>,
      tpu.vector_store %arg7[%swap3A_775], %gather3A_770 {strides = array<i32>} : memref<8192xf32, #tpu.memory_space<vmem>>, vector<16xf32>,
      %add3A_777 = arith.constant 16 : i32
      %add3A_778 = arith.addi %mul3A_765, %add3A_777 : i32
      %get3A_779 = arith.index_cast %add3A_778 : i32 to index
      %get3A_780 = tpu.vector_load %arg5[%get3A_779] {strides = array<i32>} : memref<16384xi32, #tpu.memory_space<vmem>>, vector<16xi32>,
      %gather3A_781 = tpu.vector_load_idx %arg6[%get3A_780] : memref<100000xf32, #tpu.memory_space<vmem>>[vector<16xi32>], vector<16xf32>,
      %mul3A_782 = arith.constant 128 : i32
      %mul3A_783 = arith.muli %scan3A_761, %mul3A_782 : i32
      %add3A_784 = arith.constant 16 : i32
      %add3A_785 = arith.addi %mul3A_783, %add3A_784 : i32
      %swap3A_786 = arith.index_cast %add3A_785 : i32 to index
      %swap3A_787 = tpu.vector_load %arg7[%swap3A_786] {strides = array<i32>} : memref<8192xf32, #tpu.memory_space<vmem>>, vector<16xf32>,
      tpu.vector_store %arg7[%swap3A_786], %gather3A_781 {strides = array<i32>} : memref<8192xf32, #tpu.memory_space<vmem>>, vector<16xf32>,
      %add3A_788 = arith.constant 32 : i32
      %add3A_789 = arith.addi %mul3A_765, %add3A_788 : i32
      %get3A_790 = arith.index_cast %add3A_789 : i32 to index
      %get3A_791 = tpu.vector_load %arg5[%get3A_790] {strides = array<i32>} : memref<16384xi32, #tpu.memory_space<vmem>>, vector<16xi32>,
      %gather3A_792 = tpu.vector_load_idx %arg6[%get3A_791] : memref<100000xf32, #tpu.memory_space<vmem>>[vector<16xi32>], vector<16xf32>,
      %mul3A_793 = arith.constant 128 : i32
      %mul3A_794 = arith.muli %scan3A_761, %mul3A_793 : i32
      %add3A_795 = arith.constant 32 : i32
      %add3A_796 = arith.addi %mul3A_794, %add3A_795 : i32
      %swap3A_797 = arith.index_cast %add3A_796 : i32 to index
      %swap3A_798 = tpu.vector_load %arg7[%swap3A_797] {strides = array<i32>} : memref<8192xf32, #tpu.memory_space<vmem>>, vector<16xf32>,
      tpu.vector_store %arg7[%swap3A_797], %gather3A_792 {strides = array<i32>} : memref<8192xf32, #tpu.memory_space<vmem>>, vector<16xf32>,
      %add3A_799 = arith.constant 48 : i32
      %add3A_800 = arith.addi %mul3A_765, %add3A_799 : i32
      %get3A_801 = arith.index_cast %add3A_800 : i32 to index
      %get3A_802 = tpu.vector_load %arg5[%get3A_801] {strides = array<i32>} : memref<16384xi32, #tpu.memory_space<vmem>>, vector<16xi32>,
      %gather3A_803 = tpu.vector_load_idx %arg6[%get3A_802] : memref<100000xf32, #tpu.memory_space<vmem>>[vector<16xi32>], vector<16xf32>,
      %mul3A_804 = arith.constant 128 : i32
      %mul3A_805 = arith.muli %scan3A_761, %mul3A_804 : i32
      %add3A_806 = arith.constant 48 : i32
      %add3A_807 = arith.addi %mul3A_805, %add3A_806 : i32
      %swap3A_808 = arith.index_cast %add3A_807 : i32 to index
      %swap3A_809 = tpu.vector_load %arg7[%swap3A_808] {strides = array<i32>} : memref<8192xf32, #tpu.memory_space<vmem>>, vector<16xf32>,
      tpu.vector_store %arg7[%swap3A_808], %gather3A_803 {strides = array<i32>} : memref<8192xf32, #tpu.memory_space<vmem>>, vector<16xf32>,
      %add3A_810 = arith.constant 64 : i32
      %add3A_811 = arith.addi %mul3A_765, %add3A_810 : i32
      %get3A_812 = arith.index_cast %add3A_811 : i32 to index
      %get3A_813 = tpu.vector_load %arg5[%get3A_812] {strides = array<i32>} : memref<16384xi32, #tpu.memory_space<vmem>>, vector<16xi32>,
      %gather3A_814 = tpu.vector_load_idx %arg6[%get3A_813] : memref<100000xf32, #tpu.memory_space<vmem>>[vector<16xi32>], vector<16xf32>,
      %mul3A_815 = arith.constant 128 : i32
      %mul3A_816 = arith.muli %scan3A_761, %mul3A_815 : i32
      %add3A_817 = arith.constant 64 : i32
      %add3A_818 = arith.addi %mul3A_816, %add3A_817 : i32
      %swap3A_819 = arith.index_cast %add3A_818 : i32 to index
      %swap3A_820 = tpu.vector_load %arg7[%swap3A_819] {strides = array<i32>} : memref<8192xf32, #tpu.memory_space<vmem>>, vector<16xf32>,
      tpu.vector_store %arg7[%swap3A_819], %gather3A_814 {strides = array<i32>} : memref<8192xf32, #tpu.memory_space<vmem>>, vector<16xf32>,
      %add3A_821 = arith.constant 80 : i32
      %add3A_822 = arith.addi %mul3A_765, %add3A_821 : i32
      %get3A_823 = arith.index_cast %add3A_822 : i32 to index
      %get3A_824 = tpu.vector_load %arg5[%get3A_823] {strides = array<i32>} : memref<16384xi32, #tpu.memory_space<vmem>>, vector<16xi32>,
      %gather3A_825 = tpu.vector_load_idx %arg6[%get3A_824] : memref<100000xf32, #tpu.memory_space<vmem>>[vector<16xi32>], vector<16xf32>,
      %mul3A_826 = arith.constant 128 : i32
      %mul3A_827 = arith.muli %scan3A_761, %mul3A_826 : i32
      %add3A_828 = arith.constant 80 : i32
      %add3A_829 = arith.addi %mul3A_827, %add3A_828 : i32
      %swap3A_830 = arith.index_cast %add3A_829 : i32 to index
      %swap3A_831 = tpu.vector_load %arg7[%swap3A_830] {strides = array<i32>} : memref<8192xf32, #tpu.memory_space<vmem>>, vector<16xf32>,
      tpu.vector_store %arg7[%swap3A_830], %gather3A_825 {strides = array<i32>} : memref<8192xf32, #tpu.memory_space<vmem>>, vector<16xf32>,
      %add3A_832 = arith.constant 96 : i32
      %add3A_833 = arith.addi %mul3A_765, %add3A_832 : i32
      %get3A_834 = arith.index_cast %add3A_833 : i32 to index
      %get3A_835 = tpu.vector_load %arg5[%get3A_834] {strides = array<i32>} : memref<16384xi32, #tpu.memory_space<vmem>>, vector<16xi32>,
      %gather3A_836 = tpu.vector_load_idx %arg6[%get3A_835] : memref<100000xf32, #tpu.memory_space<vmem>>[vector<16xi32>], vector<16xf32>,
      %mul3A_837 = arith.constant 128 : i32
      %mul3A_838 = arith.muli %scan3A_761, %mul3A_837 : i32
      %add3A_839 = arith.constant 96 : i32
      %add3A_840 = arith.addi %mul3A_838, %add3A_839 : i32
      %swap3A_841 = arith.index_cast %add3A_840 : i32 to index
      %swap3A_842 = tpu.vector_load %arg7[%swap3A_841] {strides = array<i32>} : memref<8192xf32, #tpu.memory_space<vmem>>, vector<16xf32>,
      tpu.vector_store %arg7[%swap3A_841], %gather3A_836 {strides = array<i32>} : memref<8192xf32, #tpu.memory_space<vmem>>, vector<16xf32>,
      %add3A_843 = arith.constant 112 : i32
      %add3A_844 = arith.addi %mul3A_765, %add3A_843 : i32
      %get3A_845 = arith.index_cast %add3A_844 : i32 to index
      %get3A_846 = tpu.vector_load %arg5[%get3A_845] {strides = array<i32>} : memref<16384xi32, #tpu.memory_space<vmem>>, vector<16xi32>,
      %gather3A_847 = tpu.vector_load_idx %arg6[%get3A_846] : memref<100000xf32, #tpu.memory_space<vmem>>[vector<16xi32>], vector<16xf32>,
      %mul3A_848 = arith.constant 128 : i32
      %mul3A_849 = arith.muli %scan3A_761, %mul3A_848 : i32
      %add3A_850 = arith.constant 112 : i32
      %add3A_851 = arith.addi %mul3A_849, %add3A_850 : i32
      %swap3A_852 = arith.index_cast %add3A_851 : i32 to index
      %swap3A_853 = tpu.vector_load %arg7[%swap3A_852] {strides = array<i32>} : memref<8192xf32, #tpu.memory_space<vmem>>, vector<16xf32>,
      tpu.vector_store %arg7[%swap3A_852], %gather3A_847 {strides = array<i32>} : memref<8192xf32, #tpu.memory_space<vmem>>, vector<16xf32>,
      %mul3A_854 = arith.constant 128 : i32
      %mul3A_855 = arith.muli %scan3A_761, %mul3A_854 : i32
      %jit3A_856 = arith.constant 4 : i32
      %div3A_857 = arith.divsi %add3A_763, %jit3A_856 : i32
      %sign3A_858 = arith.constant 0 : i32
      %sign3A_859 = arith.cmpi sgt, %add3A_763, %sign3A_858 : i32
      %sign3A_860 = arith.extui %sign3A_859 : i1 to i32
      %sign3A_861 = arith.constant 0 : i32
      %sign3A_862 = arith.cmpi slt, %add3A_763, %sign3A_861 : i32
      %sign3A_863 = arith.extui %sign3A_862 : i1 to i32
      %sign3A_864 = arith.subi %sign3A_860, %sign3A_863 : i32
      %sign3A_865 = arith.constant 0 : i32
      %sign3A_866 = arith.cmpi sgt, %jit3A_856, %sign3A_865 : i32
      %sign3A_867 = arith.extui %sign3A_866 : i1 to i32
      %sign3A_868 = arith.constant 0 : i32
      %sign3A_869 = arith.cmpi slt, %jit3A_856, %sign3A_868 : i32
      %sign3A_870 = arith.extui %sign3A_869 : i1 to i32
      %sign3A_871 = arith.subi %sign3A_867, %sign3A_870 : i32
      %ne3A_872 = arith.cmpi ne, %sign3A_864, %sign3A_871 : i32
      %rem3A_873 = arith.remsi %add3A_763, %jit3A_856 : i32
      %ne3A_874 = arith.constant 0 : i32
      %ne3A_875 = arith.cmpi ne, %rem3A_873, %ne3A_874 : i32
      %and3A_876 = arith.andi %ne3A_872, %ne3A_875 : i1
      %sub3A_877 = arith.constant 1 : i32
      %sub3A_878 = arith.subi %div3A_857, %sub3A_877 : i32
      %select_n3A_879 = arith.select %and3A_876, %sub3A_878, %div3A_857 : i32
      %jit3A_880 = arith.constant 4 : i32
      %eq3A_881 = arith.constant 0 : i32
      %eq3A_882 = arith.cmpi eq, %jit3A_880, %eq3A_881 : i32
      %jit3A_883 = arith.constant 1 : i32
      %select_n3A_884 = arith.select %eq3A_882, %jit3A_883, %jit3A_880 : i32
      %rem3A_885 = arith.remsi %add3A_763, %select_n3A_884 : i32
      %ne3A_886 = arith.constant 0 : i32
      %ne3A_887 = arith.cmpi ne, %rem3A_885, %ne3A_886 : i32
      %lt3A_888 = arith.constant 0 : i32
      %lt3A_889 = arith.cmpi slt, %rem3A_885, %lt3A_888 : i32
      %lt3A_890 = arith.constant 0 : i32
      %lt3A_891 = arith.cmpi slt, %select_n3A_884, %lt3A_890 : i32
      %ne3A_892 = arith.xori %lt3A_889, %lt3A_891 : i1
      %and3A_893 = arith.andi %ne3A_892, %ne3A_887 : i1
      %add3A_894 = arith.addi %rem3A_885, %select_n3A_884 : i32
      %select_n3A_895 = arith.select %and3A_893, %add3A_894, %rem3A_885 : i32
      %dma_start3A_896 = tpu.memref_slice %arg7[%mul3A_855] : memref<8192xf32, #tpu.memory_space<vmem>> -> memref<128xf32, #tpu.memory_space<vmem>>
      %dma_start3A_897 = arith.constant 0 : i32
      %dma_start3A_898 = tpu.memref_slice %arg4[%select_n3A, %select_n3A_58, %select_n3A_879, %select_n3A_895, %select_n3A_74, %dma_start3A_897] : memref<8x2x32x4x8x128xf32, #tpu.memory_space<hbm>> -> memref<1x1x1x1x1x128xf32, #tpu.memory_space<hbm>>
      %dma_start3A_899 = tpu.memref_squeeze %dma_start3A_898 : memref<1x1x1x1x1x128xf32, #tpu.memory_space<hbm>> -> memref<128xf32, #tpu.memory_space<hbm>>
      %dma_start3A_900 = arith.constant 0 : i32
      %dma_start3A_901 = tpu.memref_slice %arg4[%select_n3A, %select_n3A_58, %select_n3A_879, %select_n3A_895, %select_n3A_74, %dma_start3A_900] : memref<8x2x32x4x8x128xf32, #tpu.memory_space<hbm>> -> memref<1x1x1x1x1x128xf32, #tpu.memory_space<hbm>>
      %dma_start3A_902 = tpu.memref_squeeze %dma_start3A_901 : memref<1x1x1x1x1x128xf32, #tpu.memory_space<hbm>> -> memref<128xf32, #tpu.memory_space<hbm>>
      %dma_start3A_903 = tpu.memref_slice %arg7[%mul3A_855] : memref<8192xf32, #tpu.memory_space<vmem>> -> memref<128xf32, #tpu.memory_space<vmem>>
      tpu.enqueue_dma source(%dma_start3A_903 : memref<128xf32, #tpu.memory_space<vmem>>) target(%dma_start3A_902 : memref<128xf32, #tpu.memory_space<hbm>>) target_semaphore(%arg8 : memref<!tpu.dma_semaphore, #tpu.memory_space<semaphore_mem>>)
      %scan3A_904 = arith.constant 3 : i32
      %scan3A_905 = arith.addi %scan3A_476, %scan3A_904 : i32
      %add3A_906 = arith.constant 64 : i32
      %add3A_907 = arith.addi %add3A_906, %scan3A_905 : i32
      %mul3A_908 = arith.constant 128 : i32
      %mul3A_909 = arith.muli %add3A_907, %mul3A_908 : i32
      %add3A_910 = arith.constant 0 : i32
      %add3A_911 = arith.addi %mul3A_909, %add3A_910 : i32
      %get3A_912 = arith.index_cast %add3A_911 : i32 to index
      %get3A_913 = tpu.vector_load %arg5[%get3A_912] {strides = array<i32>} : memref<16384xi32, #tpu.memory_space<vmem>>, vector<16xi32>,
      %gather3A_914 = tpu.vector_load_idx %arg6[%get3A_913] : memref<100000xf32, #tpu.memory_space<vmem>>[vector<16xi32>], vector<16xf32>,
      %mul3A_915 = arith.constant 128 : i32
      %mul3A_916 = arith.muli %scan3A_905, %mul3A_915 : i32
      %add3A_917 = arith.constant 0 : i32
      %add3A_918 = arith.addi %mul3A_916, %add3A_917 : i32
      %swap3A_919 = arith.index_cast %add3A_918 : i32 to index
      %swap3A_920 = tpu.vector_load %arg7[%swap3A_919] {strides = array<i32>} : memref<8192xf32, #tpu.memory_space<vmem>>, vector<16xf32>,
      tpu.vector_store %arg7[%swap3A_919], %gather3A_914 {strides = array<i32>} : memref<8192xf32, #tpu.memory_space<vmem>>, vector<16xf32>,
      %add3A_921 = arith.constant 16 : i32
      %add3A_922 = arith.addi %mul3A_909, %add3A_921 : i32
      %get3A_923 = arith.index_cast %add3A_922 : i32 to index
      %get3A_924 = tpu.vector_load %arg5[%get3A_923] {strides = array<i32>} : memref<16384xi32, #tpu.memory_space<vmem>>, vector<16xi32>,
      %gather3A_925 = tpu.vector_load_idx %arg6[%get3A_924] : memref<100000xf32, #tpu.memory_space<vmem>>[vector<16xi32>], vector<16xf32>,
      %mul3A_926 = arith.constant 128 : i32
      %mul3A_927 = arith.muli %scan3A_905, %mul3A_926 : i32
      %add3A_928 = arith.constant 16 : i32
      %add3A_929 = arith.addi %mul3A_927, %add3A_928 : i32
      %swap3A_930 = arith.index_cast %add3A_929 : i32 to index
      %swap3A_931 = tpu.vector_load %arg7[%swap3A_930] {strides = array<i32>} : memref<8192xf32, #tpu.memory_space<vmem>>, vector<16xf32>,
      tpu.vector_store %arg7[%swap3A_930], %gather3A_925 {strides = array<i32>} : memref<8192xf32, #tpu.memory_space<vmem>>, vector<16xf32>,
      %add3A_932 = arith.constant 32 : i32
      %add3A_933 = arith.addi %mul3A_909, %add3A_932 : i32
      %get3A_934 = arith.index_cast %add3A_933 : i32 to index
      %get3A_935 = tpu.vector_load %arg5[%get3A_934] {strides = array<i32>} : memref<16384xi32, #tpu.memory_space<vmem>>, vector<16xi32>,
      %gather3A_936 = tpu.vector_load_idx %arg6[%get3A_935] : memref<100000xf32, #tpu.memory_space<vmem>>[vector<16xi32>], vector<16xf32>,
      %mul3A_937 = arith.constant 128 : i32
      %mul3A_938 = arith.muli %scan3A_905, %mul3A_937 : i32
      %add3A_939 = arith.constant 32 : i32
      %add3A_940 = arith.addi %mul3A_938, %add3A_939 : i32
      %swap3A_941 = arith.index_cast %add3A_940 : i32 to index
      %swap3A_942 = tpu.vector_load %arg7[%swap3A_941] {strides = array<i32>} : memref<8192xf32, #tpu.memory_space<vmem>>, vector<16xf32>,
      tpu.vector_store %arg7[%swap3A_941], %gather3A_936 {strides = array<i32>} : memref<8192xf32, #tpu.memory_space<vmem>>, vector<16xf32>,
      %add3A_943 = arith.constant 48 : i32
      %add3A_944 = arith.addi %mul3A_909, %add3A_943 : i32
      %get3A_945 = arith.index_cast %add3A_944 : i32 to index
      %get3A_946 = tpu.vector_load %arg5[%get3A_945] {strides = array<i32>} : memref<16384xi32, #tpu.memory_space<vmem>>, vector<16xi32>,
      %gather3A_947 = tpu.vector_load_idx %arg6[%get3A_946] : memref<100000xf32, #tpu.memory_space<vmem>>[vector<16xi32>], vector<16xf32>,
      %mul3A_948 = arith.constant 128 : i32
      %mul3A_949 = arith.muli %scan3A_905, %mul3A_948 : i32
      %add3A_950 = arith.constant 48 : i32
      %add3A_951 = arith.addi %mul3A_949, %add3A_950 : i32
      %swap3A_952 = arith.index_cast %add3A_951 : i32 to index
      %swap3A_953 = tpu.vector_load %arg7[%swap3A_952] {strides = array<i32>} : memref<8192xf32, #tpu.memory_space<vmem>>, vector<16xf32>,
      tpu.vector_store %arg7[%swap3A_952], %gather3A_947 {strides = array<i32>} : memref<8192xf32, #tpu.memory_space<vmem>>, vector<16xf32>,
      %add3A_954 = arith.constant 64 : i32
      %add3A_955 = arith.addi %mul3A_909, %add3A_954 : i32
      %get3A_956 = arith.index_cast %add3A_955 : i32 to index
      %get3A_957 = tpu.vector_load %arg5[%get3A_956] {strides = array<i32>} : memref<16384xi32, #tpu.memory_space<vmem>>, vector<16xi32>,
      %gather3A_958 = tpu.vector_load_idx %arg6[%get3A_957] : memref<100000xf32, #tpu.memory_space<vmem>>[vector<16xi32>], vector<16xf32>,
      %mul3A_959 = arith.constant 128 : i32
      %mul3A_960 = arith.muli %scan3A_905, %mul3A_959 : i32
      %add3A_961 = arith.constant 64 : i32
      %add3A_962 = arith.addi %mul3A_960, %add3A_961 : i32
      %swap3A_963 = arith.index_cast %add3A_962 : i32 to index
      %swap3A_964 = tpu.vector_load %arg7[%swap3A_963] {strides = array<i32>} : memref<8192xf32, #tpu.memory_space<vmem>>, vector<16xf32>,
      tpu.vector_store %arg7[%swap3A_963], %gather3A_958 {strides = array<i32>} : memref<8192xf32, #tpu.memory_space<vmem>>, vector<16xf32>,
      %add3A_965 = arith.constant 80 : i32
      %add3A_966 = arith.addi %mul3A_909, %add3A_965 : i32
      %get3A_967 = arith.index_cast %add3A_966 : i32 to index
      %get3A_968 = tpu.vector_load %arg5[%get3A_967] {strides = array<i32>} : memref<16384xi32, #tpu.memory_space<vmem>>, vector<16xi32>,
      %gather3A_969 = tpu.vector_load_idx %arg6[%get3A_968] : memref<100000xf32, #tpu.memory_space<vmem>>[vector<16xi32>], vector<16xf32>,
      %mul3A_970 = arith.constant 128 : i32
      %mul3A_971 = arith.muli %scan3A_905, %mul3A_970 : i32
      %add3A_972 = arith.constant 80 : i32
      %add3A_973 = arith.addi %mul3A_971, %add3A_972 : i32
      %swap3A_974 = arith.index_cast %add3A_973 : i32 to index
      %swap3A_975 = tpu.vector_load %arg7[%swap3A_974] {strides = array<i32>} : memref<8192xf32, #tpu.memory_space<vmem>>, vector<16xf32>,
      tpu.vector_store %arg7[%swap3A_974], %gather3A_969 {strides = array<i32>} : memref<8192xf32, #tpu.memory_space<vmem>>, vector<16xf32>,
      %add3A_976 = arith.constant 96 : i32
      %add3A_977 = arith.addi %mul3A_909, %add3A_976 : i32
      %get3A_978 = arith.index_cast %add3A_977 : i32 to index
      %get3A_979 = tpu.vector_load %arg5[%get3A_978] {strides = array<i32>} : memref<16384xi32, #tpu.memory_space<vmem>>, vector<16xi32>,
      %gather3A_980 = tpu.vector_load_idx %arg6[%get3A_979] : memref<100000xf32, #tpu.memory_space<vmem>>[vector<16xi32>], vector<16xf32>,
      %mul3A_981 = arith.constant 128 : i32
      %mul3A_982 = arith.muli %scan3A_905, %mul3A_981 : i32
      %add3A_983 = arith.constant 96 : i32
      %add3A_984 = arith.addi %mul3A_982, %add3A_983 : i32
      %swap3A_985 = arith.index_cast %add3A_984 : i32 to index
      %swap3A_986 = tpu.vector_load %arg7[%swap3A_985] {strides = array<i32>} : memref<8192xf32, #tpu.memory_space<vmem>>, vector<16xf32>,
      tpu.vector_store %arg7[%swap3A_985], %gather3A_980 {strides = array<i32>} : memref<8192xf32, #tpu.memory_space<vmem>>, vector<16xf32>,
      %add3A_987 = arith.constant 112 : i32
      %add3A_988 = arith.addi %mul3A_909, %add3A_987 : i32
      %get3A_989 = arith.index_cast %add3A_988 : i32 to index
      %get3A_990 = tpu.vector_load %arg5[%get3A_989] {strides = array<i32>} : memref<16384xi32, #tpu.memory_space<vmem>>, vector<16xi32>,
      %gather3A_991 = tpu.vector_load_idx %arg6[%get3A_990] : memref<100000xf32, #tpu.memory_space<vmem>>[vector<16xi32>], vector<16xf32>,
      %mul3A_992 = arith.constant 128 : i32
      %mul3A_993 = arith.muli %scan3A_905, %mul3A_992 : i32
      %add3A_994 = arith.constant 112 : i32
      %add3A_995 = arith.addi %mul3A_993, %add3A_994 : i32
      %swap3A_996 = arith.index_cast %add3A_995 : i32 to index
      %swap3A_997 = tpu.vector_load %arg7[%swap3A_996] {strides = array<i32>} : memref<8192xf32, #tpu.memory_space<vmem>>, vector<16xf32>,
      tpu.vector_store %arg7[%swap3A_996], %gather3A_991 {strides = array<i32>} : memref<8192xf32, #tpu.memory_space<vmem>>, vector<16xf32>,
      %mul3A_998 = arith.constant 128 : i32
      %mul3A_999 = arith.muli %scan3A_905, %mul3A_998 : i32
      %jit3A_1000 = arith.constant 4 : i32
      %div3A_1001 = arith.divsi %add3A_907, %jit3A_1000 : i32
      %sign3A_1002 = arith.constant 0 : i32
      %sign3A_1003 = arith.cmpi sgt, %add3A_907, %sign3A_1002 : i32
      %sign3A_1004 = arith.extui %sign3A_1003 : i1 to i32
      %sign3A_1005 = arith.constant 0 : i32
      %sign3A_1006 = arith.cmpi slt, %add3A_907, %sign3A_1005 : i32
      %sign3A_1007 = arith.extui %sign3A_1006 : i1 to i32
      %sign3A_1008 = arith.subi %sign3A_1004, %sign3A_1007 : i32
      %sign3A_1009 = arith.constant 0 : i32
      %sign3A_1010 = arith.cmpi sgt, %jit3A_1000, %sign3A_1009 : i32
      %sign3A_1011 = arith.extui %sign3A_1010 : i1 to i32
      %sign3A_1012 = arith.constant 0 : i32
      %sign3A_1013 = arith.cmpi slt, %jit3A_1000, %sign3A_1012 : i32
      %sign3A_1014 = arith.extui %sign3A_1013 : i1 to i32
      %sign3A_1015 = arith.subi %sign3A_1011, %sign3A_1014 : i32
      %ne3A_1016 = arith.cmpi ne, %sign3A_1008, %sign3A_1015 : i32
      %rem3A_1017 = arith.remsi %add3A_907, %jit3A_1000 : i32
      %ne3A_1018 = arith.constant 0 : i32
      %ne3A_1019 = arith.cmpi ne, %rem3A_1017, %ne3A_1018 : i32
      %and3A_1020 = arith.andi %ne3A_1016, %ne3A_1019 : i1
      %sub3A_1021 = arith.constant 1 : i32
      %sub3A_1022 = arith.subi %div3A_1001, %sub3A_1021 : i32
      %select_n3A_1023 = arith.select %and3A_1020, %sub3A_1022, %div3A_1001 : i32
      %jit3A_1024 = arith.constant 4 : i32
      %eq3A_1025 = arith.constant 0 : i32
      %eq3A_1026 = arith.cmpi eq, %jit3A_1024, %eq3A_1025 : i32
      %jit3A_1027 = arith.constant 1 : i32
      %select_n3A_1028 = arith.select %eq3A_1026, %jit3A_1027, %jit3A_1024 : i32
      %rem3A_1029 = arith.remsi %add3A_907, %select_n3A_1028 : i32
      %ne3A_1030 = arith.constant 0 : i32
      %ne3A_1031 = arith.cmpi ne, %rem3A_1029, %ne3A_1030 : i32
      %lt3A_1032 = arith.constant 0 : i32
      %lt3A_1033 = arith.cmpi slt, %rem3A_1029, %lt3A_1032 : i32
      %lt3A_1034 = arith.constant 0 : i32
      %lt3A_1035 = arith.cmpi slt, %select_n3A_1028, %lt3A_1034 : i32
      %ne3A_1036 = arith.xori %lt3A_1033, %lt3A_1035 : i1
      %and3A_1037 = arith.andi %ne3A_1036, %ne3A_1031 : i1
      %add3A_1038 = arith.addi %rem3A_1029, %select_n3A_1028 : i32
      %select_n3A_1039 = arith.select %and3A_1037, %add3A_1038, %rem3A_1029 : i32
      %dma_start3A_1040 = tpu.memref_slice %arg7[%mul3A_999] : memref<8192xf32, #tpu.memory_space<vmem>> -> memref<128xf32, #tpu.memory_space<vmem>>
      %dma_start3A_1041 = arith.constant 0 : i32
      %dma_start3A_1042 = tpu.memref_slice %arg4[%select_n3A, %select_n3A_58, %select_n3A_1023, %select_n3A_1039, %select_n3A_74, %dma_start3A_1041] : memref<8x2x32x4x8x128xf32, #tpu.memory_space<hbm>> -> memref<1x1x1x1x1x128xf32, #tpu.memory_space<hbm>>
      %dma_start3A_1043 = tpu.memref_squeeze %dma_start3A_1042 : memref<1x1x1x1x1x128xf32, #tpu.memory_space<hbm>> -> memref<128xf32, #tpu.memory_space<hbm>>
      %dma_start3A_1044 = arith.constant 0 : i32
      %dma_start3A_1045 = tpu.memref_slice %arg4[%select_n3A, %select_n3A_58, %select_n3A_1023, %select_n3A_1039, %select_n3A_74, %dma_start3A_1044] : memref<8x2x32x4x8x128xf32, #tpu.memory_space<hbm>> -> memref<1x1x1x1x1x128xf32, #tpu.memory_space<hbm>>
      %dma_start3A_1046 = tpu.memref_squeeze %dma_start3A_1045 : memref<1x1x1x1x1x128xf32, #tpu.memory_space<hbm>> -> memref<128xf32, #tpu.memory_space<hbm>>
      %dma_start3A_1047 = tpu.memref_slice %arg7[%mul3A_999] : memref<8192xf32, #tpu.memory_space<vmem>> -> memref<128xf32, #tpu.memory_space<vmem>>
      tpu.enqueue_dma source(%dma_start3A_1047 : memref<128xf32, #tpu.memory_space<vmem>>) target(%dma_start3A_1046 : memref<128xf32, #tpu.memory_space<hbm>>) target_semaphore(%arg8 : memref<!tpu.dma_semaphore, #tpu.memory_space<semaphore_mem>>)
    }
    %scan3A_101 = arith.constant 64 : i32
    %mul3A_102 = arith.constant 4 : i32
    %mul3A_103 = arith.muli %add3A, %mul3A_102 : i32
    %add3A_104 = arith.constant 1 : i32
    %add3A_105 = arith.addi %mul3A_103, %add3A_104 : i32
    %jit3A_106 = arith.constant 16 : i32
    %div3A_107 = arith.divsi %add3A_105, %jit3A_106 : i32
    %sign3A_108 = arith.constant 0 : i32
    %sign3A_109 = arith.cmpi sgt, %add3A_105, %sign3A_108 : i32
    %sign3A_110 = arith.extui %sign3A_109 : i1 to i32
    %sign3A_111 = arith.constant 0 : i32
    %sign3A_112 = arith.cmpi slt, %add3A_105, %sign3A_111 : i32
    %sign3A_113 = arith.extui %sign3A_112 : i1 to i32
    %sign3A_114 = arith.subi %sign3A_110, %sign3A_113 : i32
    %sign3A_115 = arith.constant 0 : i32
    %sign3A_116 = arith.cmpi sgt, %jit3A_106, %sign3A_115 : i32
    %sign3A_117 = arith.extui %sign3A_116 : i1 to i32
    %sign3A_118 = arith.constant 0 : i32
    %sign3A_119 = arith.cmpi slt, %jit3A_106, %sign3A_118 : i32
    %sign3A_120 = arith.extui %sign3A_119 : i1 to i32
    %sign3A_121 = arith.subi %sign3A_117, %sign3A_120 : i32
    %ne3A_122 = arith.cmpi ne, %sign3A_114, %sign3A_121 : i32
    %rem3A_123 = arith.remsi %add3A_105, %jit3A_106 : i32
    %ne3A_124 = arith.constant 0 : i32
    %ne3A_125 = arith.cmpi ne, %rem3A_123, %ne3A_124 : i32
    %and3A_126 = arith.andi %ne3A_122, %ne3A_125 : i1
    %sub3A_127 = arith.constant 1 : i32
    %sub3A_128 = arith.subi %div3A_107, %sub3A_127 : i32
    %select_n3A_129 = arith.select %and3A_126, %sub3A_128, %div3A_107 : i32
    %jit3A_130 = arith.constant 16 : i32
    %eq3A_131 = arith.constant 0 : i32
    %eq3A_132 = arith.cmpi eq, %jit3A_130, %eq3A_131 : i32
    %jit3A_133 = arith.constant 1 : i32
    %select_n3A_134 = arith.select %eq3A_132, %jit3A_133, %jit3A_130 : i32
    %rem3A_135 = arith.remsi %add3A_105, %select_n3A_134 : i32
    %ne3A_136 = arith.constant 0 : i32
    %ne3A_137 = arith.cmpi ne, %rem3A_135, %ne3A_136 : i32
    %lt3A_138 = arith.constant 0 : i32
    %lt3A_139 = arith.cmpi slt, %rem3A_135, %lt3A_138 : i32
    %lt3A_140 = arith.constant 0 : i32
    %lt3A_141 = arith.cmpi slt, %select_n3A_134, %lt3A_140 : i32
    %ne3A_142 = arith.xori %lt3A_139, %lt3A_141 : i1
    %and3A_143 = arith.andi %ne3A_142, %ne3A_137 : i1
    %add3A_144 = arith.addi %rem3A_135, %select_n3A_134 : i32
    %select_n3A_145 = arith.select %and3A_143, %add3A_144, %rem3A_135 : i32
    %jit3A_146 = arith.constant 8 : i32
    %div3A_147 = arith.divsi %select_n3A_145, %jit3A_146 : i32
    %sign3A_148 = arith.constant 0 : i32
    %sign3A_149 = arith.cmpi sgt, %select_n3A_145, %sign3A_148 : i32
    %sign3A_150 = arith.extui %sign3A_149 : i1 to i32
    %sign3A_151 = arith.constant 0 : i32
    %sign3A_152 = arith.cmpi slt, %select_n3A_145, %sign3A_151 : i32
    %sign3A_153 = arith.extui %sign3A_152 : i1 to i32
    %sign3A_154 = arith.subi %sign3A_150, %sign3A_153 : i32
    %sign3A_155 = arith.constant 0 : i32
    %sign3A_156 = arith.cmpi sgt, %jit3A_146, %sign3A_155 : i32
    %sign3A_157 = arith.extui %sign3A_156 : i1 to i32
    %sign3A_158 = arith.constant 0 : i32
    %sign3A_159 = arith.cmpi slt, %jit3A_146, %sign3A_158 : i32
    %sign3A_160 = arith.extui %sign3A_159 : i1 to i32
    %sign3A_161 = arith.subi %sign3A_157, %sign3A_160 : i32
    %ne3A_162 = arith.cmpi ne, %sign3A_154, %sign3A_161 : i32
    %rem3A_163 = arith.remsi %select_n3A_145, %jit3A_146 : i32
    %ne3A_164 = arith.constant 0 : i32
    %ne3A_165 = arith.cmpi ne, %rem3A_163, %ne3A_164 : i32
    %and3A_166 = arith.andi %ne3A_162, %ne3A_165 : i1
    %sub3A_167 = arith.constant 1 : i32
    %sub3A_168 = arith.subi %div3A_147, %sub3A_167 : i32
    %select_n3A_169 = arith.select %and3A_166, %sub3A_168, %div3A_147 : i32
    %jit3A_170 = arith.constant 8 : i32
    %eq3A_171 = arith.constant 0 : i32
    %eq3A_172 = arith.cmpi eq, %jit3A_170, %eq3A_171 : i32
    %jit3A_173 = arith.constant 1 : i32
    %select_n3A_174 = arith.select %eq3A_172, %jit3A_173, %jit3A_170 : i32
    %rem3A_175 = arith.remsi %select_n3A_145, %select_n3A_174 : i32
    %ne3A_176 = arith.constant 0 : i32
    %ne3A_177 = arith.cmpi ne, %rem3A_175, %ne3A_176 : i32
    %lt3A_178 = arith.constant 0 : i32
    %lt3A_179 = arith.cmpi slt, %rem3A_175, %lt3A_178 : i32
    %lt3A_180 = arith.constant 0 : i32
    %lt3A_181 = arith.cmpi slt, %select_n3A_174, %lt3A_180 : i32
    %ne3A_182 = arith.xori %lt3A_179, %lt3A_181 : i1
    %and3A_183 = arith.andi %ne3A_182, %ne3A_177 : i1
    %add3A_184 = arith.addi %rem3A_175, %select_n3A_174 : i32
    %select_n3A_185 = arith.select %and3A_183, %add3A_184, %rem3A_175 : i32
    %dma_start3A_186 = arith.constant 0 : i32
    %dma_start3A_187 = tpu.memref_slice %arg3[%select_n3A_129, %select_n3A_145, %dma_start3A_186] : memref<8x16x100000xf32, #tpu.memory_space<hbm>> -> memref<1x1x100000xf32, #tpu.memory_space<hbm>>
    %dma_start3A_188 = tpu.memref_squeeze %dma_start3A_187 : memref<1x1x100000xf32, #tpu.memory_space<hbm>> -> memref<100000xf32, #tpu.memory_space<hbm>>
    %dma_start3A_189 = arith.constant 0 : i32
    %dma_start3A_190 = tpu.memref_slice %arg3[%select_n3A_129, %select_n3A_145, %dma_start3A_189] : memref<8x16x100000xf32, #tpu.memory_space<hbm>> -> memref<1x1x100000xf32, #tpu.memory_space<hbm>>
    %dma_start3A_191 = tpu.memref_squeeze %dma_start3A_190 : memref<1x1x100000xf32, #tpu.memory_space<hbm>> -> memref<100000xf32, #tpu.memory_space<hbm>>
    tpu.enqueue_dma source(%dma_start3A_191 : memref<100000xf32, #tpu.memory_space<hbm>>) target(%arg6 : memref<100000xf32, #tpu.memory_space<vmem>>) target_semaphore(%arg9 : memref<!tpu.dma_semaphore, #tpu.memory_space<semaphore_mem>>)
    %dma_wait3A_192 = arith.constant 0 : i32
    %dma_wait3A_193 = tpu.memref_slice %arg3[%select_n3A_129, %select_n3A_145, %dma_wait3A_192] : memref<8x16x100000xf32, #tpu.memory_space<hbm>> -> memref<1x1x100000xf32, #tpu.memory_space<hbm>>
    %dma_wait3A_194 = tpu.memref_squeeze %dma_wait3A_193 : memref<1x1x100000xf32, #tpu.memory_space<hbm>> -> memref<100000xf32, #tpu.memory_space<hbm>>
    %dma_wait3A_195 = arith.constant 0 : i32
    %dma_wait3A_196 = tpu.memref_slice %arg3[%select_n3A_129, %select_n3A_145, %dma_wait3A_195] : memref<8x16x100000xf32, #tpu.memory_space<hbm>> -> memref<1x1x100000xf32, #tpu.memory_space<hbm>>
    %dma_wait3A_197 = tpu.memref_squeeze %dma_wait3A_196 : memref<1x1x100000xf32, #tpu.memory_space<hbm>> -> memref<100000xf32, #tpu.memory_space<hbm>>
    tpu.wait_dma2 semaphore(%arg9 : memref<!tpu.dma_semaphore, #tpu.memory_space<semaphore_mem>>) src(%dma_wait3A_197 : memref<100000xf32, #tpu.memory_space<hbm>>) dst(%arg6 : memref<100000xf32, #tpu.memory_space<vmem>>)
    %dma_wait3A_198 = arith.constant 0 : i32
    %dma_wait3A_199 = tpu.memref_slice %arg5[%dma_wait3A_198] : memref<16384xi32, #tpu.memory_space<vmem>> -> memref<8192xi32, #tpu.memory_space<vmem>>
    %dma_wait3A_200 = arith.constant 0 : i32
    %dma_wait3A_201 = tpu.memref_slice %arg2[%dma_wait3A_200] : memref<16384xi32, #tpu.memory_space<hbm>> -> memref<8192xi32, #tpu.memory_space<hbm>>
    %dma_wait3A_202 = arith.constant 0 : i32
    %dma_wait3A_203 = tpu.memref_slice %arg5[%dma_wait3A_202] : memref<16384xi32, #tpu.memory_space<vmem>> -> memref<8192xi32, #tpu.memory_space<vmem>>
    %dma_wait3A_204 = arith.constant 0 : i32
    %dma_wait3A_205 = tpu.memref_slice %arg2[%dma_wait3A_204] : memref<16384xi32, #tpu.memory_space<hbm>> -> memref<8192xi32, #tpu.memory_space<hbm>>
    tpu.wait_dma2 semaphore(%arg8 : memref<!tpu.dma_semaphore, #tpu.memory_space<semaphore_mem>>) src(%dma_wait3A_205 : memref<8192xi32, #tpu.memory_space<hbm>>) dst(%dma_wait3A_203 : memref<8192xi32, #tpu.memory_space<vmem>>)
    %scan3A_206 = arith.constant 0 : i32
    %scan3A_207 = arith.constant 64 : i32
    %scan3A_208 = arith.addi %scan3A_206, %scan3A_207 : i32
    %scan3A_209 = arith.constant 4 : i32
    scf.for %scan3A_476 = %scan3A_206 to %scan3A_208 step %scan3A_209  : i32 {
      %add3A_477 = arith.constant 0 : i32
      %add3A_478 = arith.addi %add3A_477, %scan3A_476 : i32
      %mul3A_479 = arith.constant 128 : i32
      %mul3A_480 = arith.muli %add3A_478, %mul3A_479 : i32
      %add3A_481 = arith.constant 0 : i32
      %add3A_482 = arith.addi %mul3A_480, %add3A_481 : i32
      %get3A = arith.index_cast %add3A_482 : i32 to index
      %get3A_483 = tpu.vector_load %arg5[%get3A] {strides = array<i32>} : memref<16384xi32, #tpu.memory_space<vmem>>, vector<16xi32>,
      %gather3A = tpu.vector_load_idx %arg6[%get3A_483] : memref<100000xf32, #tpu.memory_space<vmem>>[vector<16xi32>], vector<16xf32>,
      %mul3A_484 = arith.constant 128 : i32
      %mul3A_485 = arith.muli %scan3A_476, %mul3A_484 : i32
      %add3A_486 = arith.constant 0 : i32
      %add3A_487 = arith.addi %mul3A_485, %add3A_486 : i32
      %swap3A = arith.index_cast %add3A_487 : i32 to index
      %swap3A_488 = tpu.vector_load %arg7[%swap3A] {strides = array<i32>} : memref<8192xf32, #tpu.memory_space<vmem>>, vector<16xf32>,
      tpu.vector_store %arg7[%swap3A], %gather3A {strides = array<i32>} : memref<8192xf32, #tpu.memory_space<vmem>>, vector<16xf32>,
      %add3A_489 = arith.constant 16 : i32
      %add3A_490 = arith.addi %mul3A_480, %add3A_489 : i32
      %get3A_491 = arith.index_cast %add3A_490 : i32 to index
      %get3A_492 = tpu.vector_load %arg5[%get3A_491] {strides = array<i32>} : memref<16384xi32, #tpu.memory_space<vmem>>, vector<16xi32>,
      %gather3A_493 = tpu.vector_load_idx %arg6[%get3A_492] : memref<100000xf32, #tpu.memory_space<vmem>>[vector<16xi32>], vector<16xf32>,
      %mul3A_494 = arith.constant 128 : i32
      %mul3A_495 = arith.muli %scan3A_476, %mul3A_494 : i32
      %add3A_496 = arith.constant 16 : i32
      %add3A_497 = arith.addi %mul3A_495, %add3A_496 : i32
      %swap3A_498 = arith.index_cast %add3A_497 : i32 to index
      %swap3A_499 = tpu.vector_load %arg7[%swap3A_498] {strides = array<i32>} : memref<8192xf32, #tpu.memory_space<vmem>>, vector<16xf32>,
      tpu.vector_store %arg7[%swap3A_498], %gather3A_493 {strides = array<i32>} : memref<8192xf32, #tpu.memory_space<vmem>>, vector<16xf32>,
      %add3A_500 = arith.constant 32 : i32
      %add3A_501 = arith.addi %mul3A_480, %add3A_500 : i32
      %get3A_502 = arith.index_cast %add3A_501 : i32 to index
      %get3A_503 = tpu.vector_load %arg5[%get3A_502] {strides = array<i32>} : memref<16384xi32, #tpu.memory_space<vmem>>, vector<16xi32>,
      %gather3A_504 = tpu.vector_load_idx %arg6[%get3A_503] : memref<100000xf32, #tpu.memory_space<vmem>>[vector<16xi32>], vector<16xf32>,
      %mul3A_505 = arith.constant 128 : i32
      %mul3A_506 = arith.muli %scan3A_476, %mul3A_505 : i32
      %add3A_507 = arith.constant 32 : i32
      %add3A_508 = arith.addi %mul3A_506, %add3A_507 : i32
      %swap3A_509 = arith.index_cast %add3A_508 : i32 to index
      %swap3A_510 = tpu.vector_load %arg7[%swap3A_509] {strides = array<i32>} : memref<8192xf32, #tpu.memory_space<vmem>>, vector<16xf32>,
      tpu.vector_store %arg7[%swap3A_509], %gather3A_504 {strides = array<i32>} : memref<8192xf32, #tpu.memory_space<vmem>>, vector<16xf32>,
      %add3A_511 = arith.constant 48 : i32
      %add3A_512 = arith.addi %mul3A_480, %add3A_511 : i32
      %get3A_513 = arith.index_cast %add3A_512 : i32 to index
      %get3A_514 = tpu.vector_load %arg5[%get3A_513] {strides = array<i32>} : memref<16384xi32, #tpu.memory_space<vmem>>, vector<16xi32>,
      %gather3A_515 = tpu.vector_load_idx %arg6[%get3A_514] : memref<100000xf32, #tpu.memory_space<vmem>>[vector<16xi32>], vector<16xf32>,
      %mul3A_516 = arith.constant 128 : i32
      %mul3A_517 = arith.muli %scan3A_476, %mul3A_516 : i32
      %add3A_518 = arith.constant 48 : i32
      %add3A_519 = arith.addi %mul3A_517, %add3A_518 : i32
      %swap3A_520 = arith.index_cast %add3A_519 : i32 to index
      %swap3A_521 = tpu.vector_load %arg7[%swap3A_520] {strides = array<i32>} : memref<8192xf32, #tpu.memory_space<vmem>>, vector<16xf32>,
      tpu.vector_store %arg7[%swap3A_520], %gather3A_515 {strides = array<i32>} : memref<8192xf32, #tpu.memory_space<vmem>>, vector<16xf32>,
      %add3A_522 = arith.constant 64 : i32
      %add3A_523 = arith.addi %mul3A_480, %add3A_522 : i32
      %get3A_524 = arith.index_cast %add3A_523 : i32 to index
      %get3A_525 = tpu.vector_load %arg5[%get3A_524] {strides = array<i32>} : memref<16384xi32, #tpu.memory_space<vmem>>, vector<16xi32>,
      %gather3A_526 = tpu.vector_load_idx %arg6[%get3A_525] : memref<100000xf32, #tpu.memory_space<vmem>>[vector<16xi32>], vector<16xf32>,
      %mul3A_527 = arith.constant 128 : i32
      %mul3A_528 = arith.muli %scan3A_476, %mul3A_527 : i32
      %add3A_529 = arith.constant 64 : i32
      %add3A_530 = arith.addi %mul3A_528, %add3A_529 : i32
      %swap3A_531 = arith.index_cast %add3A_530 : i32 to index
      %swap3A_532 = tpu.vector_load %arg7[%swap3A_531] {strides = array<i32>} : memref<8192xf32, #tpu.memory_space<vmem>>, vector<16xf32>,
      tpu.vector_store %arg7[%swap3A_531], %gather3A_526 {strides = array<i32>} : memref<8192xf32, #tpu.memory_space<vmem>>, vector<16xf32>,
      %add3A_533 = arith.constant 80 : i32
      %add3A_534 = arith.addi %mul3A_480, %add3A_533 : i32
      %get3A_535 = arith.index_cast %add3A_534 : i32 to index
      %get3A_536 = tpu.vector_load %arg5[%get3A_535] {strides = array<i32>} : memref<16384xi32, #tpu.memory_space<vmem>>, vector<16xi32>,
      %gather3A_537 = tpu.vector_load_idx %arg6[%get3A_536] : memref<100000xf32, #tpu.memory_space<vmem>>[vector<16xi32>], vector<16xf32>,
      %mul3A_538 = arith.constant 128 : i32
      %mul3A_539 = arith.muli %scan3A_476, %mul3A_538 : i32
      %add3A_540 = arith.constant 80 : i32
      %add3A_541 = arith.addi %mul3A_539, %add3A_540 : i32
      %swap3A_542 = arith.index_cast %add3A_541 : i32 to index
      %swap3A_543 = tpu.vector_load %arg7[%swap3A_542] {strides = array<i32>} : memref<8192xf32, #tpu.memory_space<vmem>>, vector<16xf32>,
      tpu.vector_store %arg7[%swap3A_542], %gather3A_537 {strides = array<i32>} : memref<8192xf32, #tpu.memory_space<vmem>>, vector<16xf32>,
      %add3A_544 = arith.constant 96 : i32
      %add3A_545 = arith.addi %mul3A_480, %add3A_544 : i32
      %get3A_546 = arith.index_cast %add3A_545 : i32 to index
      %get3A_547 = tpu.vector_load %arg5[%get3A_546] {strides = array<i32>} : memref<16384xi32, #tpu.memory_space<vmem>>, vector<16xi32>,
      %gather3A_548 = tpu.vector_load_idx %arg6[%get3A_547] : memref<100000xf32, #tpu.memory_space<vmem>>[vector<16xi32>], vector<16xf32>,
      %mul3A_549 = arith.constant 128 : i32
      %mul3A_550 = arith.muli %scan3A_476, %mul3A_549 : i32
      %add3A_551 = arith.constant 96 : i32
      %add3A_552 = arith.addi %mul3A_550, %add3A_551 : i32
      %swap3A_553 = arith.index_cast %add3A_552 : i32 to index
      %swap3A_554 = tpu.vector_load %arg7[%swap3A_553] {strides = array<i32>} : memref<8192xf32, #tpu.memory_space<vmem>>, vector<16xf32>,
      tpu.vector_store %arg7[%swap3A_553], %gather3A_548 {strides = array<i32>} : memref<8192xf32, #tpu.memory_space<vmem>>, vector<16xf32>,
      %add3A_555 = arith.constant 112 : i32
      %add3A_556 = arith.addi %mul3A_480, %add3A_555 : i32
      %get3A_557 = arith.index_cast %add3A_556 : i32 to index
      %get3A_558 = tpu.vector_load %arg5[%get3A_557] {strides = array<i32>} : memref<16384xi32, #tpu.memory_space<vmem>>, vector<16xi32>,
      %gather3A_559 = tpu.vector_load_idx %arg6[%get3A_558] : memref<100000xf32, #tpu.memory_space<vmem>>[vector<16xi32>], vector<16xf32>,
      %mul3A_560 = arith.constant 128 : i32
      %mul3A_561 = arith.muli %scan3A_476, %mul3A_560 : i32
      %add3A_562 = arith.constant 112 : i32
      %add3A_563 = arith.addi %mul3A_561, %add3A_562 : i32
      %swap3A_564 = arith.index_cast %add3A_563 : i32 to index
      %swap3A_565 = tpu.vector_load %arg7[%swap3A_564] {strides = array<i32>} : memref<8192xf32, #tpu.memory_space<vmem>>, vector<16xf32>,
      tpu.vector_store %arg7[%swap3A_564], %gather3A_559 {strides = array<i32>} : memref<8192xf32, #tpu.memory_space<vmem>>, vector<16xf32>,
      %mul3A_566 = arith.constant 128 : i32
      %mul3A_567 = arith.muli %scan3A_476, %mul3A_566 : i32
      %jit3A_568 = arith.constant 4 : i32
      %div3A_569 = arith.divsi %add3A_478, %jit3A_568 : i32
      %sign3A_570 = arith.constant 0 : i32
      %sign3A_571 = arith.cmpi sgt, %add3A_478, %sign3A_570 : i32
      %sign3A_572 = arith.extui %sign3A_571 : i1 to i32
      %sign3A_573 = arith.constant 0 : i32
      %sign3A_574 = arith.cmpi slt, %add3A_478, %sign3A_573 : i32
      %sign3A_575 = arith.extui %sign3A_574 : i1 to i32
      %sign3A_576 = arith.subi %sign3A_572, %sign3A_575 : i32
      %sign3A_577 = arith.constant 0 : i32
      %sign3A_578 = arith.cmpi sgt, %jit3A_568, %sign3A_577 : i32
      %sign3A_579 = arith.extui %sign3A_578 : i1 to i32
      %sign3A_580 = arith.constant 0 : i32
      %sign3A_581 = arith.cmpi slt, %jit3A_568, %sign3A_580 : i32
      %sign3A_582 = arith.extui %sign3A_581 : i1 to i32
      %sign3A_583 = arith.subi %sign3A_579, %sign3A_582 : i32
      %ne3A_584 = arith.cmpi ne, %sign3A_576, %sign3A_583 : i32
      %rem3A_585 = arith.remsi %add3A_478, %jit3A_568 : i32
      %ne3A_586 = arith.constant 0 : i32
      %ne3A_587 = arith.cmpi ne, %rem3A_585, %ne3A_586 : i32
      %and3A_588 = arith.andi %ne3A_584, %ne3A_587 : i1
      %sub3A_589 = arith.constant 1 : i32
      %sub3A_590 = arith.subi %div3A_569, %sub3A_589 : i32
      %select_n3A_591 = arith.select %and3A_588, %sub3A_590, %div3A_569 : i32
      %jit3A_592 = arith.constant 4 : i32
      %eq3A_593 = arith.constant 0 : i32
      %eq3A_594 = arith.cmpi eq, %jit3A_592, %eq3A_593 : i32
      %jit3A_595 = arith.constant 1 : i32
      %select_n3A_596 = arith.select %eq3A_594, %jit3A_595, %jit3A_592 : i32
      %rem3A_597 = arith.remsi %add3A_478, %select_n3A_596 : i32
      %ne3A_598 = arith.constant 0 : i32
      %ne3A_599 = arith.cmpi ne, %rem3A_597, %ne3A_598 : i32
      %lt3A_600 = arith.constant 0 : i32
      %lt3A_601 = arith.cmpi slt, %rem3A_597, %lt3A_600 : i32
      %lt3A_602 = arith.constant 0 : i32
      %lt3A_603 = arith.cmpi slt, %select_n3A_596, %lt3A_602 : i32
      %ne3A_604 = arith.xori %lt3A_601, %lt3A_603 : i1
      %and3A_605 = arith.andi %ne3A_604, %ne3A_599 : i1
      %add3A_606 = arith.addi %rem3A_597, %select_n3A_596 : i32
      %select_n3A_607 = arith.select %and3A_605, %add3A_606, %rem3A_597 : i32
      %dma_start3A_608 = tpu.memref_slice %arg7[%mul3A_567] : memref<8192xf32, #tpu.memory_space<vmem>> -> memref<128xf32, #tpu.memory_space<vmem>>
      %dma_start3A_609 = arith.constant 0 : i32
      %dma_start3A_610 = tpu.memref_slice %arg4[%select_n3A_129, %select_n3A_169, %select_n3A_591, %select_n3A_607, %select_n3A_185, %dma_start3A_609] : memref<8x2x32x4x8x128xf32, #tpu.memory_space<hbm>> -> memref<1x1x1x1x1x128xf32, #tpu.memory_space<hbm>>
      %dma_start3A_611 = tpu.memref_squeeze %dma_start3A_610 : memref<1x1x1x1x1x128xf32, #tpu.memory_space<hbm>> -> memref<128xf32, #tpu.memory_space<hbm>>
      %dma_start3A_612 = arith.constant 0 : i32
      %dma_start3A_613 = tpu.memref_slice %arg4[%select_n3A_129, %select_n3A_169, %select_n3A_591, %select_n3A_607, %select_n3A_185, %dma_start3A_612] : memref<8x2x32x4x8x128xf32, #tpu.memory_space<hbm>> -> memref<1x1x1x1x1x128xf32, #tpu.memory_space<hbm>>
      %dma_start3A_614 = tpu.memref_squeeze %dma_start3A_613 : memref<1x1x1x1x1x128xf32, #tpu.memory_space<hbm>> -> memref<128xf32, #tpu.memory_space<hbm>>
      %dma_start3A_615 = tpu.memref_slice %arg7[%mul3A_567] : memref<8192xf32, #tpu.memory_space<vmem>> -> memref<128xf32, #tpu.memory_space<vmem>>
      tpu.enqueue_dma source(%dma_start3A_615 : memref<128xf32, #tpu.memory_space<vmem>>) target(%dma_start3A_614 : memref<128xf32, #tpu.memory_space<hbm>>) target_semaphore(%arg8 : memref<!tpu.dma_semaphore, #tpu.memory_space<semaphore_mem>>)
      %scan3A_616 = arith.constant 1 : i32
      %scan3A_617 = arith.addi %scan3A_476, %scan3A_616 : i32
      %add3A_618 = arith.constant 0 : i32
      %add3A_619 = arith.addi %add3A_618, %scan3A_617 : i32
      %mul3A_620 = arith.constant 128 : i32
      %mul3A_621 = arith.muli %add3A_619, %mul3A_620 : i32
      %add3A_622 = arith.constant 0 : i32
      %add3A_623 = arith.addi %mul3A_621, %add3A_622 : i32
      %get3A_624 = arith.index_cast %add3A_623 : i32 to index
      %get3A_625 = tpu.vector_load %arg5[%get3A_624] {strides = array<i32>} : memref<16384xi32, #tpu.memory_space<vmem>>, vector<16xi32>,
      %gather3A_626 = tpu.vector_load_idx %arg6[%get3A_625] : memref<100000xf32, #tpu.memory_space<vmem>>[vector<16xi32>], vector<16xf32>,
      %mul3A_627 = arith.constant 128 : i32
      %mul3A_628 = arith.muli %scan3A_617, %mul3A_627 : i32
      %add3A_629 = arith.constant 0 : i32
      %add3A_630 = arith.addi %mul3A_628, %add3A_629 : i32
      %swap3A_631 = arith.index_cast %add3A_630 : i32 to index
      %swap3A_632 = tpu.vector_load %arg7[%swap3A_631] {strides = array<i32>} : memref<8192xf32, #tpu.memory_space<vmem>>, vector<16xf32>,
      tpu.vector_store %arg7[%swap3A_631], %gather3A_626 {strides = array<i32>} : memref<8192xf32, #tpu.memory_space<vmem>>, vector<16xf32>,
      %add3A_633 = arith.constant 16 : i32
      %add3A_634 = arith.addi %mul3A_621, %add3A_633 : i32
      %get3A_635 = arith.index_cast %add3A_634 : i32 to index
      %get3A_636 = tpu.vector_load %arg5[%get3A_635] {strides = array<i32>} : memref<16384xi32, #tpu.memory_space<vmem>>, vector<16xi32>,
      %gather3A_637 = tpu.vector_load_idx %arg6[%get3A_636] : memref<100000xf32, #tpu.memory_space<vmem>>[vector<16xi32>], vector<16xf32>,
      %mul3A_638 = arith.constant 128 : i32
      %mul3A_639 = arith.muli %scan3A_617, %mul3A_638 : i32
      %add3A_640 = arith.constant 16 : i32
      %add3A_641 = arith.addi %mul3A_639, %add3A_640 : i32
      %swap3A_642 = arith.index_cast %add3A_641 : i32 to index
      %swap3A_643 = tpu.vector_load %arg7[%swap3A_642] {strides = array<i32>} : memref<8192xf32, #tpu.memory_space<vmem>>, vector<16xf32>,
      tpu.vector_store %arg7[%swap3A_642], %gather3A_637 {strides = array<i32>} : memref<8192xf32, #tpu.memory_space<vmem>>, vector<16xf32>,
      %add3A_644 = arith.constant 32 : i32
      %add3A_645 = arith.addi %mul3A_621, %add3A_644 : i32
      %get3A_646 = arith.index_cast %add3A_645 : i32 to index
      %get3A_647 = tpu.vector_load %arg5[%get3A_646] {strides = array<i32>} : memref<16384xi32, #tpu.memory_space<vmem>>, vector<16xi32>,
      %gather3A_648 = tpu.vector_load_idx %arg6[%get3A_647] : memref<100000xf32, #tpu.memory_space<vmem>>[vector<16xi32>], vector<16xf32>,
      %mul3A_649 = arith.constant 128 : i32
      %mul3A_650 = arith.muli %scan3A_617, %mul3A_649 : i32
      %add3A_651 = arith.constant 32 : i32
      %add3A_652 = arith.addi %mul3A_650, %add3A_651 : i32
      %swap3A_653 = arith.index_cast %add3A_652 : i32 to index
      %swap3A_654 = tpu.vector_load %arg7[%swap3A_653] {strides = array<i32>} : memref<8192xf32, #tpu.memory_space<vmem>>, vector<16xf32>,
      tpu.vector_store %arg7[%swap3A_653], %gather3A_648 {strides = array<i32>} : memref<8192xf32, #tpu.memory_space<vmem>>, vector<16xf32>,
      %add3A_655 = arith.constant 48 : i32
      %add3A_656 = arith.addi %mul3A_621, %add3A_655 : i32
      %get3A_657 = arith.index_cast %add3A_656 : i32 to index
      %get3A_658 = tpu.vector_load %arg5[%get3A_657] {strides = array<i32>} : memref<16384xi32, #tpu.memory_space<vmem>>, vector<16xi32>,
      %gather3A_659 = tpu.vector_load_idx %arg6[%get3A_658] : memref<100000xf32, #tpu.memory_space<vmem>>[vector<16xi32>], vector<16xf32>,
      %mul3A_660 = arith.constant 128 : i32
      %mul3A_661 = arith.muli %scan3A_617, %mul3A_660 : i32
      %add3A_662 = arith.constant 48 : i32
      %add3A_663 = arith.addi %mul3A_661, %add3A_662 : i32
      %swap3A_664 = arith.index_cast %add3A_663 : i32 to index
      %swap3A_665 = tpu.vector_load %arg7[%swap3A_664] {strides = array<i32>} : memref<8192xf32, #tpu.memory_space<vmem>>, vector<16xf32>,
      tpu.vector_store %arg7[%swap3A_664], %gather3A_659 {strides = array<i32>} : memref<8192xf32, #tpu.memory_space<vmem>>, vector<16xf32>,
      %add3A_666 = arith.constant 64 : i32
      %add3A_667 = arith.addi %mul3A_621, %add3A_666 : i32
      %get3A_668 = arith.index_cast %add3A_667 : i32 to index
      %get3A_669 = tpu.vector_load %arg5[%get3A_668] {strides = array<i32>} : memref<16384xi32, #tpu.memory_space<vmem>>, vector<16xi32>,
      %gather3A_670 = tpu.vector_load_idx %arg6[%get3A_669] : memref<100000xf32, #tpu.memory_space<vmem>>[vector<16xi32>], vector<16xf32>,
      %mul3A_671 = arith.constant 128 : i32
      %mul3A_672 = arith.muli %scan3A_617, %mul3A_671 : i32
      %add3A_673 = arith.constant 64 : i32
      %add3A_674 = arith.addi %mul3A_672, %add3A_673 : i32
      %swap3A_675 = arith.index_cast %add3A_674 : i32 to index
      %swap3A_676 = tpu.vector_load %arg7[%swap3A_675] {strides = array<i32>} : memref<8192xf32, #tpu.memory_space<vmem>>, vector<16xf32>,
      tpu.vector_store %arg7[%swap3A_675], %gather3A_670 {strides = array<i32>} : memref<8192xf32, #tpu.memory_space<vmem>>, vector<16xf32>,
      %add3A_677 = arith.constant 80 : i32
      %add3A_678 = arith.addi %mul3A_621, %add3A_677 : i32
      %get3A_679 = arith.index_cast %add3A_678 : i32 to index
      %get3A_680 = tpu.vector_load %arg5[%get3A_679] {strides = array<i32>} : memref<16384xi32, #tpu.memory_space<vmem>>, vector<16xi32>,
      %gather3A_681 = tpu.vector_load_idx %arg6[%get3A_680] : memref<100000xf32, #tpu.memory_space<vmem>>[vector<16xi32>], vector<16xf32>,
      %mul3A_682 = arith.constant 128 : i32
      %mul3A_683 = arith.muli %scan3A_617, %mul3A_682 : i32
      %add3A_684 = arith.constant 80 : i32
      %add3A_685 = arith.addi %mul3A_683, %add3A_684 : i32
      %swap3A_686 = arith.index_cast %add3A_685 : i32 to index
      %swap3A_687 = tpu.vector_load %arg7[%swap3A_686] {strides = array<i32>} : memref<8192xf32, #tpu.memory_space<vmem>>, vector<16xf32>,
      tpu.vector_store %arg7[%swap3A_686], %gather3A_681 {strides = array<i32>} : memref<8192xf32, #tpu.memory_space<vmem>>, vector<16xf32>,
      %add3A_688 = arith.constant 96 : i32
      %add3A_689 = arith.addi %mul3A_621, %add3A_688 : i32
      %get3A_690 = arith.index_cast %add3A_689 : i32 to index
      %get3A_691 = tpu.vector_load %arg5[%get3A_690] {strides = array<i32>} : memref<16384xi32, #tpu.memory_space<vmem>>, vector<16xi32>,
      %gather3A_692 = tpu.vector_load_idx %arg6[%get3A_691] : memref<100000xf32, #tpu.memory_space<vmem>>[vector<16xi32>], vector<16xf32>,
      %mul3A_693 = arith.constant 128 : i32
      %mul3A_694 = arith.muli %scan3A_617, %mul3A_693 : i32
      %add3A_695 = arith.constant 96 : i32
      %add3A_696 = arith.addi %mul3A_694, %add3A_695 : i32
      %swap3A_697 = arith.index_cast %add3A_696 : i32 to index
      %swap3A_698 = tpu.vector_load %arg7[%swap3A_697] {strides = array<i32>} : memref<8192xf32, #tpu.memory_space<vmem>>, vector<16xf32>,
      tpu.vector_store %arg7[%swap3A_697], %gather3A_692 {strides = array<i32>} : memref<8192xf32, #tpu.memory_space<vmem>>, vector<16xf32>,
      %add3A_699 = arith.constant 112 : i32
      %add3A_700 = arith.addi %mul3A_621, %add3A_699 : i32
      %get3A_701 = arith.index_cast %add3A_700 : i32 to index
      %get3A_702 = tpu.vector_load %arg5[%get3A_701] {strides = array<i32>} : memref<16384xi32, #tpu.memory_space<vmem>>, vector<16xi32>,
      %gather3A_703 = tpu.vector_load_idx %arg6[%get3A_702] : memref<100000xf32, #tpu.memory_space<vmem>>[vector<16xi32>], vector<16xf32>,
      %mul3A_704 = arith.constant 128 : i32
      %mul3A_705 = arith.muli %scan3A_617, %mul3A_704 : i32
      %add3A_706 = arith.constant 112 : i32
      %add3A_707 = arith.addi %mul3A_705, %add3A_706 : i32
      %swap3A_708 = arith.index_cast %add3A_707 : i32 to index
      %swap3A_709 = tpu.vector_load %arg7[%swap3A_708] {strides = array<i32>} : memref<8192xf32, #tpu.memory_space<vmem>>, vector<16xf32>,
      tpu.vector_store %arg7[%swap3A_708], %gather3A_703 {strides = array<i32>} : memref<8192xf32, #tpu.memory_space<vmem>>, vector<16xf32>,
      %mul3A_710 = arith.constant 128 : i32
      %mul3A_711 = arith.muli %scan3A_617, %mul3A_710 : i32
      %jit3A_712 = arith.constant 4 : i32
      %div3A_713 = arith.divsi %add3A_619, %jit3A_712 : i32
      %sign3A_714 = arith.constant 0 : i32
      %sign3A_715 = arith.cmpi sgt, %add3A_619, %sign3A_714 : i32
      %sign3A_716 = arith.extui %sign3A_715 : i1 to i32
      %sign3A_717 = arith.constant 0 : i32
      %sign3A_718 = arith.cmpi slt, %add3A_619, %sign3A_717 : i32
      %sign3A_719 = arith.extui %sign3A_718 : i1 to i32
      %sign3A_720 = arith.subi %sign3A_716, %sign3A_719 : i32
      %sign3A_721 = arith.constant 0 : i32
      %sign3A_722 = arith.cmpi sgt, %jit3A_712, %sign3A_721 : i32
      %sign3A_723 = arith.extui %sign3A_722 : i1 to i32
      %sign3A_724 = arith.constant 0 : i32
      %sign3A_725 = arith.cmpi slt, %jit3A_712, %sign3A_724 : i32
      %sign3A_726 = arith.extui %sign3A_725 : i1 to i32
      %sign3A_727 = arith.subi %sign3A_723, %sign3A_726 : i32
      %ne3A_728 = arith.cmpi ne, %sign3A_720, %sign3A_727 : i32
      %rem3A_729 = arith.remsi %add3A_619, %jit3A_712 : i32
      %ne3A_730 = arith.constant 0 : i32
      %ne3A_731 = arith.cmpi ne, %rem3A_729, %ne3A_730 : i32
      %and3A_732 = arith.andi %ne3A_728, %ne3A_731 : i1
      %sub3A_733 = arith.constant 1 : i32
      %sub3A_734 = arith.subi %div3A_713, %sub3A_733 : i32
      %select_n3A_735 = arith.select %and3A_732, %sub3A_734, %div3A_713 : i32
      %jit3A_736 = arith.constant 4 : i32
      %eq3A_737 = arith.constant 0 : i32
      %eq3A_738 = arith.cmpi eq, %jit3A_736, %eq3A_737 : i32
      %jit3A_739 = arith.constant 1 : i32
      %select_n3A_740 = arith.select %eq3A_738, %jit3A_739, %jit3A_736 : i32
      %rem3A_741 = arith.remsi %add3A_619, %select_n3A_740 : i32
      %ne3A_742 = arith.constant 0 : i32
      %ne3A_743 = arith.cmpi ne, %rem3A_741, %ne3A_742 : i32
      %lt3A_744 = arith.constant 0 : i32
      %lt3A_745 = arith.cmpi slt, %rem3A_741, %lt3A_744 : i32
      %lt3A_746 = arith.constant 0 : i32
      %lt3A_747 = arith.cmpi slt, %select_n3A_740, %lt3A_746 : i32
      %ne3A_748 = arith.xori %lt3A_745, %lt3A_747 : i1
      %and3A_749 = arith.andi %ne3A_748, %ne3A_743 : i1
      %add3A_750 = arith.addi %rem3A_741, %select_n3A_740 : i32
      %select_n3A_751 = arith.select %and3A_749, %add3A_750, %rem3A_741 : i32
      %dma_start3A_752 = tpu.memref_slice %arg7[%mul3A_711] : memref<8192xf32, #tpu.memory_space<vmem>> -> memref<128xf32, #tpu.memory_space<vmem>>
      %dma_start3A_753 = arith.constant 0 : i32
      %dma_start3A_754 = tpu.memref_slice %arg4[%select_n3A_129, %select_n3A_169, %select_n3A_735, %select_n3A_751, %select_n3A_185, %dma_start3A_753] : memref<8x2x32x4x8x128xf32, #tpu.memory_space<hbm>> -> memref<1x1x1x1x1x128xf32, #tpu.memory_space<hbm>>
      %dma_start3A_755 = tpu.memref_squeeze %dma_start3A_754 : memref<1x1x1x1x1x128xf32, #tpu.memory_space<hbm>> -> memref<128xf32, #tpu.memory_space<hbm>>
      %dma_start3A_756 = arith.constant 0 : i32
      %dma_start3A_757 = tpu.memref_slice %arg4[%select_n3A_129, %select_n3A_169, %select_n3A_735, %select_n3A_751, %select_n3A_185, %dma_start3A_756] : memref<8x2x32x4x8x128xf32, #tpu.memory_space<hbm>> -> memref<1x1x1x1x1x128xf32, #tpu.memory_space<hbm>>
      %dma_start3A_758 = tpu.memref_squeeze %dma_start3A_757 : memref<1x1x1x1x1x128xf32, #tpu.memory_space<hbm>> -> memref<128xf32, #tpu.memory_space<hbm>>
      %dma_start3A_759 = tpu.memref_slice %arg7[%mul3A_711] : memref<8192xf32, #tpu.memory_space<vmem>> -> memref<128xf32, #tpu.memory_space<vmem>>
      tpu.enqueue_dma source(%dma_start3A_759 : memref<128xf32, #tpu.memory_space<vmem>>) target(%dma_start3A_758 : memref<128xf32, #tpu.memory_space<hbm>>) target_semaphore(%arg8 : memref<!tpu.dma_semaphore, #tpu.memory_space<semaphore_mem>>)
      %scan3A_760 = arith.constant 2 : i32
      %scan3A_761 = arith.addi %scan3A_476, %scan3A_760 : i32
      %add3A_762 = arith.constant 0 : i32
      %add3A_763 = arith.addi %add3A_762, %scan3A_761 : i32
      %mul3A_764 = arith.constant 128 : i32
      %mul3A_765 = arith.muli %add3A_763, %mul3A_764 : i32
      %add3A_766 = arith.constant 0 : i32
      %add3A_767 = arith.addi %mul3A_765, %add3A_766 : i32
      %get3A_768 = arith.index_cast %add3A_767 : i32 to index
      %get3A_769 = tpu.vector_load %arg5[%get3A_768] {strides = array<i32>} : memref<16384xi32, #tpu.memory_space<vmem>>, vector<16xi32>,
      %gather3A_770 = tpu.vector_load_idx %arg6[%get3A_769] : memref<100000xf32, #tpu.memory_space<vmem>>[vector<16xi32>], vector<16xf32>,
      %mul3A_771 = arith.constant 128 : i32
      %mul3A_772 = arith.muli %scan3A_761, %mul3A_771 : i32
      %add3A_773 = arith.constant 0 : i32
      %add3A_774 = arith.addi %mul3A_772, %add3A_773 : i32
      %swap3A_775 = arith.index_cast %add3A_774 : i32 to index
      %swap3A_776 = tpu.vector_load %arg7[%swap3A_775] {strides = array<i32>} : memref<8192xf32, #tpu.memory_space<vmem>>, vector<16xf32>,
      tpu.vector_store %arg7[%swap3A_775], %gather3A_770 {strides = array<i32>} : memref<8192xf32, #tpu.memory_space<vmem>>, vector<16xf32>,
      %add3A_777 = arith.constant 16 : i32
      %add3A_778 = arith.addi %mul3A_765, %add3A_777 : i32
      %get3A_779 = arith.index_cast %add3A_778 : i32 to index
      %get3A_780 = tpu.vector_load %arg5[%get3A_779] {strides = array<i32>} : memref<16384xi32, #tpu.memory_space<vmem>>, vector<16xi32>,
      %gather3A_781 = tpu.vector_load_idx %arg6[%get3A_780] : memref<100000xf32, #tpu.memory_space<vmem>>[vector<16xi32>], vector<16xf32>,
      %mul3A_782 = arith.constant 128 : i32
      %mul3A_783 = arith.muli %scan3A_761, %mul3A_782 : i32
      %add3A_784 = arith.constant 16 : i32
      %add3A_785 = arith.addi %mul3A_783, %add3A_784 : i32
      %swap3A_786 = arith.index_cast %add3A_785 : i32 to index
      %swap3A_787 = tpu.vector_load %arg7[%swap3A_786] {strides = array<i32>} : memref<8192xf32, #tpu.memory_space<vmem>>, vector<16xf32>,
      tpu.vector_store %arg7[%swap3A_786], %gather3A_781 {strides = array<i32>} : memref<8192xf32, #tpu.memory_space<vmem>>, vector<16xf32>,
      %add3A_788 = arith.constant 32 : i32
      %add3A_789 = arith.addi %mul3A_765, %add3A_788 : i32
      %get3A_790 = arith.index_cast %add3A_789 : i32 to index
      %get3A_791 = tpu.vector_load %arg5[%get3A_790] {strides = array<i32>} : memref<16384xi32, #tpu.memory_space<vmem>>, vector<16xi32>,
      %gather3A_792 = tpu.vector_load_idx %arg6[%get3A_791] : memref<100000xf32, #tpu.memory_space<vmem>>[vector<16xi32>], vector<16xf32>,
      %mul3A_793 = arith.constant 128 : i32
      %mul3A_794 = arith.muli %scan3A_761, %mul3A_793 : i32
      %add3A_795 = arith.constant 32 : i32
      %add3A_796 = arith.addi %mul3A_794, %add3A_795 : i32
      %swap3A_797 = arith.index_cast %add3A_796 : i32 to index
      %swap3A_798 = tpu.vector_load %arg7[%swap3A_797] {strides = array<i32>} : memref<8192xf32, #tpu.memory_space<vmem>>, vector<16xf32>,
      tpu.vector_store %arg7[%swap3A_797], %gather3A_792 {strides = array<i32>} : memref<8192xf32, #tpu.memory_space<vmem>>, vector<16xf32>,
      %add3A_799 = arith.constant 48 : i32
      %add3A_800 = arith.addi %mul3A_765, %add3A_799 : i32
      %get3A_801 = arith.index_cast %add3A_800 : i32 to index
      %get3A_802 = tpu.vector_load %arg5[%get3A_801] {strides = array<i32>} : memref<16384xi32, #tpu.memory_space<vmem>>, vector<16xi32>,
      %gather3A_803 = tpu.vector_load_idx %arg6[%get3A_802] : memref<100000xf32, #tpu.memory_space<vmem>>[vector<16xi32>], vector<16xf32>,
      %mul3A_804 = arith.constant 128 : i32
      %mul3A_805 = arith.muli %scan3A_761, %mul3A_804 : i32
      %add3A_806 = arith.constant 48 : i32
      %add3A_807 = arith.addi %mul3A_805, %add3A_806 : i32
      %swap3A_808 = arith.index_cast %add3A_807 : i32 to index
      %swap3A_809 = tpu.vector_load %arg7[%swap3A_808] {strides = array<i32>} : memref<8192xf32, #tpu.memory_space<vmem>>, vector<16xf32>,
      tpu.vector_store %arg7[%swap3A_808], %gather3A_803 {strides = array<i32>} : memref<8192xf32, #tpu.memory_space<vmem>>, vector<16xf32>,
      %add3A_810 = arith.constant 64 : i32
      %add3A_811 = arith.addi %mul3A_765, %add3A_810 : i32
      %get3A_812 = arith.index_cast %add3A_811 : i32 to index
      %get3A_813 = tpu.vector_load %arg5[%get3A_812] {strides = array<i32>} : memref<16384xi32, #tpu.memory_space<vmem>>, vector<16xi32>,
      %gather3A_814 = tpu.vector_load_idx %arg6[%get3A_813] : memref<100000xf32, #tpu.memory_space<vmem>>[vector<16xi32>], vector<16xf32>,
      %mul3A_815 = arith.constant 128 : i32
      %mul3A_816 = arith.muli %scan3A_761, %mul3A_815 : i32
      %add3A_817 = arith.constant 64 : i32
      %add3A_818 = arith.addi %mul3A_816, %add3A_817 : i32
      %swap3A_819 = arith.index_cast %add3A_818 : i32 to index
      %swap3A_820 = tpu.vector_load %arg7[%swap3A_819] {strides = array<i32>} : memref<8192xf32, #tpu.memory_space<vmem>>, vector<16xf32>,
      tpu.vector_store %arg7[%swap3A_819], %gather3A_814 {strides = array<i32>} : memref<8192xf32, #tpu.memory_space<vmem>>, vector<16xf32>,
      %add3A_821 = arith.constant 80 : i32
      %add3A_822 = arith.addi %mul3A_765, %add3A_821 : i32
      %get3A_823 = arith.index_cast %add3A_822 : i32 to index
      %get3A_824 = tpu.vector_load %arg5[%get3A_823] {strides = array<i32>} : memref<16384xi32, #tpu.memory_space<vmem>>, vector<16xi32>,
      %gather3A_825 = tpu.vector_load_idx %arg6[%get3A_824] : memref<100000xf32, #tpu.memory_space<vmem>>[vector<16xi32>], vector<16xf32>,
      %mul3A_826 = arith.constant 128 : i32
      %mul3A_827 = arith.muli %scan3A_761, %mul3A_826 : i32
      %add3A_828 = arith.constant 80 : i32
      %add3A_829 = arith.addi %mul3A_827, %add3A_828 : i32
      %swap3A_830 = arith.index_cast %add3A_829 : i32 to index
      %swap3A_831 = tpu.vector_load %arg7[%swap3A_830] {strides = array<i32>} : memref<8192xf32, #tpu.memory_space<vmem>>, vector<16xf32>,
      tpu.vector_store %arg7[%swap3A_830], %gather3A_825 {strides = array<i32>} : memref<8192xf32, #tpu.memory_space<vmem>>, vector<16xf32>,
      %add3A_832 = arith.constant 96 : i32
      %add3A_833 = arith.addi %mul3A_765, %add3A_832 : i32
      %get3A_834 = arith.index_cast %add3A_833 : i32 to index
      %get3A_835 = tpu.vector_load %arg5[%get3A_834] {strides = array<i32>} : memref<16384xi32, #tpu.memory_space<vmem>>, vector<16xi32>,
      %gather3A_836 = tpu.vector_load_idx %arg6[%get3A_835] : memref<100000xf32, #tpu.memory_space<vmem>>[vector<16xi32>], vector<16xf32>,
      %mul3A_837 = arith.constant 128 : i32
      %mul3A_838 = arith.muli %scan3A_761, %mul3A_837 : i32
      %add3A_839 = arith.constant 96 : i32
      %add3A_840 = arith.addi %mul3A_838, %add3A_839 : i32
      %swap3A_841 = arith.index_cast %add3A_840 : i32 to index
      %swap3A_842 = tpu.vector_load %arg7[%swap3A_841] {strides = array<i32>} : memref<8192xf32, #tpu.memory_space<vmem>>, vector<16xf32>,
      tpu.vector_store %arg7[%swap3A_841], %gather3A_836 {strides = array<i32>} : memref<8192xf32, #tpu.memory_space<vmem>>, vector<16xf32>,
      %add3A_843 = arith.constant 112 : i32
      %add3A_844 = arith.addi %mul3A_765, %add3A_843 : i32
      %get3A_845 = arith.index_cast %add3A_844 : i32 to index
      %get3A_846 = tpu.vector_load %arg5[%get3A_845] {strides = array<i32>} : memref<16384xi32, #tpu.memory_space<vmem>>, vector<16xi32>,
      %gather3A_847 = tpu.vector_load_idx %arg6[%get3A_846] : memref<100000xf32, #tpu.memory_space<vmem>>[vector<16xi32>], vector<16xf32>,
      %mul3A_848 = arith.constant 128 : i32
      %mul3A_849 = arith.muli %scan3A_761, %mul3A_848 : i32
      %add3A_850 = arith.constant 112 : i32
      %add3A_851 = arith.addi %mul3A_849, %add3A_850 : i32
      %swap3A_852 = arith.index_cast %add3A_851 : i32 to index
      %swap3A_853 = tpu.vector_load %arg7[%swap3A_852] {strides = array<i32>} : memref<8192xf32, #tpu.memory_space<vmem>>, vector<16xf32>,
      tpu.vector_store %arg7[%swap3A_852], %gather3A_847 {strides = array<i32>} : memref<8192xf32, #tpu.memory_space<vmem>>, vector<16xf32>,
      %mul3A_854 = arith.constant 128 : i32
      %mul3A_855 = arith.muli %scan3A_761, %mul3A_854 : i32
      %jit3A_856 = arith.constant 4 : i32
      %div3A_857 = arith.divsi %add3A_763, %jit3A_856 : i32
      %sign3A_858 = arith.constant 0 : i32
      %sign3A_859 = arith.cmpi sgt, %add3A_763, %sign3A_858 : i32
      %sign3A_860 = arith.extui %sign3A_859 : i1 to i32
      %sign3A_861 = arith.constant 0 : i32
      %sign3A_862 = arith.cmpi slt, %add3A_763, %sign3A_861 : i32
      %sign3A_863 = arith.extui %sign3A_862 : i1 to i32
      %sign3A_864 = arith.subi %sign3A_860, %sign3A_863 : i32
      %sign3A_865 = arith.constant 0 : i32
      %sign3A_866 = arith.cmpi sgt, %jit3A_856, %sign3A_865 : i32
      %sign3A_867 = arith.extui %sign3A_866 : i1 to i32
      %sign3A_868 = arith.constant 0 : i32
      %sign3A_869 = arith.cmpi slt, %jit3A_856, %sign3A_868 : i32
      %sign3A_870 = arith.extui %sign3A_869 : i1 to i32
      %sign3A_871 = arith.subi %sign3A_867, %sign3A_870 : i32
      %ne3A_872 = arith.cmpi ne, %sign3A_864, %sign3A_871 : i32
      %rem3A_873 = arith.remsi %add3A_763, %jit3A_856 : i32
      %ne3A_874 = arith.constant 0 : i32
      %ne3A_875 = arith.cmpi ne, %rem3A_873, %ne3A_874 : i32
      %and3A_876 = arith.andi %ne3A_872, %ne3A_875 : i1
      %sub3A_877 = arith.constant 1 : i32
      %sub3A_878 = arith.subi %div3A_857, %sub3A_877 : i32
      %select_n3A_879 = arith.select %and3A_876, %sub3A_878, %div3A_857 : i32
      %jit3A_880 = arith.constant 4 : i32
      %eq3A_881 = arith.constant 0 : i32
      %eq3A_882 = arith.cmpi eq, %jit3A_880, %eq3A_881 : i32
      %jit3A_883 = arith.constant 1 : i32
      %select_n3A_884 = arith.select %eq3A_882, %jit3A_883, %jit3A_880 : i32
      %rem3A_885 = arith.remsi %add3A_763, %select_n3A_884 : i32
      %ne3A_886 = arith.constant 0 : i32
      %ne3A_887 = arith.cmpi ne, %rem3A_885, %ne3A_886 : i32
      %lt3A_888 = arith.constant 0 : i32
      %lt3A_889 = arith.cmpi slt, %rem3A_885, %lt3A_888 : i32
      %lt3A_890 = arith.constant 0 : i32
      %lt3A_891 = arith.cmpi slt, %select_n3A_884, %lt3A_890 : i32
      %ne3A_892 = arith.xori %lt3A_889, %lt3A_891 : i1
      %and3A_893 = arith.andi %ne3A_892, %ne3A_887 : i1
      %add3A_894 = arith.addi %rem3A_885, %select_n3A_884 : i32
      %select_n3A_895 = arith.select %and3A_893, %add3A_894, %rem3A_885 : i32
      %dma_start3A_896 = tpu.memref_slice %arg7[%mul3A_855] : memref<8192xf32, #tpu.memory_space<vmem>> -> memref<128xf32, #tpu.memory_space<vmem>>
      %dma_start3A_897 = arith.constant 0 : i32
      %dma_start3A_898 = tpu.memref_slice %arg4[%select_n3A_129, %select_n3A_169, %select_n3A_879, %select_n3A_895, %select_n3A_185, %dma_start3A_897] : memref<8x2x32x4x8x128xf32, #tpu.memory_space<hbm>> -> memref<1x1x1x1x1x128xf32, #tpu.memory_space<hbm>>
      %dma_start3A_899 = tpu.memref_squeeze %dma_start3A_898 : memref<1x1x1x1x1x128xf32, #tpu.memory_space<hbm>> -> memref<128xf32, #tpu.memory_space<hbm>>
      %dma_start3A_900 = arith.constant 0 : i32
      %dma_start3A_901 = tpu.memref_slice %arg4[%select_n3A_129, %select_n3A_169, %select_n3A_879, %select_n3A_895, %select_n3A_185, %dma_start3A_900] : memref<8x2x32x4x8x128xf32, #tpu.memory_space<hbm>> -> memref<1x1x1x1x1x128xf32, #tpu.memory_space<hbm>>
      %dma_start3A_902 = tpu.memref_squeeze %dma_start3A_901 : memref<1x1x1x1x1x128xf32, #tpu.memory_space<hbm>> -> memref<128xf32, #tpu.memory_space<hbm>>
      %dma_start3A_903 = tpu.memref_slice %arg7[%mul3A_855] : memref<8192xf32, #tpu.memory_space<vmem>> -> memref<128xf32, #tpu.memory_space<vmem>>
      tpu.enqueue_dma source(%dma_start3A_903 : memref<128xf32, #tpu.memory_space<vmem>>) target(%dma_start3A_902 : memref<128xf32, #tpu.memory_space<hbm>>) target_semaphore(%arg8 : memref<!tpu.dma_semaphore, #tpu.memory_space<semaphore_mem>>)
      %scan3A_904 = arith.constant 3 : i32
      %scan3A_905 = arith.addi %scan3A_476, %scan3A_904 : i32
      %add3A_906 = arith.constant 0 : i32
      %add3A_907 = arith.addi %add3A_906, %scan3A_905 : i32
      %mul3A_908 = arith.constant 128 : i32
      %mul3A_909 = arith.muli %add3A_907, %mul3A_908 : i32
      %add3A_910 = arith.constant 0 : i32
      %add3A_911 = arith.addi %mul3A_909, %add3A_910 : i32
      %get3A_912 = arith.index_cast %add3A_911 : i32 to index
      %get3A_913 = tpu.vector_load %arg5[%get3A_912] {strides = array<i32>} : memref<16384xi32, #tpu.memory_space<vmem>>, vector<16xi32>,
      %gather3A_914 = tpu.vector_load_idx %arg6[%get3A_913] : memref<100000xf32, #tpu.memory_space<vmem>>[vector<16xi32>], vector<16xf32>,
      %mul3A_915 = arith.constant 128 : i32
      %mul3A_916 = arith.muli %scan3A_905, %mul3A_915 : i32
      %add3A_917 = arith.constant 0 : i32
      %add3A_918 = arith.addi %mul3A_916, %add3A_917 : i32
      %swap3A_919 = arith.index_cast %add3A_918 : i32 to index
      %swap3A_920 = tpu.vector_load %arg7[%swap3A_919] {strides = array<i32>} : memref<8192xf32, #tpu.memory_space<vmem>>, vector<16xf32>,
      tpu.vector_store %arg7[%swap3A_919], %gather3A_914 {strides = array<i32>} : memref<8192xf32, #tpu.memory_space<vmem>>, vector<16xf32>,
      %add3A_921 = arith.constant 16 : i32
      %add3A_922 = arith.addi %mul3A_909, %add3A_921 : i32
      %get3A_923 = arith.index_cast %add3A_922 : i32 to index
      %get3A_924 = tpu.vector_load %arg5[%get3A_923] {strides = array<i32>} : memref<16384xi32, #tpu.memory_space<vmem>>, vector<16xi32>,
      %gather3A_925 = tpu.vector_load_idx %arg6[%get3A_924] : memref<100000xf32, #tpu.memory_space<vmem>>[vector<16xi32>], vector<16xf32>,
      %mul3A_926 = arith.constant 128 : i32
      %mul3A_927 = arith.muli %scan3A_905, %mul3A_926 : i32
      %add3A_928 = arith.constant 16 : i32
      %add3A_929 = arith.addi %mul3A_927, %add3A_928 : i32
      %swap3A_930 = arith.index_cast %add3A_929 : i32 to index
      %swap3A_931 = tpu.vector_load %arg7[%swap3A_930] {strides = array<i32>} : memref<8192xf32, #tpu.memory_space<vmem>>, vector<16xf32>,
      tpu.vector_store %arg7[%swap3A_930], %gather3A_925 {strides = array<i32>} : memref<8192xf32, #tpu.memory_space<vmem>>, vector<16xf32>,
      %add3A_932 = arith.constant 32 : i32
      %add3A_933 = arith.addi %mul3A_909, %add3A_932 : i32
      %get3A_934 = arith.index_cast %add3A_933 : i32 to index
      %get3A_935 = tpu.vector_load %arg5[%get3A_934] {strides = array<i32>} : memref<16384xi32, #tpu.memory_space<vmem>>, vector<16xi32>,
      %gather3A_936 = tpu.vector_load_idx %arg6[%get3A_935] : memref<100000xf32, #tpu.memory_space<vmem>>[vector<16xi32>], vector<16xf32>,
      %mul3A_937 = arith.constant 128 : i32
      %mul3A_938 = arith.muli %scan3A_905, %mul3A_937 : i32
      %add3A_939 = arith.constant 32 : i32
      %add3A_940 = arith.addi %mul3A_938, %add3A_939 : i32
      %swap3A_941 = arith.index_cast %add3A_940 : i32 to index
      %swap3A_942 = tpu.vector_load %arg7[%swap3A_941] {strides = array<i32>} : memref<8192xf32, #tpu.memory_space<vmem>>, vector<16xf32>,
      tpu.vector_store %arg7[%swap3A_941], %gather3A_936 {strides = array<i32>} : memref<8192xf32, #tpu.memory_space<vmem>>, vector<16xf32>,
      %add3A_943 = arith.constant 48 : i32
      %add3A_944 = arith.addi %mul3A_909, %add3A_943 : i32
      %get3A_945 = arith.index_cast %add3A_944 : i32 to index
      %get3A_946 = tpu.vector_load %arg5[%get3A_945] {strides = array<i32>} : memref<16384xi32, #tpu.memory_space<vmem>>, vector<16xi32>,
      %gather3A_947 = tpu.vector_load_idx %arg6[%get3A_946] : memref<100000xf32, #tpu.memory_space<vmem>>[vector<16xi32>], vector<16xf32>,
      %mul3A_948 = arith.constant 128 : i32
      %mul3A_949 = arith.muli %scan3A_905, %mul3A_948 : i32
      %add3A_950 = arith.constant 48 : i32
      %add3A_951 = arith.addi %mul3A_949, %add3A_950 : i32
      %swap3A_952 = arith.index_cast %add3A_951 : i32 to index
      %swap3A_953 = tpu.vector_load %arg7[%swap3A_952] {strides = array<i32>} : memref<8192xf32, #tpu.memory_space<vmem>>, vector<16xf32>,
      tpu.vector_store %arg7[%swap3A_952], %gather3A_947 {strides = array<i32>} : memref<8192xf32, #tpu.memory_space<vmem>>, vector<16xf32>,
      %add3A_954 = arith.constant 64 : i32
      %add3A_955 = arith.addi %mul3A_909, %add3A_954 : i32
      %get3A_956 = arith.index_cast %add3A_955 : i32 to index
      %get3A_957 = tpu.vector_load %arg5[%get3A_956] {strides = array<i32>} : memref<16384xi32, #tpu.memory_space<vmem>>, vector<16xi32>,
      %gather3A_958 = tpu.vector_load_idx %arg6[%get3A_957] : memref<100000xf32, #tpu.memory_space<vmem>>[vector<16xi32>], vector<16xf32>,
      %mul3A_959 = arith.constant 128 : i32
      %mul3A_960 = arith.muli %scan3A_905, %mul3A_959 : i32
      %add3A_961 = arith.constant 64 : i32
      %add3A_962 = arith.addi %mul3A_960, %add3A_961 : i32
      %swap3A_963 = arith.index_cast %add3A_962 : i32 to index
      %swap3A_964 = tpu.vector_load %arg7[%swap3A_963] {strides = array<i32>} : memref<8192xf32, #tpu.memory_space<vmem>>, vector<16xf32>,
      tpu.vector_store %arg7[%swap3A_963], %gather3A_958 {strides = array<i32>} : memref<8192xf32, #tpu.memory_space<vmem>>, vector<16xf32>,
      %add3A_965 = arith.constant 80 : i32
      %add3A_966 = arith.addi %mul3A_909, %add3A_965 : i32
      %get3A_967 = arith.index_cast %add3A_966 : i32 to index
      %get3A_968 = tpu.vector_load %arg5[%get3A_967] {strides = array<i32>} : memref<16384xi32, #tpu.memory_space<vmem>>, vector<16xi32>,
      %gather3A_969 = tpu.vector_load_idx %arg6[%get3A_968] : memref<100000xf32, #tpu.memory_space<vmem>>[vector<16xi32>], vector<16xf32>,
      %mul3A_970 = arith.constant 128 : i32
      %mul3A_971 = arith.muli %scan3A_905, %mul3A_970 : i32
      %add3A_972 = arith.constant 80 : i32
      %add3A_973 = arith.addi %mul3A_971, %add3A_972 : i32
      %swap3A_974 = arith.index_cast %add3A_973 : i32 to index
      %swap3A_975 = tpu.vector_load %arg7[%swap3A_974] {strides = array<i32>} : memref<8192xf32, #tpu.memory_space<vmem>>, vector<16xf32>,
      tpu.vector_store %arg7[%swap3A_974], %gather3A_969 {strides = array<i32>} : memref<8192xf32, #tpu.memory_space<vmem>>, vector<16xf32>,
      %add3A_976 = arith.constant 96 : i32
      %add3A_977 = arith.addi %mul3A_909, %add3A_976 : i32
      %get3A_978 = arith.index_cast %add3A_977 : i32 to index
      %get3A_979 = tpu.vector_load %arg5[%get3A_978] {strides = array<i32>} : memref<16384xi32, #tpu.memory_space<vmem>>, vector<16xi32>,
      %gather3A_980 = tpu.vector_load_idx %arg6[%get3A_979] : memref<100000xf32, #tpu.memory_space<vmem>>[vector<16xi32>], vector<16xf32>,
      %mul3A_981 = arith.constant 128 : i32
      %mul3A_982 = arith.muli %scan3A_905, %mul3A_981 : i32
      %add3A_983 = arith.constant 96 : i32
      %add3A_984 = arith.addi %mul3A_982, %add3A_983 : i32
      %swap3A_985 = arith.index_cast %add3A_984 : i32 to index
      %swap3A_986 = tpu.vector_load %arg7[%swap3A_985] {strides = array<i32>} : memref<8192xf32, #tpu.memory_space<vmem>>, vector<16xf32>,
      tpu.vector_store %arg7[%swap3A_985], %gather3A_980 {strides = array<i32>} : memref<8192xf32, #tpu.memory_space<vmem>>, vector<16xf32>,
      %add3A_987 = arith.constant 112 : i32
      %add3A_988 = arith.addi %mul3A_909, %add3A_987 : i32
      %get3A_989 = arith.index_cast %add3A_988 : i32 to index
      %get3A_990 = tpu.vector_load %arg5[%get3A_989] {strides = array<i32>} : memref<16384xi32, #tpu.memory_space<vmem>>, vector<16xi32>,
      %gather3A_991 = tpu.vector_load_idx %arg6[%get3A_990] : memref<100000xf32, #tpu.memory_space<vmem>>[vector<16xi32>], vector<16xf32>,
      %mul3A_992 = arith.constant 128 : i32
      %mul3A_993 = arith.muli %scan3A_905, %mul3A_992 : i32
      %add3A_994 = arith.constant 112 : i32
      %add3A_995 = arith.addi %mul3A_993, %add3A_994 : i32
      %swap3A_996 = arith.index_cast %add3A_995 : i32 to index
      %swap3A_997 = tpu.vector_load %arg7[%swap3A_996] {strides = array<i32>} : memref<8192xf32, #tpu.memory_space<vmem>>, vector<16xf32>,
      tpu.vector_store %arg7[%swap3A_996], %gather3A_991 {strides = array<i32>} : memref<8192xf32, #tpu.memory_space<vmem>>, vector<16xf32>,
      %mul3A_998 = arith.constant 128 : i32
      %mul3A_999 = arith.muli %scan3A_905, %mul3A_998 : i32
      %jit3A_1000 = arith.constant 4 : i32
      %div3A_1001 = arith.divsi %add3A_907, %jit3A_1000 : i32
      %sign3A_1002 = arith.constant 0 : i32
      %sign3A_1003 = arith.cmpi sgt, %add3A_907, %sign3A_1002 : i32
      %sign3A_1004 = arith.extui %sign3A_1003 : i1 to i32
      %sign3A_1005 = arith.constant 0 : i32
      %sign3A_1006 = arith.cmpi slt, %add3A_907, %sign3A_1005 : i32
      %sign3A_1007 = arith.extui %sign3A_1006 : i1 to i32
      %sign3A_1008 = arith.subi %sign3A_1004, %sign3A_1007 : i32
      %sign3A_1009 = arith.constant 0 : i32
      %sign3A_1010 = arith.cmpi sgt, %jit3A_1000, %sign3A_1009 : i32
      %sign3A_1011 = arith.extui %sign3A_1010 : i1 to i32
      %sign3A_1012 = arith.constant 0 : i32
      %sign3A_1013 = arith.cmpi slt, %jit3A_1000, %sign3A_1012 : i32
      %sign3A_1014 = arith.extui %sign3A_1013 : i1 to i32
      %sign3A_1015 = arith.subi %sign3A_1011, %sign3A_1014 : i32
      %ne3A_1016 = arith.cmpi ne, %sign3A_1008, %sign3A_1015 : i32
      %rem3A_1017 = arith.remsi %add3A_907, %jit3A_1000 : i32
      %ne3A_1018 = arith.constant 0 : i32
      %ne3A_1019 = arith.cmpi ne, %rem3A_1017, %ne3A_1018 : i32
      %and3A_1020 = arith.andi %ne3A_1016, %ne3A_1019 : i1
      %sub3A_1021 = arith.constant 1 : i32
      %sub3A_1022 = arith.subi %div3A_1001, %sub3A_1021 : i32
      %select_n3A_1023 = arith.select %and3A_1020, %sub3A_1022, %div3A_1001 : i32
      %jit3A_1024 = arith.constant 4 : i32
      %eq3A_1025 = arith.constant 0 : i32
      %eq3A_1026 = arith.cmpi eq, %jit3A_1024, %eq3A_1025 : i32
      %jit3A_1027 = arith.constant 1 : i32
      %select_n3A_1028 = arith.select %eq3A_1026, %jit3A_1027, %jit3A_1024 : i32
      %rem3A_1029 = arith.remsi %add3A_907, %select_n3A_1028 : i32
      %ne3A_1030 = arith.constant 0 : i32
      %ne3A_1031 = arith.cmpi ne, %rem3A_1029, %ne3A_1030 : i32
      %lt3A_1032 = arith.constant 0 : i32
      %lt3A_1033 = arith.cmpi slt, %rem3A_1029, %lt3A_1032 : i32
      %lt3A_1034 = arith.constant 0 : i32
      %lt3A_1035 = arith.cmpi slt, %select_n3A_1028, %lt3A_1034 : i32
      %ne3A_1036 = arith.xori %lt3A_1033, %lt3A_1035 : i1
      %and3A_1037 = arith.andi %ne3A_1036, %ne3A_1031 : i1
      %add3A_1038 = arith.addi %rem3A_1029, %select_n3A_1028 : i32
      %select_n3A_1039 = arith.select %and3A_1037, %add3A_1038, %rem3A_1029 : i32
      %dma_start3A_1040 = tpu.memref_slice %arg7[%mul3A_999] : memref<8192xf32, #tpu.memory_space<vmem>> -> memref<128xf32, #tpu.memory_space<vmem>>
      %dma_start3A_1041 = arith.constant 0 : i32
      %dma_start3A_1042 = tpu.memref_slice %arg4[%select_n3A_129, %select_n3A_169, %select_n3A_1023, %select_n3A_1039, %select_n3A_185, %dma_start3A_1041] : memref<8x2x32x4x8x128xf32, #tpu.memory_space<hbm>> -> memref<1x1x1x1x1x128xf32, #tpu.memory_space<hbm>>
      %dma_start3A_1043 = tpu.memref_squeeze %dma_start3A_1042 : memref<1x1x1x1x1x128xf32, #tpu.memory_space<hbm>> -> memref<128xf32, #tpu.memory_space<hbm>>
      %dma_start3A_1044 = arith.constant 0 : i32
      %dma_start3A_1045 = tpu.memref_slice %arg4[%select_n3A_129, %select_n3A_169, %select_n3A_1023, %select_n3A_1039, %select_n3A_185, %dma_start3A_1044] : memref<8x2x32x4x8x128xf32, #tpu.memory_space<hbm>> -> memref<1x1x1x1x1x128xf32, #tpu.memory_space<hbm>>
      %dma_start3A_1046 = tpu.memref_squeeze %dma_start3A_1045 : memref<1x1x1x1x1x128xf32, #tpu.memory_space<hbm>> -> memref<128xf32, #tpu.memory_space<hbm>>
      %dma_start3A_1047 = tpu.memref_slice %arg7[%mul3A_999] : memref<8192xf32, #tpu.memory_space<vmem>> -> memref<128xf32, #tpu.memory_space<vmem>>
      tpu.enqueue_dma source(%dma_start3A_1047 : memref<128xf32, #tpu.memory_space<vmem>>) target(%dma_start3A_1046 : memref<128xf32, #tpu.memory_space<hbm>>) target_semaphore(%arg8 : memref<!tpu.dma_semaphore, #tpu.memory_space<semaphore_mem>>)
    }
    %scan3A_210 = arith.constant 64 : i32
    %dma_wait3A_211 = arith.constant 0 : i32
    %dma_wait3A_212 = tpu.memref_slice %arg5[%dma_wait3A_211] : memref<16384xi32, #tpu.memory_space<vmem>> -> memref<8192xi32, #tpu.memory_space<vmem>>
    %dma_wait3A_213 = arith.constant 0 : i32
    %dma_wait3A_214 = tpu.memref_slice %arg2[%dma_wait3A_213] : memref<16384xi32, #tpu.memory_space<hbm>> -> memref<8192xi32, #tpu.memory_space<hbm>>
    %dma_wait3A_215 = arith.constant 0 : i32
    %dma_wait3A_216 = tpu.memref_slice %arg5[%dma_wait3A_215] : memref<16384xi32, #tpu.memory_space<vmem>> -> memref<8192xi32, #tpu.memory_space<vmem>>
    %dma_wait3A_217 = arith.constant 0 : i32
    %dma_wait3A_218 = tpu.memref_slice %arg2[%dma_wait3A_217] : memref<16384xi32, #tpu.memory_space<hbm>> -> memref<8192xi32, #tpu.memory_space<hbm>>
    tpu.wait_dma2 semaphore(%arg8 : memref<!tpu.dma_semaphore, #tpu.memory_space<semaphore_mem>>) src(%dma_wait3A_218 : memref<8192xi32, #tpu.memory_space<hbm>>) dst(%dma_wait3A_216 : memref<8192xi32, #tpu.memory_space<vmem>>)
    %scan3A_219 = arith.constant 0 : i32
    %scan3A_220 = arith.constant 64 : i32
    %scan3A_221 = arith.addi %scan3A_219, %scan3A_220 : i32
    %scan3A_222 = arith.constant 4 : i32
    scf.for %scan3A_476 = %scan3A_219 to %scan3A_221 step %scan3A_222  : i32 {
      %add3A_477 = arith.constant 64 : i32
      %add3A_478 = arith.addi %add3A_477, %scan3A_476 : i32
      %mul3A_479 = arith.constant 128 : i32
      %mul3A_480 = arith.muli %add3A_478, %mul3A_479 : i32
      %add3A_481 = arith.constant 0 : i32
      %add3A_482 = arith.addi %mul3A_480, %add3A_481 : i32
      %get3A = arith.index_cast %add3A_482 : i32 to index
      %get3A_483 = tpu.vector_load %arg5[%get3A] {strides = array<i32>} : memref<16384xi32, #tpu.memory_space<vmem>>, vector<16xi32>,
      %gather3A = tpu.vector_load_idx %arg6[%get3A_483] : memref<100000xf32, #tpu.memory_space<vmem>>[vector<16xi32>], vector<16xf32>,
      %mul3A_484 = arith.constant 128 : i32
      %mul3A_485 = arith.muli %scan3A_476, %mul3A_484 : i32
      %add3A_486 = arith.constant 0 : i32
      %add3A_487 = arith.addi %mul3A_485, %add3A_486 : i32
      %swap3A = arith.index_cast %add3A_487 : i32 to index
      %swap3A_488 = tpu.vector_load %arg7[%swap3A] {strides = array<i32>} : memref<8192xf32, #tpu.memory_space<vmem>>, vector<16xf32>,
      tpu.vector_store %arg7[%swap3A], %gather3A {strides = array<i32>} : memref<8192xf32, #tpu.memory_space<vmem>>, vector<16xf32>,
      %add3A_489 = arith.constant 16 : i32
      %add3A_490 = arith.addi %mul3A_480, %add3A_489 : i32
      %get3A_491 = arith.index_cast %add3A_490 : i32 to index
      %get3A_492 = tpu.vector_load %arg5[%get3A_491] {strides = array<i32>} : memref<16384xi32, #tpu.memory_space<vmem>>, vector<16xi32>,
      %gather3A_493 = tpu.vector_load_idx %arg6[%get3A_492] : memref<100000xf32, #tpu.memory_space<vmem>>[vector<16xi32>], vector<16xf32>,
      %mul3A_494 = arith.constant 128 : i32
      %mul3A_495 = arith.muli %scan3A_476, %mul3A_494 : i32
      %add3A_496 = arith.constant 16 : i32
      %add3A_497 = arith.addi %mul3A_495, %add3A_496 : i32
      %swap3A_498 = arith.index_cast %add3A_497 : i32 to index
      %swap3A_499 = tpu.vector_load %arg7[%swap3A_498] {strides = array<i32>} : memref<8192xf32, #tpu.memory_space<vmem>>, vector<16xf32>,
      tpu.vector_store %arg7[%swap3A_498], %gather3A_493 {strides = array<i32>} : memref<8192xf32, #tpu.memory_space<vmem>>, vector<16xf32>,
      %add3A_500 = arith.constant 32 : i32
      %add3A_501 = arith.addi %mul3A_480, %add3A_500 : i32
      %get3A_502 = arith.index_cast %add3A_501 : i32 to index
      %get3A_503 = tpu.vector_load %arg5[%get3A_502] {strides = array<i32>} : memref<16384xi32, #tpu.memory_space<vmem>>, vector<16xi32>,
      %gather3A_504 = tpu.vector_load_idx %arg6[%get3A_503] : memref<100000xf32, #tpu.memory_space<vmem>>[vector<16xi32>], vector<16xf32>,
      %mul3A_505 = arith.constant 128 : i32
      %mul3A_506 = arith.muli %scan3A_476, %mul3A_505 : i32
      %add3A_507 = arith.constant 32 : i32
      %add3A_508 = arith.addi %mul3A_506, %add3A_507 : i32
      %swap3A_509 = arith.index_cast %add3A_508 : i32 to index
      %swap3A_510 = tpu.vector_load %arg7[%swap3A_509] {strides = array<i32>} : memref<8192xf32, #tpu.memory_space<vmem>>, vector<16xf32>,
      tpu.vector_store %arg7[%swap3A_509], %gather3A_504 {strides = array<i32>} : memref<8192xf32, #tpu.memory_space<vmem>>, vector<16xf32>,
      %add3A_511 = arith.constant 48 : i32
      %add3A_512 = arith.addi %mul3A_480, %add3A_511 : i32
      %get3A_513 = arith.index_cast %add3A_512 : i32 to index
      %get3A_514 = tpu.vector_load %arg5[%get3A_513] {strides = array<i32>} : memref<16384xi32, #tpu.memory_space<vmem>>, vector<16xi32>,
      %gather3A_515 = tpu.vector_load_idx %arg6[%get3A_514] : memref<100000xf32, #tpu.memory_space<vmem>>[vector<16xi32>], vector<16xf32>,
      %mul3A_516 = arith.constant 128 : i32
      %mul3A_517 = arith.muli %scan3A_476, %mul3A_516 : i32
      %add3A_518 = arith.constant 48 : i32
      %add3A_519 = arith.addi %mul3A_517, %add3A_518 : i32
      %swap3A_520 = arith.index_cast %add3A_519 : i32 to index
      %swap3A_521 = tpu.vector_load %arg7[%swap3A_520] {strides = array<i32>} : memref<8192xf32, #tpu.memory_space<vmem>>, vector<16xf32>,
      tpu.vector_store %arg7[%swap3A_520], %gather3A_515 {strides = array<i32>} : memref<8192xf32, #tpu.memory_space<vmem>>, vector<16xf32>,
      %add3A_522 = arith.constant 64 : i32
      %add3A_523 = arith.addi %mul3A_480, %add3A_522 : i32
      %get3A_524 = arith.index_cast %add3A_523 : i32 to index
      %get3A_525 = tpu.vector_load %arg5[%get3A_524] {strides = array<i32>} : memref<16384xi32, #tpu.memory_space<vmem>>, vector<16xi32>,
      %gather3A_526 = tpu.vector_load_idx %arg6[%get3A_525] : memref<100000xf32, #tpu.memory_space<vmem>>[vector<16xi32>], vector<16xf32>,
      %mul3A_527 = arith.constant 128 : i32
      %mul3A_528 = arith.muli %scan3A_476, %mul3A_527 : i32
      %add3A_529 = arith.constant 64 : i32
      %add3A_530 = arith.addi %mul3A_528, %add3A_529 : i32
      %swap3A_531 = arith.index_cast %add3A_530 : i32 to index
      %swap3A_532 = tpu.vector_load %arg7[%swap3A_531] {strides = array<i32>} : memref<8192xf32, #tpu.memory_space<vmem>>, vector<16xf32>,
      tpu.vector_store %arg7[%swap3A_531], %gather3A_526 {strides = array<i32>} : memref<8192xf32, #tpu.memory_space<vmem>>, vector<16xf32>,
      %add3A_533 = arith.constant 80 : i32
      %add3A_534 = arith.addi %mul3A_480, %add3A_533 : i32
      %get3A_535 = arith.index_cast %add3A_534 : i32 to index
      %get3A_536 = tpu.vector_load %arg5[%get3A_535] {strides = array<i32>} : memref<16384xi32, #tpu.memory_space<vmem>>, vector<16xi32>,
      %gather3A_537 = tpu.vector_load_idx %arg6[%get3A_536] : memref<100000xf32, #tpu.memory_space<vmem>>[vector<16xi32>], vector<16xf32>,
      %mul3A_538 = arith.constant 128 : i32
      %mul3A_539 = arith.muli %scan3A_476, %mul3A_538 : i32
      %add3A_540 = arith.constant 80 : i32
      %add3A_541 = arith.addi %mul3A_539, %add3A_540 : i32
      %swap3A_542 = arith.index_cast %add3A_541 : i32 to index
      %swap3A_543 = tpu.vector_load %arg7[%swap3A_542] {strides = array<i32>} : memref<8192xf32, #tpu.memory_space<vmem>>, vector<16xf32>,
      tpu.vector_store %arg7[%swap3A_542], %gather3A_537 {strides = array<i32>} : memref<8192xf32, #tpu.memory_space<vmem>>, vector<16xf32>,
      %add3A_544 = arith.constant 96 : i32
      %add3A_545 = arith.addi %mul3A_480, %add3A_544 : i32
      %get3A_546 = arith.index_cast %add3A_545 : i32 to index
      %get3A_547 = tpu.vector_load %arg5[%get3A_546] {strides = array<i32>} : memref<16384xi32, #tpu.memory_space<vmem>>, vector<16xi32>,
      %gather3A_548 = tpu.vector_load_idx %arg6[%get3A_547] : memref<100000xf32, #tpu.memory_space<vmem>>[vector<16xi32>], vector<16xf32>,
      %mul3A_549 = arith.constant 128 : i32
      %mul3A_550 = arith.muli %scan3A_476, %mul3A_549 : i32
      %add3A_551 = arith.constant 96 : i32
      %add3A_552 = arith.addi %mul3A_550, %add3A_551 : i32
      %swap3A_553 = arith.index_cast %add3A_552 : i32 to index
      %swap3A_554 = tpu.vector_load %arg7[%swap3A_553] {strides = array<i32>} : memref<8192xf32, #tpu.memory_space<vmem>>, vector<16xf32>,
      tpu.vector_store %arg7[%swap3A_553], %gather3A_548 {strides = array<i32>} : memref<8192xf32, #tpu.memory_space<vmem>>, vector<16xf32>,
      %add3A_555 = arith.constant 112 : i32
      %add3A_556 = arith.addi %mul3A_480, %add3A_555 : i32
      %get3A_557 = arith.index_cast %add3A_556 : i32 to index
      %get3A_558 = tpu.vector_load %arg5[%get3A_557] {strides = array<i32>} : memref<16384xi32, #tpu.memory_space<vmem>>, vector<16xi32>,
      %gather3A_559 = tpu.vector_load_idx %arg6[%get3A_558] : memref<100000xf32, #tpu.memory_space<vmem>>[vector<16xi32>], vector<16xf32>,
      %mul3A_560 = arith.constant 128 : i32
      %mul3A_561 = arith.muli %scan3A_476, %mul3A_560 : i32
      %add3A_562 = arith.constant 112 : i32
      %add3A_563 = arith.addi %mul3A_561, %add3A_562 : i32
      %swap3A_564 = arith.index_cast %add3A_563 : i32 to index
      %swap3A_565 = tpu.vector_load %arg7[%swap3A_564] {strides = array<i32>} : memref<8192xf32, #tpu.memory_space<vmem>>, vector<16xf32>,
      tpu.vector_store %arg7[%swap3A_564], %gather3A_559 {strides = array<i32>} : memref<8192xf32, #tpu.memory_space<vmem>>, vector<16xf32>,
      %mul3A_566 = arith.constant 128 : i32
      %mul3A_567 = arith.muli %scan3A_476, %mul3A_566 : i32
      %jit3A_568 = arith.constant 4 : i32
      %div3A_569 = arith.divsi %add3A_478, %jit3A_568 : i32
      %sign3A_570 = arith.constant 0 : i32
      %sign3A_571 = arith.cmpi sgt, %add3A_478, %sign3A_570 : i32
      %sign3A_572 = arith.extui %sign3A_571 : i1 to i32
      %sign3A_573 = arith.constant 0 : i32
      %sign3A_574 = arith.cmpi slt, %add3A_478, %sign3A_573 : i32
      %sign3A_575 = arith.extui %sign3A_574 : i1 to i32
      %sign3A_576 = arith.subi %sign3A_572, %sign3A_575 : i32
      %sign3A_577 = arith.constant 0 : i32
      %sign3A_578 = arith.cmpi sgt, %jit3A_568, %sign3A_577 : i32
      %sign3A_579 = arith.extui %sign3A_578 : i1 to i32
      %sign3A_580 = arith.constant 0 : i32
      %sign3A_581 = arith.cmpi slt, %jit3A_568, %sign3A_580 : i32
      %sign3A_582 = arith.extui %sign3A_581 : i1 to i32
      %sign3A_583 = arith.subi %sign3A_579, %sign3A_582 : i32
      %ne3A_584 = arith.cmpi ne, %sign3A_576, %sign3A_583 : i32
      %rem3A_585 = arith.remsi %add3A_478, %jit3A_568 : i32
      %ne3A_586 = arith.constant 0 : i32
      %ne3A_587 = arith.cmpi ne, %rem3A_585, %ne3A_586 : i32
      %and3A_588 = arith.andi %ne3A_584, %ne3A_587 : i1
      %sub3A_589 = arith.constant 1 : i32
      %sub3A_590 = arith.subi %div3A_569, %sub3A_589 : i32
      %select_n3A_591 = arith.select %and3A_588, %sub3A_590, %div3A_569 : i32
      %jit3A_592 = arith.constant 4 : i32
      %eq3A_593 = arith.constant 0 : i32
      %eq3A_594 = arith.cmpi eq, %jit3A_592, %eq3A_593 : i32
      %jit3A_595 = arith.constant 1 : i32
      %select_n3A_596 = arith.select %eq3A_594, %jit3A_595, %jit3A_592 : i32
      %rem3A_597 = arith.remsi %add3A_478, %select_n3A_596 : i32
      %ne3A_598 = arith.constant 0 : i32
      %ne3A_599 = arith.cmpi ne, %rem3A_597, %ne3A_598 : i32
      %lt3A_600 = arith.constant 0 : i32
      %lt3A_601 = arith.cmpi slt, %rem3A_597, %lt3A_600 : i32
      %lt3A_602 = arith.constant 0 : i32
      %lt3A_603 = arith.cmpi slt, %select_n3A_596, %lt3A_602 : i32
      %ne3A_604 = arith.xori %lt3A_601, %lt3A_603 : i1
      %and3A_605 = arith.andi %ne3A_604, %ne3A_599 : i1
      %add3A_606 = arith.addi %rem3A_597, %select_n3A_596 : i32
      %select_n3A_607 = arith.select %and3A_605, %add3A_606, %rem3A_597 : i32
      %dma_start3A_608 = tpu.memref_slice %arg7[%mul3A_567] : memref<8192xf32, #tpu.memory_space<vmem>> -> memref<128xf32, #tpu.memory_space<vmem>>
      %dma_start3A_609 = arith.constant 0 : i32
      %dma_start3A_610 = tpu.memref_slice %arg4[%select_n3A_129, %select_n3A_169, %select_n3A_591, %select_n3A_607, %select_n3A_185, %dma_start3A_609] : memref<8x2x32x4x8x128xf32, #tpu.memory_space<hbm>> -> memref<1x1x1x1x1x128xf32, #tpu.memory_space<hbm>>
      %dma_start3A_611 = tpu.memref_squeeze %dma_start3A_610 : memref<1x1x1x1x1x128xf32, #tpu.memory_space<hbm>> -> memref<128xf32, #tpu.memory_space<hbm>>
      %dma_start3A_612 = arith.constant 0 : i32
      %dma_start3A_613 = tpu.memref_slice %arg4[%select_n3A_129, %select_n3A_169, %select_n3A_591, %select_n3A_607, %select_n3A_185, %dma_start3A_612] : memref<8x2x32x4x8x128xf32, #tpu.memory_space<hbm>> -> memref<1x1x1x1x1x128xf32, #tpu.memory_space<hbm>>
      %dma_start3A_614 = tpu.memref_squeeze %dma_start3A_613 : memref<1x1x1x1x1x128xf32, #tpu.memory_space<hbm>> -> memref<128xf32, #tpu.memory_space<hbm>>
      %dma_start3A_615 = tpu.memref_slice %arg7[%mul3A_567] : memref<8192xf32, #tpu.memory_space<vmem>> -> memref<128xf32, #tpu.memory_space<vmem>>
      tpu.enqueue_dma source(%dma_start3A_615 : memref<128xf32, #tpu.memory_space<vmem>>) target(%dma_start3A_614 : memref<128xf32, #tpu.memory_space<hbm>>) target_semaphore(%arg8 : memref<!tpu.dma_semaphore, #tpu.memory_space<semaphore_mem>>)
      %scan3A_616 = arith.constant 1 : i32
      %scan3A_617 = arith.addi %scan3A_476, %scan3A_616 : i32
      %add3A_618 = arith.constant 64 : i32
      %add3A_619 = arith.addi %add3A_618, %scan3A_617 : i32
      %mul3A_620 = arith.constant 128 : i32
      %mul3A_621 = arith.muli %add3A_619, %mul3A_620 : i32
      %add3A_622 = arith.constant 0 : i32
      %add3A_623 = arith.addi %mul3A_621, %add3A_622 : i32
      %get3A_624 = arith.index_cast %add3A_623 : i32 to index
      %get3A_625 = tpu.vector_load %arg5[%get3A_624] {strides = array<i32>} : memref<16384xi32, #tpu.memory_space<vmem>>, vector<16xi32>,
      %gather3A_626 = tpu.vector_load_idx %arg6[%get3A_625] : memref<100000xf32, #tpu.memory_space<vmem>>[vector<16xi32>], vector<16xf32>,
      %mul3A_627 = arith.constant 128 : i32
      %mul3A_628 = arith.muli %scan3A_617, %mul3A_627 : i32
      %add3A_629 = arith.constant 0 : i32
      %add3A_630 = arith.addi %mul3A_628, %add3A_629 : i32
      %swap3A_631 = arith.index_cast %add3A_630 : i32 to index
      %swap3A_632 = tpu.vector_load %arg7[%swap3A_631] {strides = array<i32>} : memref<8192xf32, #tpu.memory_space<vmem>>, vector<16xf32>,
      tpu.vector_store %arg7[%swap3A_631], %gather3A_626 {strides = array<i32>} : memref<8192xf32, #tpu.memory_space<vmem>>, vector<16xf32>,
      %add3A_633 = arith.constant 16 : i32
      %add3A_634 = arith.addi %mul3A_621, %add3A_633 : i32
      %get3A_635 = arith.index_cast %add3A_634 : i32 to index
      %get3A_636 = tpu.vector_load %arg5[%get3A_635] {strides = array<i32>} : memref<16384xi32, #tpu.memory_space<vmem>>, vector<16xi32>,
      %gather3A_637 = tpu.vector_load_idx %arg6[%get3A_636] : memref<100000xf32, #tpu.memory_space<vmem>>[vector<16xi32>], vector<16xf32>,
      %mul3A_638 = arith.constant 128 : i32
      %mul3A_639 = arith.muli %scan3A_617, %mul3A_638 : i32
      %add3A_640 = arith.constant 16 : i32
      %add3A_641 = arith.addi %mul3A_639, %add3A_640 : i32
      %swap3A_642 = arith.index_cast %add3A_641 : i32 to index
      %swap3A_643 = tpu.vector_load %arg7[%swap3A_642] {strides = array<i32>} : memref<8192xf32, #tpu.memory_space<vmem>>, vector<16xf32>,
      tpu.vector_store %arg7[%swap3A_642], %gather3A_637 {strides = array<i32>} : memref<8192xf32, #tpu.memory_space<vmem>>, vector<16xf32>,
      %add3A_644 = arith.constant 32 : i32
      %add3A_645 = arith.addi %mul3A_621, %add3A_644 : i32
      %get3A_646 = arith.index_cast %add3A_645 : i32 to index
      %get3A_647 = tpu.vector_load %arg5[%get3A_646] {strides = array<i32>} : memref<16384xi32, #tpu.memory_space<vmem>>, vector<16xi32>,
      %gather3A_648 = tpu.vector_load_idx %arg6[%get3A_647] : memref<100000xf32, #tpu.memory_space<vmem>>[vector<16xi32>], vector<16xf32>,
      %mul3A_649 = arith.constant 128 : i32
      %mul3A_650 = arith.muli %scan3A_617, %mul3A_649 : i32
      %add3A_651 = arith.constant 32 : i32
      %add3A_652 = arith.addi %mul3A_650, %add3A_651 : i32
      %swap3A_653 = arith.index_cast %add3A_652 : i32 to index
      %swap3A_654 = tpu.vector_load %arg7[%swap3A_653] {strides = array<i32>} : memref<8192xf32, #tpu.memory_space<vmem>>, vector<16xf32>,
      tpu.vector_store %arg7[%swap3A_653], %gather3A_648 {strides = array<i32>} : memref<8192xf32, #tpu.memory_space<vmem>>, vector<16xf32>,
      %add3A_655 = arith.constant 48 : i32
      %add3A_656 = arith.addi %mul3A_621, %add3A_655 : i32
      %get3A_657 = arith.index_cast %add3A_656 : i32 to index
      %get3A_658 = tpu.vector_load %arg5[%get3A_657] {strides = array<i32>} : memref<16384xi32, #tpu.memory_space<vmem>>, vector<16xi32>,
      %gather3A_659 = tpu.vector_load_idx %arg6[%get3A_658] : memref<100000xf32, #tpu.memory_space<vmem>>[vector<16xi32>], vector<16xf32>,
      %mul3A_660 = arith.constant 128 : i32
      %mul3A_661 = arith.muli %scan3A_617, %mul3A_660 : i32
      %add3A_662 = arith.constant 48 : i32
      %add3A_663 = arith.addi %mul3A_661, %add3A_662 : i32
      %swap3A_664 = arith.index_cast %add3A_663 : i32 to index
      %swap3A_665 = tpu.vector_load %arg7[%swap3A_664] {strides = array<i32>} : memref<8192xf32, #tpu.memory_space<vmem>>, vector<16xf32>,
      tpu.vector_store %arg7[%swap3A_664], %gather3A_659 {strides = array<i32>} : memref<8192xf32, #tpu.memory_space<vmem>>, vector<16xf32>,
      %add3A_666 = arith.constant 64 : i32
      %add3A_667 = arith.addi %mul3A_621, %add3A_666 : i32
      %get3A_668 = arith.index_cast %add3A_667 : i32 to index
      %get3A_669 = tpu.vector_load %arg5[%get3A_668] {strides = array<i32>} : memref<16384xi32, #tpu.memory_space<vmem>>, vector<16xi32>,
      %gather3A_670 = tpu.vector_load_idx %arg6[%get3A_669] : memref<100000xf32, #tpu.memory_space<vmem>>[vector<16xi32>], vector<16xf32>,
      %mul3A_671 = arith.constant 128 : i32
      %mul3A_672 = arith.muli %scan3A_617, %mul3A_671 : i32
      %add3A_673 = arith.constant 64 : i32
      %add3A_674 = arith.addi %mul3A_672, %add3A_673 : i32
      %swap3A_675 = arith.index_cast %add3A_674 : i32 to index
      %swap3A_676 = tpu.vector_load %arg7[%swap3A_675] {strides = array<i32>} : memref<8192xf32, #tpu.memory_space<vmem>>, vector<16xf32>,
      tpu.vector_store %arg7[%swap3A_675], %gather3A_670 {strides = array<i32>} : memref<8192xf32, #tpu.memory_space<vmem>>, vector<16xf32>,
      %add3A_677 = arith.constant 80 : i32
      %add3A_678 = arith.addi %mul3A_621, %add3A_677 : i32
      %get3A_679 = arith.index_cast %add3A_678 : i32 to index
      %get3A_680 = tpu.vector_load %arg5[%get3A_679] {strides = array<i32>} : memref<16384xi32, #tpu.memory_space<vmem>>, vector<16xi32>,
      %gather3A_681 = tpu.vector_load_idx %arg6[%get3A_680] : memref<100000xf32, #tpu.memory_space<vmem>>[vector<16xi32>], vector<16xf32>,
      %mul3A_682 = arith.constant 128 : i32
      %mul3A_683 = arith.muli %scan3A_617, %mul3A_682 : i32
      %add3A_684 = arith.constant 80 : i32
      %add3A_685 = arith.addi %mul3A_683, %add3A_684 : i32
      %swap3A_686 = arith.index_cast %add3A_685 : i32 to index
      %swap3A_687 = tpu.vector_load %arg7[%swap3A_686] {strides = array<i32>} : memref<8192xf32, #tpu.memory_space<vmem>>, vector<16xf32>,
      tpu.vector_store %arg7[%swap3A_686], %gather3A_681 {strides = array<i32>} : memref<8192xf32, #tpu.memory_space<vmem>>, vector<16xf32>,
      %add3A_688 = arith.constant 96 : i32
      %add3A_689 = arith.addi %mul3A_621, %add3A_688 : i32
      %get3A_690 = arith.index_cast %add3A_689 : i32 to index
      %get3A_691 = tpu.vector_load %arg5[%get3A_690] {strides = array<i32>} : memref<16384xi32, #tpu.memory_space<vmem>>, vector<16xi32>,
      %gather3A_692 = tpu.vector_load_idx %arg6[%get3A_691] : memref<100000xf32, #tpu.memory_space<vmem>>[vector<16xi32>], vector<16xf32>,
      %mul3A_693 = arith.constant 128 : i32
      %mul3A_694 = arith.muli %scan3A_617, %mul3A_693 : i32
      %add3A_695 = arith.constant 96 : i32
      %add3A_696 = arith.addi %mul3A_694, %add3A_695 : i32
      %swap3A_697 = arith.index_cast %add3A_696 : i32 to index
      %swap3A_698 = tpu.vector_load %arg7[%swap3A_697] {strides = array<i32>} : memref<8192xf32, #tpu.memory_space<vmem>>, vector<16xf32>,
      tpu.vector_store %arg7[%swap3A_697], %gather3A_692 {strides = array<i32>} : memref<8192xf32, #tpu.memory_space<vmem>>, vector<16xf32>,
      %add3A_699 = arith.constant 112 : i32
      %add3A_700 = arith.addi %mul3A_621, %add3A_699 : i32
      %get3A_701 = arith.index_cast %add3A_700 : i32 to index
      %get3A_702 = tpu.vector_load %arg5[%get3A_701] {strides = array<i32>} : memref<16384xi32, #tpu.memory_space<vmem>>, vector<16xi32>,
      %gather3A_703 = tpu.vector_load_idx %arg6[%get3A_702] : memref<100000xf32, #tpu.memory_space<vmem>>[vector<16xi32>], vector<16xf32>,
      %mul3A_704 = arith.constant 128 : i32
      %mul3A_705 = arith.muli %scan3A_617, %mul3A_704 : i32
      %add3A_706 = arith.constant 112 : i32
      %add3A_707 = arith.addi %mul3A_705, %add3A_706 : i32
      %swap3A_708 = arith.index_cast %add3A_707 : i32 to index
      %swap3A_709 = tpu.vector_load %arg7[%swap3A_708] {strides = array<i32>} : memref<8192xf32, #tpu.memory_space<vmem>>, vector<16xf32>,
      tpu.vector_store %arg7[%swap3A_708], %gather3A_703 {strides = array<i32>} : memref<8192xf32, #tpu.memory_space<vmem>>, vector<16xf32>,
      %mul3A_710 = arith.constant 128 : i32
      %mul3A_711 = arith.muli %scan3A_617, %mul3A_710 : i32
      %jit3A_712 = arith.constant 4 : i32
      %div3A_713 = arith.divsi %add3A_619, %jit3A_712 : i32
      %sign3A_714 = arith.constant 0 : i32
      %sign3A_715 = arith.cmpi sgt, %add3A_619, %sign3A_714 : i32
      %sign3A_716 = arith.extui %sign3A_715 : i1 to i32
      %sign3A_717 = arith.constant 0 : i32
      %sign3A_718 = arith.cmpi slt, %add3A_619, %sign3A_717 : i32
      %sign3A_719 = arith.extui %sign3A_718 : i1 to i32
      %sign3A_720 = arith.subi %sign3A_716, %sign3A_719 : i32
      %sign3A_721 = arith.constant 0 : i32
      %sign3A_722 = arith.cmpi sgt, %jit3A_712, %sign3A_721 : i32
      %sign3A_723 = arith.extui %sign3A_722 : i1 to i32
      %sign3A_724 = arith.constant 0 : i32
      %sign3A_725 = arith.cmpi slt, %jit3A_712, %sign3A_724 : i32
      %sign3A_726 = arith.extui %sign3A_725 : i1 to i32
      %sign3A_727 = arith.subi %sign3A_723, %sign3A_726 : i32
      %ne3A_728 = arith.cmpi ne, %sign3A_720, %sign3A_727 : i32
      %rem3A_729 = arith.remsi %add3A_619, %jit3A_712 : i32
      %ne3A_730 = arith.constant 0 : i32
      %ne3A_731 = arith.cmpi ne, %rem3A_729, %ne3A_730 : i32
      %and3A_732 = arith.andi %ne3A_728, %ne3A_731 : i1
      %sub3A_733 = arith.constant 1 : i32
      %sub3A_734 = arith.subi %div3A_713, %sub3A_733 : i32
      %select_n3A_735 = arith.select %and3A_732, %sub3A_734, %div3A_713 : i32
      %jit3A_736 = arith.constant 4 : i32
      %eq3A_737 = arith.constant 0 : i32
      %eq3A_738 = arith.cmpi eq, %jit3A_736, %eq3A_737 : i32
      %jit3A_739 = arith.constant 1 : i32
      %select_n3A_740 = arith.select %eq3A_738, %jit3A_739, %jit3A_736 : i32
      %rem3A_741 = arith.remsi %add3A_619, %select_n3A_740 : i32
      %ne3A_742 = arith.constant 0 : i32
      %ne3A_743 = arith.cmpi ne, %rem3A_741, %ne3A_742 : i32
      %lt3A_744 = arith.constant 0 : i32
      %lt3A_745 = arith.cmpi slt, %rem3A_741, %lt3A_744 : i32
      %lt3A_746 = arith.constant 0 : i32
      %lt3A_747 = arith.cmpi slt, %select_n3A_740, %lt3A_746 : i32
      %ne3A_748 = arith.xori %lt3A_745, %lt3A_747 : i1
      %and3A_749 = arith.andi %ne3A_748, %ne3A_743 : i1
      %add3A_750 = arith.addi %rem3A_741, %select_n3A_740 : i32
      %select_n3A_751 = arith.select %and3A_749, %add3A_750, %rem3A_741 : i32
      %dma_start3A_752 = tpu.memref_slice %arg7[%mul3A_711] : memref<8192xf32, #tpu.memory_space<vmem>> -> memref<128xf32, #tpu.memory_space<vmem>>
      %dma_start3A_753 = arith.constant 0 : i32
      %dma_start3A_754 = tpu.memref_slice %arg4[%select_n3A_129, %select_n3A_169, %select_n3A_735, %select_n3A_751, %select_n3A_185, %dma_start3A_753] : memref<8x2x32x4x8x128xf32, #tpu.memory_space<hbm>> -> memref<1x1x1x1x1x128xf32, #tpu.memory_space<hbm>>
      %dma_start3A_755 = tpu.memref_squeeze %dma_start3A_754 : memref<1x1x1x1x1x128xf32, #tpu.memory_space<hbm>> -> memref<128xf32, #tpu.memory_space<hbm>>
      %dma_start3A_756 = arith.constant 0 : i32
      %dma_start3A_757 = tpu.memref_slice %arg4[%select_n3A_129, %select_n3A_169, %select_n3A_735, %select_n3A_751, %select_n3A_185, %dma_start3A_756] : memref<8x2x32x4x8x128xf32, #tpu.memory_space<hbm>> -> memref<1x1x1x1x1x128xf32, #tpu.memory_space<hbm>>
      %dma_start3A_758 = tpu.memref_squeeze %dma_start3A_757 : memref<1x1x1x1x1x128xf32, #tpu.memory_space<hbm>> -> memref<128xf32, #tpu.memory_space<hbm>>
      %dma_start3A_759 = tpu.memref_slice %arg7[%mul3A_711] : memref<8192xf32, #tpu.memory_space<vmem>> -> memref<128xf32, #tpu.memory_space<vmem>>
      tpu.enqueue_dma source(%dma_start3A_759 : memref<128xf32, #tpu.memory_space<vmem>>) target(%dma_start3A_758 : memref<128xf32, #tpu.memory_space<hbm>>) target_semaphore(%arg8 : memref<!tpu.dma_semaphore, #tpu.memory_space<semaphore_mem>>)
      %scan3A_760 = arith.constant 2 : i32
      %scan3A_761 = arith.addi %scan3A_476, %scan3A_760 : i32
      %add3A_762 = arith.constant 64 : i32
      %add3A_763 = arith.addi %add3A_762, %scan3A_761 : i32
      %mul3A_764 = arith.constant 128 : i32
      %mul3A_765 = arith.muli %add3A_763, %mul3A_764 : i32
      %add3A_766 = arith.constant 0 : i32
      %add3A_767 = arith.addi %mul3A_765, %add3A_766 : i32
      %get3A_768 = arith.index_cast %add3A_767 : i32 to index
      %get3A_769 = tpu.vector_load %arg5[%get3A_768] {strides = array<i32>} : memref<16384xi32, #tpu.memory_space<vmem>>, vector<16xi32>,
      %gather3A_770 = tpu.vector_load_idx %arg6[%get3A_769] : memref<100000xf32, #tpu.memory_space<vmem>>[vector<16xi32>], vector<16xf32>,
      %mul3A_771 = arith.constant 128 : i32
      %mul3A_772 = arith.muli %scan3A_761, %mul3A_771 : i32
      %add3A_773 = arith.constant 0 : i32
      %add3A_774 = arith.addi %mul3A_772, %add3A_773 : i32
      %swap3A_775 = arith.index_cast %add3A_774 : i32 to index
      %swap3A_776 = tpu.vector_load %arg7[%swap3A_775] {strides = array<i32>} : memref<8192xf32, #tpu.memory_space<vmem>>, vector<16xf32>,
      tpu.vector_store %arg7[%swap3A_775], %gather3A_770 {strides = array<i32>} : memref<8192xf32, #tpu.memory_space<vmem>>, vector<16xf32>,
      %add3A_777 = arith.constant 16 : i32
      %add3A_778 = arith.addi %mul3A_765, %add3A_777 : i32
      %get3A_779 = arith.index_cast %add3A_778 : i32 to index
      %get3A_780 = tpu.vector_load %arg5[%get3A_779] {strides = array<i32>} : memref<16384xi32, #tpu.memory_space<vmem>>, vector<16xi32>,
      %gather3A_781 = tpu.vector_load_idx %arg6[%get3A_780] : memref<100000xf32, #tpu.memory_space<vmem>>[vector<16xi32>], vector<16xf32>,
      %mul3A_782 = arith.constant 128 : i32
      %mul3A_783 = arith.muli %scan3A_761, %mul3A_782 : i32
      %add3A_784 = arith.constant 16 : i32
      %add3A_785 = arith.addi %mul3A_783, %add3A_784 : i32
      %swap3A_786 = arith.index_cast %add3A_785 : i32 to index
      %swap3A_787 = tpu.vector_load %arg7[%swap3A_786] {strides = array<i32>} : memref<8192xf32, #tpu.memory_space<vmem>>, vector<16xf32>,
      tpu.vector_store %arg7[%swap3A_786], %gather3A_781 {strides = array<i32>} : memref<8192xf32, #tpu.memory_space<vmem>>, vector<16xf32>,
      %add3A_788 = arith.constant 32 : i32
      %add3A_789 = arith.addi %mul3A_765, %add3A_788 : i32
      %get3A_790 = arith.index_cast %add3A_789 : i32 to index
      %get3A_791 = tpu.vector_load %arg5[%get3A_790] {strides = array<i32>} : memref<16384xi32, #tpu.memory_space<vmem>>, vector<16xi32>,
      %gather3A_792 = tpu.vector_load_idx %arg6[%get3A_791] : memref<100000xf32, #tpu.memory_space<vmem>>[vector<16xi32>], vector<16xf32>,
      %mul3A_793 = arith.constant 128 : i32
      %mul3A_794 = arith.muli %scan3A_761, %mul3A_793 : i32
      %add3A_795 = arith.constant 32 : i32
      %add3A_796 = arith.addi %mul3A_794, %add3A_795 : i32
      %swap3A_797 = arith.index_cast %add3A_796 : i32 to index
      %swap3A_798 = tpu.vector_load %arg7[%swap3A_797] {strides = array<i32>} : memref<8192xf32, #tpu.memory_space<vmem>>, vector<16xf32>,
      tpu.vector_store %arg7[%swap3A_797], %gather3A_792 {strides = array<i32>} : memref<8192xf32, #tpu.memory_space<vmem>>, vector<16xf32>,
      %add3A_799 = arith.constant 48 : i32
      %add3A_800 = arith.addi %mul3A_765, %add3A_799 : i32
      %get3A_801 = arith.index_cast %add3A_800 : i32 to index
      %get3A_802 = tpu.vector_load %arg5[%get3A_801] {strides = array<i32>} : memref<16384xi32, #tpu.memory_space<vmem>>, vector<16xi32>,
      %gather3A_803 = tpu.vector_load_idx %arg6[%get3A_802] : memref<100000xf32, #tpu.memory_space<vmem>>[vector<16xi32>], vector<16xf32>,
      %mul3A_804 = arith.constant 128 : i32
      %mul3A_805 = arith.muli %scan3A_761, %mul3A_804 : i32
      %add3A_806 = arith.constant 48 : i32
      %add3A_807 = arith.addi %mul3A_805, %add3A_806 : i32
      %swap3A_808 = arith.index_cast %add3A_807 : i32 to index
      %swap3A_809 = tpu.vector_load %arg7[%swap3A_808] {strides = array<i32>} : memref<8192xf32, #tpu.memory_space<vmem>>, vector<16xf32>,
      tpu.vector_store %arg7[%swap3A_808], %gather3A_803 {strides = array<i32>} : memref<8192xf32, #tpu.memory_space<vmem>>, vector<16xf32>,
      %add3A_810 = arith.constant 64 : i32
      %add3A_811 = arith.addi %mul3A_765, %add3A_810 : i32
      %get3A_812 = arith.index_cast %add3A_811 : i32 to index
      %get3A_813 = tpu.vector_load %arg5[%get3A_812] {strides = array<i32>} : memref<16384xi32, #tpu.memory_space<vmem>>, vector<16xi32>,
      %gather3A_814 = tpu.vector_load_idx %arg6[%get3A_813] : memref<100000xf32, #tpu.memory_space<vmem>>[vector<16xi32>], vector<16xf32>,
      %mul3A_815 = arith.constant 128 : i32
      %mul3A_816 = arith.muli %scan3A_761, %mul3A_815 : i32
      %add3A_817 = arith.constant 64 : i32
      %add3A_818 = arith.addi %mul3A_816, %add3A_817 : i32
      %swap3A_819 = arith.index_cast %add3A_818 : i32 to index
      %swap3A_820 = tpu.vector_load %arg7[%swap3A_819] {strides = array<i32>} : memref<8192xf32, #tpu.memory_space<vmem>>, vector<16xf32>,
      tpu.vector_store %arg7[%swap3A_819], %gather3A_814 {strides = array<i32>} : memref<8192xf32, #tpu.memory_space<vmem>>, vector<16xf32>,
      %add3A_821 = arith.constant 80 : i32
      %add3A_822 = arith.addi %mul3A_765, %add3A_821 : i32
      %get3A_823 = arith.index_cast %add3A_822 : i32 to index
      %get3A_824 = tpu.vector_load %arg5[%get3A_823] {strides = array<i32>} : memref<16384xi32, #tpu.memory_space<vmem>>, vector<16xi32>,
      %gather3A_825 = tpu.vector_load_idx %arg6[%get3A_824] : memref<100000xf32, #tpu.memory_space<vmem>>[vector<16xi32>], vector<16xf32>,
      %mul3A_826 = arith.constant 128 : i32
      %mul3A_827 = arith.muli %scan3A_761, %mul3A_826 : i32
      %add3A_828 = arith.constant 80 : i32
      %add3A_829 = arith.addi %mul3A_827, %add3A_828 : i32
      %swap3A_830 = arith.index_cast %add3A_829 : i32 to index
      %swap3A_831 = tpu.vector_load %arg7[%swap3A_830] {strides = array<i32>} : memref<8192xf32, #tpu.memory_space<vmem>>, vector<16xf32>,
      tpu.vector_store %arg7[%swap3A_830], %gather3A_825 {strides = array<i32>} : memref<8192xf32, #tpu.memory_space<vmem>>, vector<16xf32>,
      %add3A_832 = arith.constant 96 : i32
      %add3A_833 = arith.addi %mul3A_765, %add3A_832 : i32
      %get3A_834 = arith.index_cast %add3A_833 : i32 to index
      %get3A_835 = tpu.vector_load %arg5[%get3A_834] {strides = array<i32>} : memref<16384xi32, #tpu.memory_space<vmem>>, vector<16xi32>,
      %gather3A_836 = tpu.vector_load_idx %arg6[%get3A_835] : memref<100000xf32, #tpu.memory_space<vmem>>[vector<16xi32>], vector<16xf32>,
      %mul3A_837 = arith.constant 128 : i32
      %mul3A_838 = arith.muli %scan3A_761, %mul3A_837 : i32
      %add3A_839 = arith.constant 96 : i32
      %add3A_840 = arith.addi %mul3A_838, %add3A_839 : i32
      %swap3A_841 = arith.index_cast %add3A_840 : i32 to index
      %swap3A_842 = tpu.vector_load %arg7[%swap3A_841] {strides = array<i32>} : memref<8192xf32, #tpu.memory_space<vmem>>, vector<16xf32>,
      tpu.vector_store %arg7[%swap3A_841], %gather3A_836 {strides = array<i32>} : memref<8192xf32, #tpu.memory_space<vmem>>, vector<16xf32>,
      %add3A_843 = arith.constant 112 : i32
      %add3A_844 = arith.addi %mul3A_765, %add3A_843 : i32
      %get3A_845 = arith.index_cast %add3A_844 : i32 to index
      %get3A_846 = tpu.vector_load %arg5[%get3A_845] {strides = array<i32>} : memref<16384xi32, #tpu.memory_space<vmem>>, vector<16xi32>,
      %gather3A_847 = tpu.vector_load_idx %arg6[%get3A_846] : memref<100000xf32, #tpu.memory_space<vmem>>[vector<16xi32>], vector<16xf32>,
      %mul3A_848 = arith.constant 128 : i32
      %mul3A_849 = arith.muli %scan3A_761, %mul3A_848 : i32
      %add3A_850 = arith.constant 112 : i32
      %add3A_851 = arith.addi %mul3A_849, %add3A_850 : i32
      %swap3A_852 = arith.index_cast %add3A_851 : i32 to index
      %swap3A_853 = tpu.vector_load %arg7[%swap3A_852] {strides = array<i32>} : memref<8192xf32, #tpu.memory_space<vmem>>, vector<16xf32>,
      tpu.vector_store %arg7[%swap3A_852], %gather3A_847 {strides = array<i32>} : memref<8192xf32, #tpu.memory_space<vmem>>, vector<16xf32>,
      %mul3A_854 = arith.constant 128 : i32
      %mul3A_855 = arith.muli %scan3A_761, %mul3A_854 : i32
      %jit3A_856 = arith.constant 4 : i32
      %div3A_857 = arith.divsi %add3A_763, %jit3A_856 : i32
      %sign3A_858 = arith.constant 0 : i32
      %sign3A_859 = arith.cmpi sgt, %add3A_763, %sign3A_858 : i32
      %sign3A_860 = arith.extui %sign3A_859 : i1 to i32
      %sign3A_861 = arith.constant 0 : i32
      %sign3A_862 = arith.cmpi slt, %add3A_763, %sign3A_861 : i32
      %sign3A_863 = arith.extui %sign3A_862 : i1 to i32
      %sign3A_864 = arith.subi %sign3A_860, %sign3A_863 : i32
      %sign3A_865 = arith.constant 0 : i32
      %sign3A_866 = arith.cmpi sgt, %jit3A_856, %sign3A_865 : i32
      %sign3A_867 = arith.extui %sign3A_866 : i1 to i32
      %sign3A_868 = arith.constant 0 : i32
      %sign3A_869 = arith.cmpi slt, %jit3A_856, %sign3A_868 : i32
      %sign3A_870 = arith.extui %sign3A_869 : i1 to i32
      %sign3A_871 = arith.subi %sign3A_867, %sign3A_870 : i32
      %ne3A_872 = arith.cmpi ne, %sign3A_864, %sign3A_871 : i32
      %rem3A_873 = arith.remsi %add3A_763, %jit3A_856 : i32
      %ne3A_874 = arith.constant 0 : i32
      %ne3A_875 = arith.cmpi ne, %rem3A_873, %ne3A_874 : i32
      %and3A_876 = arith.andi %ne3A_872, %ne3A_875 : i1
      %sub3A_877 = arith.constant 1 : i32
      %sub3A_878 = arith.subi %div3A_857, %sub3A_877 : i32
      %select_n3A_879 = arith.select %and3A_876, %sub3A_878, %div3A_857 : i32
      %jit3A_880 = arith.constant 4 : i32
      %eq3A_881 = arith.constant 0 : i32
      %eq3A_882 = arith.cmpi eq, %jit3A_880, %eq3A_881 : i32
      %jit3A_883 = arith.constant 1 : i32
      %select_n3A_884 = arith.select %eq3A_882, %jit3A_883, %jit3A_880 : i32
      %rem3A_885 = arith.remsi %add3A_763, %select_n3A_884 : i32
      %ne3A_886 = arith.constant 0 : i32
      %ne3A_887 = arith.cmpi ne, %rem3A_885, %ne3A_886 : i32
      %lt3A_888 = arith.constant 0 : i32
      %lt3A_889 = arith.cmpi slt, %rem3A_885, %lt3A_888 : i32
      %lt3A_890 = arith.constant 0 : i32
      %lt3A_891 = arith.cmpi slt, %select_n3A_884, %lt3A_890 : i32
      %ne3A_892 = arith.xori %lt3A_889, %lt3A_891 : i1
      %and3A_893 = arith.andi %ne3A_892, %ne3A_887 : i1
      %add3A_894 = arith.addi %rem3A_885, %select_n3A_884 : i32
      %select_n3A_895 = arith.select %and3A_893, %add3A_894, %rem3A_885 : i32
      %dma_start3A_896 = tpu.memref_slice %arg7[%mul3A_855] : memref<8192xf32, #tpu.memory_space<vmem>> -> memref<128xf32, #tpu.memory_space<vmem>>
      %dma_start3A_897 = arith.constant 0 : i32
      %dma_start3A_898 = tpu.memref_slice %arg4[%select_n3A_129, %select_n3A_169, %select_n3A_879, %select_n3A_895, %select_n3A_185, %dma_start3A_897] : memref<8x2x32x4x8x128xf32, #tpu.memory_space<hbm>> -> memref<1x1x1x1x1x128xf32, #tpu.memory_space<hbm>>
      %dma_start3A_899 = tpu.memref_squeeze %dma_start3A_898 : memref<1x1x1x1x1x128xf32, #tpu.memory_space<hbm>> -> memref<128xf32, #tpu.memory_space<hbm>>
      %dma_start3A_900 = arith.constant 0 : i32
      %dma_start3A_901 = tpu.memref_slice %arg4[%select_n3A_129, %select_n3A_169, %select_n3A_879, %select_n3A_895, %select_n3A_185, %dma_start3A_900] : memref<8x2x32x4x8x128xf32, #tpu.memory_space<hbm>> -> memref<1x1x1x1x1x128xf32, #tpu.memory_space<hbm>>
      %dma_start3A_902 = tpu.memref_squeeze %dma_start3A_901 : memref<1x1x1x1x1x128xf32, #tpu.memory_space<hbm>> -> memref<128xf32, #tpu.memory_space<hbm>>
      %dma_start3A_903 = tpu.memref_slice %arg7[%mul3A_855] : memref<8192xf32, #tpu.memory_space<vmem>> -> memref<128xf32, #tpu.memory_space<vmem>>
      tpu.enqueue_dma source(%dma_start3A_903 : memref<128xf32, #tpu.memory_space<vmem>>) target(%dma_start3A_902 : memref<128xf32, #tpu.memory_space<hbm>>) target_semaphore(%arg8 : memref<!tpu.dma_semaphore, #tpu.memory_space<semaphore_mem>>)
      %scan3A_904 = arith.constant 3 : i32
      %scan3A_905 = arith.addi %scan3A_476, %scan3A_904 : i32
      %add3A_906 = arith.constant 64 : i32
      %add3A_907 = arith.addi %add3A_906, %scan3A_905 : i32
      %mul3A_908 = arith.constant 128 : i32
      %mul3A_909 = arith.muli %add3A_907, %mul3A_908 : i32
      %add3A_910 = arith.constant 0 : i32
      %add3A_911 = arith.addi %mul3A_909, %add3A_910 : i32
      %get3A_912 = arith.index_cast %add3A_911 : i32 to index
      %get3A_913 = tpu.vector_load %arg5[%get3A_912] {strides = array<i32>} : memref<16384xi32, #tpu.memory_space<vmem>>, vector<16xi32>,
      %gather3A_914 = tpu.vector_load_idx %arg6[%get3A_913] : memref<100000xf32, #tpu.memory_space<vmem>>[vector<16xi32>], vector<16xf32>,
      %mul3A_915 = arith.constant 128 : i32
      %mul3A_916 = arith.muli %scan3A_905, %mul3A_915 : i32
      %add3A_917 = arith.constant 0 : i32
      %add3A_918 = arith.addi %mul3A_916, %add3A_917 : i32
      %swap3A_919 = arith.index_cast %add3A_918 : i32 to index
      %swap3A_920 = tpu.vector_load %arg7[%swap3A_919] {strides = array<i32>} : memref<8192xf32, #tpu.memory_space<vmem>>, vector<16xf32>,
      tpu.vector_store %arg7[%swap3A_919], %gather3A_914 {strides = array<i32>} : memref<8192xf32, #tpu.memory_space<vmem>>, vector<16xf32>,
      %add3A_921 = arith.constant 16 : i32
      %add3A_922 = arith.addi %mul3A_909, %add3A_921 : i32
      %get3A_923 = arith.index_cast %add3A_922 : i32 to index
      %get3A_924 = tpu.vector_load %arg5[%get3A_923] {strides = array<i32>} : memref<16384xi32, #tpu.memory_space<vmem>>, vector<16xi32>,
      %gather3A_925 = tpu.vector_load_idx %arg6[%get3A_924] : memref<100000xf32, #tpu.memory_space<vmem>>[vector<16xi32>], vector<16xf32>,
      %mul3A_926 = arith.constant 128 : i32
      %mul3A_927 = arith.muli %scan3A_905, %mul3A_926 : i32
      %add3A_928 = arith.constant 16 : i32
      %add3A_929 = arith.addi %mul3A_927, %add3A_928 : i32
      %swap3A_930 = arith.index_cast %add3A_929 : i32 to index
      %swap3A_931 = tpu.vector_load %arg7[%swap3A_930] {strides = array<i32>} : memref<8192xf32, #tpu.memory_space<vmem>>, vector<16xf32>,
      tpu.vector_store %arg7[%swap3A_930], %gather3A_925 {strides = array<i32>} : memref<8192xf32, #tpu.memory_space<vmem>>, vector<16xf32>,
      %add3A_932 = arith.constant 32 : i32
      %add3A_933 = arith.addi %mul3A_909, %add3A_932 : i32
      %get3A_934 = arith.index_cast %add3A_933 : i32 to index
      %get3A_935 = tpu.vector_load %arg5[%get3A_934] {strides = array<i32>} : memref<16384xi32, #tpu.memory_space<vmem>>, vector<16xi32>,
      %gather3A_936 = tpu.vector_load_idx %arg6[%get3A_935] : memref<100000xf32, #tpu.memory_space<vmem>>[vector<16xi32>], vector<16xf32>,
      %mul3A_937 = arith.constant 128 : i32
      %mul3A_938 = arith.muli %scan3A_905, %mul3A_937 : i32
      %add3A_939 = arith.constant 32 : i32
      %add3A_940 = arith.addi %mul3A_938, %add3A_939 : i32
      %swap3A_941 = arith.index_cast %add3A_940 : i32 to index
      %swap3A_942 = tpu.vector_load %arg7[%swap3A_941] {strides = array<i32>} : memref<8192xf32, #tpu.memory_space<vmem>>, vector<16xf32>,
      tpu.vector_store %arg7[%swap3A_941], %gather3A_936 {strides = array<i32>} : memref<8192xf32, #tpu.memory_space<vmem>>, vector<16xf32>,
      %add3A_943 = arith.constant 48 : i32
      %add3A_944 = arith.addi %mul3A_909, %add3A_943 : i32
      %get3A_945 = arith.index_cast %add3A_944 : i32 to index
      %get3A_946 = tpu.vector_load %arg5[%get3A_945] {strides = array<i32>} : memref<16384xi32, #tpu.memory_space<vmem>>, vector<16xi32>,
      %gather3A_947 = tpu.vector_load_idx %arg6[%get3A_946] : memref<100000xf32, #tpu.memory_space<vmem>>[vector<16xi32>], vector<16xf32>,
      %mul3A_948 = arith.constant 128 : i32
      %mul3A_949 = arith.muli %scan3A_905, %mul3A_948 : i32
      %add3A_950 = arith.constant 48 : i32
      %add3A_951 = arith.addi %mul3A_949, %add3A_950 : i32
      %swap3A_952 = arith.index_cast %add3A_951 : i32 to index
      %swap3A_953 = tpu.vector_load %arg7[%swap3A_952] {strides = array<i32>} : memref<8192xf32, #tpu.memory_space<vmem>>, vector<16xf32>,
      tpu.vector_store %arg7[%swap3A_952], %gather3A_947 {strides = array<i32>} : memref<8192xf32, #tpu.memory_space<vmem>>, vector<16xf32>,
      %add3A_954 = arith.constant 64 : i32
      %add3A_955 = arith.addi %mul3A_909, %add3A_954 : i32
      %get3A_956 = arith.index_cast %add3A_955 : i32 to index
      %get3A_957 = tpu.vector_load %arg5[%get3A_956] {strides = array<i32>} : memref<16384xi32, #tpu.memory_space<vmem>>, vector<16xi32>,
      %gather3A_958 = tpu.vector_load_idx %arg6[%get3A_957] : memref<100000xf32, #tpu.memory_space<vmem>>[vector<16xi32>], vector<16xf32>,
      %mul3A_959 = arith.constant 128 : i32
      %mul3A_960 = arith.muli %scan3A_905, %mul3A_959 : i32
      %add3A_961 = arith.constant 64 : i32
      %add3A_962 = arith.addi %mul3A_960, %add3A_961 : i32
      %swap3A_963 = arith.index_cast %add3A_962 : i32 to index
      %swap3A_964 = tpu.vector_load %arg7[%swap3A_963] {strides = array<i32>} : memref<8192xf32, #tpu.memory_space<vmem>>, vector<16xf32>,
      tpu.vector_store %arg7[%swap3A_963], %gather3A_958 {strides = array<i32>} : memref<8192xf32, #tpu.memory_space<vmem>>, vector<16xf32>,
      %add3A_965 = arith.constant 80 : i32
      %add3A_966 = arith.addi %mul3A_909, %add3A_965 : i32
      %get3A_967 = arith.index_cast %add3A_966 : i32 to index
      %get3A_968 = tpu.vector_load %arg5[%get3A_967] {strides = array<i32>} : memref<16384xi32, #tpu.memory_space<vmem>>, vector<16xi32>,
      %gather3A_969 = tpu.vector_load_idx %arg6[%get3A_968] : memref<100000xf32, #tpu.memory_space<vmem>>[vector<16xi32>], vector<16xf32>,
      %mul3A_970 = arith.constant 128 : i32
      %mul3A_971 = arith.muli %scan3A_905, %mul3A_970 : i32
      %add3A_972 = arith.constant 80 : i32
      %add3A_973 = arith.addi %mul3A_971, %add3A_972 : i32
      %swap3A_974 = arith.index_cast %add3A_973 : i32 to index
      %swap3A_975 = tpu.vector_load %arg7[%swap3A_974] {strides = array<i32>} : memref<8192xf32, #tpu.memory_space<vmem>>, vector<16xf32>,
      tpu.vector_store %arg7[%swap3A_974], %gather3A_969 {strides = array<i32>} : memref<8192xf32, #tpu.memory_space<vmem>>, vector<16xf32>,
      %add3A_976 = arith.constant 96 : i32
      %add3A_977 = arith.addi %mul3A_909, %add3A_976 : i32
      %get3A_978 = arith.index_cast %add3A_977 : i32 to index
      %get3A_979 = tpu.vector_load %arg5[%get3A_978] {strides = array<i32>} : memref<16384xi32, #tpu.memory_space<vmem>>, vector<16xi32>,
      %gather3A_980 = tpu.vector_load_idx %arg6[%get3A_979] : memref<100000xf32, #tpu.memory_space<vmem>>[vector<16xi32>], vector<16xf32>,
      %mul3A_981 = arith.constant 128 : i32
      %mul3A_982 = arith.muli %scan3A_905, %mul3A_981 : i32
      %add3A_983 = arith.constant 96 : i32
      %add3A_984 = arith.addi %mul3A_982, %add3A_983 : i32
      %swap3A_985 = arith.index_cast %add3A_984 : i32 to index
      %swap3A_986 = tpu.vector_load %arg7[%swap3A_985] {strides = array<i32>} : memref<8192xf32, #tpu.memory_space<vmem>>, vector<16xf32>,
      tpu.vector_store %arg7[%swap3A_985], %gather3A_980 {strides = array<i32>} : memref<8192xf32, #tpu.memory_space<vmem>>, vector<16xf32>,
      %add3A_987 = arith.constant 112 : i32
      %add3A_988 = arith.addi %mul3A_909, %add3A_987 : i32
      %get3A_989 = arith.index_cast %add3A_988 : i32 to index
      %get3A_990 = tpu.vector_load %arg5[%get3A_989] {strides = array<i32>} : memref<16384xi32, #tpu.memory_space<vmem>>, vector<16xi32>,
      %gather3A_991 = tpu.vector_load_idx %arg6[%get3A_990] : memref<100000xf32, #tpu.memory_space<vmem>>[vector<16xi32>], vector<16xf32>,
      %mul3A_992 = arith.constant 128 : i32
      %mul3A_993 = arith.muli %scan3A_905, %mul3A_992 : i32
      %add3A_994 = arith.constant 112 : i32
      %add3A_995 = arith.addi %mul3A_993, %add3A_994 : i32
      %swap3A_996 = arith.index_cast %add3A_995 : i32 to index
      %swap3A_997 = tpu.vector_load %arg7[%swap3A_996] {strides = array<i32>} : memref<8192xf32, #tpu.memory_space<vmem>>, vector<16xf32>,
      tpu.vector_store %arg7[%swap3A_996], %gather3A_991 {strides = array<i32>} : memref<8192xf32, #tpu.memory_space<vmem>>, vector<16xf32>,
      %mul3A_998 = arith.constant 128 : i32
      %mul3A_999 = arith.muli %scan3A_905, %mul3A_998 : i32
      %jit3A_1000 = arith.constant 4 : i32
      %div3A_1001 = arith.divsi %add3A_907, %jit3A_1000 : i32
      %sign3A_1002 = arith.constant 0 : i32
      %sign3A_1003 = arith.cmpi sgt, %add3A_907, %sign3A_1002 : i32
      %sign3A_1004 = arith.extui %sign3A_1003 : i1 to i32
      %sign3A_1005 = arith.constant 0 : i32
      %sign3A_1006 = arith.cmpi slt, %add3A_907, %sign3A_1005 : i32
      %sign3A_1007 = arith.extui %sign3A_1006 : i1 to i32
      %sign3A_1008 = arith.subi %sign3A_1004, %sign3A_1007 : i32
      %sign3A_1009 = arith.constant 0 : i32
      %sign3A_1010 = arith.cmpi sgt, %jit3A_1000, %sign3A_1009 : i32
      %sign3A_1011 = arith.extui %sign3A_1010 : i1 to i32
      %sign3A_1012 = arith.constant 0 : i32
      %sign3A_1013 = arith.cmpi slt, %jit3A_1000, %sign3A_1012 : i32
      %sign3A_1014 = arith.extui %sign3A_1013 : i1 to i32
      %sign3A_1015 = arith.subi %sign3A_1011, %sign3A_1014 : i32
      %ne3A_1016 = arith.cmpi ne, %sign3A_1008, %sign3A_1015 : i32
      %rem3A_1017 = arith.remsi %add3A_907, %jit3A_1000 : i32
      %ne3A_1018 = arith.constant 0 : i32
      %ne3A_1019 = arith.cmpi ne, %rem3A_1017, %ne3A_1018 : i32
      %and3A_1020 = arith.andi %ne3A_1016, %ne3A_1019 : i1
      %sub3A_1021 = arith.constant 1 : i32
      %sub3A_1022 = arith.subi %div3A_1001, %sub3A_1021 : i32
      %select_n3A_1023 = arith.select %and3A_1020, %sub3A_1022, %div3A_1001 : i32
      %jit3A_1024 = arith.constant 4 : i32
      %eq3A_1025 = arith.constant 0 : i32
      %eq3A_1026 = arith.cmpi eq, %jit3A_1024, %eq3A_1025 : i32
      %jit3A_1027 = arith.constant 1 : i32
      %select_n3A_1028 = arith.select %eq3A_1026, %jit3A_1027, %jit3A_1024 : i32
      %rem3A_1029 = arith.remsi %add3A_907, %select_n3A_1028 : i32
      %ne3A_1030 = arith.constant 0 : i32
      %ne3A_1031 = arith.cmpi ne, %rem3A_1029, %ne3A_1030 : i32
      %lt3A_1032 = arith.constant 0 : i32
      %lt3A_1033 = arith.cmpi slt, %rem3A_1029, %lt3A_1032 : i32
      %lt3A_1034 = arith.constant 0 : i32
      %lt3A_1035 = arith.cmpi slt, %select_n3A_1028, %lt3A_1034 : i32
      %ne3A_1036 = arith.xori %lt3A_1033, %lt3A_1035 : i1
      %and3A_1037 = arith.andi %ne3A_1036, %ne3A_1031 : i1
      %add3A_1038 = arith.addi %rem3A_1029, %select_n3A_1028 : i32
      %select_n3A_1039 = arith.select %and3A_1037, %add3A_1038, %rem3A_1029 : i32
      %dma_start3A_1040 = tpu.memref_slice %arg7[%mul3A_999] : memref<8192xf32, #tpu.memory_space<vmem>> -> memref<128xf32, #tpu.memory_space<vmem>>
      %dma_start3A_1041 = arith.constant 0 : i32
      %dma_start3A_1042 = tpu.memref_slice %arg4[%select_n3A_129, %select_n3A_169, %select_n3A_1023, %select_n3A_1039, %select_n3A_185, %dma_start3A_1041] : memref<8x2x32x4x8x128xf32, #tpu.memory_space<hbm>> -> memref<1x1x1x1x1x128xf32, #tpu.memory_space<hbm>>
      %dma_start3A_1043 = tpu.memref_squeeze %dma_start3A_1042 : memref<1x1x1x1x1x128xf32, #tpu.memory_space<hbm>> -> memref<128xf32, #tpu.memory_space<hbm>>
      %dma_start3A_1044 = arith.constant 0 : i32
      %dma_start3A_1045 = tpu.memref_slice %arg4[%select_n3A_129, %select_n3A_169, %select_n3A_1023, %select_n3A_1039, %select_n3A_185, %dma_start3A_1044] : memref<8x2x32x4x8x128xf32, #tpu.memory_space<hbm>> -> memref<1x1x1x1x1x128xf32, #tpu.memory_space<hbm>>
      %dma_start3A_1046 = tpu.memref_squeeze %dma_start3A_1045 : memref<1x1x1x1x1x128xf32, #tpu.memory_space<hbm>> -> memref<128xf32, #tpu.memory_space<hbm>>
      %dma_start3A_1047 = tpu.memref_slice %arg7[%mul3A_999] : memref<8192xf32, #tpu.memory_space<vmem>> -> memref<128xf32, #tpu.memory_space<vmem>>
      tpu.enqueue_dma source(%dma_start3A_1047 : memref<128xf32, #tpu.memory_space<vmem>>) target(%dma_start3A_1046 : memref<128xf32, #tpu.memory_space<hbm>>) target_semaphore(%arg8 : memref<!tpu.dma_semaphore, #tpu.memory_space<semaphore_mem>>)
    }
    %scan3A_223 = arith.constant 64 : i32
    %mul3A_224 = arith.constant 4 : i32
    %mul3A_225 = arith.muli %add3A, %mul3A_224 : i32
    %add3A_226 = arith.constant 2 : i32
    %add3A_227 = arith.addi %mul3A_225, %add3A_226 : i32
    %jit3A_228 = arith.constant 16 : i32
    %div3A_229 = arith.divsi %add3A_227, %jit3A_228 : i32
    %sign3A_230 = arith.constant 0 : i32
    %sign3A_231 = arith.cmpi sgt, %add3A_227, %sign3A_230 : i32
    %sign3A_232 = arith.extui %sign3A_231 : i1 to i32
    %sign3A_233 = arith.constant 0 : i32
    %sign3A_234 = arith.cmpi slt, %add3A_227, %sign3A_233 : i32
    %sign3A_235 = arith.extui %sign3A_234 : i1 to i32
    %sign3A_236 = arith.subi %sign3A_232, %sign3A_235 : i32
    %sign3A_237 = arith.constant 0 : i32
    %sign3A_238 = arith.cmpi sgt, %jit3A_228, %sign3A_237 : i32
    %sign3A_239 = arith.extui %sign3A_238 : i1 to i32
    %sign3A_240 = arith.constant 0 : i32
    %sign3A_241 = arith.cmpi slt, %jit3A_228, %sign3A_240 : i32
    %sign3A_242 = arith.extui %sign3A_241 : i1 to i32
    %sign3A_243 = arith.subi %sign3A_239, %sign3A_242 : i32
    %ne3A_244 = arith.cmpi ne, %sign3A_236, %sign3A_243 : i32
    %rem3A_245 = arith.remsi %add3A_227, %jit3A_228 : i32
    %ne3A_246 = arith.constant 0 : i32
    %ne3A_247 = arith.cmpi ne, %rem3A_245, %ne3A_246 : i32
    %and3A_248 = arith.andi %ne3A_244, %ne3A_247 : i1
    %sub3A_249 = arith.constant 1 : i32
    %sub3A_250 = arith.subi %div3A_229, %sub3A_249 : i32
    %select_n3A_251 = arith.select %and3A_248, %sub3A_250, %div3A_229 : i32
    %jit3A_252 = arith.constant 16 : i32
    %eq3A_253 = arith.constant 0 : i32
    %eq3A_254 = arith.cmpi eq, %jit3A_252, %eq3A_253 : i32
    %jit3A_255 = arith.constant 1 : i32
    %select_n3A_256 = arith.select %eq3A_254, %jit3A_255, %jit3A_252 : i32
    %rem3A_257 = arith.remsi %add3A_227, %select_n3A_256 : i32
    %ne3A_258 = arith.constant 0 : i32
    %ne3A_259 = arith.cmpi ne, %rem3A_257, %ne3A_258 : i32
    %lt3A_260 = arith.constant 0 : i32
    %lt3A_261 = arith.cmpi slt, %rem3A_257, %lt3A_260 : i32
    %lt3A_262 = arith.constant 0 : i32
    %lt3A_263 = arith.cmpi slt, %select_n3A_256, %lt3A_262 : i32
    %ne3A_264 = arith.xori %lt3A_261, %lt3A_263 : i1
    %and3A_265 = arith.andi %ne3A_264, %ne3A_259 : i1
    %add3A_266 = arith.addi %rem3A_257, %select_n3A_256 : i32
    %select_n3A_267 = arith.select %and3A_265, %add3A_266, %rem3A_257 : i32
    %jit3A_268 = arith.constant 8 : i32
    %div3A_269 = arith.divsi %select_n3A_267, %jit3A_268 : i32
    %sign3A_270 = arith.constant 0 : i32
    %sign3A_271 = arith.cmpi sgt, %select_n3A_267, %sign3A_270 : i32
    %sign3A_272 = arith.extui %sign3A_271 : i1 to i32
    %sign3A_273 = arith.constant 0 : i32
    %sign3A_274 = arith.cmpi slt, %select_n3A_267, %sign3A_273 : i32
    %sign3A_275 = arith.extui %sign3A_274 : i1 to i32
    %sign3A_276 = arith.subi %sign3A_272, %sign3A_275 : i32
    %sign3A_277 = arith.constant 0 : i32
    %sign3A_278 = arith.cmpi sgt, %jit3A_268, %sign3A_277 : i32
    %sign3A_279 = arith.extui %sign3A_278 : i1 to i32
    %sign3A_280 = arith.constant 0 : i32
    %sign3A_281 = arith.cmpi slt, %jit3A_268, %sign3A_280 : i32
    %sign3A_282 = arith.extui %sign3A_281 : i1 to i32
    %sign3A_283 = arith.subi %sign3A_279, %sign3A_282 : i32
    %ne3A_284 = arith.cmpi ne, %sign3A_276, %sign3A_283 : i32
    %rem3A_285 = arith.remsi %select_n3A_267, %jit3A_268 : i32
    %ne3A_286 = arith.constant 0 : i32
    %ne3A_287 = arith.cmpi ne, %rem3A_285, %ne3A_286 : i32
    %and3A_288 = arith.andi %ne3A_284, %ne3A_287 : i1
    %sub3A_289 = arith.constant 1 : i32
    %sub3A_290 = arith.subi %div3A_269, %sub3A_289 : i32
    %select_n3A_291 = arith.select %and3A_288, %sub3A_290, %div3A_269 : i32
    %jit3A_292 = arith.constant 8 : i32
    %eq3A_293 = arith.constant 0 : i32
    %eq3A_294 = arith.cmpi eq, %jit3A_292, %eq3A_293 : i32
    %jit3A_295 = arith.constant 1 : i32
    %select_n3A_296 = arith.select %eq3A_294, %jit3A_295, %jit3A_292 : i32
    %rem3A_297 = arith.remsi %select_n3A_267, %select_n3A_296 : i32
    %ne3A_298 = arith.constant 0 : i32
    %ne3A_299 = arith.cmpi ne, %rem3A_297, %ne3A_298 : i32
    %lt3A_300 = arith.constant 0 : i32
    %lt3A_301 = arith.cmpi slt, %rem3A_297, %lt3A_300 : i32
    %lt3A_302 = arith.constant 0 : i32
    %lt3A_303 = arith.cmpi slt, %select_n3A_296, %lt3A_302 : i32
    %ne3A_304 = arith.xori %lt3A_301, %lt3A_303 : i1
    %and3A_305 = arith.andi %ne3A_304, %ne3A_299 : i1
    %add3A_306 = arith.addi %rem3A_297, %select_n3A_296 : i32
    %select_n3A_307 = arith.select %and3A_305, %add3A_306, %rem3A_297 : i32
    %dma_start3A_308 = arith.constant 0 : i32
    %dma_start3A_309 = tpu.memref_slice %arg3[%select_n3A_251, %select_n3A_267, %dma_start3A_308] : memref<8x16x100000xf32, #tpu.memory_space<hbm>> -> memref<1x1x100000xf32, #tpu.memory_space<hbm>>
    %dma_start3A_310 = tpu.memref_squeeze %dma_start3A_309 : memref<1x1x100000xf32, #tpu.memory_space<hbm>> -> memref<100000xf32, #tpu.memory_space<hbm>>
    %dma_start3A_311 = arith.constant 0 : i32
    %dma_start3A_312 = tpu.memref_slice %arg3[%select_n3A_251, %select_n3A_267, %dma_start3A_311] : memref<8x16x100000xf32, #tpu.memory_space<hbm>> -> memref<1x1x100000xf32, #tpu.memory_space<hbm>>
    %dma_start3A_313 = tpu.memref_squeeze %dma_start3A_312 : memref<1x1x100000xf32, #tpu.memory_space<hbm>> -> memref<100000xf32, #tpu.memory_space<hbm>>
    tpu.enqueue_dma source(%dma_start3A_313 : memref<100000xf32, #tpu.memory_space<hbm>>) target(%arg6 : memref<100000xf32, #tpu.memory_space<vmem>>) target_semaphore(%arg9 : memref<!tpu.dma_semaphore, #tpu.memory_space<semaphore_mem>>)
    %dma_wait3A_314 = arith.constant 0 : i32
    %dma_wait3A_315 = tpu.memref_slice %arg3[%select_n3A_251, %select_n3A_267, %dma_wait3A_314] : memref<8x16x100000xf32, #tpu.memory_space<hbm>> -> memref<1x1x100000xf32, #tpu.memory_space<hbm>>
    %dma_wait3A_316 = tpu.memref_squeeze %dma_wait3A_315 : memref<1x1x100000xf32, #tpu.memory_space<hbm>> -> memref<100000xf32, #tpu.memory_space<hbm>>
    %dma_wait3A_317 = arith.constant 0 : i32
    %dma_wait3A_318 = tpu.memref_slice %arg3[%select_n3A_251, %select_n3A_267, %dma_wait3A_317] : memref<8x16x100000xf32, #tpu.memory_space<hbm>> -> memref<1x1x100000xf32, #tpu.memory_space<hbm>>
    %dma_wait3A_319 = tpu.memref_squeeze %dma_wait3A_318 : memref<1x1x100000xf32, #tpu.memory_space<hbm>> -> memref<100000xf32, #tpu.memory_space<hbm>>
    tpu.wait_dma2 semaphore(%arg9 : memref<!tpu.dma_semaphore, #tpu.memory_space<semaphore_mem>>) src(%dma_wait3A_319 : memref<100000xf32, #tpu.memory_space<hbm>>) dst(%arg6 : memref<100000xf32, #tpu.memory_space<vmem>>)
    %dma_wait3A_320 = arith.constant 0 : i32
    %dma_wait3A_321 = tpu.memref_slice %arg5[%dma_wait3A_320] : memref<16384xi32, #tpu.memory_space<vmem>> -> memref<8192xi32, #tpu.memory_space<vmem>>
    %dma_wait3A_322 = arith.constant 0 : i32
    %dma_wait3A_323 = tpu.memref_slice %arg2[%dma_wait3A_322] : memref<16384xi32, #tpu.memory_space<hbm>> -> memref<8192xi32, #tpu.memory_space<hbm>>
    %dma_wait3A_324 = arith.constant 0 : i32
    %dma_wait3A_325 = tpu.memref_slice %arg5[%dma_wait3A_324] : memref<16384xi32, #tpu.memory_space<vmem>> -> memref<8192xi32, #tpu.memory_space<vmem>>
    %dma_wait3A_326 = arith.constant 0 : i32
    %dma_wait3A_327 = tpu.memref_slice %arg2[%dma_wait3A_326] : memref<16384xi32, #tpu.memory_space<hbm>> -> memref<8192xi32, #tpu.memory_space<hbm>>
    tpu.wait_dma2 semaphore(%arg8 : memref<!tpu.dma_semaphore, #tpu.memory_space<semaphore_mem>>) src(%dma_wait3A_327 : memref<8192xi32, #tpu.memory_space<hbm>>) dst(%dma_wait3A_325 : memref<8192xi32, #tpu.memory_space<vmem>>)
    %scan3A_328 = arith.constant 0 : i32
    %scan3A_329 = arith.constant 64 : i32
    %scan3A_330 = arith.addi %scan3A_328, %scan3A_329 : i32
    %scan3A_331 = arith.constant 4 : i32
    scf.for %scan3A_476 = %scan3A_328 to %scan3A_330 step %scan3A_331  : i32 {
      %add3A_477 = arith.constant 0 : i32
      %add3A_478 = arith.addi %add3A_477, %scan3A_476 : i32
      %mul3A_479 = arith.constant 128 : i32
      %mul3A_480 = arith.muli %add3A_478, %mul3A_479 : i32
      %add3A_481 = arith.constant 0 : i32
      %add3A_482 = arith.addi %mul3A_480, %add3A_481 : i32
      %get3A = arith.index_cast %add3A_482 : i32 to index
      %get3A_483 = tpu.vector_load %arg5[%get3A] {strides = array<i32>} : memref<16384xi32, #tpu.memory_space<vmem>>, vector<16xi32>,
      %gather3A = tpu.vector_load_idx %arg6[%get3A_483] : memref<100000xf32, #tpu.memory_space<vmem>>[vector<16xi32>], vector<16xf32>,
      %mul3A_484 = arith.constant 128 : i32
      %mul3A_485 = arith.muli %scan3A_476, %mul3A_484 : i32
      %add3A_486 = arith.constant 0 : i32
      %add3A_487 = arith.addi %mul3A_485, %add3A_486 : i32
      %swap3A = arith.index_cast %add3A_487 : i32 to index
      %swap3A_488 = tpu.vector_load %arg7[%swap3A] {strides = array<i32>} : memref<8192xf32, #tpu.memory_space<vmem>>, vector<16xf32>,
      tpu.vector_store %arg7[%swap3A], %gather3A {strides = array<i32>} : memref<8192xf32, #tpu.memory_space<vmem>>, vector<16xf32>,
      %add3A_489 = arith.constant 16 : i32
      %add3A_490 = arith.addi %mul3A_480, %add3A_489 : i32
      %get3A_491 = arith.index_cast %add3A_490 : i32 to index
      %get3A_492 = tpu.vector_load %arg5[%get3A_491] {strides = array<i32>} : memref<16384xi32, #tpu.memory_space<vmem>>, vector<16xi32>,
      %gather3A_493 = tpu.vector_load_idx %arg6[%get3A_492] : memref<100000xf32, #tpu.memory_space<vmem>>[vector<16xi32>], vector<16xf32>,
      %mul3A_494 = arith.constant 128 : i32
      %mul3A_495 = arith.muli %scan3A_476, %mul3A_494 : i32
      %add3A_496 = arith.constant 16 : i32
      %add3A_497 = arith.addi %mul3A_495, %add3A_496 : i32
      %swap3A_498 = arith.index_cast %add3A_497 : i32 to index
      %swap3A_499 = tpu.vector_load %arg7[%swap3A_498] {strides = array<i32>} : memref<8192xf32, #tpu.memory_space<vmem>>, vector<16xf32>,
      tpu.vector_store %arg7[%swap3A_498], %gather3A_493 {strides = array<i32>} : memref<8192xf32, #tpu.memory_space<vmem>>, vector<16xf32>,
      %add3A_500 = arith.constant 32 : i32
      %add3A_501 = arith.addi %mul3A_480, %add3A_500 : i32
      %get3A_502 = arith.index_cast %add3A_501 : i32 to index
      %get3A_503 = tpu.vector_load %arg5[%get3A_502] {strides = array<i32>} : memref<16384xi32, #tpu.memory_space<vmem>>, vector<16xi32>,
      %gather3A_504 = tpu.vector_load_idx %arg6[%get3A_503] : memref<100000xf32, #tpu.memory_space<vmem>>[vector<16xi32>], vector<16xf32>,
      %mul3A_505 = arith.constant 128 : i32
      %mul3A_506 = arith.muli %scan3A_476, %mul3A_505 : i32
      %add3A_507 = arith.constant 32 : i32
      %add3A_508 = arith.addi %mul3A_506, %add3A_507 : i32
      %swap3A_509 = arith.index_cast %add3A_508 : i32 to index
      %swap3A_510 = tpu.vector_load %arg7[%swap3A_509] {strides = array<i32>} : memref<8192xf32, #tpu.memory_space<vmem>>, vector<16xf32>,
      tpu.vector_store %arg7[%swap3A_509], %gather3A_504 {strides = array<i32>} : memref<8192xf32, #tpu.memory_space<vmem>>, vector<16xf32>,
      %add3A_511 = arith.constant 48 : i32
      %add3A_512 = arith.addi %mul3A_480, %add3A_511 : i32
      %get3A_513 = arith.index_cast %add3A_512 : i32 to index
      %get3A_514 = tpu.vector_load %arg5[%get3A_513] {strides = array<i32>} : memref<16384xi32, #tpu.memory_space<vmem>>, vector<16xi32>,
      %gather3A_515 = tpu.vector_load_idx %arg6[%get3A_514] : memref<100000xf32, #tpu.memory_space<vmem>>[vector<16xi32>], vector<16xf32>,
      %mul3A_516 = arith.constant 128 : i32
      %mul3A_517 = arith.muli %scan3A_476, %mul3A_516 : i32
      %add3A_518 = arith.constant 48 : i32
      %add3A_519 = arith.addi %mul3A_517, %add3A_518 : i32
      %swap3A_520 = arith.index_cast %add3A_519 : i32 to index
      %swap3A_521 = tpu.vector_load %arg7[%swap3A_520] {strides = array<i32>} : memref<8192xf32, #tpu.memory_space<vmem>>, vector<16xf32>,
      tpu.vector_store %arg7[%swap3A_520], %gather3A_515 {strides = array<i32>} : memref<8192xf32, #tpu.memory_space<vmem>>, vector<16xf32>,
      %add3A_522 = arith.constant 64 : i32
      %add3A_523 = arith.addi %mul3A_480, %add3A_522 : i32
      %get3A_524 = arith.index_cast %add3A_523 : i32 to index
      %get3A_525 = tpu.vector_load %arg5[%get3A_524] {strides = array<i32>} : memref<16384xi32, #tpu.memory_space<vmem>>, vector<16xi32>,
      %gather3A_526 = tpu.vector_load_idx %arg6[%get3A_525] : memref<100000xf32, #tpu.memory_space<vmem>>[vector<16xi32>], vector<16xf32>,
      %mul3A_527 = arith.constant 128 : i32
      %mul3A_528 = arith.muli %scan3A_476, %mul3A_527 : i32
      %add3A_529 = arith.constant 64 : i32
      %add3A_530 = arith.addi %mul3A_528, %add3A_529 : i32
      %swap3A_531 = arith.index_cast %add3A_530 : i32 to index
      %swap3A_532 = tpu.vector_load %arg7[%swap3A_531] {strides = array<i32>} : memref<8192xf32, #tpu.memory_space<vmem>>, vector<16xf32>,
      tpu.vector_store %arg7[%swap3A_531], %gather3A_526 {strides = array<i32>} : memref<8192xf32, #tpu.memory_space<vmem>>, vector<16xf32>,
      %add3A_533 = arith.constant 80 : i32
      %add3A_534 = arith.addi %mul3A_480, %add3A_533 : i32
      %get3A_535 = arith.index_cast %add3A_534 : i32 to index
      %get3A_536 = tpu.vector_load %arg5[%get3A_535] {strides = array<i32>} : memref<16384xi32, #tpu.memory_space<vmem>>, vector<16xi32>,
      %gather3A_537 = tpu.vector_load_idx %arg6[%get3A_536] : memref<100000xf32, #tpu.memory_space<vmem>>[vector<16xi32>], vector<16xf32>,
      %mul3A_538 = arith.constant 128 : i32
      %mul3A_539 = arith.muli %scan3A_476, %mul3A_538 : i32
      %add3A_540 = arith.constant 80 : i32
      %add3A_541 = arith.addi %mul3A_539, %add3A_540 : i32
      %swap3A_542 = arith.index_cast %add3A_541 : i32 to index
      %swap3A_543 = tpu.vector_load %arg7[%swap3A_542] {strides = array<i32>} : memref<8192xf32, #tpu.memory_space<vmem>>, vector<16xf32>,
      tpu.vector_store %arg7[%swap3A_542], %gather3A_537 {strides = array<i32>} : memref<8192xf32, #tpu.memory_space<vmem>>, vector<16xf32>,
      %add3A_544 = arith.constant 96 : i32
      %add3A_545 = arith.addi %mul3A_480, %add3A_544 : i32
      %get3A_546 = arith.index_cast %add3A_545 : i32 to index
      %get3A_547 = tpu.vector_load %arg5[%get3A_546] {strides = array<i32>} : memref<16384xi32, #tpu.memory_space<vmem>>, vector<16xi32>,
      %gather3A_548 = tpu.vector_load_idx %arg6[%get3A_547] : memref<100000xf32, #tpu.memory_space<vmem>>[vector<16xi32>], vector<16xf32>,
      %mul3A_549 = arith.constant 128 : i32
      %mul3A_550 = arith.muli %scan3A_476, %mul3A_549 : i32
      %add3A_551 = arith.constant 96 : i32
      %add3A_552 = arith.addi %mul3A_550, %add3A_551 : i32
      %swap3A_553 = arith.index_cast %add3A_552 : i32 to index
      %swap3A_554 = tpu.vector_load %arg7[%swap3A_553] {strides = array<i32>} : memref<8192xf32, #tpu.memory_space<vmem>>, vector<16xf32>,
      tpu.vector_store %arg7[%swap3A_553], %gather3A_548 {strides = array<i32>} : memref<8192xf32, #tpu.memory_space<vmem>>, vector<16xf32>,
      %add3A_555 = arith.constant 112 : i32
      %add3A_556 = arith.addi %mul3A_480, %add3A_555 : i32
      %get3A_557 = arith.index_cast %add3A_556 : i32 to index
      %get3A_558 = tpu.vector_load %arg5[%get3A_557] {strides = array<i32>} : memref<16384xi32, #tpu.memory_space<vmem>>, vector<16xi32>,
      %gather3A_559 = tpu.vector_load_idx %arg6[%get3A_558] : memref<100000xf32, #tpu.memory_space<vmem>>[vector<16xi32>], vector<16xf32>,
      %mul3A_560 = arith.constant 128 : i32
      %mul3A_561 = arith.muli %scan3A_476, %mul3A_560 : i32
      %add3A_562 = arith.constant 112 : i32
      %add3A_563 = arith.addi %mul3A_561, %add3A_562 : i32
      %swap3A_564 = arith.index_cast %add3A_563 : i32 to index
      %swap3A_565 = tpu.vector_load %arg7[%swap3A_564] {strides = array<i32>} : memref<8192xf32, #tpu.memory_space<vmem>>, vector<16xf32>,
      tpu.vector_store %arg7[%swap3A_564], %gather3A_559 {strides = array<i32>} : memref<8192xf32, #tpu.memory_space<vmem>>, vector<16xf32>,
      %mul3A_566 = arith.constant 128 : i32
      %mul3A_567 = arith.muli %scan3A_476, %mul3A_566 : i32
      %jit3A_568 = arith.constant 4 : i32
      %div3A_569 = arith.divsi %add3A_478, %jit3A_568 : i32
      %sign3A_570 = arith.constant 0 : i32
      %sign3A_571 = arith.cmpi sgt, %add3A_478, %sign3A_570 : i32
      %sign3A_572 = arith.extui %sign3A_571 : i1 to i32
      %sign3A_573 = arith.constant 0 : i32
      %sign3A_574 = arith.cmpi slt, %add3A_478, %sign3A_573 : i32
      %sign3A_575 = arith.extui %sign3A_574 : i1 to i32
      %sign3A_576 = arith.subi %sign3A_572, %sign3A_575 : i32
      %sign3A_577 = arith.constant 0 : i32
      %sign3A_578 = arith.cmpi sgt, %jit3A_568, %sign3A_577 : i32
      %sign3A_579 = arith.extui %sign3A_578 : i1 to i32
      %sign3A_580 = arith.constant 0 : i32
      %sign3A_581 = arith.cmpi slt, %jit3A_568, %sign3A_580 : i32
      %sign3A_582 = arith.extui %sign3A_581 : i1 to i32
      %sign3A_583 = arith.subi %sign3A_579, %sign3A_582 : i32
      %ne3A_584 = arith.cmpi ne, %sign3A_576, %sign3A_583 : i32
      %rem3A_585 = arith.remsi %add3A_478, %jit3A_568 : i32
      %ne3A_586 = arith.constant 0 : i32
      %ne3A_587 = arith.cmpi ne, %rem3A_585, %ne3A_586 : i32
      %and3A_588 = arith.andi %ne3A_584, %ne3A_587 : i1
      %sub3A_589 = arith.constant 1 : i32
      %sub3A_590 = arith.subi %div3A_569, %sub3A_589 : i32
      %select_n3A_591 = arith.select %and3A_588, %sub3A_590, %div3A_569 : i32
      %jit3A_592 = arith.constant 4 : i32
      %eq3A_593 = arith.constant 0 : i32
      %eq3A_594 = arith.cmpi eq, %jit3A_592, %eq3A_593 : i32
      %jit3A_595 = arith.constant 1 : i32
      %select_n3A_596 = arith.select %eq3A_594, %jit3A_595, %jit3A_592 : i32
      %rem3A_597 = arith.remsi %add3A_478, %select_n3A_596 : i32
      %ne3A_598 = arith.constant 0 : i32
      %ne3A_599 = arith.cmpi ne, %rem3A_597, %ne3A_598 : i32
      %lt3A_600 = arith.constant 0 : i32
      %lt3A_601 = arith.cmpi slt, %rem3A_597, %lt3A_600 : i32
      %lt3A_602 = arith.constant 0 : i32
      %lt3A_603 = arith.cmpi slt, %select_n3A_596, %lt3A_602 : i32
      %ne3A_604 = arith.xori %lt3A_601, %lt3A_603 : i1
      %and3A_605 = arith.andi %ne3A_604, %ne3A_599 : i1
      %add3A_606 = arith.addi %rem3A_597, %select_n3A_596 : i32
      %select_n3A_607 = arith.select %and3A_605, %add3A_606, %rem3A_597 : i32
      %dma_start3A_608 = tpu.memref_slice %arg7[%mul3A_567] : memref<8192xf32, #tpu.memory_space<vmem>> -> memref<128xf32, #tpu.memory_space<vmem>>
      %dma_start3A_609 = arith.constant 0 : i32
      %dma_start3A_610 = tpu.memref_slice %arg4[%select_n3A_251, %select_n3A_291, %select_n3A_591, %select_n3A_607, %select_n3A_307, %dma_start3A_609] : memref<8x2x32x4x8x128xf32, #tpu.memory_space<hbm>> -> memref<1x1x1x1x1x128xf32, #tpu.memory_space<hbm>>
      %dma_start3A_611 = tpu.memref_squeeze %dma_start3A_610 : memref<1x1x1x1x1x128xf32, #tpu.memory_space<hbm>> -> memref<128xf32, #tpu.memory_space<hbm>>
      %dma_start3A_612 = arith.constant 0 : i32
      %dma_start3A_613 = tpu.memref_slice %arg4[%select_n3A_251, %select_n3A_291, %select_n3A_591, %select_n3A_607, %select_n3A_307, %dma_start3A_612] : memref<8x2x32x4x8x128xf32, #tpu.memory_space<hbm>> -> memref<1x1x1x1x1x128xf32, #tpu.memory_space<hbm>>
      %dma_start3A_614 = tpu.memref_squeeze %dma_start3A_613 : memref<1x1x1x1x1x128xf32, #tpu.memory_space<hbm>> -> memref<128xf32, #tpu.memory_space<hbm>>
      %dma_start3A_615 = tpu.memref_slice %arg7[%mul3A_567] : memref<8192xf32, #tpu.memory_space<vmem>> -> memref<128xf32, #tpu.memory_space<vmem>>
      tpu.enqueue_dma source(%dma_start3A_615 : memref<128xf32, #tpu.memory_space<vmem>>) target(%dma_start3A_614 : memref<128xf32, #tpu.memory_space<hbm>>) target_semaphore(%arg8 : memref<!tpu.dma_semaphore, #tpu.memory_space<semaphore_mem>>)
      %scan3A_616 = arith.constant 1 : i32
      %scan3A_617 = arith.addi %scan3A_476, %scan3A_616 : i32
      %add3A_618 = arith.constant 0 : i32
      %add3A_619 = arith.addi %add3A_618, %scan3A_617 : i32
      %mul3A_620 = arith.constant 128 : i32
      %mul3A_621 = arith.muli %add3A_619, %mul3A_620 : i32
      %add3A_622 = arith.constant 0 : i32
      %add3A_623 = arith.addi %mul3A_621, %add3A_622 : i32
      %get3A_624 = arith.index_cast %add3A_623 : i32 to index
      %get3A_625 = tpu.vector_load %arg5[%get3A_624] {strides = array<i32>} : memref<16384xi32, #tpu.memory_space<vmem>>, vector<16xi32>,
      %gather3A_626 = tpu.vector_load_idx %arg6[%get3A_625] : memref<100000xf32, #tpu.memory_space<vmem>>[vector<16xi32>], vector<16xf32>,
      %mul3A_627 = arith.constant 128 : i32
      %mul3A_628 = arith.muli %scan3A_617, %mul3A_627 : i32
      %add3A_629 = arith.constant 0 : i32
      %add3A_630 = arith.addi %mul3A_628, %add3A_629 : i32
      %swap3A_631 = arith.index_cast %add3A_630 : i32 to index
      %swap3A_632 = tpu.vector_load %arg7[%swap3A_631] {strides = array<i32>} : memref<8192xf32, #tpu.memory_space<vmem>>, vector<16xf32>,
      tpu.vector_store %arg7[%swap3A_631], %gather3A_626 {strides = array<i32>} : memref<8192xf32, #tpu.memory_space<vmem>>, vector<16xf32>,
      %add3A_633 = arith.constant 16 : i32
      %add3A_634 = arith.addi %mul3A_621, %add3A_633 : i32
      %get3A_635 = arith.index_cast %add3A_634 : i32 to index
      %get3A_636 = tpu.vector_load %arg5[%get3A_635] {strides = array<i32>} : memref<16384xi32, #tpu.memory_space<vmem>>, vector<16xi32>,
      %gather3A_637 = tpu.vector_load_idx %arg6[%get3A_636] : memref<100000xf32, #tpu.memory_space<vmem>>[vector<16xi32>], vector<16xf32>,
      %mul3A_638 = arith.constant 128 : i32
      %mul3A_639 = arith.muli %scan3A_617, %mul3A_638 : i32
      %add3A_640 = arith.constant 16 : i32
      %add3A_641 = arith.addi %mul3A_639, %add3A_640 : i32
      %swap3A_642 = arith.index_cast %add3A_641 : i32 to index
      %swap3A_643 = tpu.vector_load %arg7[%swap3A_642] {strides = array<i32>} : memref<8192xf32, #tpu.memory_space<vmem>>, vector<16xf32>,
      tpu.vector_store %arg7[%swap3A_642], %gather3A_637 {strides = array<i32>} : memref<8192xf32, #tpu.memory_space<vmem>>, vector<16xf32>,
      %add3A_644 = arith.constant 32 : i32
      %add3A_645 = arith.addi %mul3A_621, %add3A_644 : i32
      %get3A_646 = arith.index_cast %add3A_645 : i32 to index
      %get3A_647 = tpu.vector_load %arg5[%get3A_646] {strides = array<i32>} : memref<16384xi32, #tpu.memory_space<vmem>>, vector<16xi32>,
      %gather3A_648 = tpu.vector_load_idx %arg6[%get3A_647] : memref<100000xf32, #tpu.memory_space<vmem>>[vector<16xi32>], vector<16xf32>,
      %mul3A_649 = arith.constant 128 : i32
      %mul3A_650 = arith.muli %scan3A_617, %mul3A_649 : i32
      %add3A_651 = arith.constant 32 : i32
      %add3A_652 = arith.addi %mul3A_650, %add3A_651 : i32
      %swap3A_653 = arith.index_cast %add3A_652 : i32 to index
      %swap3A_654 = tpu.vector_load %arg7[%swap3A_653] {strides = array<i32>} : memref<8192xf32, #tpu.memory_space<vmem>>, vector<16xf32>,
      tpu.vector_store %arg7[%swap3A_653], %gather3A_648 {strides = array<i32>} : memref<8192xf32, #tpu.memory_space<vmem>>, vector<16xf32>,
      %add3A_655 = arith.constant 48 : i32
      %add3A_656 = arith.addi %mul3A_621, %add3A_655 : i32
      %get3A_657 = arith.index_cast %add3A_656 : i32 to index
      %get3A_658 = tpu.vector_load %arg5[%get3A_657] {strides = array<i32>} : memref<16384xi32, #tpu.memory_space<vmem>>, vector<16xi32>,
      %gather3A_659 = tpu.vector_load_idx %arg6[%get3A_658] : memref<100000xf32, #tpu.memory_space<vmem>>[vector<16xi32>], vector<16xf32>,
      %mul3A_660 = arith.constant 128 : i32
      %mul3A_661 = arith.muli %scan3A_617, %mul3A_660 : i32
      %add3A_662 = arith.constant 48 : i32
      %add3A_663 = arith.addi %mul3A_661, %add3A_662 : i32
      %swap3A_664 = arith.index_cast %add3A_663 : i32 to index
      %swap3A_665 = tpu.vector_load %arg7[%swap3A_664] {strides = array<i32>} : memref<8192xf32, #tpu.memory_space<vmem>>, vector<16xf32>,
      tpu.vector_store %arg7[%swap3A_664], %gather3A_659 {strides = array<i32>} : memref<8192xf32, #tpu.memory_space<vmem>>, vector<16xf32>,
      %add3A_666 = arith.constant 64 : i32
      %add3A_667 = arith.addi %mul3A_621, %add3A_666 : i32
      %get3A_668 = arith.index_cast %add3A_667 : i32 to index
      %get3A_669 = tpu.vector_load %arg5[%get3A_668] {strides = array<i32>} : memref<16384xi32, #tpu.memory_space<vmem>>, vector<16xi32>,
      %gather3A_670 = tpu.vector_load_idx %arg6[%get3A_669] : memref<100000xf32, #tpu.memory_space<vmem>>[vector<16xi32>], vector<16xf32>,
      %mul3A_671 = arith.constant 128 : i32
      %mul3A_672 = arith.muli %scan3A_617, %mul3A_671 : i32
      %add3A_673 = arith.constant 64 : i32
      %add3A_674 = arith.addi %mul3A_672, %add3A_673 : i32
      %swap3A_675 = arith.index_cast %add3A_674 : i32 to index
      %swap3A_676 = tpu.vector_load %arg7[%swap3A_675] {strides = array<i32>} : memref<8192xf32, #tpu.memory_space<vmem>>, vector<16xf32>,
      tpu.vector_store %arg7[%swap3A_675], %gather3A_670 {strides = array<i32>} : memref<8192xf32, #tpu.memory_space<vmem>>, vector<16xf32>,
      %add3A_677 = arith.constant 80 : i32
      %add3A_678 = arith.addi %mul3A_621, %add3A_677 : i32
      %get3A_679 = arith.index_cast %add3A_678 : i32 to index
      %get3A_680 = tpu.vector_load %arg5[%get3A_679] {strides = array<i32>} : memref<16384xi32, #tpu.memory_space<vmem>>, vector<16xi32>,
      %gather3A_681 = tpu.vector_load_idx %arg6[%get3A_680] : memref<100000xf32, #tpu.memory_space<vmem>>[vector<16xi32>], vector<16xf32>,
      %mul3A_682 = arith.constant 128 : i32
      %mul3A_683 = arith.muli %scan3A_617, %mul3A_682 : i32
      %add3A_684 = arith.constant 80 : i32
      %add3A_685 = arith.addi %mul3A_683, %add3A_684 : i32
      %swap3A_686 = arith.index_cast %add3A_685 : i32 to index
      %swap3A_687 = tpu.vector_load %arg7[%swap3A_686] {strides = array<i32>} : memref<8192xf32, #tpu.memory_space<vmem>>, vector<16xf32>,
      tpu.vector_store %arg7[%swap3A_686], %gather3A_681 {strides = array<i32>} : memref<8192xf32, #tpu.memory_space<vmem>>, vector<16xf32>,
      %add3A_688 = arith.constant 96 : i32
      %add3A_689 = arith.addi %mul3A_621, %add3A_688 : i32
      %get3A_690 = arith.index_cast %add3A_689 : i32 to index
      %get3A_691 = tpu.vector_load %arg5[%get3A_690] {strides = array<i32>} : memref<16384xi32, #tpu.memory_space<vmem>>, vector<16xi32>,
      %gather3A_692 = tpu.vector_load_idx %arg6[%get3A_691] : memref<100000xf32, #tpu.memory_space<vmem>>[vector<16xi32>], vector<16xf32>,
      %mul3A_693 = arith.constant 128 : i32
      %mul3A_694 = arith.muli %scan3A_617, %mul3A_693 : i32
      %add3A_695 = arith.constant 96 : i32
      %add3A_696 = arith.addi %mul3A_694, %add3A_695 : i32
      %swap3A_697 = arith.index_cast %add3A_696 : i32 to index
      %swap3A_698 = tpu.vector_load %arg7[%swap3A_697] {strides = array<i32>} : memref<8192xf32, #tpu.memory_space<vmem>>, vector<16xf32>,
      tpu.vector_store %arg7[%swap3A_697], %gather3A_692 {strides = array<i32>} : memref<8192xf32, #tpu.memory_space<vmem>>, vector<16xf32>,
      %add3A_699 = arith.constant 112 : i32
      %add3A_700 = arith.addi %mul3A_621, %add3A_699 : i32
      %get3A_701 = arith.index_cast %add3A_700 : i32 to index
      %get3A_702 = tpu.vector_load %arg5[%get3A_701] {strides = array<i32>} : memref<16384xi32, #tpu.memory_space<vmem>>, vector<16xi32>,
      %gather3A_703 = tpu.vector_load_idx %arg6[%get3A_702] : memref<100000xf32, #tpu.memory_space<vmem>>[vector<16xi32>], vector<16xf32>,
      %mul3A_704 = arith.constant 128 : i32
      %mul3A_705 = arith.muli %scan3A_617, %mul3A_704 : i32
      %add3A_706 = arith.constant 112 : i32
      %add3A_707 = arith.addi %mul3A_705, %add3A_706 : i32
      %swap3A_708 = arith.index_cast %add3A_707 : i32 to index
      %swap3A_709 = tpu.vector_load %arg7[%swap3A_708] {strides = array<i32>} : memref<8192xf32, #tpu.memory_space<vmem>>, vector<16xf32>,
      tpu.vector_store %arg7[%swap3A_708], %gather3A_703 {strides = array<i32>} : memref<8192xf32, #tpu.memory_space<vmem>>, vector<16xf32>,
      %mul3A_710 = arith.constant 128 : i32
      %mul3A_711 = arith.muli %scan3A_617, %mul3A_710 : i32
      %jit3A_712 = arith.constant 4 : i32
      %div3A_713 = arith.divsi %add3A_619, %jit3A_712 : i32
      %sign3A_714 = arith.constant 0 : i32
      %sign3A_715 = arith.cmpi sgt, %add3A_619, %sign3A_714 : i32
      %sign3A_716 = arith.extui %sign3A_715 : i1 to i32
      %sign3A_717 = arith.constant 0 : i32
      %sign3A_718 = arith.cmpi slt, %add3A_619, %sign3A_717 : i32
      %sign3A_719 = arith.extui %sign3A_718 : i1 to i32
      %sign3A_720 = arith.subi %sign3A_716, %sign3A_719 : i32
      %sign3A_721 = arith.constant 0 : i32
      %sign3A_722 = arith.cmpi sgt, %jit3A_712, %sign3A_721 : i32
      %sign3A_723 = arith.extui %sign3A_722 : i1 to i32
      %sign3A_724 = arith.constant 0 : i32
      %sign3A_725 = arith.cmpi slt, %jit3A_712, %sign3A_724 : i32
      %sign3A_726 = arith.extui %sign3A_725 : i1 to i32
      %sign3A_727 = arith.subi %sign3A_723, %sign3A_726 : i32
      %ne3A_728 = arith.cmpi ne, %sign3A_720, %sign3A_727 : i32
      %rem3A_729 = arith.remsi %add3A_619, %jit3A_712 : i32
      %ne3A_730 = arith.constant 0 : i32
      %ne3A_731 = arith.cmpi ne, %rem3A_729, %ne3A_730 : i32
      %and3A_732 = arith.andi %ne3A_728, %ne3A_731 : i1
      %sub3A_733 = arith.constant 1 : i32
      %sub3A_734 = arith.subi %div3A_713, %sub3A_733 : i32
      %select_n3A_735 = arith.select %and3A_732, %sub3A_734, %div3A_713 : i32
      %jit3A_736 = arith.constant 4 : i32
      %eq3A_737 = arith.constant 0 : i32
      %eq3A_738 = arith.cmpi eq, %jit3A_736, %eq3A_737 : i32
      %jit3A_739 = arith.constant 1 : i32
      %select_n3A_740 = arith.select %eq3A_738, %jit3A_739, %jit3A_736 : i32
      %rem3A_741 = arith.remsi %add3A_619, %select_n3A_740 : i32
      %ne3A_742 = arith.constant 0 : i32
      %ne3A_743 = arith.cmpi ne, %rem3A_741, %ne3A_742 : i32
      %lt3A_744 = arith.constant 0 : i32
      %lt3A_745 = arith.cmpi slt, %rem3A_741, %lt3A_744 : i32
      %lt3A_746 = arith.constant 0 : i32
      %lt3A_747 = arith.cmpi slt, %select_n3A_740, %lt3A_746 : i32
      %ne3A_748 = arith.xori %lt3A_745, %lt3A_747 : i1
      %and3A_749 = arith.andi %ne3A_748, %ne3A_743 : i1
      %add3A_750 = arith.addi %rem3A_741, %select_n3A_740 : i32
      %select_n3A_751 = arith.select %and3A_749, %add3A_750, %rem3A_741 : i32
      %dma_start3A_752 = tpu.memref_slice %arg7[%mul3A_711] : memref<8192xf32, #tpu.memory_space<vmem>> -> memref<128xf32, #tpu.memory_space<vmem>>
      %dma_start3A_753 = arith.constant 0 : i32
      %dma_start3A_754 = tpu.memref_slice %arg4[%select_n3A_251, %select_n3A_291, %select_n3A_735, %select_n3A_751, %select_n3A_307, %dma_start3A_753] : memref<8x2x32x4x8x128xf32, #tpu.memory_space<hbm>> -> memref<1x1x1x1x1x128xf32, #tpu.memory_space<hbm>>
      %dma_start3A_755 = tpu.memref_squeeze %dma_start3A_754 : memref<1x1x1x1x1x128xf32, #tpu.memory_space<hbm>> -> memref<128xf32, #tpu.memory_space<hbm>>
      %dma_start3A_756 = arith.constant 0 : i32
      %dma_start3A_757 = tpu.memref_slice %arg4[%select_n3A_251, %select_n3A_291, %select_n3A_735, %select_n3A_751, %select_n3A_307, %dma_start3A_756] : memref<8x2x32x4x8x128xf32, #tpu.memory_space<hbm>> -> memref<1x1x1x1x1x128xf32, #tpu.memory_space<hbm>>
      %dma_start3A_758 = tpu.memref_squeeze %dma_start3A_757 : memref<1x1x1x1x1x128xf32, #tpu.memory_space<hbm>> -> memref<128xf32, #tpu.memory_space<hbm>>
      %dma_start3A_759 = tpu.memref_slice %arg7[%mul3A_711] : memref<8192xf32, #tpu.memory_space<vmem>> -> memref<128xf32, #tpu.memory_space<vmem>>
      tpu.enqueue_dma source(%dma_start3A_759 : memref<128xf32, #tpu.memory_space<vmem>>) target(%dma_start3A_758 : memref<128xf32, #tpu.memory_space<hbm>>) target_semaphore(%arg8 : memref<!tpu.dma_semaphore, #tpu.memory_space<semaphore_mem>>)
      %scan3A_760 = arith.constant 2 : i32
      %scan3A_761 = arith.addi %scan3A_476, %scan3A_760 : i32
      %add3A_762 = arith.constant 0 : i32
      %add3A_763 = arith.addi %add3A_762, %scan3A_761 : i32
      %mul3A_764 = arith.constant 128 : i32
      %mul3A_765 = arith.muli %add3A_763, %mul3A_764 : i32
      %add3A_766 = arith.constant 0 : i32
      %add3A_767 = arith.addi %mul3A_765, %add3A_766 : i32
      %get3A_768 = arith.index_cast %add3A_767 : i32 to index
      %get3A_769 = tpu.vector_load %arg5[%get3A_768] {strides = array<i32>} : memref<16384xi32, #tpu.memory_space<vmem>>, vector<16xi32>,
      %gather3A_770 = tpu.vector_load_idx %arg6[%get3A_769] : memref<100000xf32, #tpu.memory_space<vmem>>[vector<16xi32>], vector<16xf32>,
      %mul3A_771 = arith.constant 128 : i32
      %mul3A_772 = arith.muli %scan3A_761, %mul3A_771 : i32
      %add3A_773 = arith.constant 0 : i32
      %add3A_774 = arith.addi %mul3A_772, %add3A_773 : i32
      %swap3A_775 = arith.index_cast %add3A_774 : i32 to index
      %swap3A_776 = tpu.vector_load %arg7[%swap3A_775] {strides = array<i32>} : memref<8192xf32, #tpu.memory_space<vmem>>, vector<16xf32>,
      tpu.vector_store %arg7[%swap3A_775], %gather3A_770 {strides = array<i32>} : memref<8192xf32, #tpu.memory_space<vmem>>, vector<16xf32>,
      %add3A_777 = arith.constant 16 : i32
      %add3A_778 = arith.addi %mul3A_765, %add3A_777 : i32
      %get3A_779 = arith.index_cast %add3A_778 : i32 to index
      %get3A_780 = tpu.vector_load %arg5[%get3A_779] {strides = array<i32>} : memref<16384xi32, #tpu.memory_space<vmem>>, vector<16xi32>,
      %gather3A_781 = tpu.vector_load_idx %arg6[%get3A_780] : memref<100000xf32, #tpu.memory_space<vmem>>[vector<16xi32>], vector<16xf32>,
      %mul3A_782 = arith.constant 128 : i32
      %mul3A_783 = arith.muli %scan3A_761, %mul3A_782 : i32
      %add3A_784 = arith.constant 16 : i32
      %add3A_785 = arith.addi %mul3A_783, %add3A_784 : i32
      %swap3A_786 = arith.index_cast %add3A_785 : i32 to index
      %swap3A_787 = tpu.vector_load %arg7[%swap3A_786] {strides = array<i32>} : memref<8192xf32, #tpu.memory_space<vmem>>, vector<16xf32>,
      tpu.vector_store %arg7[%swap3A_786], %gather3A_781 {strides = array<i32>} : memref<8192xf32, #tpu.memory_space<vmem>>, vector<16xf32>,
      %add3A_788 = arith.constant 32 : i32
      %add3A_789 = arith.addi %mul3A_765, %add3A_788 : i32
      %get3A_790 = arith.index_cast %add3A_789 : i32 to index
      %get3A_791 = tpu.vector_load %arg5[%get3A_790] {strides = array<i32>} : memref<16384xi32, #tpu.memory_space<vmem>>, vector<16xi32>,
      %gather3A_792 = tpu.vector_load_idx %arg6[%get3A_791] : memref<100000xf32, #tpu.memory_space<vmem>>[vector<16xi32>], vector<16xf32>,
      %mul3A_793 = arith.constant 128 : i32
      %mul3A_794 = arith.muli %scan3A_761, %mul3A_793 : i32
      %add3A_795 = arith.constant 32 : i32
      %add3A_796 = arith.addi %mul3A_794, %add3A_795 : i32
      %swap3A_797 = arith.index_cast %add3A_796 : i32 to index
      %swap3A_798 = tpu.vector_load %arg7[%swap3A_797] {strides = array<i32>} : memref<8192xf32, #tpu.memory_space<vmem>>, vector<16xf32>,
      tpu.vector_store %arg7[%swap3A_797], %gather3A_792 {strides = array<i32>} : memref<8192xf32, #tpu.memory_space<vmem>>, vector<16xf32>,
      %add3A_799 = arith.constant 48 : i32
      %add3A_800 = arith.addi %mul3A_765, %add3A_799 : i32
      %get3A_801 = arith.index_cast %add3A_800 : i32 to index
      %get3A_802 = tpu.vector_load %arg5[%get3A_801] {strides = array<i32>} : memref<16384xi32, #tpu.memory_space<vmem>>, vector<16xi32>,
      %gather3A_803 = tpu.vector_load_idx %arg6[%get3A_802] : memref<100000xf32, #tpu.memory_space<vmem>>[vector<16xi32>], vector<16xf32>,
      %mul3A_804 = arith.constant 128 : i32
      %mul3A_805 = arith.muli %scan3A_761, %mul3A_804 : i32
      %add3A_806 = arith.constant 48 : i32
      %add3A_807 = arith.addi %mul3A_805, %add3A_806 : i32
      %swap3A_808 = arith.index_cast %add3A_807 : i32 to index
      %swap3A_809 = tpu.vector_load %arg7[%swap3A_808] {strides = array<i32>} : memref<8192xf32, #tpu.memory_space<vmem>>, vector<16xf32>,
      tpu.vector_store %arg7[%swap3A_808], %gather3A_803 {strides = array<i32>} : memref<8192xf32, #tpu.memory_space<vmem>>, vector<16xf32>,
      %add3A_810 = arith.constant 64 : i32
      %add3A_811 = arith.addi %mul3A_765, %add3A_810 : i32
      %get3A_812 = arith.index_cast %add3A_811 : i32 to index
      %get3A_813 = tpu.vector_load %arg5[%get3A_812] {strides = array<i32>} : memref<16384xi32, #tpu.memory_space<vmem>>, vector<16xi32>,
      %gather3A_814 = tpu.vector_load_idx %arg6[%get3A_813] : memref<100000xf32, #tpu.memory_space<vmem>>[vector<16xi32>], vector<16xf32>,
      %mul3A_815 = arith.constant 128 : i32
      %mul3A_816 = arith.muli %scan3A_761, %mul3A_815 : i32
      %add3A_817 = arith.constant 64 : i32
      %add3A_818 = arith.addi %mul3A_816, %add3A_817 : i32
      %swap3A_819 = arith.index_cast %add3A_818 : i32 to index
      %swap3A_820 = tpu.vector_load %arg7[%swap3A_819] {strides = array<i32>} : memref<8192xf32, #tpu.memory_space<vmem>>, vector<16xf32>,
      tpu.vector_store %arg7[%swap3A_819], %gather3A_814 {strides = array<i32>} : memref<8192xf32, #tpu.memory_space<vmem>>, vector<16xf32>,
      %add3A_821 = arith.constant 80 : i32
      %add3A_822 = arith.addi %mul3A_765, %add3A_821 : i32
      %get3A_823 = arith.index_cast %add3A_822 : i32 to index
      %get3A_824 = tpu.vector_load %arg5[%get3A_823] {strides = array<i32>} : memref<16384xi32, #tpu.memory_space<vmem>>, vector<16xi32>,
      %gather3A_825 = tpu.vector_load_idx %arg6[%get3A_824] : memref<100000xf32, #tpu.memory_space<vmem>>[vector<16xi32>], vector<16xf32>,
      %mul3A_826 = arith.constant 128 : i32
      %mul3A_827 = arith.muli %scan3A_761, %mul3A_826 : i32
      %add3A_828 = arith.constant 80 : i32
      %add3A_829 = arith.addi %mul3A_827, %add3A_828 : i32
      %swap3A_830 = arith.index_cast %add3A_829 : i32 to index
      %swap3A_831 = tpu.vector_load %arg7[%swap3A_830] {strides = array<i32>} : memref<8192xf32, #tpu.memory_space<vmem>>, vector<16xf32>,
      tpu.vector_store %arg7[%swap3A_830], %gather3A_825 {strides = array<i32>} : memref<8192xf32, #tpu.memory_space<vmem>>, vector<16xf32>,
      %add3A_832 = arith.constant 96 : i32
      %add3A_833 = arith.addi %mul3A_765, %add3A_832 : i32
      %get3A_834 = arith.index_cast %add3A_833 : i32 to index
      %get3A_835 = tpu.vector_load %arg5[%get3A_834] {strides = array<i32>} : memref<16384xi32, #tpu.memory_space<vmem>>, vector<16xi32>,
      %gather3A_836 = tpu.vector_load_idx %arg6[%get3A_835] : memref<100000xf32, #tpu.memory_space<vmem>>[vector<16xi32>], vector<16xf32>,
      %mul3A_837 = arith.constant 128 : i32
      %mul3A_838 = arith.muli %scan3A_761, %mul3A_837 : i32
      %add3A_839 = arith.constant 96 : i32
      %add3A_840 = arith.addi %mul3A_838, %add3A_839 : i32
      %swap3A_841 = arith.index_cast %add3A_840 : i32 to index
      %swap3A_842 = tpu.vector_load %arg7[%swap3A_841] {strides = array<i32>} : memref<8192xf32, #tpu.memory_space<vmem>>, vector<16xf32>,
      tpu.vector_store %arg7[%swap3A_841], %gather3A_836 {strides = array<i32>} : memref<8192xf32, #tpu.memory_space<vmem>>, vector<16xf32>,
      %add3A_843 = arith.constant 112 : i32
      %add3A_844 = arith.addi %mul3A_765, %add3A_843 : i32
      %get3A_845 = arith.index_cast %add3A_844 : i32 to index
      %get3A_846 = tpu.vector_load %arg5[%get3A_845] {strides = array<i32>} : memref<16384xi32, #tpu.memory_space<vmem>>, vector<16xi32>,
      %gather3A_847 = tpu.vector_load_idx %arg6[%get3A_846] : memref<100000xf32, #tpu.memory_space<vmem>>[vector<16xi32>], vector<16xf32>,
      %mul3A_848 = arith.constant 128 : i32
      %mul3A_849 = arith.muli %scan3A_761, %mul3A_848 : i32
      %add3A_850 = arith.constant 112 : i32
      %add3A_851 = arith.addi %mul3A_849, %add3A_850 : i32
      %swap3A_852 = arith.index_cast %add3A_851 : i32 to index
      %swap3A_853 = tpu.vector_load %arg7[%swap3A_852] {strides = array<i32>} : memref<8192xf32, #tpu.memory_space<vmem>>, vector<16xf32>,
      tpu.vector_store %arg7[%swap3A_852], %gather3A_847 {strides = array<i32>} : memref<8192xf32, #tpu.memory_space<vmem>>, vector<16xf32>,
      %mul3A_854 = arith.constant 128 : i32
      %mul3A_855 = arith.muli %scan3A_761, %mul3A_854 : i32
      %jit3A_856 = arith.constant 4 : i32
      %div3A_857 = arith.divsi %add3A_763, %jit3A_856 : i32
      %sign3A_858 = arith.constant 0 : i32
      %sign3A_859 = arith.cmpi sgt, %add3A_763, %sign3A_858 : i32
      %sign3A_860 = arith.extui %sign3A_859 : i1 to i32
      %sign3A_861 = arith.constant 0 : i32
      %sign3A_862 = arith.cmpi slt, %add3A_763, %sign3A_861 : i32
      %sign3A_863 = arith.extui %sign3A_862 : i1 to i32
      %sign3A_864 = arith.subi %sign3A_860, %sign3A_863 : i32
      %sign3A_865 = arith.constant 0 : i32
      %sign3A_866 = arith.cmpi sgt, %jit3A_856, %sign3A_865 : i32
      %sign3A_867 = arith.extui %sign3A_866 : i1 to i32
      %sign3A_868 = arith.constant 0 : i32
      %sign3A_869 = arith.cmpi slt, %jit3A_856, %sign3A_868 : i32
      %sign3A_870 = arith.extui %sign3A_869 : i1 to i32
      %sign3A_871 = arith.subi %sign3A_867, %sign3A_870 : i32
      %ne3A_872 = arith.cmpi ne, %sign3A_864, %sign3A_871 : i32
      %rem3A_873 = arith.remsi %add3A_763, %jit3A_856 : i32
      %ne3A_874 = arith.constant 0 : i32
      %ne3A_875 = arith.cmpi ne, %rem3A_873, %ne3A_874 : i32
      %and3A_876 = arith.andi %ne3A_872, %ne3A_875 : i1
      %sub3A_877 = arith.constant 1 : i32
      %sub3A_878 = arith.subi %div3A_857, %sub3A_877 : i32
      %select_n3A_879 = arith.select %and3A_876, %sub3A_878, %div3A_857 : i32
      %jit3A_880 = arith.constant 4 : i32
      %eq3A_881 = arith.constant 0 : i32
      %eq3A_882 = arith.cmpi eq, %jit3A_880, %eq3A_881 : i32
      %jit3A_883 = arith.constant 1 : i32
      %select_n3A_884 = arith.select %eq3A_882, %jit3A_883, %jit3A_880 : i32
      %rem3A_885 = arith.remsi %add3A_763, %select_n3A_884 : i32
      %ne3A_886 = arith.constant 0 : i32
      %ne3A_887 = arith.cmpi ne, %rem3A_885, %ne3A_886 : i32
      %lt3A_888 = arith.constant 0 : i32
      %lt3A_889 = arith.cmpi slt, %rem3A_885, %lt3A_888 : i32
      %lt3A_890 = arith.constant 0 : i32
      %lt3A_891 = arith.cmpi slt, %select_n3A_884, %lt3A_890 : i32
      %ne3A_892 = arith.xori %lt3A_889, %lt3A_891 : i1
      %and3A_893 = arith.andi %ne3A_892, %ne3A_887 : i1
      %add3A_894 = arith.addi %rem3A_885, %select_n3A_884 : i32
      %select_n3A_895 = arith.select %and3A_893, %add3A_894, %rem3A_885 : i32
      %dma_start3A_896 = tpu.memref_slice %arg7[%mul3A_855] : memref<8192xf32, #tpu.memory_space<vmem>> -> memref<128xf32, #tpu.memory_space<vmem>>
      %dma_start3A_897 = arith.constant 0 : i32
      %dma_start3A_898 = tpu.memref_slice %arg4[%select_n3A_251, %select_n3A_291, %select_n3A_879, %select_n3A_895, %select_n3A_307, %dma_start3A_897] : memref<8x2x32x4x8x128xf32, #tpu.memory_space<hbm>> -> memref<1x1x1x1x1x128xf32, #tpu.memory_space<hbm>>
      %dma_start3A_899 = tpu.memref_squeeze %dma_start3A_898 : memref<1x1x1x1x1x128xf32, #tpu.memory_space<hbm>> -> memref<128xf32, #tpu.memory_space<hbm>>
      %dma_start3A_900 = arith.constant 0 : i32
      %dma_start3A_901 = tpu.memref_slice %arg4[%select_n3A_251, %select_n3A_291, %select_n3A_879, %select_n3A_895, %select_n3A_307, %dma_start3A_900] : memref<8x2x32x4x8x128xf32, #tpu.memory_space<hbm>> -> memref<1x1x1x1x1x128xf32, #tpu.memory_space<hbm>>
      %dma_start3A_902 = tpu.memref_squeeze %dma_start3A_901 : memref<1x1x1x1x1x128xf32, #tpu.memory_space<hbm>> -> memref<128xf32, #tpu.memory_space<hbm>>
      %dma_start3A_903 = tpu.memref_slice %arg7[%mul3A_855] : memref<8192xf32, #tpu.memory_space<vmem>> -> memref<128xf32, #tpu.memory_space<vmem>>
      tpu.enqueue_dma source(%dma_start3A_903 : memref<128xf32, #tpu.memory_space<vmem>>) target(%dma_start3A_902 : memref<128xf32, #tpu.memory_space<hbm>>) target_semaphore(%arg8 : memref<!tpu.dma_semaphore, #tpu.memory_space<semaphore_mem>>)
      %scan3A_904 = arith.constant 3 : i32
      %scan3A_905 = arith.addi %scan3A_476, %scan3A_904 : i32
      %add3A_906 = arith.constant 0 : i32
      %add3A_907 = arith.addi %add3A_906, %scan3A_905 : i32
      %mul3A_908 = arith.constant 128 : i32
      %mul3A_909 = arith.muli %add3A_907, %mul3A_908 : i32
      %add3A_910 = arith.constant 0 : i32
      %add3A_911 = arith.addi %mul3A_909, %add3A_910 : i32
      %get3A_912 = arith.index_cast %add3A_911 : i32 to index
      %get3A_913 = tpu.vector_load %arg5[%get3A_912] {strides = array<i32>} : memref<16384xi32, #tpu.memory_space<vmem>>, vector<16xi32>,
      %gather3A_914 = tpu.vector_load_idx %arg6[%get3A_913] : memref<100000xf32, #tpu.memory_space<vmem>>[vector<16xi32>], vector<16xf32>,
      %mul3A_915 = arith.constant 128 : i32
      %mul3A_916 = arith.muli %scan3A_905, %mul3A_915 : i32
      %add3A_917 = arith.constant 0 : i32
      %add3A_918 = arith.addi %mul3A_916, %add3A_917 : i32
      %swap3A_919 = arith.index_cast %add3A_918 : i32 to index
      %swap3A_920 = tpu.vector_load %arg7[%swap3A_919] {strides = array<i32>} : memref<8192xf32, #tpu.memory_space<vmem>>, vector<16xf32>,
      tpu.vector_store %arg7[%swap3A_919], %gather3A_914 {strides = array<i32>} : memref<8192xf32, #tpu.memory_space<vmem>>, vector<16xf32>,
      %add3A_921 = arith.constant 16 : i32
      %add3A_922 = arith.addi %mul3A_909, %add3A_921 : i32
      %get3A_923 = arith.index_cast %add3A_922 : i32 to index
      %get3A_924 = tpu.vector_load %arg5[%get3A_923] {strides = array<i32>} : memref<16384xi32, #tpu.memory_space<vmem>>, vector<16xi32>,
      %gather3A_925 = tpu.vector_load_idx %arg6[%get3A_924] : memref<100000xf32, #tpu.memory_space<vmem>>[vector<16xi32>], vector<16xf32>,
      %mul3A_926 = arith.constant 128 : i32
      %mul3A_927 = arith.muli %scan3A_905, %mul3A_926 : i32
      %add3A_928 = arith.constant 16 : i32
      %add3A_929 = arith.addi %mul3A_927, %add3A_928 : i32
      %swap3A_930 = arith.index_cast %add3A_929 : i32 to index
      %swap3A_931 = tpu.vector_load %arg7[%swap3A_930] {strides = array<i32>} : memref<8192xf32, #tpu.memory_space<vmem>>, vector<16xf32>,
      tpu.vector_store %arg7[%swap3A_930], %gather3A_925 {strides = array<i32>} : memref<8192xf32, #tpu.memory_space<vmem>>, vector<16xf32>,
      %add3A_932 = arith.constant 32 : i32
      %add3A_933 = arith.addi %mul3A_909, %add3A_932 : i32
      %get3A_934 = arith.index_cast %add3A_933 : i32 to index
      %get3A_935 = tpu.vector_load %arg5[%get3A_934] {strides = array<i32>} : memref<16384xi32, #tpu.memory_space<vmem>>, vector<16xi32>,
      %gather3A_936 = tpu.vector_load_idx %arg6[%get3A_935] : memref<100000xf32, #tpu.memory_space<vmem>>[vector<16xi32>], vector<16xf32>,
      %mul3A_937 = arith.constant 128 : i32
      %mul3A_938 = arith.muli %scan3A_905, %mul3A_937 : i32
      %add3A_939 = arith.constant 32 : i32
      %add3A_940 = arith.addi %mul3A_938, %add3A_939 : i32
      %swap3A_941 = arith.index_cast %add3A_940 : i32 to index
      %swap3A_942 = tpu.vector_load %arg7[%swap3A_941] {strides = array<i32>} : memref<8192xf32, #tpu.memory_space<vmem>>, vector<16xf32>,
      tpu.vector_store %arg7[%swap3A_941], %gather3A_936 {strides = array<i32>} : memref<8192xf32, #tpu.memory_space<vmem>>, vector<16xf32>,
      %add3A_943 = arith.constant 48 : i32
      %add3A_944 = arith.addi %mul3A_909, %add3A_943 : i32
      %get3A_945 = arith.index_cast %add3A_944 : i32 to index
      %get3A_946 = tpu.vector_load %arg5[%get3A_945] {strides = array<i32>} : memref<16384xi32, #tpu.memory_space<vmem>>, vector<16xi32>,
      %gather3A_947 = tpu.vector_load_idx %arg6[%get3A_946] : memref<100000xf32, #tpu.memory_space<vmem>>[vector<16xi32>], vector<16xf32>,
      %mul3A_948 = arith.constant 128 : i32
      %mul3A_949 = arith.muli %scan3A_905, %mul3A_948 : i32
      %add3A_950 = arith.constant 48 : i32
      %add3A_951 = arith.addi %mul3A_949, %add3A_950 : i32
      %swap3A_952 = arith.index_cast %add3A_951 : i32 to index
      %swap3A_953 = tpu.vector_load %arg7[%swap3A_952] {strides = array<i32>} : memref<8192xf32, #tpu.memory_space<vmem>>, vector<16xf32>,
      tpu.vector_store %arg7[%swap3A_952], %gather3A_947 {strides = array<i32>} : memref<8192xf32, #tpu.memory_space<vmem>>, vector<16xf32>,
      %add3A_954 = arith.constant 64 : i32
      %add3A_955 = arith.addi %mul3A_909, %add3A_954 : i32
      %get3A_956 = arith.index_cast %add3A_955 : i32 to index
      %get3A_957 = tpu.vector_load %arg5[%get3A_956] {strides = array<i32>} : memref<16384xi32, #tpu.memory_space<vmem>>, vector<16xi32>,
      %gather3A_958 = tpu.vector_load_idx %arg6[%get3A_957] : memref<100000xf32, #tpu.memory_space<vmem>>[vector<16xi32>], vector<16xf32>,
      %mul3A_959 = arith.constant 128 : i32
      %mul3A_960 = arith.muli %scan3A_905, %mul3A_959 : i32
      %add3A_961 = arith.constant 64 : i32
      %add3A_962 = arith.addi %mul3A_960, %add3A_961 : i32
      %swap3A_963 = arith.index_cast %add3A_962 : i32 to index
      %swap3A_964 = tpu.vector_load %arg7[%swap3A_963] {strides = array<i32>} : memref<8192xf32, #tpu.memory_space<vmem>>, vector<16xf32>,
      tpu.vector_store %arg7[%swap3A_963], %gather3A_958 {strides = array<i32>} : memref<8192xf32, #tpu.memory_space<vmem>>, vector<16xf32>,
      %add3A_965 = arith.constant 80 : i32
      %add3A_966 = arith.addi %mul3A_909, %add3A_965 : i32
      %get3A_967 = arith.index_cast %add3A_966 : i32 to index
      %get3A_968 = tpu.vector_load %arg5[%get3A_967] {strides = array<i32>} : memref<16384xi32, #tpu.memory_space<vmem>>, vector<16xi32>,
      %gather3A_969 = tpu.vector_load_idx %arg6[%get3A_968] : memref<100000xf32, #tpu.memory_space<vmem>>[vector<16xi32>], vector<16xf32>,
      %mul3A_970 = arith.constant 128 : i32
      %mul3A_971 = arith.muli %scan3A_905, %mul3A_970 : i32
      %add3A_972 = arith.constant 80 : i32
      %add3A_973 = arith.addi %mul3A_971, %add3A_972 : i32
      %swap3A_974 = arith.index_cast %add3A_973 : i32 to index
      %swap3A_975 = tpu.vector_load %arg7[%swap3A_974] {strides = array<i32>} : memref<8192xf32, #tpu.memory_space<vmem>>, vector<16xf32>,
      tpu.vector_store %arg7[%swap3A_974], %gather3A_969 {strides = array<i32>} : memref<8192xf32, #tpu.memory_space<vmem>>, vector<16xf32>,
      %add3A_976 = arith.constant 96 : i32
      %add3A_977 = arith.addi %mul3A_909, %add3A_976 : i32
      %get3A_978 = arith.index_cast %add3A_977 : i32 to index
      %get3A_979 = tpu.vector_load %arg5[%get3A_978] {strides = array<i32>} : memref<16384xi32, #tpu.memory_space<vmem>>, vector<16xi32>,
      %gather3A_980 = tpu.vector_load_idx %arg6[%get3A_979] : memref<100000xf32, #tpu.memory_space<vmem>>[vector<16xi32>], vector<16xf32>,
      %mul3A_981 = arith.constant 128 : i32
      %mul3A_982 = arith.muli %scan3A_905, %mul3A_981 : i32
      %add3A_983 = arith.constant 96 : i32
      %add3A_984 = arith.addi %mul3A_982, %add3A_983 : i32
      %swap3A_985 = arith.index_cast %add3A_984 : i32 to index
      %swap3A_986 = tpu.vector_load %arg7[%swap3A_985] {strides = array<i32>} : memref<8192xf32, #tpu.memory_space<vmem>>, vector<16xf32>,
      tpu.vector_store %arg7[%swap3A_985], %gather3A_980 {strides = array<i32>} : memref<8192xf32, #tpu.memory_space<vmem>>, vector<16xf32>,
      %add3A_987 = arith.constant 112 : i32
      %add3A_988 = arith.addi %mul3A_909, %add3A_987 : i32
      %get3A_989 = arith.index_cast %add3A_988 : i32 to index
      %get3A_990 = tpu.vector_load %arg5[%get3A_989] {strides = array<i32>} : memref<16384xi32, #tpu.memory_space<vmem>>, vector<16xi32>,
      %gather3A_991 = tpu.vector_load_idx %arg6[%get3A_990] : memref<100000xf32, #tpu.memory_space<vmem>>[vector<16xi32>], vector<16xf32>,
      %mul3A_992 = arith.constant 128 : i32
      %mul3A_993 = arith.muli %scan3A_905, %mul3A_992 : i32
      %add3A_994 = arith.constant 112 : i32
      %add3A_995 = arith.addi %mul3A_993, %add3A_994 : i32
      %swap3A_996 = arith.index_cast %add3A_995 : i32 to index
      %swap3A_997 = tpu.vector_load %arg7[%swap3A_996] {strides = array<i32>} : memref<8192xf32, #tpu.memory_space<vmem>>, vector<16xf32>,
      tpu.vector_store %arg7[%swap3A_996], %gather3A_991 {strides = array<i32>} : memref<8192xf32, #tpu.memory_space<vmem>>, vector<16xf32>,
      %mul3A_998 = arith.constant 128 : i32
      %mul3A_999 = arith.muli %scan3A_905, %mul3A_998 : i32
      %jit3A_1000 = arith.constant 4 : i32
      %div3A_1001 = arith.divsi %add3A_907, %jit3A_1000 : i32
      %sign3A_1002 = arith.constant 0 : i32
      %sign3A_1003 = arith.cmpi sgt, %add3A_907, %sign3A_1002 : i32
      %sign3A_1004 = arith.extui %sign3A_1003 : i1 to i32
      %sign3A_1005 = arith.constant 0 : i32
      %sign3A_1006 = arith.cmpi slt, %add3A_907, %sign3A_1005 : i32
      %sign3A_1007 = arith.extui %sign3A_1006 : i1 to i32
      %sign3A_1008 = arith.subi %sign3A_1004, %sign3A_1007 : i32
      %sign3A_1009 = arith.constant 0 : i32
      %sign3A_1010 = arith.cmpi sgt, %jit3A_1000, %sign3A_1009 : i32
      %sign3A_1011 = arith.extui %sign3A_1010 : i1 to i32
      %sign3A_1012 = arith.constant 0 : i32
      %sign3A_1013 = arith.cmpi slt, %jit3A_1000, %sign3A_1012 : i32
      %sign3A_1014 = arith.extui %sign3A_1013 : i1 to i32
      %sign3A_1015 = arith.subi %sign3A_1011, %sign3A_1014 : i32
      %ne3A_1016 = arith.cmpi ne, %sign3A_1008, %sign3A_1015 : i32
      %rem3A_1017 = arith.remsi %add3A_907, %jit3A_1000 : i32
      %ne3A_1018 = arith.constant 0 : i32
      %ne3A_1019 = arith.cmpi ne, %rem3A_1017, %ne3A_1018 : i32
      %and3A_1020 = arith.andi %ne3A_1016, %ne3A_1019 : i1
      %sub3A_1021 = arith.constant 1 : i32
      %sub3A_1022 = arith.subi %div3A_1001, %sub3A_1021 : i32
      %select_n3A_1023 = arith.select %and3A_1020, %sub3A_1022, %div3A_1001 : i32
      %jit3A_1024 = arith.constant 4 : i32
      %eq3A_1025 = arith.constant 0 : i32
      %eq3A_1026 = arith.cmpi eq, %jit3A_1024, %eq3A_1025 : i32
      %jit3A_1027 = arith.constant 1 : i32
      %select_n3A_1028 = arith.select %eq3A_1026, %jit3A_1027, %jit3A_1024 : i32
      %rem3A_1029 = arith.remsi %add3A_907, %select_n3A_1028 : i32
      %ne3A_1030 = arith.constant 0 : i32
      %ne3A_1031 = arith.cmpi ne, %rem3A_1029, %ne3A_1030 : i32
      %lt3A_1032 = arith.constant 0 : i32
      %lt3A_1033 = arith.cmpi slt, %rem3A_1029, %lt3A_1032 : i32
      %lt3A_1034 = arith.constant 0 : i32
      %lt3A_1035 = arith.cmpi slt, %select_n3A_1028, %lt3A_1034 : i32
      %ne3A_1036 = arith.xori %lt3A_1033, %lt3A_1035 : i1
      %and3A_1037 = arith.andi %ne3A_1036, %ne3A_1031 : i1
      %add3A_1038 = arith.addi %rem3A_1029, %select_n3A_1028 : i32
      %select_n3A_1039 = arith.select %and3A_1037, %add3A_1038, %rem3A_1029 : i32
      %dma_start3A_1040 = tpu.memref_slice %arg7[%mul3A_999] : memref<8192xf32, #tpu.memory_space<vmem>> -> memref<128xf32, #tpu.memory_space<vmem>>
      %dma_start3A_1041 = arith.constant 0 : i32
      %dma_start3A_1042 = tpu.memref_slice %arg4[%select_n3A_251, %select_n3A_291, %select_n3A_1023, %select_n3A_1039, %select_n3A_307, %dma_start3A_1041] : memref<8x2x32x4x8x128xf32, #tpu.memory_space<hbm>> -> memref<1x1x1x1x1x128xf32, #tpu.memory_space<hbm>>
      %dma_start3A_1043 = tpu.memref_squeeze %dma_start3A_1042 : memref<1x1x1x1x1x128xf32, #tpu.memory_space<hbm>> -> memref<128xf32, #tpu.memory_space<hbm>>
      %dma_start3A_1044 = arith.constant 0 : i32
      %dma_start3A_1045 = tpu.memref_slice %arg4[%select_n3A_251, %select_n3A_291, %select_n3A_1023, %select_n3A_1039, %select_n3A_307, %dma_start3A_1044] : memref<8x2x32x4x8x128xf32, #tpu.memory_space<hbm>> -> memref<1x1x1x1x1x128xf32, #tpu.memory_space<hbm>>
      %dma_start3A_1046 = tpu.memref_squeeze %dma_start3A_1045 : memref<1x1x1x1x1x128xf32, #tpu.memory_space<hbm>> -> memref<128xf32, #tpu.memory_space<hbm>>
      %dma_start3A_1047 = tpu.memref_slice %arg7[%mul3A_999] : memref<8192xf32, #tpu.memory_space<vmem>> -> memref<128xf32, #tpu.memory_space<vmem>>
      tpu.enqueue_dma source(%dma_start3A_1047 : memref<128xf32, #tpu.memory_space<vmem>>) target(%dma_start3A_1046 : memref<128xf32, #tpu.memory_space<hbm>>) target_semaphore(%arg8 : memref<!tpu.dma_semaphore, #tpu.memory_space<semaphore_mem>>)
    }
    %scan3A_332 = arith.constant 64 : i32
    %dma_wait3A_333 = arith.constant 0 : i32
    %dma_wait3A_334 = tpu.memref_slice %arg5[%dma_wait3A_333] : memref<16384xi32, #tpu.memory_space<vmem>> -> memref<8192xi32, #tpu.memory_space<vmem>>
    %dma_wait3A_335 = arith.constant 0 : i32
    %dma_wait3A_336 = tpu.memref_slice %arg2[%dma_wait3A_335] : memref<16384xi32, #tpu.memory_space<hbm>> -> memref<8192xi32, #tpu.memory_space<hbm>>
    %dma_wait3A_337 = arith.constant 0 : i32
    %dma_wait3A_338 = tpu.memref_slice %arg5[%dma_wait3A_337] : memref<16384xi32, #tpu.memory_space<vmem>> -> memref<8192xi32, #tpu.memory_space<vmem>>
    %dma_wait3A_339 = arith.constant 0 : i32
    %dma_wait3A_340 = tpu.memref_slice %arg2[%dma_wait3A_339] : memref<16384xi32, #tpu.memory_space<hbm>> -> memref<8192xi32, #tpu.memory_space<hbm>>
    tpu.wait_dma2 semaphore(%arg8 : memref<!tpu.dma_semaphore, #tpu.memory_space<semaphore_mem>>) src(%dma_wait3A_340 : memref<8192xi32, #tpu.memory_space<hbm>>) dst(%dma_wait3A_338 : memref<8192xi32, #tpu.memory_space<vmem>>)
    %scan3A_341 = arith.constant 0 : i32
    %scan3A_342 = arith.constant 64 : i32
    %scan3A_343 = arith.addi %scan3A_341, %scan3A_342 : i32
    %scan3A_344 = arith.constant 4 : i32
    scf.for %scan3A_476 = %scan3A_341 to %scan3A_343 step %scan3A_344  : i32 {
      %add3A_477 = arith.constant 64 : i32
      %add3A_478 = arith.addi %add3A_477, %scan3A_476 : i32
      %mul3A_479 = arith.constant 128 : i32
      %mul3A_480 = arith.muli %add3A_478, %mul3A_479 : i32
      %add3A_481 = arith.constant 0 : i32
      %add3A_482 = arith.addi %mul3A_480, %add3A_481 : i32
      %get3A = arith.index_cast %add3A_482 : i32 to index
      %get3A_483 = tpu.vector_load %arg5[%get3A] {strides = array<i32>} : memref<16384xi32, #tpu.memory_space<vmem>>, vector<16xi32>,
      %gather3A = tpu.vector_load_idx %arg6[%get3A_483] : memref<100000xf32, #tpu.memory_space<vmem>>[vector<16xi32>], vector<16xf32>,
      %mul3A_484 = arith.constant 128 : i32
      %mul3A_485 = arith.muli %scan3A_476, %mul3A_484 : i32
      %add3A_486 = arith.constant 0 : i32
      %add3A_487 = arith.addi %mul3A_485, %add3A_486 : i32
      %swap3A = arith.index_cast %add3A_487 : i32 to index
      %swap3A_488 = tpu.vector_load %arg7[%swap3A] {strides = array<i32>} : memref<8192xf32, #tpu.memory_space<vmem>>, vector<16xf32>,
      tpu.vector_store %arg7[%swap3A], %gather3A {strides = array<i32>} : memref<8192xf32, #tpu.memory_space<vmem>>, vector<16xf32>,
      %add3A_489 = arith.constant 16 : i32
      %add3A_490 = arith.addi %mul3A_480, %add3A_489 : i32
      %get3A_491 = arith.index_cast %add3A_490 : i32 to index
      %get3A_492 = tpu.vector_load %arg5[%get3A_491] {strides = array<i32>} : memref<16384xi32, #tpu.memory_space<vmem>>, vector<16xi32>,
      %gather3A_493 = tpu.vector_load_idx %arg6[%get3A_492] : memref<100000xf32, #tpu.memory_space<vmem>>[vector<16xi32>], vector<16xf32>,
      %mul3A_494 = arith.constant 128 : i32
      %mul3A_495 = arith.muli %scan3A_476, %mul3A_494 : i32
      %add3A_496 = arith.constant 16 : i32
      %add3A_497 = arith.addi %mul3A_495, %add3A_496 : i32
      %swap3A_498 = arith.index_cast %add3A_497 : i32 to index
      %swap3A_499 = tpu.vector_load %arg7[%swap3A_498] {strides = array<i32>} : memref<8192xf32, #tpu.memory_space<vmem>>, vector<16xf32>,
      tpu.vector_store %arg7[%swap3A_498], %gather3A_493 {strides = array<i32>} : memref<8192xf32, #tpu.memory_space<vmem>>, vector<16xf32>,
      %add3A_500 = arith.constant 32 : i32
      %add3A_501 = arith.addi %mul3A_480, %add3A_500 : i32
      %get3A_502 = arith.index_cast %add3A_501 : i32 to index
      %get3A_503 = tpu.vector_load %arg5[%get3A_502] {strides = array<i32>} : memref<16384xi32, #tpu.memory_space<vmem>>, vector<16xi32>,
      %gather3A_504 = tpu.vector_load_idx %arg6[%get3A_503] : memref<100000xf32, #tpu.memory_space<vmem>>[vector<16xi32>], vector<16xf32>,
      %mul3A_505 = arith.constant 128 : i32
      %mul3A_506 = arith.muli %scan3A_476, %mul3A_505 : i32
      %add3A_507 = arith.constant 32 : i32
      %add3A_508 = arith.addi %mul3A_506, %add3A_507 : i32
      %swap3A_509 = arith.index_cast %add3A_508 : i32 to index
      %swap3A_510 = tpu.vector_load %arg7[%swap3A_509] {strides = array<i32>} : memref<8192xf32, #tpu.memory_space<vmem>>, vector<16xf32>,
      tpu.vector_store %arg7[%swap3A_509], %gather3A_504 {strides = array<i32>} : memref<8192xf32, #tpu.memory_space<vmem>>, vector<16xf32>,
      %add3A_511 = arith.constant 48 : i32
      %add3A_512 = arith.addi %mul3A_480, %add3A_511 : i32
      %get3A_513 = arith.index_cast %add3A_512 : i32 to index
      %get3A_514 = tpu.vector_load %arg5[%get3A_513] {strides = array<i32>} : memref<16384xi32, #tpu.memory_space<vmem>>, vector<16xi32>,
      %gather3A_515 = tpu.vector_load_idx %arg6[%get3A_514] : memref<100000xf32, #tpu.memory_space<vmem>>[vector<16xi32>], vector<16xf32>,
      %mul3A_516 = arith.constant 128 : i32
      %mul3A_517 = arith.muli %scan3A_476, %mul3A_516 : i32
      %add3A_518 = arith.constant 48 : i32
      %add3A_519 = arith.addi %mul3A_517, %add3A_518 : i32
      %swap3A_520 = arith.index_cast %add3A_519 : i32 to index
      %swap3A_521 = tpu.vector_load %arg7[%swap3A_520] {strides = array<i32>} : memref<8192xf32, #tpu.memory_space<vmem>>, vector<16xf32>,
      tpu.vector_store %arg7[%swap3A_520], %gather3A_515 {strides = array<i32>} : memref<8192xf32, #tpu.memory_space<vmem>>, vector<16xf32>,
      %add3A_522 = arith.constant 64 : i32
      %add3A_523 = arith.addi %mul3A_480, %add3A_522 : i32
      %get3A_524 = arith.index_cast %add3A_523 : i32 to index
      %get3A_525 = tpu.vector_load %arg5[%get3A_524] {strides = array<i32>} : memref<16384xi32, #tpu.memory_space<vmem>>, vector<16xi32>,
      %gather3A_526 = tpu.vector_load_idx %arg6[%get3A_525] : memref<100000xf32, #tpu.memory_space<vmem>>[vector<16xi32>], vector<16xf32>,
      %mul3A_527 = arith.constant 128 : i32
      %mul3A_528 = arith.muli %scan3A_476, %mul3A_527 : i32
      %add3A_529 = arith.constant 64 : i32
      %add3A_530 = arith.addi %mul3A_528, %add3A_529 : i32
      %swap3A_531 = arith.index_cast %add3A_530 : i32 to index
      %swap3A_532 = tpu.vector_load %arg7[%swap3A_531] {strides = array<i32>} : memref<8192xf32, #tpu.memory_space<vmem>>, vector<16xf32>,
      tpu.vector_store %arg7[%swap3A_531], %gather3A_526 {strides = array<i32>} : memref<8192xf32, #tpu.memory_space<vmem>>, vector<16xf32>,
      %add3A_533 = arith.constant 80 : i32
      %add3A_534 = arith.addi %mul3A_480, %add3A_533 : i32
      %get3A_535 = arith.index_cast %add3A_534 : i32 to index
      %get3A_536 = tpu.vector_load %arg5[%get3A_535] {strides = array<i32>} : memref<16384xi32, #tpu.memory_space<vmem>>, vector<16xi32>,
      %gather3A_537 = tpu.vector_load_idx %arg6[%get3A_536] : memref<100000xf32, #tpu.memory_space<vmem>>[vector<16xi32>], vector<16xf32>,
      %mul3A_538 = arith.constant 128 : i32
      %mul3A_539 = arith.muli %scan3A_476, %mul3A_538 : i32
      %add3A_540 = arith.constant 80 : i32
      %add3A_541 = arith.addi %mul3A_539, %add3A_540 : i32
      %swap3A_542 = arith.index_cast %add3A_541 : i32 to index
      %swap3A_543 = tpu.vector_load %arg7[%swap3A_542] {strides = array<i32>} : memref<8192xf32, #tpu.memory_space<vmem>>, vector<16xf32>,
      tpu.vector_store %arg7[%swap3A_542], %gather3A_537 {strides = array<i32>} : memref<8192xf32, #tpu.memory_space<vmem>>, vector<16xf32>,
      %add3A_544 = arith.constant 96 : i32
      %add3A_545 = arith.addi %mul3A_480, %add3A_544 : i32
      %get3A_546 = arith.index_cast %add3A_545 : i32 to index
      %get3A_547 = tpu.vector_load %arg5[%get3A_546] {strides = array<i32>} : memref<16384xi32, #tpu.memory_space<vmem>>, vector<16xi32>,
      %gather3A_548 = tpu.vector_load_idx %arg6[%get3A_547] : memref<100000xf32, #tpu.memory_space<vmem>>[vector<16xi32>], vector<16xf32>,
      %mul3A_549 = arith.constant 128 : i32
      %mul3A_550 = arith.muli %scan3A_476, %mul3A_549 : i32
      %add3A_551 = arith.constant 96 : i32
      %add3A_552 = arith.addi %mul3A_550, %add3A_551 : i32
      %swap3A_553 = arith.index_cast %add3A_552 : i32 to index
      %swap3A_554 = tpu.vector_load %arg7[%swap3A_553] {strides = array<i32>} : memref<8192xf32, #tpu.memory_space<vmem>>, vector<16xf32>,
      tpu.vector_store %arg7[%swap3A_553], %gather3A_548 {strides = array<i32>} : memref<8192xf32, #tpu.memory_space<vmem>>, vector<16xf32>,
      %add3A_555 = arith.constant 112 : i32
      %add3A_556 = arith.addi %mul3A_480, %add3A_555 : i32
      %get3A_557 = arith.index_cast %add3A_556 : i32 to index
      %get3A_558 = tpu.vector_load %arg5[%get3A_557] {strides = array<i32>} : memref<16384xi32, #tpu.memory_space<vmem>>, vector<16xi32>,
      %gather3A_559 = tpu.vector_load_idx %arg6[%get3A_558] : memref<100000xf32, #tpu.memory_space<vmem>>[vector<16xi32>], vector<16xf32>,
      %mul3A_560 = arith.constant 128 : i32
      %mul3A_561 = arith.muli %scan3A_476, %mul3A_560 : i32
      %add3A_562 = arith.constant 112 : i32
      %add3A_563 = arith.addi %mul3A_561, %add3A_562 : i32
      %swap3A_564 = arith.index_cast %add3A_563 : i32 to index
      %swap3A_565 = tpu.vector_load %arg7[%swap3A_564] {strides = array<i32>} : memref<8192xf32, #tpu.memory_space<vmem>>, vector<16xf32>,
      tpu.vector_store %arg7[%swap3A_564], %gather3A_559 {strides = array<i32>} : memref<8192xf32, #tpu.memory_space<vmem>>, vector<16xf32>,
      %mul3A_566 = arith.constant 128 : i32
      %mul3A_567 = arith.muli %scan3A_476, %mul3A_566 : i32
      %jit3A_568 = arith.constant 4 : i32
      %div3A_569 = arith.divsi %add3A_478, %jit3A_568 : i32
      %sign3A_570 = arith.constant 0 : i32
      %sign3A_571 = arith.cmpi sgt, %add3A_478, %sign3A_570 : i32
      %sign3A_572 = arith.extui %sign3A_571 : i1 to i32
      %sign3A_573 = arith.constant 0 : i32
      %sign3A_574 = arith.cmpi slt, %add3A_478, %sign3A_573 : i32
      %sign3A_575 = arith.extui %sign3A_574 : i1 to i32
      %sign3A_576 = arith.subi %sign3A_572, %sign3A_575 : i32
      %sign3A_577 = arith.constant 0 : i32
      %sign3A_578 = arith.cmpi sgt, %jit3A_568, %sign3A_577 : i32
      %sign3A_579 = arith.extui %sign3A_578 : i1 to i32
      %sign3A_580 = arith.constant 0 : i32
      %sign3A_581 = arith.cmpi slt, %jit3A_568, %sign3A_580 : i32
      %sign3A_582 = arith.extui %sign3A_581 : i1 to i32
      %sign3A_583 = arith.subi %sign3A_579, %sign3A_582 : i32
      %ne3A_584 = arith.cmpi ne, %sign3A_576, %sign3A_583 : i32
      %rem3A_585 = arith.remsi %add3A_478, %jit3A_568 : i32
      %ne3A_586 = arith.constant 0 : i32
      %ne3A_587 = arith.cmpi ne, %rem3A_585, %ne3A_586 : i32
      %and3A_588 = arith.andi %ne3A_584, %ne3A_587 : i1
      %sub3A_589 = arith.constant 1 : i32
      %sub3A_590 = arith.subi %div3A_569, %sub3A_589 : i32
      %select_n3A_591 = arith.select %and3A_588, %sub3A_590, %div3A_569 : i32
      %jit3A_592 = arith.constant 4 : i32
      %eq3A_593 = arith.constant 0 : i32
      %eq3A_594 = arith.cmpi eq, %jit3A_592, %eq3A_593 : i32
      %jit3A_595 = arith.constant 1 : i32
      %select_n3A_596 = arith.select %eq3A_594, %jit3A_595, %jit3A_592 : i32
      %rem3A_597 = arith.remsi %add3A_478, %select_n3A_596 : i32
      %ne3A_598 = arith.constant 0 : i32
      %ne3A_599 = arith.cmpi ne, %rem3A_597, %ne3A_598 : i32
      %lt3A_600 = arith.constant 0 : i32
      %lt3A_601 = arith.cmpi slt, %rem3A_597, %lt3A_600 : i32
      %lt3A_602 = arith.constant 0 : i32
      %lt3A_603 = arith.cmpi slt, %select_n3A_596, %lt3A_602 : i32
      %ne3A_604 = arith.xori %lt3A_601, %lt3A_603 : i1
      %and3A_605 = arith.andi %ne3A_604, %ne3A_599 : i1
      %add3A_606 = arith.addi %rem3A_597, %select_n3A_596 : i32
      %select_n3A_607 = arith.select %and3A_605, %add3A_606, %rem3A_597 : i32
      %dma_start3A_608 = tpu.memref_slice %arg7[%mul3A_567] : memref<8192xf32, #tpu.memory_space<vmem>> -> memref<128xf32, #tpu.memory_space<vmem>>
      %dma_start3A_609 = arith.constant 0 : i32
      %dma_start3A_610 = tpu.memref_slice %arg4[%select_n3A_251, %select_n3A_291, %select_n3A_591, %select_n3A_607, %select_n3A_307, %dma_start3A_609] : memref<8x2x32x4x8x128xf32, #tpu.memory_space<hbm>> -> memref<1x1x1x1x1x128xf32, #tpu.memory_space<hbm>>
      %dma_start3A_611 = tpu.memref_squeeze %dma_start3A_610 : memref<1x1x1x1x1x128xf32, #tpu.memory_space<hbm>> -> memref<128xf32, #tpu.memory_space<hbm>>
      %dma_start3A_612 = arith.constant 0 : i32
      %dma_start3A_613 = tpu.memref_slice %arg4[%select_n3A_251, %select_n3A_291, %select_n3A_591, %select_n3A_607, %select_n3A_307, %dma_start3A_612] : memref<8x2x32x4x8x128xf32, #tpu.memory_space<hbm>> -> memref<1x1x1x1x1x128xf32, #tpu.memory_space<hbm>>
      %dma_start3A_614 = tpu.memref_squeeze %dma_start3A_613 : memref<1x1x1x1x1x128xf32, #tpu.memory_space<hbm>> -> memref<128xf32, #tpu.memory_space<hbm>>
      %dma_start3A_615 = tpu.memref_slice %arg7[%mul3A_567] : memref<8192xf32, #tpu.memory_space<vmem>> -> memref<128xf32, #tpu.memory_space<vmem>>
      tpu.enqueue_dma source(%dma_start3A_615 : memref<128xf32, #tpu.memory_space<vmem>>) target(%dma_start3A_614 : memref<128xf32, #tpu.memory_space<hbm>>) target_semaphore(%arg8 : memref<!tpu.dma_semaphore, #tpu.memory_space<semaphore_mem>>)
      %scan3A_616 = arith.constant 1 : i32
      %scan3A_617 = arith.addi %scan3A_476, %scan3A_616 : i32
      %add3A_618 = arith.constant 64 : i32
      %add3A_619 = arith.addi %add3A_618, %scan3A_617 : i32
      %mul3A_620 = arith.constant 128 : i32
      %mul3A_621 = arith.muli %add3A_619, %mul3A_620 : i32
      %add3A_622 = arith.constant 0 : i32
      %add3A_623 = arith.addi %mul3A_621, %add3A_622 : i32
      %get3A_624 = arith.index_cast %add3A_623 : i32 to index
      %get3A_625 = tpu.vector_load %arg5[%get3A_624] {strides = array<i32>} : memref<16384xi32, #tpu.memory_space<vmem>>, vector<16xi32>,
      %gather3A_626 = tpu.vector_load_idx %arg6[%get3A_625] : memref<100000xf32, #tpu.memory_space<vmem>>[vector<16xi32>], vector<16xf32>,
      %mul3A_627 = arith.constant 128 : i32
      %mul3A_628 = arith.muli %scan3A_617, %mul3A_627 : i32
      %add3A_629 = arith.constant 0 : i32
      %add3A_630 = arith.addi %mul3A_628, %add3A_629 : i32
      %swap3A_631 = arith.index_cast %add3A_630 : i32 to index
      %swap3A_632 = tpu.vector_load %arg7[%swap3A_631] {strides = array<i32>} : memref<8192xf32, #tpu.memory_space<vmem>>, vector<16xf32>,
      tpu.vector_store %arg7[%swap3A_631], %gather3A_626 {strides = array<i32>} : memref<8192xf32, #tpu.memory_space<vmem>>, vector<16xf32>,
      %add3A_633 = arith.constant 16 : i32
      %add3A_634 = arith.addi %mul3A_621, %add3A_633 : i32
      %get3A_635 = arith.index_cast %add3A_634 : i32 to index
      %get3A_636 = tpu.vector_load %arg5[%get3A_635] {strides = array<i32>} : memref<16384xi32, #tpu.memory_space<vmem>>, vector<16xi32>,
      %gather3A_637 = tpu.vector_load_idx %arg6[%get3A_636] : memref<100000xf32, #tpu.memory_space<vmem>>[vector<16xi32>], vector<16xf32>,
      %mul3A_638 = arith.constant 128 : i32
      %mul3A_639 = arith.muli %scan3A_617, %mul3A_638 : i32
      %add3A_640 = arith.constant 16 : i32
      %add3A_641 = arith.addi %mul3A_639, %add3A_640 : i32
      %swap3A_642 = arith.index_cast %add3A_641 : i32 to index
      %swap3A_643 = tpu.vector_load %arg7[%swap3A_642] {strides = array<i32>} : memref<8192xf32, #tpu.memory_space<vmem>>, vector<16xf32>,
      tpu.vector_store %arg7[%swap3A_642], %gather3A_637 {strides = array<i32>} : memref<8192xf32, #tpu.memory_space<vmem>>, vector<16xf32>,
      %add3A_644 = arith.constant 32 : i32
      %add3A_645 = arith.addi %mul3A_621, %add3A_644 : i32
      %get3A_646 = arith.index_cast %add3A_645 : i32 to index
      %get3A_647 = tpu.vector_load %arg5[%get3A_646] {strides = array<i32>} : memref<16384xi32, #tpu.memory_space<vmem>>, vector<16xi32>,
      %gather3A_648 = tpu.vector_load_idx %arg6[%get3A_647] : memref<100000xf32, #tpu.memory_space<vmem>>[vector<16xi32>], vector<16xf32>,
      %mul3A_649 = arith.constant 128 : i32
      %mul3A_650 = arith.muli %scan3A_617, %mul3A_649 : i32
      %add3A_651 = arith.constant 32 : i32
      %add3A_652 = arith.addi %mul3A_650, %add3A_651 : i32
      %swap3A_653 = arith.index_cast %add3A_652 : i32 to index
      %swap3A_654 = tpu.vector_load %arg7[%swap3A_653] {strides = array<i32>} : memref<8192xf32, #tpu.memory_space<vmem>>, vector<16xf32>,
      tpu.vector_store %arg7[%swap3A_653], %gather3A_648 {strides = array<i32>} : memref<8192xf32, #tpu.memory_space<vmem>>, vector<16xf32>,
      %add3A_655 = arith.constant 48 : i32
      %add3A_656 = arith.addi %mul3A_621, %add3A_655 : i32
      %get3A_657 = arith.index_cast %add3A_656 : i32 to index
      %get3A_658 = tpu.vector_load %arg5[%get3A_657] {strides = array<i32>} : memref<16384xi32, #tpu.memory_space<vmem>>, vector<16xi32>,
      %gather3A_659 = tpu.vector_load_idx %arg6[%get3A_658] : memref<100000xf32, #tpu.memory_space<vmem>>[vector<16xi32>], vector<16xf32>,
      %mul3A_660 = arith.constant 128 : i32
      %mul3A_661 = arith.muli %scan3A_617, %mul3A_660 : i32
      %add3A_662 = arith.constant 48 : i32
      %add3A_663 = arith.addi %mul3A_661, %add3A_662 : i32
      %swap3A_664 = arith.index_cast %add3A_663 : i32 to index
      %swap3A_665 = tpu.vector_load %arg7[%swap3A_664] {strides = array<i32>} : memref<8192xf32, #tpu.memory_space<vmem>>, vector<16xf32>,
      tpu.vector_store %arg7[%swap3A_664], %gather3A_659 {strides = array<i32>} : memref<8192xf32, #tpu.memory_space<vmem>>, vector<16xf32>,
      %add3A_666 = arith.constant 64 : i32
      %add3A_667 = arith.addi %mul3A_621, %add3A_666 : i32
      %get3A_668 = arith.index_cast %add3A_667 : i32 to index
      %get3A_669 = tpu.vector_load %arg5[%get3A_668] {strides = array<i32>} : memref<16384xi32, #tpu.memory_space<vmem>>, vector<16xi32>,
      %gather3A_670 = tpu.vector_load_idx %arg6[%get3A_669] : memref<100000xf32, #tpu.memory_space<vmem>>[vector<16xi32>], vector<16xf32>,
      %mul3A_671 = arith.constant 128 : i32
      %mul3A_672 = arith.muli %scan3A_617, %mul3A_671 : i32
      %add3A_673 = arith.constant 64 : i32
      %add3A_674 = arith.addi %mul3A_672, %add3A_673 : i32
      %swap3A_675 = arith.index_cast %add3A_674 : i32 to index
      %swap3A_676 = tpu.vector_load %arg7[%swap3A_675] {strides = array<i32>} : memref<8192xf32, #tpu.memory_space<vmem>>, vector<16xf32>,
      tpu.vector_store %arg7[%swap3A_675], %gather3A_670 {strides = array<i32>} : memref<8192xf32, #tpu.memory_space<vmem>>, vector<16xf32>,
      %add3A_677 = arith.constant 80 : i32
      %add3A_678 = arith.addi %mul3A_621, %add3A_677 : i32
      %get3A_679 = arith.index_cast %add3A_678 : i32 to index
      %get3A_680 = tpu.vector_load %arg5[%get3A_679] {strides = array<i32>} : memref<16384xi32, #tpu.memory_space<vmem>>, vector<16xi32>,
      %gather3A_681 = tpu.vector_load_idx %arg6[%get3A_680] : memref<100000xf32, #tpu.memory_space<vmem>>[vector<16xi32>], vector<16xf32>,
      %mul3A_682 = arith.constant 128 : i32
      %mul3A_683 = arith.muli %scan3A_617, %mul3A_682 : i32
      %add3A_684 = arith.constant 80 : i32
      %add3A_685 = arith.addi %mul3A_683, %add3A_684 : i32
      %swap3A_686 = arith.index_cast %add3A_685 : i32 to index
      %swap3A_687 = tpu.vector_load %arg7[%swap3A_686] {strides = array<i32>} : memref<8192xf32, #tpu.memory_space<vmem>>, vector<16xf32>,
      tpu.vector_store %arg7[%swap3A_686], %gather3A_681 {strides = array<i32>} : memref<8192xf32, #tpu.memory_space<vmem>>, vector<16xf32>,
      %add3A_688 = arith.constant 96 : i32
      %add3A_689 = arith.addi %mul3A_621, %add3A_688 : i32
      %get3A_690 = arith.index_cast %add3A_689 : i32 to index
      %get3A_691 = tpu.vector_load %arg5[%get3A_690] {strides = array<i32>} : memref<16384xi32, #tpu.memory_space<vmem>>, vector<16xi32>,
      %gather3A_692 = tpu.vector_load_idx %arg6[%get3A_691] : memref<100000xf32, #tpu.memory_space<vmem>>[vector<16xi32>], vector<16xf32>,
      %mul3A_693 = arith.constant 128 : i32
      %mul3A_694 = arith.muli %scan3A_617, %mul3A_693 : i32
      %add3A_695 = arith.constant 96 : i32
      %add3A_696 = arith.addi %mul3A_694, %add3A_695 : i32
      %swap3A_697 = arith.index_cast %add3A_696 : i32 to index
      %swap3A_698 = tpu.vector_load %arg7[%swap3A_697] {strides = array<i32>} : memref<8192xf32, #tpu.memory_space<vmem>>, vector<16xf32>,
      tpu.vector_store %arg7[%swap3A_697], %gather3A_692 {strides = array<i32>} : memref<8192xf32, #tpu.memory_space<vmem>>, vector<16xf32>,
      %add3A_699 = arith.constant 112 : i32
      %add3A_700 = arith.addi %mul3A_621, %add3A_699 : i32
      %get3A_701 = arith.index_cast %add3A_700 : i32 to index
      %get3A_702 = tpu.vector_load %arg5[%get3A_701] {strides = array<i32>} : memref<16384xi32, #tpu.memory_space<vmem>>, vector<16xi32>,
      %gather3A_703 = tpu.vector_load_idx %arg6[%get3A_702] : memref<100000xf32, #tpu.memory_space<vmem>>[vector<16xi32>], vector<16xf32>,
      %mul3A_704 = arith.constant 128 : i32
      %mul3A_705 = arith.muli %scan3A_617, %mul3A_704 : i32
      %add3A_706 = arith.constant 112 : i32
      %add3A_707 = arith.addi %mul3A_705, %add3A_706 : i32
      %swap3A_708 = arith.index_cast %add3A_707 : i32 to index
      %swap3A_709 = tpu.vector_load %arg7[%swap3A_708] {strides = array<i32>} : memref<8192xf32, #tpu.memory_space<vmem>>, vector<16xf32>,
      tpu.vector_store %arg7[%swap3A_708], %gather3A_703 {strides = array<i32>} : memref<8192xf32, #tpu.memory_space<vmem>>, vector<16xf32>,
      %mul3A_710 = arith.constant 128 : i32
      %mul3A_711 = arith.muli %scan3A_617, %mul3A_710 : i32
      %jit3A_712 = arith.constant 4 : i32
      %div3A_713 = arith.divsi %add3A_619, %jit3A_712 : i32
      %sign3A_714 = arith.constant 0 : i32
      %sign3A_715 = arith.cmpi sgt, %add3A_619, %sign3A_714 : i32
      %sign3A_716 = arith.extui %sign3A_715 : i1 to i32
      %sign3A_717 = arith.constant 0 : i32
      %sign3A_718 = arith.cmpi slt, %add3A_619, %sign3A_717 : i32
      %sign3A_719 = arith.extui %sign3A_718 : i1 to i32
      %sign3A_720 = arith.subi %sign3A_716, %sign3A_719 : i32
      %sign3A_721 = arith.constant 0 : i32
      %sign3A_722 = arith.cmpi sgt, %jit3A_712, %sign3A_721 : i32
      %sign3A_723 = arith.extui %sign3A_722 : i1 to i32
      %sign3A_724 = arith.constant 0 : i32
      %sign3A_725 = arith.cmpi slt, %jit3A_712, %sign3A_724 : i32
      %sign3A_726 = arith.extui %sign3A_725 : i1 to i32
      %sign3A_727 = arith.subi %sign3A_723, %sign3A_726 : i32
      %ne3A_728 = arith.cmpi ne, %sign3A_720, %sign3A_727 : i32
      %rem3A_729 = arith.remsi %add3A_619, %jit3A_712 : i32
      %ne3A_730 = arith.constant 0 : i32
      %ne3A_731 = arith.cmpi ne, %rem3A_729, %ne3A_730 : i32
      %and3A_732 = arith.andi %ne3A_728, %ne3A_731 : i1
      %sub3A_733 = arith.constant 1 : i32
      %sub3A_734 = arith.subi %div3A_713, %sub3A_733 : i32
      %select_n3A_735 = arith.select %and3A_732, %sub3A_734, %div3A_713 : i32
      %jit3A_736 = arith.constant 4 : i32
      %eq3A_737 = arith.constant 0 : i32
      %eq3A_738 = arith.cmpi eq, %jit3A_736, %eq3A_737 : i32
      %jit3A_739 = arith.constant 1 : i32
      %select_n3A_740 = arith.select %eq3A_738, %jit3A_739, %jit3A_736 : i32
      %rem3A_741 = arith.remsi %add3A_619, %select_n3A_740 : i32
      %ne3A_742 = arith.constant 0 : i32
      %ne3A_743 = arith.cmpi ne, %rem3A_741, %ne3A_742 : i32
      %lt3A_744 = arith.constant 0 : i32
      %lt3A_745 = arith.cmpi slt, %rem3A_741, %lt3A_744 : i32
      %lt3A_746 = arith.constant 0 : i32
      %lt3A_747 = arith.cmpi slt, %select_n3A_740, %lt3A_746 : i32
      %ne3A_748 = arith.xori %lt3A_745, %lt3A_747 : i1
      %and3A_749 = arith.andi %ne3A_748, %ne3A_743 : i1
      %add3A_750 = arith.addi %rem3A_741, %select_n3A_740 : i32
      %select_n3A_751 = arith.select %and3A_749, %add3A_750, %rem3A_741 : i32
      %dma_start3A_752 = tpu.memref_slice %arg7[%mul3A_711] : memref<8192xf32, #tpu.memory_space<vmem>> -> memref<128xf32, #tpu.memory_space<vmem>>
      %dma_start3A_753 = arith.constant 0 : i32
      %dma_start3A_754 = tpu.memref_slice %arg4[%select_n3A_251, %select_n3A_291, %select_n3A_735, %select_n3A_751, %select_n3A_307, %dma_start3A_753] : memref<8x2x32x4x8x128xf32, #tpu.memory_space<hbm>> -> memref<1x1x1x1x1x128xf32, #tpu.memory_space<hbm>>
      %dma_start3A_755 = tpu.memref_squeeze %dma_start3A_754 : memref<1x1x1x1x1x128xf32, #tpu.memory_space<hbm>> -> memref<128xf32, #tpu.memory_space<hbm>>
      %dma_start3A_756 = arith.constant 0 : i32
      %dma_start3A_757 = tpu.memref_slice %arg4[%select_n3A_251, %select_n3A_291, %select_n3A_735, %select_n3A_751, %select_n3A_307, %dma_start3A_756] : memref<8x2x32x4x8x128xf32, #tpu.memory_space<hbm>> -> memref<1x1x1x1x1x128xf32, #tpu.memory_space<hbm>>
      %dma_start3A_758 = tpu.memref_squeeze %dma_start3A_757 : memref<1x1x1x1x1x128xf32, #tpu.memory_space<hbm>> -> memref<128xf32, #tpu.memory_space<hbm>>
      %dma_start3A_759 = tpu.memref_slice %arg7[%mul3A_711] : memref<8192xf32, #tpu.memory_space<vmem>> -> memref<128xf32, #tpu.memory_space<vmem>>
      tpu.enqueue_dma source(%dma_start3A_759 : memref<128xf32, #tpu.memory_space<vmem>>) target(%dma_start3A_758 : memref<128xf32, #tpu.memory_space<hbm>>) target_semaphore(%arg8 : memref<!tpu.dma_semaphore, #tpu.memory_space<semaphore_mem>>)
      %scan3A_760 = arith.constant 2 : i32
      %scan3A_761 = arith.addi %scan3A_476, %scan3A_760 : i32
      %add3A_762 = arith.constant 64 : i32
      %add3A_763 = arith.addi %add3A_762, %scan3A_761 : i32
      %mul3A_764 = arith.constant 128 : i32
      %mul3A_765 = arith.muli %add3A_763, %mul3A_764 : i32
      %add3A_766 = arith.constant 0 : i32
      %add3A_767 = arith.addi %mul3A_765, %add3A_766 : i32
      %get3A_768 = arith.index_cast %add3A_767 : i32 to index
      %get3A_769 = tpu.vector_load %arg5[%get3A_768] {strides = array<i32>} : memref<16384xi32, #tpu.memory_space<vmem>>, vector<16xi32>,
      %gather3A_770 = tpu.vector_load_idx %arg6[%get3A_769] : memref<100000xf32, #tpu.memory_space<vmem>>[vector<16xi32>], vector<16xf32>,
      %mul3A_771 = arith.constant 128 : i32
      %mul3A_772 = arith.muli %scan3A_761, %mul3A_771 : i32
      %add3A_773 = arith.constant 0 : i32
      %add3A_774 = arith.addi %mul3A_772, %add3A_773 : i32
      %swap3A_775 = arith.index_cast %add3A_774 : i32 to index
      %swap3A_776 = tpu.vector_load %arg7[%swap3A_775] {strides = array<i32>} : memref<8192xf32, #tpu.memory_space<vmem>>, vector<16xf32>,
      tpu.vector_store %arg7[%swap3A_775], %gather3A_770 {strides = array<i32>} : memref<8192xf32, #tpu.memory_space<vmem>>, vector<16xf32>,
      %add3A_777 = arith.constant 16 : i32
      %add3A_778 = arith.addi %mul3A_765, %add3A_777 : i32
      %get3A_779 = arith.index_cast %add3A_778 : i32 to index
      %get3A_780 = tpu.vector_load %arg5[%get3A_779] {strides = array<i32>} : memref<16384xi32, #tpu.memory_space<vmem>>, vector<16xi32>,
      %gather3A_781 = tpu.vector_load_idx %arg6[%get3A_780] : memref<100000xf32, #tpu.memory_space<vmem>>[vector<16xi32>], vector<16xf32>,
      %mul3A_782 = arith.constant 128 : i32
      %mul3A_783 = arith.muli %scan3A_761, %mul3A_782 : i32
      %add3A_784 = arith.constant 16 : i32
      %add3A_785 = arith.addi %mul3A_783, %add3A_784 : i32
      %swap3A_786 = arith.index_cast %add3A_785 : i32 to index
      %swap3A_787 = tpu.vector_load %arg7[%swap3A_786] {strides = array<i32>} : memref<8192xf32, #tpu.memory_space<vmem>>, vector<16xf32>,
      tpu.vector_store %arg7[%swap3A_786], %gather3A_781 {strides = array<i32>} : memref<8192xf32, #tpu.memory_space<vmem>>, vector<16xf32>,
      %add3A_788 = arith.constant 32 : i32
      %add3A_789 = arith.addi %mul3A_765, %add3A_788 : i32
      %get3A_790 = arith.index_cast %add3A_789 : i32 to index
      %get3A_791 = tpu.vector_load %arg5[%get3A_790] {strides = array<i32>} : memref<16384xi32, #tpu.memory_space<vmem>>, vector<16xi32>,
      %gather3A_792 = tpu.vector_load_idx %arg6[%get3A_791] : memref<100000xf32, #tpu.memory_space<vmem>>[vector<16xi32>], vector<16xf32>,
      %mul3A_793 = arith.constant 128 : i32
      %mul3A_794 = arith.muli %scan3A_761, %mul3A_793 : i32
      %add3A_795 = arith.constant 32 : i32
      %add3A_796 = arith.addi %mul3A_794, %add3A_795 : i32
      %swap3A_797 = arith.index_cast %add3A_796 : i32 to index
      %swap3A_798 = tpu.vector_load %arg7[%swap3A_797] {strides = array<i32>} : memref<8192xf32, #tpu.memory_space<vmem>>, vector<16xf32>,
      tpu.vector_store %arg7[%swap3A_797], %gather3A_792 {strides = array<i32>} : memref<8192xf32, #tpu.memory_space<vmem>>, vector<16xf32>,
      %add3A_799 = arith.constant 48 : i32
      %add3A_800 = arith.addi %mul3A_765, %add3A_799 : i32
      %get3A_801 = arith.index_cast %add3A_800 : i32 to index
      %get3A_802 = tpu.vector_load %arg5[%get3A_801] {strides = array<i32>} : memref<16384xi32, #tpu.memory_space<vmem>>, vector<16xi32>,
      %gather3A_803 = tpu.vector_load_idx %arg6[%get3A_802] : memref<100000xf32, #tpu.memory_space<vmem>>[vector<16xi32>], vector<16xf32>,
      %mul3A_804 = arith.constant 128 : i32
      %mul3A_805 = arith.muli %scan3A_761, %mul3A_804 : i32
      %add3A_806 = arith.constant 48 : i32
      %add3A_807 = arith.addi %mul3A_805, %add3A_806 : i32
      %swap3A_808 = arith.index_cast %add3A_807 : i32 to index
      %swap3A_809 = tpu.vector_load %arg7[%swap3A_808] {strides = array<i32>} : memref<8192xf32, #tpu.memory_space<vmem>>, vector<16xf32>,
      tpu.vector_store %arg7[%swap3A_808], %gather3A_803 {strides = array<i32>} : memref<8192xf32, #tpu.memory_space<vmem>>, vector<16xf32>,
      %add3A_810 = arith.constant 64 : i32
      %add3A_811 = arith.addi %mul3A_765, %add3A_810 : i32
      %get3A_812 = arith.index_cast %add3A_811 : i32 to index
      %get3A_813 = tpu.vector_load %arg5[%get3A_812] {strides = array<i32>} : memref<16384xi32, #tpu.memory_space<vmem>>, vector<16xi32>,
      %gather3A_814 = tpu.vector_load_idx %arg6[%get3A_813] : memref<100000xf32, #tpu.memory_space<vmem>>[vector<16xi32>], vector<16xf32>,
      %mul3A_815 = arith.constant 128 : i32
      %mul3A_816 = arith.muli %scan3A_761, %mul3A_815 : i32
      %add3A_817 = arith.constant 64 : i32
      %add3A_818 = arith.addi %mul3A_816, %add3A_817 : i32
      %swap3A_819 = arith.index_cast %add3A_818 : i32 to index
      %swap3A_820 = tpu.vector_load %arg7[%swap3A_819] {strides = array<i32>} : memref<8192xf32, #tpu.memory_space<vmem>>, vector<16xf32>,
      tpu.vector_store %arg7[%swap3A_819], %gather3A_814 {strides = array<i32>} : memref<8192xf32, #tpu.memory_space<vmem>>, vector<16xf32>,
      %add3A_821 = arith.constant 80 : i32
      %add3A_822 = arith.addi %mul3A_765, %add3A_821 : i32
      %get3A_823 = arith.index_cast %add3A_822 : i32 to index
      %get3A_824 = tpu.vector_load %arg5[%get3A_823] {strides = array<i32>} : memref<16384xi32, #tpu.memory_space<vmem>>, vector<16xi32>,
      %gather3A_825 = tpu.vector_load_idx %arg6[%get3A_824] : memref<100000xf32, #tpu.memory_space<vmem>>[vector<16xi32>], vector<16xf32>,
      %mul3A_826 = arith.constant 128 : i32
      %mul3A_827 = arith.muli %scan3A_761, %mul3A_826 : i32
      %add3A_828 = arith.constant 80 : i32
      %add3A_829 = arith.addi %mul3A_827, %add3A_828 : i32
      %swap3A_830 = arith.index_cast %add3A_829 : i32 to index
      %swap3A_831 = tpu.vector_load %arg7[%swap3A_830] {strides = array<i32>} : memref<8192xf32, #tpu.memory_space<vmem>>, vector<16xf32>,
      tpu.vector_store %arg7[%swap3A_830], %gather3A_825 {strides = array<i32>} : memref<8192xf32, #tpu.memory_space<vmem>>, vector<16xf32>,
      %add3A_832 = arith.constant 96 : i32
      %add3A_833 = arith.addi %mul3A_765, %add3A_832 : i32
      %get3A_834 = arith.index_cast %add3A_833 : i32 to index
      %get3A_835 = tpu.vector_load %arg5[%get3A_834] {strides = array<i32>} : memref<16384xi32, #tpu.memory_space<vmem>>, vector<16xi32>,
      %gather3A_836 = tpu.vector_load_idx %arg6[%get3A_835] : memref<100000xf32, #tpu.memory_space<vmem>>[vector<16xi32>], vector<16xf32>,
      %mul3A_837 = arith.constant 128 : i32
      %mul3A_838 = arith.muli %scan3A_761, %mul3A_837 : i32
      %add3A_839 = arith.constant 96 : i32
      %add3A_840 = arith.addi %mul3A_838, %add3A_839 : i32
      %swap3A_841 = arith.index_cast %add3A_840 : i32 to index
      %swap3A_842 = tpu.vector_load %arg7[%swap3A_841] {strides = array<i32>} : memref<8192xf32, #tpu.memory_space<vmem>>, vector<16xf32>,
      tpu.vector_store %arg7[%swap3A_841], %gather3A_836 {strides = array<i32>} : memref<8192xf32, #tpu.memory_space<vmem>>, vector<16xf32>,
      %add3A_843 = arith.constant 112 : i32
      %add3A_844 = arith.addi %mul3A_765, %add3A_843 : i32
      %get3A_845 = arith.index_cast %add3A_844 : i32 to index
      %get3A_846 = tpu.vector_load %arg5[%get3A_845] {strides = array<i32>} : memref<16384xi32, #tpu.memory_space<vmem>>, vector<16xi32>,
      %gather3A_847 = tpu.vector_load_idx %arg6[%get3A_846] : memref<100000xf32, #tpu.memory_space<vmem>>[vector<16xi32>], vector<16xf32>,
      %mul3A_848 = arith.constant 128 : i32
      %mul3A_849 = arith.muli %scan3A_761, %mul3A_848 : i32
      %add3A_850 = arith.constant 112 : i32
      %add3A_851 = arith.addi %mul3A_849, %add3A_850 : i32
      %swap3A_852 = arith.index_cast %add3A_851 : i32 to index
      %swap3A_853 = tpu.vector_load %arg7[%swap3A_852] {strides = array<i32>} : memref<8192xf32, #tpu.memory_space<vmem>>, vector<16xf32>,
      tpu.vector_store %arg7[%swap3A_852], %gather3A_847 {strides = array<i32>} : memref<8192xf32, #tpu.memory_space<vmem>>, vector<16xf32>,
      %mul3A_854 = arith.constant 128 : i32
      %mul3A_855 = arith.muli %scan3A_761, %mul3A_854 : i32
      %jit3A_856 = arith.constant 4 : i32
      %div3A_857 = arith.divsi %add3A_763, %jit3A_856 : i32
      %sign3A_858 = arith.constant 0 : i32
      %sign3A_859 = arith.cmpi sgt, %add3A_763, %sign3A_858 : i32
      %sign3A_860 = arith.extui %sign3A_859 : i1 to i32
      %sign3A_861 = arith.constant 0 : i32
      %sign3A_862 = arith.cmpi slt, %add3A_763, %sign3A_861 : i32
      %sign3A_863 = arith.extui %sign3A_862 : i1 to i32
      %sign3A_864 = arith.subi %sign3A_860, %sign3A_863 : i32
      %sign3A_865 = arith.constant 0 : i32
      %sign3A_866 = arith.cmpi sgt, %jit3A_856, %sign3A_865 : i32
      %sign3A_867 = arith.extui %sign3A_866 : i1 to i32
      %sign3A_868 = arith.constant 0 : i32
      %sign3A_869 = arith.cmpi slt, %jit3A_856, %sign3A_868 : i32
      %sign3A_870 = arith.extui %sign3A_869 : i1 to i32
      %sign3A_871 = arith.subi %sign3A_867, %sign3A_870 : i32
      %ne3A_872 = arith.cmpi ne, %sign3A_864, %sign3A_871 : i32
      %rem3A_873 = arith.remsi %add3A_763, %jit3A_856 : i32
      %ne3A_874 = arith.constant 0 : i32
      %ne3A_875 = arith.cmpi ne, %rem3A_873, %ne3A_874 : i32
      %and3A_876 = arith.andi %ne3A_872, %ne3A_875 : i1
      %sub3A_877 = arith.constant 1 : i32
      %sub3A_878 = arith.subi %div3A_857, %sub3A_877 : i32
      %select_n3A_879 = arith.select %and3A_876, %sub3A_878, %div3A_857 : i32
      %jit3A_880 = arith.constant 4 : i32
      %eq3A_881 = arith.constant 0 : i32
      %eq3A_882 = arith.cmpi eq, %jit3A_880, %eq3A_881 : i32
      %jit3A_883 = arith.constant 1 : i32
      %select_n3A_884 = arith.select %eq3A_882, %jit3A_883, %jit3A_880 : i32
      %rem3A_885 = arith.remsi %add3A_763, %select_n3A_884 : i32
      %ne3A_886 = arith.constant 0 : i32
      %ne3A_887 = arith.cmpi ne, %rem3A_885, %ne3A_886 : i32
      %lt3A_888 = arith.constant 0 : i32
      %lt3A_889 = arith.cmpi slt, %rem3A_885, %lt3A_888 : i32
      %lt3A_890 = arith.constant 0 : i32
      %lt3A_891 = arith.cmpi slt, %select_n3A_884, %lt3A_890 : i32
      %ne3A_892 = arith.xori %lt3A_889, %lt3A_891 : i1
      %and3A_893 = arith.andi %ne3A_892, %ne3A_887 : i1
      %add3A_894 = arith.addi %rem3A_885, %select_n3A_884 : i32
      %select_n3A_895 = arith.select %and3A_893, %add3A_894, %rem3A_885 : i32
      %dma_start3A_896 = tpu.memref_slice %arg7[%mul3A_855] : memref<8192xf32, #tpu.memory_space<vmem>> -> memref<128xf32, #tpu.memory_space<vmem>>
      %dma_start3A_897 = arith.constant 0 : i32
      %dma_start3A_898 = tpu.memref_slice %arg4[%select_n3A_251, %select_n3A_291, %select_n3A_879, %select_n3A_895, %select_n3A_307, %dma_start3A_897] : memref<8x2x32x4x8x128xf32, #tpu.memory_space<hbm>> -> memref<1x1x1x1x1x128xf32, #tpu.memory_space<hbm>>
      %dma_start3A_899 = tpu.memref_squeeze %dma_start3A_898 : memref<1x1x1x1x1x128xf32, #tpu.memory_space<hbm>> -> memref<128xf32, #tpu.memory_space<hbm>>
      %dma_start3A_900 = arith.constant 0 : i32
      %dma_start3A_901 = tpu.memref_slice %arg4[%select_n3A_251, %select_n3A_291, %select_n3A_879, %select_n3A_895, %select_n3A_307, %dma_start3A_900] : memref<8x2x32x4x8x128xf32, #tpu.memory_space<hbm>> -> memref<1x1x1x1x1x128xf32, #tpu.memory_space<hbm>>
      %dma_start3A_902 = tpu.memref_squeeze %dma_start3A_901 : memref<1x1x1x1x1x128xf32, #tpu.memory_space<hbm>> -> memref<128xf32, #tpu.memory_space<hbm>>
      %dma_start3A_903 = tpu.memref_slice %arg7[%mul3A_855] : memref<8192xf32, #tpu.memory_space<vmem>> -> memref<128xf32, #tpu.memory_space<vmem>>
      tpu.enqueue_dma source(%dma_start3A_903 : memref<128xf32, #tpu.memory_space<vmem>>) target(%dma_start3A_902 : memref<128xf32, #tpu.memory_space<hbm>>) target_semaphore(%arg8 : memref<!tpu.dma_semaphore, #tpu.memory_space<semaphore_mem>>)
      %scan3A_904 = arith.constant 3 : i32
      %scan3A_905 = arith.addi %scan3A_476, %scan3A_904 : i32
      %add3A_906 = arith.constant 64 : i32
      %add3A_907 = arith.addi %add3A_906, %scan3A_905 : i32
      %mul3A_908 = arith.constant 128 : i32
      %mul3A_909 = arith.muli %add3A_907, %mul3A_908 : i32
      %add3A_910 = arith.constant 0 : i32
      %add3A_911 = arith.addi %mul3A_909, %add3A_910 : i32
      %get3A_912 = arith.index_cast %add3A_911 : i32 to index
      %get3A_913 = tpu.vector_load %arg5[%get3A_912] {strides = array<i32>} : memref<16384xi32, #tpu.memory_space<vmem>>, vector<16xi32>,
      %gather3A_914 = tpu.vector_load_idx %arg6[%get3A_913] : memref<100000xf32, #tpu.memory_space<vmem>>[vector<16xi32>], vector<16xf32>,
      %mul3A_915 = arith.constant 128 : i32
      %mul3A_916 = arith.muli %scan3A_905, %mul3A_915 : i32
      %add3A_917 = arith.constant 0 : i32
      %add3A_918 = arith.addi %mul3A_916, %add3A_917 : i32
      %swap3A_919 = arith.index_cast %add3A_918 : i32 to index
      %swap3A_920 = tpu.vector_load %arg7[%swap3A_919] {strides = array<i32>} : memref<8192xf32, #tpu.memory_space<vmem>>, vector<16xf32>,
      tpu.vector_store %arg7[%swap3A_919], %gather3A_914 {strides = array<i32>} : memref<8192xf32, #tpu.memory_space<vmem>>, vector<16xf32>,
      %add3A_921 = arith.constant 16 : i32
      %add3A_922 = arith.addi %mul3A_909, %add3A_921 : i32
      %get3A_923 = arith.index_cast %add3A_922 : i32 to index
      %get3A_924 = tpu.vector_load %arg5[%get3A_923] {strides = array<i32>} : memref<16384xi32, #tpu.memory_space<vmem>>, vector<16xi32>,
      %gather3A_925 = tpu.vector_load_idx %arg6[%get3A_924] : memref<100000xf32, #tpu.memory_space<vmem>>[vector<16xi32>], vector<16xf32>,
      %mul3A_926 = arith.constant 128 : i32
      %mul3A_927 = arith.muli %scan3A_905, %mul3A_926 : i32
      %add3A_928 = arith.constant 16 : i32
      %add3A_929 = arith.addi %mul3A_927, %add3A_928 : i32
      %swap3A_930 = arith.index_cast %add3A_929 : i32 to index
      %swap3A_931 = tpu.vector_load %arg7[%swap3A_930] {strides = array<i32>} : memref<8192xf32, #tpu.memory_space<vmem>>, vector<16xf32>,
      tpu.vector_store %arg7[%swap3A_930], %gather3A_925 {strides = array<i32>} : memref<8192xf32, #tpu.memory_space<vmem>>, vector<16xf32>,
      %add3A_932 = arith.constant 32 : i32
      %add3A_933 = arith.addi %mul3A_909, %add3A_932 : i32
      %get3A_934 = arith.index_cast %add3A_933 : i32 to index
      %get3A_935 = tpu.vector_load %arg5[%get3A_934] {strides = array<i32>} : memref<16384xi32, #tpu.memory_space<vmem>>, vector<16xi32>,
      %gather3A_936 = tpu.vector_load_idx %arg6[%get3A_935] : memref<100000xf32, #tpu.memory_space<vmem>>[vector<16xi32>], vector<16xf32>,
      %mul3A_937 = arith.constant 128 : i32
      %mul3A_938 = arith.muli %scan3A_905, %mul3A_937 : i32
      %add3A_939 = arith.constant 32 : i32
      %add3A_940 = arith.addi %mul3A_938, %add3A_939 : i32
      %swap3A_941 = arith.index_cast %add3A_940 : i32 to index
      %swap3A_942 = tpu.vector_load %arg7[%swap3A_941] {strides = array<i32>} : memref<8192xf32, #tpu.memory_space<vmem>>, vector<16xf32>,
      tpu.vector_store %arg7[%swap3A_941], %gather3A_936 {strides = array<i32>} : memref<8192xf32, #tpu.memory_space<vmem>>, vector<16xf32>,
      %add3A_943 = arith.constant 48 : i32
      %add3A_944 = arith.addi %mul3A_909, %add3A_943 : i32
      %get3A_945 = arith.index_cast %add3A_944 : i32 to index
      %get3A_946 = tpu.vector_load %arg5[%get3A_945] {strides = array<i32>} : memref<16384xi32, #tpu.memory_space<vmem>>, vector<16xi32>,
      %gather3A_947 = tpu.vector_load_idx %arg6[%get3A_946] : memref<100000xf32, #tpu.memory_space<vmem>>[vector<16xi32>], vector<16xf32>,
      %mul3A_948 = arith.constant 128 : i32
      %mul3A_949 = arith.muli %scan3A_905, %mul3A_948 : i32
      %add3A_950 = arith.constant 48 : i32
      %add3A_951 = arith.addi %mul3A_949, %add3A_950 : i32
      %swap3A_952 = arith.index_cast %add3A_951 : i32 to index
      %swap3A_953 = tpu.vector_load %arg7[%swap3A_952] {strides = array<i32>} : memref<8192xf32, #tpu.memory_space<vmem>>, vector<16xf32>,
      tpu.vector_store %arg7[%swap3A_952], %gather3A_947 {strides = array<i32>} : memref<8192xf32, #tpu.memory_space<vmem>>, vector<16xf32>,
      %add3A_954 = arith.constant 64 : i32
      %add3A_955 = arith.addi %mul3A_909, %add3A_954 : i32
      %get3A_956 = arith.index_cast %add3A_955 : i32 to index
      %get3A_957 = tpu.vector_load %arg5[%get3A_956] {strides = array<i32>} : memref<16384xi32, #tpu.memory_space<vmem>>, vector<16xi32>,
      %gather3A_958 = tpu.vector_load_idx %arg6[%get3A_957] : memref<100000xf32, #tpu.memory_space<vmem>>[vector<16xi32>], vector<16xf32>,
      %mul3A_959 = arith.constant 128 : i32
      %mul3A_960 = arith.muli %scan3A_905, %mul3A_959 : i32
      %add3A_961 = arith.constant 64 : i32
      %add3A_962 = arith.addi %mul3A_960, %add3A_961 : i32
      %swap3A_963 = arith.index_cast %add3A_962 : i32 to index
      %swap3A_964 = tpu.vector_load %arg7[%swap3A_963] {strides = array<i32>} : memref<8192xf32, #tpu.memory_space<vmem>>, vector<16xf32>,
      tpu.vector_store %arg7[%swap3A_963], %gather3A_958 {strides = array<i32>} : memref<8192xf32, #tpu.memory_space<vmem>>, vector<16xf32>,
      %add3A_965 = arith.constant 80 : i32
      %add3A_966 = arith.addi %mul3A_909, %add3A_965 : i32
      %get3A_967 = arith.index_cast %add3A_966 : i32 to index
      %get3A_968 = tpu.vector_load %arg5[%get3A_967] {strides = array<i32>} : memref<16384xi32, #tpu.memory_space<vmem>>, vector<16xi32>,
      %gather3A_969 = tpu.vector_load_idx %arg6[%get3A_968] : memref<100000xf32, #tpu.memory_space<vmem>>[vector<16xi32>], vector<16xf32>,
      %mul3A_970 = arith.constant 128 : i32
      %mul3A_971 = arith.muli %scan3A_905, %mul3A_970 : i32
      %add3A_972 = arith.constant 80 : i32
      %add3A_973 = arith.addi %mul3A_971, %add3A_972 : i32
      %swap3A_974 = arith.index_cast %add3A_973 : i32 to index
      %swap3A_975 = tpu.vector_load %arg7[%swap3A_974] {strides = array<i32>} : memref<8192xf32, #tpu.memory_space<vmem>>, vector<16xf32>,
      tpu.vector_store %arg7[%swap3A_974], %gather3A_969 {strides = array<i32>} : memref<8192xf32, #tpu.memory_space<vmem>>, vector<16xf32>,
      %add3A_976 = arith.constant 96 : i32
      %add3A_977 = arith.addi %mul3A_909, %add3A_976 : i32
      %get3A_978 = arith.index_cast %add3A_977 : i32 to index
      %get3A_979 = tpu.vector_load %arg5[%get3A_978] {strides = array<i32>} : memref<16384xi32, #tpu.memory_space<vmem>>, vector<16xi32>,
      %gather3A_980 = tpu.vector_load_idx %arg6[%get3A_979] : memref<100000xf32, #tpu.memory_space<vmem>>[vector<16xi32>], vector<16xf32>,
      %mul3A_981 = arith.constant 128 : i32
      %mul3A_982 = arith.muli %scan3A_905, %mul3A_981 : i32
      %add3A_983 = arith.constant 96 : i32
      %add3A_984 = arith.addi %mul3A_982, %add3A_983 : i32
      %swap3A_985 = arith.index_cast %add3A_984 : i32 to index
      %swap3A_986 = tpu.vector_load %arg7[%swap3A_985] {strides = array<i32>} : memref<8192xf32, #tpu.memory_space<vmem>>, vector<16xf32>,
      tpu.vector_store %arg7[%swap3A_985], %gather3A_980 {strides = array<i32>} : memref<8192xf32, #tpu.memory_space<vmem>>, vector<16xf32>,
      %add3A_987 = arith.constant 112 : i32
      %add3A_988 = arith.addi %mul3A_909, %add3A_987 : i32
      %get3A_989 = arith.index_cast %add3A_988 : i32 to index
      %get3A_990 = tpu.vector_load %arg5[%get3A_989] {strides = array<i32>} : memref<16384xi32, #tpu.memory_space<vmem>>, vector<16xi32>,
      %gather3A_991 = tpu.vector_load_idx %arg6[%get3A_990] : memref<100000xf32, #tpu.memory_space<vmem>>[vector<16xi32>], vector<16xf32>,
      %mul3A_992 = arith.constant 128 : i32
      %mul3A_993 = arith.muli %scan3A_905, %mul3A_992 : i32
      %add3A_994 = arith.constant 112 : i32
      %add3A_995 = arith.addi %mul3A_993, %add3A_994 : i32
      %swap3A_996 = arith.index_cast %add3A_995 : i32 to index
      %swap3A_997 = tpu.vector_load %arg7[%swap3A_996] {strides = array<i32>} : memref<8192xf32, #tpu.memory_space<vmem>>, vector<16xf32>,
      tpu.vector_store %arg7[%swap3A_996], %gather3A_991 {strides = array<i32>} : memref<8192xf32, #tpu.memory_space<vmem>>, vector<16xf32>,
      %mul3A_998 = arith.constant 128 : i32
      %mul3A_999 = arith.muli %scan3A_905, %mul3A_998 : i32
      %jit3A_1000 = arith.constant 4 : i32
      %div3A_1001 = arith.divsi %add3A_907, %jit3A_1000 : i32
      %sign3A_1002 = arith.constant 0 : i32
      %sign3A_1003 = arith.cmpi sgt, %add3A_907, %sign3A_1002 : i32
      %sign3A_1004 = arith.extui %sign3A_1003 : i1 to i32
      %sign3A_1005 = arith.constant 0 : i32
      %sign3A_1006 = arith.cmpi slt, %add3A_907, %sign3A_1005 : i32
      %sign3A_1007 = arith.extui %sign3A_1006 : i1 to i32
      %sign3A_1008 = arith.subi %sign3A_1004, %sign3A_1007 : i32
      %sign3A_1009 = arith.constant 0 : i32
      %sign3A_1010 = arith.cmpi sgt, %jit3A_1000, %sign3A_1009 : i32
      %sign3A_1011 = arith.extui %sign3A_1010 : i1 to i32
      %sign3A_1012 = arith.constant 0 : i32
      %sign3A_1013 = arith.cmpi slt, %jit3A_1000, %sign3A_1012 : i32
      %sign3A_1014 = arith.extui %sign3A_1013 : i1 to i32
      %sign3A_1015 = arith.subi %sign3A_1011, %sign3A_1014 : i32
      %ne3A_1016 = arith.cmpi ne, %sign3A_1008, %sign3A_1015 : i32
      %rem3A_1017 = arith.remsi %add3A_907, %jit3A_1000 : i32
      %ne3A_1018 = arith.constant 0 : i32
      %ne3A_1019 = arith.cmpi ne, %rem3A_1017, %ne3A_1018 : i32
      %and3A_1020 = arith.andi %ne3A_1016, %ne3A_1019 : i1
      %sub3A_1021 = arith.constant 1 : i32
      %sub3A_1022 = arith.subi %div3A_1001, %sub3A_1021 : i32
      %select_n3A_1023 = arith.select %and3A_1020, %sub3A_1022, %div3A_1001 : i32
      %jit3A_1024 = arith.constant 4 : i32
      %eq3A_1025 = arith.constant 0 : i32
      %eq3A_1026 = arith.cmpi eq, %jit3A_1024, %eq3A_1025 : i32
      %jit3A_1027 = arith.constant 1 : i32
      %select_n3A_1028 = arith.select %eq3A_1026, %jit3A_1027, %jit3A_1024 : i32
      %rem3A_1029 = arith.remsi %add3A_907, %select_n3A_1028 : i32
      %ne3A_1030 = arith.constant 0 : i32
      %ne3A_1031 = arith.cmpi ne, %rem3A_1029, %ne3A_1030 : i32
      %lt3A_1032 = arith.constant 0 : i32
      %lt3A_1033 = arith.cmpi slt, %rem3A_1029, %lt3A_1032 : i32
      %lt3A_1034 = arith.constant 0 : i32
      %lt3A_1035 = arith.cmpi slt, %select_n3A_1028, %lt3A_1034 : i32
      %ne3A_1036 = arith.xori %lt3A_1033, %lt3A_1035 : i1
      %and3A_1037 = arith.andi %ne3A_1036, %ne3A_1031 : i1
      %add3A_1038 = arith.addi %rem3A_1029, %select_n3A_1028 : i32
      %select_n3A_1039 = arith.select %and3A_1037, %add3A_1038, %rem3A_1029 : i32
      %dma_start3A_1040 = tpu.memref_slice %arg7[%mul3A_999] : memref<8192xf32, #tpu.memory_space<vmem>> -> memref<128xf32, #tpu.memory_space<vmem>>
      %dma_start3A_1041 = arith.constant 0 : i32
      %dma_start3A_1042 = tpu.memref_slice %arg4[%select_n3A_251, %select_n3A_291, %select_n3A_1023, %select_n3A_1039, %select_n3A_307, %dma_start3A_1041] : memref<8x2x32x4x8x128xf32, #tpu.memory_space<hbm>> -> memref<1x1x1x1x1x128xf32, #tpu.memory_space<hbm>>
      %dma_start3A_1043 = tpu.memref_squeeze %dma_start3A_1042 : memref<1x1x1x1x1x128xf32, #tpu.memory_space<hbm>> -> memref<128xf32, #tpu.memory_space<hbm>>
      %dma_start3A_1044 = arith.constant 0 : i32
      %dma_start3A_1045 = tpu.memref_slice %arg4[%select_n3A_251, %select_n3A_291, %select_n3A_1023, %select_n3A_1039, %select_n3A_307, %dma_start3A_1044] : memref<8x2x32x4x8x128xf32, #tpu.memory_space<hbm>> -> memref<1x1x1x1x1x128xf32, #tpu.memory_space<hbm>>
      %dma_start3A_1046 = tpu.memref_squeeze %dma_start3A_1045 : memref<1x1x1x1x1x128xf32, #tpu.memory_space<hbm>> -> memref<128xf32, #tpu.memory_space<hbm>>
      %dma_start3A_1047 = tpu.memref_slice %arg7[%mul3A_999] : memref<8192xf32, #tpu.memory_space<vmem>> -> memref<128xf32, #tpu.memory_space<vmem>>
      tpu.enqueue_dma source(%dma_start3A_1047 : memref<128xf32, #tpu.memory_space<vmem>>) target(%dma_start3A_1046 : memref<128xf32, #tpu.memory_space<hbm>>) target_semaphore(%arg8 : memref<!tpu.dma_semaphore, #tpu.memory_space<semaphore_mem>>)
    }
    %scan3A_345 = arith.constant 64 : i32
    %mul3A_346 = arith.constant 4 : i32
    %mul3A_347 = arith.muli %add3A, %mul3A_346 : i32
    %add3A_348 = arith.constant 3 : i32
    %add3A_349 = arith.addi %mul3A_347, %add3A_348 : i32
    %jit3A_350 = arith.constant 16 : i32
    %div3A_351 = arith.divsi %add3A_349, %jit3A_350 : i32
    %sign3A_352 = arith.constant 0 : i32
    %sign3A_353 = arith.cmpi sgt, %add3A_349, %sign3A_352 : i32
    %sign3A_354 = arith.extui %sign3A_353 : i1 to i32
    %sign3A_355 = arith.constant 0 : i32
    %sign3A_356 = arith.cmpi slt, %add3A_349, %sign3A_355 : i32
    %sign3A_357 = arith.extui %sign3A_356 : i1 to i32
    %sign3A_358 = arith.subi %sign3A_354, %sign3A_357 : i32
    %sign3A_359 = arith.constant 0 : i32
    %sign3A_360 = arith.cmpi sgt, %jit3A_350, %sign3A_359 : i32
    %sign3A_361 = arith.extui %sign3A_360 : i1 to i32
    %sign3A_362 = arith.constant 0 : i32
    %sign3A_363 = arith.cmpi slt, %jit3A_350, %sign3A_362 : i32
    %sign3A_364 = arith.extui %sign3A_363 : i1 to i32
    %sign3A_365 = arith.subi %sign3A_361, %sign3A_364 : i32
    %ne3A_366 = arith.cmpi ne, %sign3A_358, %sign3A_365 : i32
    %rem3A_367 = arith.remsi %add3A_349, %jit3A_350 : i32
    %ne3A_368 = arith.constant 0 : i32
    %ne3A_369 = arith.cmpi ne, %rem3A_367, %ne3A_368 : i32
    %and3A_370 = arith.andi %ne3A_366, %ne3A_369 : i1
    %sub3A_371 = arith.constant 1 : i32
    %sub3A_372 = arith.subi %div3A_351, %sub3A_371 : i32
    %select_n3A_373 = arith.select %and3A_370, %sub3A_372, %div3A_351 : i32
    %jit3A_374 = arith.constant 16 : i32
    %eq3A_375 = arith.constant 0 : i32
    %eq3A_376 = arith.cmpi eq, %jit3A_374, %eq3A_375 : i32
    %jit3A_377 = arith.constant 1 : i32
    %select_n3A_378 = arith.select %eq3A_376, %jit3A_377, %jit3A_374 : i32
    %rem3A_379 = arith.remsi %add3A_349, %select_n3A_378 : i32
    %ne3A_380 = arith.constant 0 : i32
    %ne3A_381 = arith.cmpi ne, %rem3A_379, %ne3A_380 : i32
    %lt3A_382 = arith.constant 0 : i32
    %lt3A_383 = arith.cmpi slt, %rem3A_379, %lt3A_382 : i32
    %lt3A_384 = arith.constant 0 : i32
    %lt3A_385 = arith.cmpi slt, %select_n3A_378, %lt3A_384 : i32
    %ne3A_386 = arith.xori %lt3A_383, %lt3A_385 : i1
    %and3A_387 = arith.andi %ne3A_386, %ne3A_381 : i1
    %add3A_388 = arith.addi %rem3A_379, %select_n3A_378 : i32
    %select_n3A_389 = arith.select %and3A_387, %add3A_388, %rem3A_379 : i32
    %jit3A_390 = arith.constant 8 : i32
    %div3A_391 = arith.divsi %select_n3A_389, %jit3A_390 : i32
    %sign3A_392 = arith.constant 0 : i32
    %sign3A_393 = arith.cmpi sgt, %select_n3A_389, %sign3A_392 : i32
    %sign3A_394 = arith.extui %sign3A_393 : i1 to i32
    %sign3A_395 = arith.constant 0 : i32
    %sign3A_396 = arith.cmpi slt, %select_n3A_389, %sign3A_395 : i32
    %sign3A_397 = arith.extui %sign3A_396 : i1 to i32
    %sign3A_398 = arith.subi %sign3A_394, %sign3A_397 : i32
    %sign3A_399 = arith.constant 0 : i32
    %sign3A_400 = arith.cmpi sgt, %jit3A_390, %sign3A_399 : i32
    %sign3A_401 = arith.extui %sign3A_400 : i1 to i32
    %sign3A_402 = arith.constant 0 : i32
    %sign3A_403 = arith.cmpi slt, %jit3A_390, %sign3A_402 : i32
    %sign3A_404 = arith.extui %sign3A_403 : i1 to i32
    %sign3A_405 = arith.subi %sign3A_401, %sign3A_404 : i32
    %ne3A_406 = arith.cmpi ne, %sign3A_398, %sign3A_405 : i32
    %rem3A_407 = arith.remsi %select_n3A_389, %jit3A_390 : i32
    %ne3A_408 = arith.constant 0 : i32
    %ne3A_409 = arith.cmpi ne, %rem3A_407, %ne3A_408 : i32
    %and3A_410 = arith.andi %ne3A_406, %ne3A_409 : i1
    %sub3A_411 = arith.constant 1 : i32
    %sub3A_412 = arith.subi %div3A_391, %sub3A_411 : i32
    %select_n3A_413 = arith.select %and3A_410, %sub3A_412, %div3A_391 : i32
    %jit3A_414 = arith.constant 8 : i32
    %eq3A_415 = arith.constant 0 : i32
    %eq3A_416 = arith.cmpi eq, %jit3A_414, %eq3A_415 : i32
    %jit3A_417 = arith.constant 1 : i32
    %select_n3A_418 = arith.select %eq3A_416, %jit3A_417, %jit3A_414 : i32
    %rem3A_419 = arith.remsi %select_n3A_389, %select_n3A_418 : i32
    %ne3A_420 = arith.constant 0 : i32
    %ne3A_421 = arith.cmpi ne, %rem3A_419, %ne3A_420 : i32
    %lt3A_422 = arith.constant 0 : i32
    %lt3A_423 = arith.cmpi slt, %rem3A_419, %lt3A_422 : i32
    %lt3A_424 = arith.constant 0 : i32
    %lt3A_425 = arith.cmpi slt, %select_n3A_418, %lt3A_424 : i32
    %ne3A_426 = arith.xori %lt3A_423, %lt3A_425 : i1
    %and3A_427 = arith.andi %ne3A_426, %ne3A_421 : i1
    %add3A_428 = arith.addi %rem3A_419, %select_n3A_418 : i32
    %select_n3A_429 = arith.select %and3A_427, %add3A_428, %rem3A_419 : i32
    %dma_start3A_430 = arith.constant 0 : i32
    %dma_start3A_431 = tpu.memref_slice %arg3[%select_n3A_373, %select_n3A_389, %dma_start3A_430] : memref<8x16x100000xf32, #tpu.memory_space<hbm>> -> memref<1x1x100000xf32, #tpu.memory_space<hbm>>
    %dma_start3A_432 = tpu.memref_squeeze %dma_start3A_431 : memref<1x1x100000xf32, #tpu.memory_space<hbm>> -> memref<100000xf32, #tpu.memory_space<hbm>>
    %dma_start3A_433 = arith.constant 0 : i32
    %dma_start3A_434 = tpu.memref_slice %arg3[%select_n3A_373, %select_n3A_389, %dma_start3A_433] : memref<8x16x100000xf32, #tpu.memory_space<hbm>> -> memref<1x1x100000xf32, #tpu.memory_space<hbm>>
    %dma_start3A_435 = tpu.memref_squeeze %dma_start3A_434 : memref<1x1x100000xf32, #tpu.memory_space<hbm>> -> memref<100000xf32, #tpu.memory_space<hbm>>
    tpu.enqueue_dma source(%dma_start3A_435 : memref<100000xf32, #tpu.memory_space<hbm>>) target(%arg6 : memref<100000xf32, #tpu.memory_space<vmem>>) target_semaphore(%arg9 : memref<!tpu.dma_semaphore, #tpu.memory_space<semaphore_mem>>)
    %dma_wait3A_436 = arith.constant 0 : i32
    %dma_wait3A_437 = tpu.memref_slice %arg3[%select_n3A_373, %select_n3A_389, %dma_wait3A_436] : memref<8x16x100000xf32, #tpu.memory_space<hbm>> -> memref<1x1x100000xf32, #tpu.memory_space<hbm>>
    %dma_wait3A_438 = tpu.memref_squeeze %dma_wait3A_437 : memref<1x1x100000xf32, #tpu.memory_space<hbm>> -> memref<100000xf32, #tpu.memory_space<hbm>>
    %dma_wait3A_439 = arith.constant 0 : i32
    %dma_wait3A_440 = tpu.memref_slice %arg3[%select_n3A_373, %select_n3A_389, %dma_wait3A_439] : memref<8x16x100000xf32, #tpu.memory_space<hbm>> -> memref<1x1x100000xf32, #tpu.memory_space<hbm>>
    %dma_wait3A_441 = tpu.memref_squeeze %dma_wait3A_440 : memref<1x1x100000xf32, #tpu.memory_space<hbm>> -> memref<100000xf32, #tpu.memory_space<hbm>>
    tpu.wait_dma2 semaphore(%arg9 : memref<!tpu.dma_semaphore, #tpu.memory_space<semaphore_mem>>) src(%dma_wait3A_441 : memref<100000xf32, #tpu.memory_space<hbm>>) dst(%arg6 : memref<100000xf32, #tpu.memory_space<vmem>>)
    %dma_wait3A_442 = arith.constant 0 : i32
    %dma_wait3A_443 = tpu.memref_slice %arg5[%dma_wait3A_442] : memref<16384xi32, #tpu.memory_space<vmem>> -> memref<8192xi32, #tpu.memory_space<vmem>>
    %dma_wait3A_444 = arith.constant 0 : i32
    %dma_wait3A_445 = tpu.memref_slice %arg2[%dma_wait3A_444] : memref<16384xi32, #tpu.memory_space<hbm>> -> memref<8192xi32, #tpu.memory_space<hbm>>
    %dma_wait3A_446 = arith.constant 0 : i32
    %dma_wait3A_447 = tpu.memref_slice %arg5[%dma_wait3A_446] : memref<16384xi32, #tpu.memory_space<vmem>> -> memref<8192xi32, #tpu.memory_space<vmem>>
    %dma_wait3A_448 = arith.constant 0 : i32
    %dma_wait3A_449 = tpu.memref_slice %arg2[%dma_wait3A_448] : memref<16384xi32, #tpu.memory_space<hbm>> -> memref<8192xi32, #tpu.memory_space<hbm>>
    tpu.wait_dma2 semaphore(%arg8 : memref<!tpu.dma_semaphore, #tpu.memory_space<semaphore_mem>>) src(%dma_wait3A_449 : memref<8192xi32, #tpu.memory_space<hbm>>) dst(%dma_wait3A_447 : memref<8192xi32, #tpu.memory_space<vmem>>)
    %scan3A_450 = arith.constant 0 : i32
    %scan3A_451 = arith.constant 64 : i32
    %scan3A_452 = arith.addi %scan3A_450, %scan3A_451 : i32
    %scan3A_453 = arith.constant 4 : i32
    scf.for %scan3A_476 = %scan3A_450 to %scan3A_452 step %scan3A_453  : i32 {
      %add3A_477 = arith.constant 0 : i32
      %add3A_478 = arith.addi %add3A_477, %scan3A_476 : i32
      %mul3A_479 = arith.constant 128 : i32
      %mul3A_480 = arith.muli %add3A_478, %mul3A_479 : i32
      %add3A_481 = arith.constant 0 : i32
      %add3A_482 = arith.addi %mul3A_480, %add3A_481 : i32
      %get3A = arith.index_cast %add3A_482 : i32 to index
      %get3A_483 = tpu.vector_load %arg5[%get3A] {strides = array<i32>} : memref<16384xi32, #tpu.memory_space<vmem>>, vector<16xi32>,
      %gather3A = tpu.vector_load_idx %arg6[%get3A_483] : memref<100000xf32, #tpu.memory_space<vmem>>[vector<16xi32>], vector<16xf32>,
      %mul3A_484 = arith.constant 128 : i32
      %mul3A_485 = arith.muli %scan3A_476, %mul3A_484 : i32
      %add3A_486 = arith.constant 0 : i32
      %add3A_487 = arith.addi %mul3A_485, %add3A_486 : i32
      %swap3A = arith.index_cast %add3A_487 : i32 to index
      %swap3A_488 = tpu.vector_load %arg7[%swap3A] {strides = array<i32>} : memref<8192xf32, #tpu.memory_space<vmem>>, vector<16xf32>,
      tpu.vector_store %arg7[%swap3A], %gather3A {strides = array<i32>} : memref<8192xf32, #tpu.memory_space<vmem>>, vector<16xf32>,
      %add3A_489 = arith.constant 16 : i32
      %add3A_490 = arith.addi %mul3A_480, %add3A_489 : i32
      %get3A_491 = arith.index_cast %add3A_490 : i32 to index
      %get3A_492 = tpu.vector_load %arg5[%get3A_491] {strides = array<i32>} : memref<16384xi32, #tpu.memory_space<vmem>>, vector<16xi32>,
      %gather3A_493 = tpu.vector_load_idx %arg6[%get3A_492] : memref<100000xf32, #tpu.memory_space<vmem>>[vector<16xi32>], vector<16xf32>,
      %mul3A_494 = arith.constant 128 : i32
      %mul3A_495 = arith.muli %scan3A_476, %mul3A_494 : i32
      %add3A_496 = arith.constant 16 : i32
      %add3A_497 = arith.addi %mul3A_495, %add3A_496 : i32
      %swap3A_498 = arith.index_cast %add3A_497 : i32 to index
      %swap3A_499 = tpu.vector_load %arg7[%swap3A_498] {strides = array<i32>} : memref<8192xf32, #tpu.memory_space<vmem>>, vector<16xf32>,
      tpu.vector_store %arg7[%swap3A_498], %gather3A_493 {strides = array<i32>} : memref<8192xf32, #tpu.memory_space<vmem>>, vector<16xf32>,
      %add3A_500 = arith.constant 32 : i32
      %add3A_501 = arith.addi %mul3A_480, %add3A_500 : i32
      %get3A_502 = arith.index_cast %add3A_501 : i32 to index
      %get3A_503 = tpu.vector_load %arg5[%get3A_502] {strides = array<i32>} : memref<16384xi32, #tpu.memory_space<vmem>>, vector<16xi32>,
      %gather3A_504 = tpu.vector_load_idx %arg6[%get3A_503] : memref<100000xf32, #tpu.memory_space<vmem>>[vector<16xi32>], vector<16xf32>,
      %mul3A_505 = arith.constant 128 : i32
      %mul3A_506 = arith.muli %scan3A_476, %mul3A_505 : i32
      %add3A_507 = arith.constant 32 : i32
      %add3A_508 = arith.addi %mul3A_506, %add3A_507 : i32
      %swap3A_509 = arith.index_cast %add3A_508 : i32 to index
      %swap3A_510 = tpu.vector_load %arg7[%swap3A_509] {strides = array<i32>} : memref<8192xf32, #tpu.memory_space<vmem>>, vector<16xf32>,
      tpu.vector_store %arg7[%swap3A_509], %gather3A_504 {strides = array<i32>} : memref<8192xf32, #tpu.memory_space<vmem>>, vector<16xf32>,
      %add3A_511 = arith.constant 48 : i32
      %add3A_512 = arith.addi %mul3A_480, %add3A_511 : i32
      %get3A_513 = arith.index_cast %add3A_512 : i32 to index
      %get3A_514 = tpu.vector_load %arg5[%get3A_513] {strides = array<i32>} : memref<16384xi32, #tpu.memory_space<vmem>>, vector<16xi32>,
      %gather3A_515 = tpu.vector_load_idx %arg6[%get3A_514] : memref<100000xf32, #tpu.memory_space<vmem>>[vector<16xi32>], vector<16xf32>,
      %mul3A_516 = arith.constant 128 : i32
      %mul3A_517 = arith.muli %scan3A_476, %mul3A_516 : i32
      %add3A_518 = arith.constant 48 : i32
      %add3A_519 = arith.addi %mul3A_517, %add3A_518 : i32
      %swap3A_520 = arith.index_cast %add3A_519 : i32 to index
      %swap3A_521 = tpu.vector_load %arg7[%swap3A_520] {strides = array<i32>} : memref<8192xf32, #tpu.memory_space<vmem>>, vector<16xf32>,
      tpu.vector_store %arg7[%swap3A_520], %gather3A_515 {strides = array<i32>} : memref<8192xf32, #tpu.memory_space<vmem>>, vector<16xf32>,
      %add3A_522 = arith.constant 64 : i32
      %add3A_523 = arith.addi %mul3A_480, %add3A_522 : i32
      %get3A_524 = arith.index_cast %add3A_523 : i32 to index
      %get3A_525 = tpu.vector_load %arg5[%get3A_524] {strides = array<i32>} : memref<16384xi32, #tpu.memory_space<vmem>>, vector<16xi32>,
      %gather3A_526 = tpu.vector_load_idx %arg6[%get3A_525] : memref<100000xf32, #tpu.memory_space<vmem>>[vector<16xi32>], vector<16xf32>,
      %mul3A_527 = arith.constant 128 : i32
      %mul3A_528 = arith.muli %scan3A_476, %mul3A_527 : i32
      %add3A_529 = arith.constant 64 : i32
      %add3A_530 = arith.addi %mul3A_528, %add3A_529 : i32
      %swap3A_531 = arith.index_cast %add3A_530 : i32 to index
      %swap3A_532 = tpu.vector_load %arg7[%swap3A_531] {strides = array<i32>} : memref<8192xf32, #tpu.memory_space<vmem>>, vector<16xf32>,
      tpu.vector_store %arg7[%swap3A_531], %gather3A_526 {strides = array<i32>} : memref<8192xf32, #tpu.memory_space<vmem>>, vector<16xf32>,
      %add3A_533 = arith.constant 80 : i32
      %add3A_534 = arith.addi %mul3A_480, %add3A_533 : i32
      %get3A_535 = arith.index_cast %add3A_534 : i32 to index
      %get3A_536 = tpu.vector_load %arg5[%get3A_535] {strides = array<i32>} : memref<16384xi32, #tpu.memory_space<vmem>>, vector<16xi32>,
      %gather3A_537 = tpu.vector_load_idx %arg6[%get3A_536] : memref<100000xf32, #tpu.memory_space<vmem>>[vector<16xi32>], vector<16xf32>,
      %mul3A_538 = arith.constant 128 : i32
      %mul3A_539 = arith.muli %scan3A_476, %mul3A_538 : i32
      %add3A_540 = arith.constant 80 : i32
      %add3A_541 = arith.addi %mul3A_539, %add3A_540 : i32
      %swap3A_542 = arith.index_cast %add3A_541 : i32 to index
      %swap3A_543 = tpu.vector_load %arg7[%swap3A_542] {strides = array<i32>} : memref<8192xf32, #tpu.memory_space<vmem>>, vector<16xf32>,
      tpu.vector_store %arg7[%swap3A_542], %gather3A_537 {strides = array<i32>} : memref<8192xf32, #tpu.memory_space<vmem>>, vector<16xf32>,
      %add3A_544 = arith.constant 96 : i32
      %add3A_545 = arith.addi %mul3A_480, %add3A_544 : i32
      %get3A_546 = arith.index_cast %add3A_545 : i32 to index
      %get3A_547 = tpu.vector_load %arg5[%get3A_546] {strides = array<i32>} : memref<16384xi32, #tpu.memory_space<vmem>>, vector<16xi32>,
      %gather3A_548 = tpu.vector_load_idx %arg6[%get3A_547] : memref<100000xf32, #tpu.memory_space<vmem>>[vector<16xi32>], vector<16xf32>,
      %mul3A_549 = arith.constant 128 : i32
      %mul3A_550 = arith.muli %scan3A_476, %mul3A_549 : i32
      %add3A_551 = arith.constant 96 : i32
      %add3A_552 = arith.addi %mul3A_550, %add3A_551 : i32
      %swap3A_553 = arith.index_cast %add3A_552 : i32 to index
      %swap3A_554 = tpu.vector_load %arg7[%swap3A_553] {strides = array<i32>} : memref<8192xf32, #tpu.memory_space<vmem>>, vector<16xf32>,
      tpu.vector_store %arg7[%swap3A_553], %gather3A_548 {strides = array<i32>} : memref<8192xf32, #tpu.memory_space<vmem>>, vector<16xf32>,
      %add3A_555 = arith.constant 112 : i32
      %add3A_556 = arith.addi %mul3A_480, %add3A_555 : i32
      %get3A_557 = arith.index_cast %add3A_556 : i32 to index
      %get3A_558 = tpu.vector_load %arg5[%get3A_557] {strides = array<i32>} : memref<16384xi32, #tpu.memory_space<vmem>>, vector<16xi32>,
      %gather3A_559 = tpu.vector_load_idx %arg6[%get3A_558] : memref<100000xf32, #tpu.memory_space<vmem>>[vector<16xi32>], vector<16xf32>,
      %mul3A_560 = arith.constant 128 : i32
      %mul3A_561 = arith.muli %scan3A_476, %mul3A_560 : i32
      %add3A_562 = arith.constant 112 : i32
      %add3A_563 = arith.addi %mul3A_561, %add3A_562 : i32
      %swap3A_564 = arith.index_cast %add3A_563 : i32 to index
      %swap3A_565 = tpu.vector_load %arg7[%swap3A_564] {strides = array<i32>} : memref<8192xf32, #tpu.memory_space<vmem>>, vector<16xf32>,
      tpu.vector_store %arg7[%swap3A_564], %gather3A_559 {strides = array<i32>} : memref<8192xf32, #tpu.memory_space<vmem>>, vector<16xf32>,
      %mul3A_566 = arith.constant 128 : i32
      %mul3A_567 = arith.muli %scan3A_476, %mul3A_566 : i32
      %jit3A_568 = arith.constant 4 : i32
      %div3A_569 = arith.divsi %add3A_478, %jit3A_568 : i32
      %sign3A_570 = arith.constant 0 : i32
      %sign3A_571 = arith.cmpi sgt, %add3A_478, %sign3A_570 : i32
      %sign3A_572 = arith.extui %sign3A_571 : i1 to i32
      %sign3A_573 = arith.constant 0 : i32
      %sign3A_574 = arith.cmpi slt, %add3A_478, %sign3A_573 : i32
      %sign3A_575 = arith.extui %sign3A_574 : i1 to i32
      %sign3A_576 = arith.subi %sign3A_572, %sign3A_575 : i32
      %sign3A_577 = arith.constant 0 : i32
      %sign3A_578 = arith.cmpi sgt, %jit3A_568, %sign3A_577 : i32
      %sign3A_579 = arith.extui %sign3A_578 : i1 to i32
      %sign3A_580 = arith.constant 0 : i32
      %sign3A_581 = arith.cmpi slt, %jit3A_568, %sign3A_580 : i32
      %sign3A_582 = arith.extui %sign3A_581 : i1 to i32
      %sign3A_583 = arith.subi %sign3A_579, %sign3A_582 : i32
      %ne3A_584 = arith.cmpi ne, %sign3A_576, %sign3A_583 : i32
      %rem3A_585 = arith.remsi %add3A_478, %jit3A_568 : i32
      %ne3A_586 = arith.constant 0 : i32
      %ne3A_587 = arith.cmpi ne, %rem3A_585, %ne3A_586 : i32
      %and3A_588 = arith.andi %ne3A_584, %ne3A_587 : i1
      %sub3A_589 = arith.constant 1 : i32
      %sub3A_590 = arith.subi %div3A_569, %sub3A_589 : i32
      %select_n3A_591 = arith.select %and3A_588, %sub3A_590, %div3A_569 : i32
      %jit3A_592 = arith.constant 4 : i32
      %eq3A_593 = arith.constant 0 : i32
      %eq3A_594 = arith.cmpi eq, %jit3A_592, %eq3A_593 : i32
      %jit3A_595 = arith.constant 1 : i32
      %select_n3A_596 = arith.select %eq3A_594, %jit3A_595, %jit3A_592 : i32
      %rem3A_597 = arith.remsi %add3A_478, %select_n3A_596 : i32
      %ne3A_598 = arith.constant 0 : i32
      %ne3A_599 = arith.cmpi ne, %rem3A_597, %ne3A_598 : i32
      %lt3A_600 = arith.constant 0 : i32
      %lt3A_601 = arith.cmpi slt, %rem3A_597, %lt3A_600 : i32
      %lt3A_602 = arith.constant 0 : i32
      %lt3A_603 = arith.cmpi slt, %select_n3A_596, %lt3A_602 : i32
      %ne3A_604 = arith.xori %lt3A_601, %lt3A_603 : i1
      %and3A_605 = arith.andi %ne3A_604, %ne3A_599 : i1
      %add3A_606 = arith.addi %rem3A_597, %select_n3A_596 : i32
      %select_n3A_607 = arith.select %and3A_605, %add3A_606, %rem3A_597 : i32
      %dma_start3A_608 = tpu.memref_slice %arg7[%mul3A_567] : memref<8192xf32, #tpu.memory_space<vmem>> -> memref<128xf32, #tpu.memory_space<vmem>>
      %dma_start3A_609 = arith.constant 0 : i32
      %dma_start3A_610 = tpu.memref_slice %arg4[%select_n3A_373, %select_n3A_413, %select_n3A_591, %select_n3A_607, %select_n3A_429, %dma_start3A_609] : memref<8x2x32x4x8x128xf32, #tpu.memory_space<hbm>> -> memref<1x1x1x1x1x128xf32, #tpu.memory_space<hbm>>
      %dma_start3A_611 = tpu.memref_squeeze %dma_start3A_610 : memref<1x1x1x1x1x128xf32, #tpu.memory_space<hbm>> -> memref<128xf32, #tpu.memory_space<hbm>>
      %dma_start3A_612 = arith.constant 0 : i32
      %dma_start3A_613 = tpu.memref_slice %arg4[%select_n3A_373, %select_n3A_413, %select_n3A_591, %select_n3A_607, %select_n3A_429, %dma_start3A_612] : memref<8x2x32x4x8x128xf32, #tpu.memory_space<hbm>> -> memref<1x1x1x1x1x128xf32, #tpu.memory_space<hbm>>
      %dma_start3A_614 = tpu.memref_squeeze %dma_start3A_613 : memref<1x1x1x1x1x128xf32, #tpu.memory_space<hbm>> -> memref<128xf32, #tpu.memory_space<hbm>>
      %dma_start3A_615 = tpu.memref_slice %arg7[%mul3A_567] : memref<8192xf32, #tpu.memory_space<vmem>> -> memref<128xf32, #tpu.memory_space<vmem>>
      tpu.enqueue_dma source(%dma_start3A_615 : memref<128xf32, #tpu.memory_space<vmem>>) target(%dma_start3A_614 : memref<128xf32, #tpu.memory_space<hbm>>) target_semaphore(%arg8 : memref<!tpu.dma_semaphore, #tpu.memory_space<semaphore_mem>>)
      %scan3A_616 = arith.constant 1 : i32
      %scan3A_617 = arith.addi %scan3A_476, %scan3A_616 : i32
      %add3A_618 = arith.constant 0 : i32
      %add3A_619 = arith.addi %add3A_618, %scan3A_617 : i32
      %mul3A_620 = arith.constant 128 : i32
      %mul3A_621 = arith.muli %add3A_619, %mul3A_620 : i32
      %add3A_622 = arith.constant 0 : i32
      %add3A_623 = arith.addi %mul3A_621, %add3A_622 : i32
      %get3A_624 = arith.index_cast %add3A_623 : i32 to index
      %get3A_625 = tpu.vector_load %arg5[%get3A_624] {strides = array<i32>} : memref<16384xi32, #tpu.memory_space<vmem>>, vector<16xi32>,
      %gather3A_626 = tpu.vector_load_idx %arg6[%get3A_625] : memref<100000xf32, #tpu.memory_space<vmem>>[vector<16xi32>], vector<16xf32>,
      %mul3A_627 = arith.constant 128 : i32
      %mul3A_628 = arith.muli %scan3A_617, %mul3A_627 : i32
      %add3A_629 = arith.constant 0 : i32
      %add3A_630 = arith.addi %mul3A_628, %add3A_629 : i32
      %swap3A_631 = arith.index_cast %add3A_630 : i32 to index
      %swap3A_632 = tpu.vector_load %arg7[%swap3A_631] {strides = array<i32>} : memref<8192xf32, #tpu.memory_space<vmem>>, vector<16xf32>,
      tpu.vector_store %arg7[%swap3A_631], %gather3A_626 {strides = array<i32>} : memref<8192xf32, #tpu.memory_space<vmem>>, vector<16xf32>,
      %add3A_633 = arith.constant 16 : i32
      %add3A_634 = arith.addi %mul3A_621, %add3A_633 : i32
      %get3A_635 = arith.index_cast %add3A_634 : i32 to index
      %get3A_636 = tpu.vector_load %arg5[%get3A_635] {strides = array<i32>} : memref<16384xi32, #tpu.memory_space<vmem>>, vector<16xi32>,
      %gather3A_637 = tpu.vector_load_idx %arg6[%get3A_636] : memref<100000xf32, #tpu.memory_space<vmem>>[vector<16xi32>], vector<16xf32>,
      %mul3A_638 = arith.constant 128 : i32
      %mul3A_639 = arith.muli %scan3A_617, %mul3A_638 : i32
      %add3A_640 = arith.constant 16 : i32
      %add3A_641 = arith.addi %mul3A_639, %add3A_640 : i32
      %swap3A_642 = arith.index_cast %add3A_641 : i32 to index
      %swap3A_643 = tpu.vector_load %arg7[%swap3A_642] {strides = array<i32>} : memref<8192xf32, #tpu.memory_space<vmem>>, vector<16xf32>,
      tpu.vector_store %arg7[%swap3A_642], %gather3A_637 {strides = array<i32>} : memref<8192xf32, #tpu.memory_space<vmem>>, vector<16xf32>,
      %add3A_644 = arith.constant 32 : i32
      %add3A_645 = arith.addi %mul3A_621, %add3A_644 : i32
      %get3A_646 = arith.index_cast %add3A_645 : i32 to index
      %get3A_647 = tpu.vector_load %arg5[%get3A_646] {strides = array<i32>} : memref<16384xi32, #tpu.memory_space<vmem>>, vector<16xi32>,
      %gather3A_648 = tpu.vector_load_idx %arg6[%get3A_647] : memref<100000xf32, #tpu.memory_space<vmem>>[vector<16xi32>], vector<16xf32>,
      %mul3A_649 = arith.constant 128 : i32
      %mul3A_650 = arith.muli %scan3A_617, %mul3A_649 : i32
      %add3A_651 = arith.constant 32 : i32
      %add3A_652 = arith.addi %mul3A_650, %add3A_651 : i32
      %swap3A_653 = arith.index_cast %add3A_652 : i32 to index
      %swap3A_654 = tpu.vector_load %arg7[%swap3A_653] {strides = array<i32>} : memref<8192xf32, #tpu.memory_space<vmem>>, vector<16xf32>,
      tpu.vector_store %arg7[%swap3A_653], %gather3A_648 {strides = array<i32>} : memref<8192xf32, #tpu.memory_space<vmem>>, vector<16xf32>,
      %add3A_655 = arith.constant 48 : i32
      %add3A_656 = arith.addi %mul3A_621, %add3A_655 : i32
      %get3A_657 = arith.index_cast %add3A_656 : i32 to index
      %get3A_658 = tpu.vector_load %arg5[%get3A_657] {strides = array<i32>} : memref<16384xi32, #tpu.memory_space<vmem>>, vector<16xi32>,
      %gather3A_659 = tpu.vector_load_idx %arg6[%get3A_658] : memref<100000xf32, #tpu.memory_space<vmem>>[vector<16xi32>], vector<16xf32>,
      %mul3A_660 = arith.constant 128 : i32
      %mul3A_661 = arith.muli %scan3A_617, %mul3A_660 : i32
      %add3A_662 = arith.constant 48 : i32
      %add3A_663 = arith.addi %mul3A_661, %add3A_662 : i32
      %swap3A_664 = arith.index_cast %add3A_663 : i32 to index
      %swap3A_665 = tpu.vector_load %arg7[%swap3A_664] {strides = array<i32>} : memref<8192xf32, #tpu.memory_space<vmem>>, vector<16xf32>,
      tpu.vector_store %arg7[%swap3A_664], %gather3A_659 {strides = array<i32>} : memref<8192xf32, #tpu.memory_space<vmem>>, vector<16xf32>,
      %add3A_666 = arith.constant 64 : i32
      %add3A_667 = arith.addi %mul3A_621, %add3A_666 : i32
      %get3A_668 = arith.index_cast %add3A_667 : i32 to index
      %get3A_669 = tpu.vector_load %arg5[%get3A_668] {strides = array<i32>} : memref<16384xi32, #tpu.memory_space<vmem>>, vector<16xi32>,
      %gather3A_670 = tpu.vector_load_idx %arg6[%get3A_669] : memref<100000xf32, #tpu.memory_space<vmem>>[vector<16xi32>], vector<16xf32>,
      %mul3A_671 = arith.constant 128 : i32
      %mul3A_672 = arith.muli %scan3A_617, %mul3A_671 : i32
      %add3A_673 = arith.constant 64 : i32
      %add3A_674 = arith.addi %mul3A_672, %add3A_673 : i32
      %swap3A_675 = arith.index_cast %add3A_674 : i32 to index
      %swap3A_676 = tpu.vector_load %arg7[%swap3A_675] {strides = array<i32>} : memref<8192xf32, #tpu.memory_space<vmem>>, vector<16xf32>,
      tpu.vector_store %arg7[%swap3A_675], %gather3A_670 {strides = array<i32>} : memref<8192xf32, #tpu.memory_space<vmem>>, vector<16xf32>,
      %add3A_677 = arith.constant 80 : i32
      %add3A_678 = arith.addi %mul3A_621, %add3A_677 : i32
      %get3A_679 = arith.index_cast %add3A_678 : i32 to index
      %get3A_680 = tpu.vector_load %arg5[%get3A_679] {strides = array<i32>} : memref<16384xi32, #tpu.memory_space<vmem>>, vector<16xi32>,
      %gather3A_681 = tpu.vector_load_idx %arg6[%get3A_680] : memref<100000xf32, #tpu.memory_space<vmem>>[vector<16xi32>], vector<16xf32>,
      %mul3A_682 = arith.constant 128 : i32
      %mul3A_683 = arith.muli %scan3A_617, %mul3A_682 : i32
      %add3A_684 = arith.constant 80 : i32
      %add3A_685 = arith.addi %mul3A_683, %add3A_684 : i32
      %swap3A_686 = arith.index_cast %add3A_685 : i32 to index
      %swap3A_687 = tpu.vector_load %arg7[%swap3A_686] {strides = array<i32>} : memref<8192xf32, #tpu.memory_space<vmem>>, vector<16xf32>,
      tpu.vector_store %arg7[%swap3A_686], %gather3A_681 {strides = array<i32>} : memref<8192xf32, #tpu.memory_space<vmem>>, vector<16xf32>,
      %add3A_688 = arith.constant 96 : i32
      %add3A_689 = arith.addi %mul3A_621, %add3A_688 : i32
      %get3A_690 = arith.index_cast %add3A_689 : i32 to index
      %get3A_691 = tpu.vector_load %arg5[%get3A_690] {strides = array<i32>} : memref<16384xi32, #tpu.memory_space<vmem>>, vector<16xi32>,
      %gather3A_692 = tpu.vector_load_idx %arg6[%get3A_691] : memref<100000xf32, #tpu.memory_space<vmem>>[vector<16xi32>], vector<16xf32>,
      %mul3A_693 = arith.constant 128 : i32
      %mul3A_694 = arith.muli %scan3A_617, %mul3A_693 : i32
      %add3A_695 = arith.constant 96 : i32
      %add3A_696 = arith.addi %mul3A_694, %add3A_695 : i32
      %swap3A_697 = arith.index_cast %add3A_696 : i32 to index
      %swap3A_698 = tpu.vector_load %arg7[%swap3A_697] {strides = array<i32>} : memref<8192xf32, #tpu.memory_space<vmem>>, vector<16xf32>,
      tpu.vector_store %arg7[%swap3A_697], %gather3A_692 {strides = array<i32>} : memref<8192xf32, #tpu.memory_space<vmem>>, vector<16xf32>,
      %add3A_699 = arith.constant 112 : i32
      %add3A_700 = arith.addi %mul3A_621, %add3A_699 : i32
      %get3A_701 = arith.index_cast %add3A_700 : i32 to index
      %get3A_702 = tpu.vector_load %arg5[%get3A_701] {strides = array<i32>} : memref<16384xi32, #tpu.memory_space<vmem>>, vector<16xi32>,
      %gather3A_703 = tpu.vector_load_idx %arg6[%get3A_702] : memref<100000xf32, #tpu.memory_space<vmem>>[vector<16xi32>], vector<16xf32>,
      %mul3A_704 = arith.constant 128 : i32
      %mul3A_705 = arith.muli %scan3A_617, %mul3A_704 : i32
      %add3A_706 = arith.constant 112 : i32
      %add3A_707 = arith.addi %mul3A_705, %add3A_706 : i32
      %swap3A_708 = arith.index_cast %add3A_707 : i32 to index
      %swap3A_709 = tpu.vector_load %arg7[%swap3A_708] {strides = array<i32>} : memref<8192xf32, #tpu.memory_space<vmem>>, vector<16xf32>,
      tpu.vector_store %arg7[%swap3A_708], %gather3A_703 {strides = array<i32>} : memref<8192xf32, #tpu.memory_space<vmem>>, vector<16xf32>,
      %mul3A_710 = arith.constant 128 : i32
      %mul3A_711 = arith.muli %scan3A_617, %mul3A_710 : i32
      %jit3A_712 = arith.constant 4 : i32
      %div3A_713 = arith.divsi %add3A_619, %jit3A_712 : i32
      %sign3A_714 = arith.constant 0 : i32
      %sign3A_715 = arith.cmpi sgt, %add3A_619, %sign3A_714 : i32
      %sign3A_716 = arith.extui %sign3A_715 : i1 to i32
      %sign3A_717 = arith.constant 0 : i32
      %sign3A_718 = arith.cmpi slt, %add3A_619, %sign3A_717 : i32
      %sign3A_719 = arith.extui %sign3A_718 : i1 to i32
      %sign3A_720 = arith.subi %sign3A_716, %sign3A_719 : i32
      %sign3A_721 = arith.constant 0 : i32
      %sign3A_722 = arith.cmpi sgt, %jit3A_712, %sign3A_721 : i32
      %sign3A_723 = arith.extui %sign3A_722 : i1 to i32
      %sign3A_724 = arith.constant 0 : i32
      %sign3A_725 = arith.cmpi slt, %jit3A_712, %sign3A_724 : i32
      %sign3A_726 = arith.extui %sign3A_725 : i1 to i32
      %sign3A_727 = arith.subi %sign3A_723, %sign3A_726 : i32
      %ne3A_728 = arith.cmpi ne, %sign3A_720, %sign3A_727 : i32
      %rem3A_729 = arith.remsi %add3A_619, %jit3A_712 : i32
      %ne3A_730 = arith.constant 0 : i32
      %ne3A_731 = arith.cmpi ne, %rem3A_729, %ne3A_730 : i32
      %and3A_732 = arith.andi %ne3A_728, %ne3A_731 : i1
      %sub3A_733 = arith.constant 1 : i32
      %sub3A_734 = arith.subi %div3A_713, %sub3A_733 : i32
      %select_n3A_735 = arith.select %and3A_732, %sub3A_734, %div3A_713 : i32
      %jit3A_736 = arith.constant 4 : i32
      %eq3A_737 = arith.constant 0 : i32
      %eq3A_738 = arith.cmpi eq, %jit3A_736, %eq3A_737 : i32
      %jit3A_739 = arith.constant 1 : i32
      %select_n3A_740 = arith.select %eq3A_738, %jit3A_739, %jit3A_736 : i32
      %rem3A_741 = arith.remsi %add3A_619, %select_n3A_740 : i32
      %ne3A_742 = arith.constant 0 : i32
      %ne3A_743 = arith.cmpi ne, %rem3A_741, %ne3A_742 : i32
      %lt3A_744 = arith.constant 0 : i32
      %lt3A_745 = arith.cmpi slt, %rem3A_741, %lt3A_744 : i32
      %lt3A_746 = arith.constant 0 : i32
      %lt3A_747 = arith.cmpi slt, %select_n3A_740, %lt3A_746 : i32
      %ne3A_748 = arith.xori %lt3A_745, %lt3A_747 : i1
      %and3A_749 = arith.andi %ne3A_748, %ne3A_743 : i1
      %add3A_750 = arith.addi %rem3A_741, %select_n3A_740 : i32
      %select_n3A_751 = arith.select %and3A_749, %add3A_750, %rem3A_741 : i32
      %dma_start3A_752 = tpu.memref_slice %arg7[%mul3A_711] : memref<8192xf32, #tpu.memory_space<vmem>> -> memref<128xf32, #tpu.memory_space<vmem>>
      %dma_start3A_753 = arith.constant 0 : i32
      %dma_start3A_754 = tpu.memref_slice %arg4[%select_n3A_373, %select_n3A_413, %select_n3A_735, %select_n3A_751, %select_n3A_429, %dma_start3A_753] : memref<8x2x32x4x8x128xf32, #tpu.memory_space<hbm>> -> memref<1x1x1x1x1x128xf32, #tpu.memory_space<hbm>>
      %dma_start3A_755 = tpu.memref_squeeze %dma_start3A_754 : memref<1x1x1x1x1x128xf32, #tpu.memory_space<hbm>> -> memref<128xf32, #tpu.memory_space<hbm>>
      %dma_start3A_756 = arith.constant 0 : i32
      %dma_start3A_757 = tpu.memref_slice %arg4[%select_n3A_373, %select_n3A_413, %select_n3A_735, %select_n3A_751, %select_n3A_429, %dma_start3A_756] : memref<8x2x32x4x8x128xf32, #tpu.memory_space<hbm>> -> memref<1x1x1x1x1x128xf32, #tpu.memory_space<hbm>>
      %dma_start3A_758 = tpu.memref_squeeze %dma_start3A_757 : memref<1x1x1x1x1x128xf32, #tpu.memory_space<hbm>> -> memref<128xf32, #tpu.memory_space<hbm>>
      %dma_start3A_759 = tpu.memref_slice %arg7[%mul3A_711] : memref<8192xf32, #tpu.memory_space<vmem>> -> memref<128xf32, #tpu.memory_space<vmem>>
      tpu.enqueue_dma source(%dma_start3A_759 : memref<128xf32, #tpu.memory_space<vmem>>) target(%dma_start3A_758 : memref<128xf32, #tpu.memory_space<hbm>>) target_semaphore(%arg8 : memref<!tpu.dma_semaphore, #tpu.memory_space<semaphore_mem>>)
      %scan3A_760 = arith.constant 2 : i32
      %scan3A_761 = arith.addi %scan3A_476, %scan3A_760 : i32
      %add3A_762 = arith.constant 0 : i32
      %add3A_763 = arith.addi %add3A_762, %scan3A_761 : i32
      %mul3A_764 = arith.constant 128 : i32
      %mul3A_765 = arith.muli %add3A_763, %mul3A_764 : i32
      %add3A_766 = arith.constant 0 : i32
      %add3A_767 = arith.addi %mul3A_765, %add3A_766 : i32
      %get3A_768 = arith.index_cast %add3A_767 : i32 to index
      %get3A_769 = tpu.vector_load %arg5[%get3A_768] {strides = array<i32>} : memref<16384xi32, #tpu.memory_space<vmem>>, vector<16xi32>,
      %gather3A_770 = tpu.vector_load_idx %arg6[%get3A_769] : memref<100000xf32, #tpu.memory_space<vmem>>[vector<16xi32>], vector<16xf32>,
      %mul3A_771 = arith.constant 128 : i32
      %mul3A_772 = arith.muli %scan3A_761, %mul3A_771 : i32
      %add3A_773 = arith.constant 0 : i32
      %add3A_774 = arith.addi %mul3A_772, %add3A_773 : i32
      %swap3A_775 = arith.index_cast %add3A_774 : i32 to index
      %swap3A_776 = tpu.vector_load %arg7[%swap3A_775] {strides = array<i32>} : memref<8192xf32, #tpu.memory_space<vmem>>, vector<16xf32>,
      tpu.vector_store %arg7[%swap3A_775], %gather3A_770 {strides = array<i32>} : memref<8192xf32, #tpu.memory_space<vmem>>, vector<16xf32>,
      %add3A_777 = arith.constant 16 : i32
      %add3A_778 = arith.addi %mul3A_765, %add3A_777 : i32
      %get3A_779 = arith.index_cast %add3A_778 : i32 to index
      %get3A_780 = tpu.vector_load %arg5[%get3A_779] {strides = array<i32>} : memref<16384xi32, #tpu.memory_space<vmem>>, vector<16xi32>,
      %gather3A_781 = tpu.vector_load_idx %arg6[%get3A_780] : memref<100000xf32, #tpu.memory_space<vmem>>[vector<16xi32>], vector<16xf32>,
      %mul3A_782 = arith.constant 128 : i32
      %mul3A_783 = arith.muli %scan3A_761, %mul3A_782 : i32
      %add3A_784 = arith.constant 16 : i32
      %add3A_785 = arith.addi %mul3A_783, %add3A_784 : i32
      %swap3A_786 = arith.index_cast %add3A_785 : i32 to index
      %swap3A_787 = tpu.vector_load %arg7[%swap3A_786] {strides = array<i32>} : memref<8192xf32, #tpu.memory_space<vmem>>, vector<16xf32>,
      tpu.vector_store %arg7[%swap3A_786], %gather3A_781 {strides = array<i32>} : memref<8192xf32, #tpu.memory_space<vmem>>, vector<16xf32>,
      %add3A_788 = arith.constant 32 : i32
      %add3A_789 = arith.addi %mul3A_765, %add3A_788 : i32
      %get3A_790 = arith.index_cast %add3A_789 : i32 to index
      %get3A_791 = tpu.vector_load %arg5[%get3A_790] {strides = array<i32>} : memref<16384xi32, #tpu.memory_space<vmem>>, vector<16xi32>,
      %gather3A_792 = tpu.vector_load_idx %arg6[%get3A_791] : memref<100000xf32, #tpu.memory_space<vmem>>[vector<16xi32>], vector<16xf32>,
      %mul3A_793 = arith.constant 128 : i32
      %mul3A_794 = arith.muli %scan3A_761, %mul3A_793 : i32
      %add3A_795 = arith.constant 32 : i32
      %add3A_796 = arith.addi %mul3A_794, %add3A_795 : i32
      %swap3A_797 = arith.index_cast %add3A_796 : i32 to index
      %swap3A_798 = tpu.vector_load %arg7[%swap3A_797] {strides = array<i32>} : memref<8192xf32, #tpu.memory_space<vmem>>, vector<16xf32>,
      tpu.vector_store %arg7[%swap3A_797], %gather3A_792 {strides = array<i32>} : memref<8192xf32, #tpu.memory_space<vmem>>, vector<16xf32>,
      %add3A_799 = arith.constant 48 : i32
      %add3A_800 = arith.addi %mul3A_765, %add3A_799 : i32
      %get3A_801 = arith.index_cast %add3A_800 : i32 to index
      %get3A_802 = tpu.vector_load %arg5[%get3A_801] {strides = array<i32>} : memref<16384xi32, #tpu.memory_space<vmem>>, vector<16xi32>,
      %gather3A_803 = tpu.vector_load_idx %arg6[%get3A_802] : memref<100000xf32, #tpu.memory_space<vmem>>[vector<16xi32>], vector<16xf32>,
      %mul3A_804 = arith.constant 128 : i32
      %mul3A_805 = arith.muli %scan3A_761, %mul3A_804 : i32
      %add3A_806 = arith.constant 48 : i32
      %add3A_807 = arith.addi %mul3A_805, %add3A_806 : i32
      %swap3A_808 = arith.index_cast %add3A_807 : i32 to index
      %swap3A_809 = tpu.vector_load %arg7[%swap3A_808] {strides = array<i32>} : memref<8192xf32, #tpu.memory_space<vmem>>, vector<16xf32>,
      tpu.vector_store %arg7[%swap3A_808], %gather3A_803 {strides = array<i32>} : memref<8192xf32, #tpu.memory_space<vmem>>, vector<16xf32>,
      %add3A_810 = arith.constant 64 : i32
      %add3A_811 = arith.addi %mul3A_765, %add3A_810 : i32
      %get3A_812 = arith.index_cast %add3A_811 : i32 to index
      %get3A_813 = tpu.vector_load %arg5[%get3A_812] {strides = array<i32>} : memref<16384xi32, #tpu.memory_space<vmem>>, vector<16xi32>,
      %gather3A_814 = tpu.vector_load_idx %arg6[%get3A_813] : memref<100000xf32, #tpu.memory_space<vmem>>[vector<16xi32>], vector<16xf32>,
      %mul3A_815 = arith.constant 128 : i32
      %mul3A_816 = arith.muli %scan3A_761, %mul3A_815 : i32
      %add3A_817 = arith.constant 64 : i32
      %add3A_818 = arith.addi %mul3A_816, %add3A_817 : i32
      %swap3A_819 = arith.index_cast %add3A_818 : i32 to index
      %swap3A_820 = tpu.vector_load %arg7[%swap3A_819] {strides = array<i32>} : memref<8192xf32, #tpu.memory_space<vmem>>, vector<16xf32>,
      tpu.vector_store %arg7[%swap3A_819], %gather3A_814 {strides = array<i32>} : memref<8192xf32, #tpu.memory_space<vmem>>, vector<16xf32>,
      %add3A_821 = arith.constant 80 : i32
      %add3A_822 = arith.addi %mul3A_765, %add3A_821 : i32
      %get3A_823 = arith.index_cast %add3A_822 : i32 to index
      %get3A_824 = tpu.vector_load %arg5[%get3A_823] {strides = array<i32>} : memref<16384xi32, #tpu.memory_space<vmem>>, vector<16xi32>,
      %gather3A_825 = tpu.vector_load_idx %arg6[%get3A_824] : memref<100000xf32, #tpu.memory_space<vmem>>[vector<16xi32>], vector<16xf32>,
      %mul3A_826 = arith.constant 128 : i32
      %mul3A_827 = arith.muli %scan3A_761, %mul3A_826 : i32
      %add3A_828 = arith.constant 80 : i32
      %add3A_829 = arith.addi %mul3A_827, %add3A_828 : i32
      %swap3A_830 = arith.index_cast %add3A_829 : i32 to index
      %swap3A_831 = tpu.vector_load %arg7[%swap3A_830] {strides = array<i32>} : memref<8192xf32, #tpu.memory_space<vmem>>, vector<16xf32>,
      tpu.vector_store %arg7[%swap3A_830], %gather3A_825 {strides = array<i32>} : memref<8192xf32, #tpu.memory_space<vmem>>, vector<16xf32>,
      %add3A_832 = arith.constant 96 : i32
      %add3A_833 = arith.addi %mul3A_765, %add3A_832 : i32
      %get3A_834 = arith.index_cast %add3A_833 : i32 to index
      %get3A_835 = tpu.vector_load %arg5[%get3A_834] {strides = array<i32>} : memref<16384xi32, #tpu.memory_space<vmem>>, vector<16xi32>,
      %gather3A_836 = tpu.vector_load_idx %arg6[%get3A_835] : memref<100000xf32, #tpu.memory_space<vmem>>[vector<16xi32>], vector<16xf32>,
      %mul3A_837 = arith.constant 128 : i32
      %mul3A_838 = arith.muli %scan3A_761, %mul3A_837 : i32
      %add3A_839 = arith.constant 96 : i32
      %add3A_840 = arith.addi %mul3A_838, %add3A_839 : i32
      %swap3A_841 = arith.index_cast %add3A_840 : i32 to index
      %swap3A_842 = tpu.vector_load %arg7[%swap3A_841] {strides = array<i32>} : memref<8192xf32, #tpu.memory_space<vmem>>, vector<16xf32>,
      tpu.vector_store %arg7[%swap3A_841], %gather3A_836 {strides = array<i32>} : memref<8192xf32, #tpu.memory_space<vmem>>, vector<16xf32>,
      %add3A_843 = arith.constant 112 : i32
      %add3A_844 = arith.addi %mul3A_765, %add3A_843 : i32
      %get3A_845 = arith.index_cast %add3A_844 : i32 to index
      %get3A_846 = tpu.vector_load %arg5[%get3A_845] {strides = array<i32>} : memref<16384xi32, #tpu.memory_space<vmem>>, vector<16xi32>,
      %gather3A_847 = tpu.vector_load_idx %arg6[%get3A_846] : memref<100000xf32, #tpu.memory_space<vmem>>[vector<16xi32>], vector<16xf32>,
      %mul3A_848 = arith.constant 128 : i32
      %mul3A_849 = arith.muli %scan3A_761, %mul3A_848 : i32
      %add3A_850 = arith.constant 112 : i32
      %add3A_851 = arith.addi %mul3A_849, %add3A_850 : i32
      %swap3A_852 = arith.index_cast %add3A_851 : i32 to index
      %swap3A_853 = tpu.vector_load %arg7[%swap3A_852] {strides = array<i32>} : memref<8192xf32, #tpu.memory_space<vmem>>, vector<16xf32>,
      tpu.vector_store %arg7[%swap3A_852], %gather3A_847 {strides = array<i32>} : memref<8192xf32, #tpu.memory_space<vmem>>, vector<16xf32>,
      %mul3A_854 = arith.constant 128 : i32
      %mul3A_855 = arith.muli %scan3A_761, %mul3A_854 : i32
      %jit3A_856 = arith.constant 4 : i32
      %div3A_857 = arith.divsi %add3A_763, %jit3A_856 : i32
      %sign3A_858 = arith.constant 0 : i32
      %sign3A_859 = arith.cmpi sgt, %add3A_763, %sign3A_858 : i32
      %sign3A_860 = arith.extui %sign3A_859 : i1 to i32
      %sign3A_861 = arith.constant 0 : i32
      %sign3A_862 = arith.cmpi slt, %add3A_763, %sign3A_861 : i32
      %sign3A_863 = arith.extui %sign3A_862 : i1 to i32
      %sign3A_864 = arith.subi %sign3A_860, %sign3A_863 : i32
      %sign3A_865 = arith.constant 0 : i32
      %sign3A_866 = arith.cmpi sgt, %jit3A_856, %sign3A_865 : i32
      %sign3A_867 = arith.extui %sign3A_866 : i1 to i32
      %sign3A_868 = arith.constant 0 : i32
      %sign3A_869 = arith.cmpi slt, %jit3A_856, %sign3A_868 : i32
      %sign3A_870 = arith.extui %sign3A_869 : i1 to i32
      %sign3A_871 = arith.subi %sign3A_867, %sign3A_870 : i32
      %ne3A_872 = arith.cmpi ne, %sign3A_864, %sign3A_871 : i32
      %rem3A_873 = arith.remsi %add3A_763, %jit3A_856 : i32
      %ne3A_874 = arith.constant 0 : i32
      %ne3A_875 = arith.cmpi ne, %rem3A_873, %ne3A_874 : i32
      %and3A_876 = arith.andi %ne3A_872, %ne3A_875 : i1
      %sub3A_877 = arith.constant 1 : i32
      %sub3A_878 = arith.subi %div3A_857, %sub3A_877 : i32
      %select_n3A_879 = arith.select %and3A_876, %sub3A_878, %div3A_857 : i32
      %jit3A_880 = arith.constant 4 : i32
      %eq3A_881 = arith.constant 0 : i32
      %eq3A_882 = arith.cmpi eq, %jit3A_880, %eq3A_881 : i32
      %jit3A_883 = arith.constant 1 : i32
      %select_n3A_884 = arith.select %eq3A_882, %jit3A_883, %jit3A_880 : i32
      %rem3A_885 = arith.remsi %add3A_763, %select_n3A_884 : i32
      %ne3A_886 = arith.constant 0 : i32
      %ne3A_887 = arith.cmpi ne, %rem3A_885, %ne3A_886 : i32
      %lt3A_888 = arith.constant 0 : i32
      %lt3A_889 = arith.cmpi slt, %rem3A_885, %lt3A_888 : i32
      %lt3A_890 = arith.constant 0 : i32
      %lt3A_891 = arith.cmpi slt, %select_n3A_884, %lt3A_890 : i32
      %ne3A_892 = arith.xori %lt3A_889, %lt3A_891 : i1
      %and3A_893 = arith.andi %ne3A_892, %ne3A_887 : i1
      %add3A_894 = arith.addi %rem3A_885, %select_n3A_884 : i32
      %select_n3A_895 = arith.select %and3A_893, %add3A_894, %rem3A_885 : i32
      %dma_start3A_896 = tpu.memref_slice %arg7[%mul3A_855] : memref<8192xf32, #tpu.memory_space<vmem>> -> memref<128xf32, #tpu.memory_space<vmem>>
      %dma_start3A_897 = arith.constant 0 : i32
      %dma_start3A_898 = tpu.memref_slice %arg4[%select_n3A_373, %select_n3A_413, %select_n3A_879, %select_n3A_895, %select_n3A_429, %dma_start3A_897] : memref<8x2x32x4x8x128xf32, #tpu.memory_space<hbm>> -> memref<1x1x1x1x1x128xf32, #tpu.memory_space<hbm>>
      %dma_start3A_899 = tpu.memref_squeeze %dma_start3A_898 : memref<1x1x1x1x1x128xf32, #tpu.memory_space<hbm>> -> memref<128xf32, #tpu.memory_space<hbm>>
      %dma_start3A_900 = arith.constant 0 : i32
      %dma_start3A_901 = tpu.memref_slice %arg4[%select_n3A_373, %select_n3A_413, %select_n3A_879, %select_n3A_895, %select_n3A_429, %dma_start3A_900] : memref<8x2x32x4x8x128xf32, #tpu.memory_space<hbm>> -> memref<1x1x1x1x1x128xf32, #tpu.memory_space<hbm>>
      %dma_start3A_902 = tpu.memref_squeeze %dma_start3A_901 : memref<1x1x1x1x1x128xf32, #tpu.memory_space<hbm>> -> memref<128xf32, #tpu.memory_space<hbm>>
      %dma_start3A_903 = tpu.memref_slice %arg7[%mul3A_855] : memref<8192xf32, #tpu.memory_space<vmem>> -> memref<128xf32, #tpu.memory_space<vmem>>
      tpu.enqueue_dma source(%dma_start3A_903 : memref<128xf32, #tpu.memory_space<vmem>>) target(%dma_start3A_902 : memref<128xf32, #tpu.memory_space<hbm>>) target_semaphore(%arg8 : memref<!tpu.dma_semaphore, #tpu.memory_space<semaphore_mem>>)
      %scan3A_904 = arith.constant 3 : i32
      %scan3A_905 = arith.addi %scan3A_476, %scan3A_904 : i32
      %add3A_906 = arith.constant 0 : i32
      %add3A_907 = arith.addi %add3A_906, %scan3A_905 : i32
      %mul3A_908 = arith.constant 128 : i32
      %mul3A_909 = arith.muli %add3A_907, %mul3A_908 : i32
      %add3A_910 = arith.constant 0 : i32
      %add3A_911 = arith.addi %mul3A_909, %add3A_910 : i32
      %get3A_912 = arith.index_cast %add3A_911 : i32 to index
      %get3A_913 = tpu.vector_load %arg5[%get3A_912] {strides = array<i32>} : memref<16384xi32, #tpu.memory_space<vmem>>, vector<16xi32>,
      %gather3A_914 = tpu.vector_load_idx %arg6[%get3A_913] : memref<100000xf32, #tpu.memory_space<vmem>>[vector<16xi32>], vector<16xf32>,
      %mul3A_915 = arith.constant 128 : i32
      %mul3A_916 = arith.muli %scan3A_905, %mul3A_915 : i32
      %add3A_917 = arith.constant 0 : i32
      %add3A_918 = arith.addi %mul3A_916, %add3A_917 : i32
      %swap3A_919 = arith.index_cast %add3A_918 : i32 to index
      %swap3A_920 = tpu.vector_load %arg7[%swap3A_919] {strides = array<i32>} : memref<8192xf32, #tpu.memory_space<vmem>>, vector<16xf32>,
      tpu.vector_store %arg7[%swap3A_919], %gather3A_914 {strides = array<i32>} : memref<8192xf32, #tpu.memory_space<vmem>>, vector<16xf32>,
      %add3A_921 = arith.constant 16 : i32
      %add3A_922 = arith.addi %mul3A_909, %add3A_921 : i32
      %get3A_923 = arith.index_cast %add3A_922 : i32 to index
      %get3A_924 = tpu.vector_load %arg5[%get3A_923] {strides = array<i32>} : memref<16384xi32, #tpu.memory_space<vmem>>, vector<16xi32>,
      %gather3A_925 = tpu.vector_load_idx %arg6[%get3A_924] : memref<100000xf32, #tpu.memory_space<vmem>>[vector<16xi32>], vector<16xf32>,
      %mul3A_926 = arith.constant 128 : i32
      %mul3A_927 = arith.muli %scan3A_905, %mul3A_926 : i32
      %add3A_928 = arith.constant 16 : i32
      %add3A_929 = arith.addi %mul3A_927, %add3A_928 : i32
      %swap3A_930 = arith.index_cast %add3A_929 : i32 to index
      %swap3A_931 = tpu.vector_load %arg7[%swap3A_930] {strides = array<i32>} : memref<8192xf32, #tpu.memory_space<vmem>>, vector<16xf32>,
      tpu.vector_store %arg7[%swap3A_930], %gather3A_925 {strides = array<i32>} : memref<8192xf32, #tpu.memory_space<vmem>>, vector<16xf32>,
      %add3A_932 = arith.constant 32 : i32
      %add3A_933 = arith.addi %mul3A_909, %add3A_932 : i32
      %get3A_934 = arith.index_cast %add3A_933 : i32 to index
      %get3A_935 = tpu.vector_load %arg5[%get3A_934] {strides = array<i32>} : memref<16384xi32, #tpu.memory_space<vmem>>, vector<16xi32>,
      %gather3A_936 = tpu.vector_load_idx %arg6[%get3A_935] : memref<100000xf32, #tpu.memory_space<vmem>>[vector<16xi32>], vector<16xf32>,
      %mul3A_937 = arith.constant 128 : i32
      %mul3A_938 = arith.muli %scan3A_905, %mul3A_937 : i32
      %add3A_939 = arith.constant 32 : i32
      %add3A_940 = arith.addi %mul3A_938, %add3A_939 : i32
      %swap3A_941 = arith.index_cast %add3A_940 : i32 to index
      %swap3A_942 = tpu.vector_load %arg7[%swap3A_941] {strides = array<i32>} : memref<8192xf32, #tpu.memory_space<vmem>>, vector<16xf32>,
      tpu.vector_store %arg7[%swap3A_941], %gather3A_936 {strides = array<i32>} : memref<8192xf32, #tpu.memory_space<vmem>>, vector<16xf32>,
      %add3A_943 = arith.constant 48 : i32
      %add3A_944 = arith.addi %mul3A_909, %add3A_943 : i32
      %get3A_945 = arith.index_cast %add3A_944 : i32 to index
      %get3A_946 = tpu.vector_load %arg5[%get3A_945] {strides = array<i32>} : memref<16384xi32, #tpu.memory_space<vmem>>, vector<16xi32>,
      %gather3A_947 = tpu.vector_load_idx %arg6[%get3A_946] : memref<100000xf32, #tpu.memory_space<vmem>>[vector<16xi32>], vector<16xf32>,
      %mul3A_948 = arith.constant 128 : i32
      %mul3A_949 = arith.muli %scan3A_905, %mul3A_948 : i32
      %add3A_950 = arith.constant 48 : i32
      %add3A_951 = arith.addi %mul3A_949, %add3A_950 : i32
      %swap3A_952 = arith.index_cast %add3A_951 : i32 to index
      %swap3A_953 = tpu.vector_load %arg7[%swap3A_952] {strides = array<i32>} : memref<8192xf32, #tpu.memory_space<vmem>>, vector<16xf32>,
      tpu.vector_store %arg7[%swap3A_952], %gather3A_947 {strides = array<i32>} : memref<8192xf32, #tpu.memory_space<vmem>>, vector<16xf32>,
      %add3A_954 = arith.constant 64 : i32
      %add3A_955 = arith.addi %mul3A_909, %add3A_954 : i32
      %get3A_956 = arith.index_cast %add3A_955 : i32 to index
      %get3A_957 = tpu.vector_load %arg5[%get3A_956] {strides = array<i32>} : memref<16384xi32, #tpu.memory_space<vmem>>, vector<16xi32>,
      %gather3A_958 = tpu.vector_load_idx %arg6[%get3A_957] : memref<100000xf32, #tpu.memory_space<vmem>>[vector<16xi32>], vector<16xf32>,
      %mul3A_959 = arith.constant 128 : i32
      %mul3A_960 = arith.muli %scan3A_905, %mul3A_959 : i32
      %add3A_961 = arith.constant 64 : i32
      %add3A_962 = arith.addi %mul3A_960, %add3A_961 : i32
      %swap3A_963 = arith.index_cast %add3A_962 : i32 to index
      %swap3A_964 = tpu.vector_load %arg7[%swap3A_963] {strides = array<i32>} : memref<8192xf32, #tpu.memory_space<vmem>>, vector<16xf32>,
      tpu.vector_store %arg7[%swap3A_963], %gather3A_958 {strides = array<i32>} : memref<8192xf32, #tpu.memory_space<vmem>>, vector<16xf32>,
      %add3A_965 = arith.constant 80 : i32
      %add3A_966 = arith.addi %mul3A_909, %add3A_965 : i32
      %get3A_967 = arith.index_cast %add3A_966 : i32 to index
      %get3A_968 = tpu.vector_load %arg5[%get3A_967] {strides = array<i32>} : memref<16384xi32, #tpu.memory_space<vmem>>, vector<16xi32>,
      %gather3A_969 = tpu.vector_load_idx %arg6[%get3A_968] : memref<100000xf32, #tpu.memory_space<vmem>>[vector<16xi32>], vector<16xf32>,
      %mul3A_970 = arith.constant 128 : i32
      %mul3A_971 = arith.muli %scan3A_905, %mul3A_970 : i32
      %add3A_972 = arith.constant 80 : i32
      %add3A_973 = arith.addi %mul3A_971, %add3A_972 : i32
      %swap3A_974 = arith.index_cast %add3A_973 : i32 to index
      %swap3A_975 = tpu.vector_load %arg7[%swap3A_974] {strides = array<i32>} : memref<8192xf32, #tpu.memory_space<vmem>>, vector<16xf32>,
      tpu.vector_store %arg7[%swap3A_974], %gather3A_969 {strides = array<i32>} : memref<8192xf32, #tpu.memory_space<vmem>>, vector<16xf32>,
      %add3A_976 = arith.constant 96 : i32
      %add3A_977 = arith.addi %mul3A_909, %add3A_976 : i32
      %get3A_978 = arith.index_cast %add3A_977 : i32 to index
      %get3A_979 = tpu.vector_load %arg5[%get3A_978] {strides = array<i32>} : memref<16384xi32, #tpu.memory_space<vmem>>, vector<16xi32>,
      %gather3A_980 = tpu.vector_load_idx %arg6[%get3A_979] : memref<100000xf32, #tpu.memory_space<vmem>>[vector<16xi32>], vector<16xf32>,
      %mul3A_981 = arith.constant 128 : i32
      %mul3A_982 = arith.muli %scan3A_905, %mul3A_981 : i32
      %add3A_983 = arith.constant 96 : i32
      %add3A_984 = arith.addi %mul3A_982, %add3A_983 : i32
      %swap3A_985 = arith.index_cast %add3A_984 : i32 to index
      %swap3A_986 = tpu.vector_load %arg7[%swap3A_985] {strides = array<i32>} : memref<8192xf32, #tpu.memory_space<vmem>>, vector<16xf32>,
      tpu.vector_store %arg7[%swap3A_985], %gather3A_980 {strides = array<i32>} : memref<8192xf32, #tpu.memory_space<vmem>>, vector<16xf32>,
      %add3A_987 = arith.constant 112 : i32
      %add3A_988 = arith.addi %mul3A_909, %add3A_987 : i32
      %get3A_989 = arith.index_cast %add3A_988 : i32 to index
      %get3A_990 = tpu.vector_load %arg5[%get3A_989] {strides = array<i32>} : memref<16384xi32, #tpu.memory_space<vmem>>, vector<16xi32>,
      %gather3A_991 = tpu.vector_load_idx %arg6[%get3A_990] : memref<100000xf32, #tpu.memory_space<vmem>>[vector<16xi32>], vector<16xf32>,
      %mul3A_992 = arith.constant 128 : i32
      %mul3A_993 = arith.muli %scan3A_905, %mul3A_992 : i32
      %add3A_994 = arith.constant 112 : i32
      %add3A_995 = arith.addi %mul3A_993, %add3A_994 : i32
      %swap3A_996 = arith.index_cast %add3A_995 : i32 to index
      %swap3A_997 = tpu.vector_load %arg7[%swap3A_996] {strides = array<i32>} : memref<8192xf32, #tpu.memory_space<vmem>>, vector<16xf32>,
      tpu.vector_store %arg7[%swap3A_996], %gather3A_991 {strides = array<i32>} : memref<8192xf32, #tpu.memory_space<vmem>>, vector<16xf32>,
      %mul3A_998 = arith.constant 128 : i32
      %mul3A_999 = arith.muli %scan3A_905, %mul3A_998 : i32
      %jit3A_1000 = arith.constant 4 : i32
      %div3A_1001 = arith.divsi %add3A_907, %jit3A_1000 : i32
      %sign3A_1002 = arith.constant 0 : i32
      %sign3A_1003 = arith.cmpi sgt, %add3A_907, %sign3A_1002 : i32
      %sign3A_1004 = arith.extui %sign3A_1003 : i1 to i32
      %sign3A_1005 = arith.constant 0 : i32
      %sign3A_1006 = arith.cmpi slt, %add3A_907, %sign3A_1005 : i32
      %sign3A_1007 = arith.extui %sign3A_1006 : i1 to i32
      %sign3A_1008 = arith.subi %sign3A_1004, %sign3A_1007 : i32
      %sign3A_1009 = arith.constant 0 : i32
      %sign3A_1010 = arith.cmpi sgt, %jit3A_1000, %sign3A_1009 : i32
      %sign3A_1011 = arith.extui %sign3A_1010 : i1 to i32
      %sign3A_1012 = arith.constant 0 : i32
      %sign3A_1013 = arith.cmpi slt, %jit3A_1000, %sign3A_1012 : i32
      %sign3A_1014 = arith.extui %sign3A_1013 : i1 to i32
      %sign3A_1015 = arith.subi %sign3A_1011, %sign3A_1014 : i32
      %ne3A_1016 = arith.cmpi ne, %sign3A_1008, %sign3A_1015 : i32
      %rem3A_1017 = arith.remsi %add3A_907, %jit3A_1000 : i32
      %ne3A_1018 = arith.constant 0 : i32
      %ne3A_1019 = arith.cmpi ne, %rem3A_1017, %ne3A_1018 : i32
      %and3A_1020 = arith.andi %ne3A_1016, %ne3A_1019 : i1
      %sub3A_1021 = arith.constant 1 : i32
      %sub3A_1022 = arith.subi %div3A_1001, %sub3A_1021 : i32
      %select_n3A_1023 = arith.select %and3A_1020, %sub3A_1022, %div3A_1001 : i32
      %jit3A_1024 = arith.constant 4 : i32
      %eq3A_1025 = arith.constant 0 : i32
      %eq3A_1026 = arith.cmpi eq, %jit3A_1024, %eq3A_1025 : i32
      %jit3A_1027 = arith.constant 1 : i32
      %select_n3A_1028 = arith.select %eq3A_1026, %jit3A_1027, %jit3A_1024 : i32
      %rem3A_1029 = arith.remsi %add3A_907, %select_n3A_1028 : i32
      %ne3A_1030 = arith.constant 0 : i32
      %ne3A_1031 = arith.cmpi ne, %rem3A_1029, %ne3A_1030 : i32
      %lt3A_1032 = arith.constant 0 : i32
      %lt3A_1033 = arith.cmpi slt, %rem3A_1029, %lt3A_1032 : i32
      %lt3A_1034 = arith.constant 0 : i32
      %lt3A_1035 = arith.cmpi slt, %select_n3A_1028, %lt3A_1034 : i32
      %ne3A_1036 = arith.xori %lt3A_1033, %lt3A_1035 : i1
      %and3A_1037 = arith.andi %ne3A_1036, %ne3A_1031 : i1
      %add3A_1038 = arith.addi %rem3A_1029, %select_n3A_1028 : i32
      %select_n3A_1039 = arith.select %and3A_1037, %add3A_1038, %rem3A_1029 : i32
      %dma_start3A_1040 = tpu.memref_slice %arg7[%mul3A_999] : memref<8192xf32, #tpu.memory_space<vmem>> -> memref<128xf32, #tpu.memory_space<vmem>>
      %dma_start3A_1041 = arith.constant 0 : i32
      %dma_start3A_1042 = tpu.memref_slice %arg4[%select_n3A_373, %select_n3A_413, %select_n3A_1023, %select_n3A_1039, %select_n3A_429, %dma_start3A_1041] : memref<8x2x32x4x8x128xf32, #tpu.memory_space<hbm>> -> memref<1x1x1x1x1x128xf32, #tpu.memory_space<hbm>>
      %dma_start3A_1043 = tpu.memref_squeeze %dma_start3A_1042 : memref<1x1x1x1x1x128xf32, #tpu.memory_space<hbm>> -> memref<128xf32, #tpu.memory_space<hbm>>
      %dma_start3A_1044 = arith.constant 0 : i32
      %dma_start3A_1045 = tpu.memref_slice %arg4[%select_n3A_373, %select_n3A_413, %select_n3A_1023, %select_n3A_1039, %select_n3A_429, %dma_start3A_1044] : memref<8x2x32x4x8x128xf32, #tpu.memory_space<hbm>> -> memref<1x1x1x1x1x128xf32, #tpu.memory_space<hbm>>
      %dma_start3A_1046 = tpu.memref_squeeze %dma_start3A_1045 : memref<1x1x1x1x1x128xf32, #tpu.memory_space<hbm>> -> memref<128xf32, #tpu.memory_space<hbm>>
      %dma_start3A_1047 = tpu.memref_slice %arg7[%mul3A_999] : memref<8192xf32, #tpu.memory_space<vmem>> -> memref<128xf32, #tpu.memory_space<vmem>>
      tpu.enqueue_dma source(%dma_start3A_1047 : memref<128xf32, #tpu.memory_space<vmem>>) target(%dma_start3A_1046 : memref<128xf32, #tpu.memory_space<hbm>>) target_semaphore(%arg8 : memref<!tpu.dma_semaphore, #tpu.memory_space<semaphore_mem>>)
    }
    %scan3A_454 = arith.constant 64 : i32
    %dma_wait3A_455 = arith.constant 0 : i32
    %dma_wait3A_456 = tpu.memref_slice %arg5[%dma_wait3A_455] : memref<16384xi32, #tpu.memory_space<vmem>> -> memref<8192xi32, #tpu.memory_space<vmem>>
    %dma_wait3A_457 = arith.constant 0 : i32
    %dma_wait3A_458 = tpu.memref_slice %arg2[%dma_wait3A_457] : memref<16384xi32, #tpu.memory_space<hbm>> -> memref<8192xi32, #tpu.memory_space<hbm>>
    %dma_wait3A_459 = arith.constant 0 : i32
    %dma_wait3A_460 = tpu.memref_slice %arg5[%dma_wait3A_459] : memref<16384xi32, #tpu.memory_space<vmem>> -> memref<8192xi32, #tpu.memory_space<vmem>>
    %dma_wait3A_461 = arith.constant 0 : i32
    %dma_wait3A_462 = tpu.memref_slice %arg2[%dma_wait3A_461] : memref<16384xi32, #tpu.memory_space<hbm>> -> memref<8192xi32, #tpu.memory_space<hbm>>
    tpu.wait_dma2 semaphore(%arg8 : memref<!tpu.dma_semaphore, #tpu.memory_space<semaphore_mem>>) src(%dma_wait3A_462 : memref<8192xi32, #tpu.memory_space<hbm>>) dst(%dma_wait3A_460 : memref<8192xi32, #tpu.memory_space<vmem>>)
    %scan3A_463 = arith.constant 0 : i32
    %scan3A_464 = arith.constant 64 : i32
    %scan3A_465 = arith.addi %scan3A_463, %scan3A_464 : i32
    %scan3A_466 = arith.constant 4 : i32
    scf.for %scan3A_476 = %scan3A_463 to %scan3A_465 step %scan3A_466  : i32 {
      %add3A_477 = arith.constant 64 : i32
      %add3A_478 = arith.addi %add3A_477, %scan3A_476 : i32
      %mul3A_479 = arith.constant 128 : i32
      %mul3A_480 = arith.muli %add3A_478, %mul3A_479 : i32
      %add3A_481 = arith.constant 0 : i32
      %add3A_482 = arith.addi %mul3A_480, %add3A_481 : i32
      %get3A = arith.index_cast %add3A_482 : i32 to index
      %get3A_483 = tpu.vector_load %arg5[%get3A] {strides = array<i32>} : memref<16384xi32, #tpu.memory_space<vmem>>, vector<16xi32>,
      %gather3A = tpu.vector_load_idx %arg6[%get3A_483] : memref<100000xf32, #tpu.memory_space<vmem>>[vector<16xi32>], vector<16xf32>,
      %mul3A_484 = arith.constant 128 : i32
      %mul3A_485 = arith.muli %scan3A_476, %mul3A_484 : i32
      %add3A_486 = arith.constant 0 : i32
      %add3A_487 = arith.addi %mul3A_485, %add3A_486 : i32
      %swap3A = arith.index_cast %add3A_487 : i32 to index
      %swap3A_488 = tpu.vector_load %arg7[%swap3A] {strides = array<i32>} : memref<8192xf32, #tpu.memory_space<vmem>>, vector<16xf32>,
      tpu.vector_store %arg7[%swap3A], %gather3A {strides = array<i32>} : memref<8192xf32, #tpu.memory_space<vmem>>, vector<16xf32>,
      %add3A_489 = arith.constant 16 : i32
      %add3A_490 = arith.addi %mul3A_480, %add3A_489 : i32
      %get3A_491 = arith.index_cast %add3A_490 : i32 to index
      %get3A_492 = tpu.vector_load %arg5[%get3A_491] {strides = array<i32>} : memref<16384xi32, #tpu.memory_space<vmem>>, vector<16xi32>,
      %gather3A_493 = tpu.vector_load_idx %arg6[%get3A_492] : memref<100000xf32, #tpu.memory_space<vmem>>[vector<16xi32>], vector<16xf32>,
      %mul3A_494 = arith.constant 128 : i32
      %mul3A_495 = arith.muli %scan3A_476, %mul3A_494 : i32
      %add3A_496 = arith.constant 16 : i32
      %add3A_497 = arith.addi %mul3A_495, %add3A_496 : i32
      %swap3A_498 = arith.index_cast %add3A_497 : i32 to index
      %swap3A_499 = tpu.vector_load %arg7[%swap3A_498] {strides = array<i32>} : memref<8192xf32, #tpu.memory_space<vmem>>, vector<16xf32>,
      tpu.vector_store %arg7[%swap3A_498], %gather3A_493 {strides = array<i32>} : memref<8192xf32, #tpu.memory_space<vmem>>, vector<16xf32>,
      %add3A_500 = arith.constant 32 : i32
      %add3A_501 = arith.addi %mul3A_480, %add3A_500 : i32
      %get3A_502 = arith.index_cast %add3A_501 : i32 to index
      %get3A_503 = tpu.vector_load %arg5[%get3A_502] {strides = array<i32>} : memref<16384xi32, #tpu.memory_space<vmem>>, vector<16xi32>,
      %gather3A_504 = tpu.vector_load_idx %arg6[%get3A_503] : memref<100000xf32, #tpu.memory_space<vmem>>[vector<16xi32>], vector<16xf32>,
      %mul3A_505 = arith.constant 128 : i32
      %mul3A_506 = arith.muli %scan3A_476, %mul3A_505 : i32
      %add3A_507 = arith.constant 32 : i32
      %add3A_508 = arith.addi %mul3A_506, %add3A_507 : i32
      %swap3A_509 = arith.index_cast %add3A_508 : i32 to index
      %swap3A_510 = tpu.vector_load %arg7[%swap3A_509] {strides = array<i32>} : memref<8192xf32, #tpu.memory_space<vmem>>, vector<16xf32>,
      tpu.vector_store %arg7[%swap3A_509], %gather3A_504 {strides = array<i32>} : memref<8192xf32, #tpu.memory_space<vmem>>, vector<16xf32>,
      %add3A_511 = arith.constant 48 : i32
      %add3A_512 = arith.addi %mul3A_480, %add3A_511 : i32
      %get3A_513 = arith.index_cast %add3A_512 : i32 to index
      %get3A_514 = tpu.vector_load %arg5[%get3A_513] {strides = array<i32>} : memref<16384xi32, #tpu.memory_space<vmem>>, vector<16xi32>,
      %gather3A_515 = tpu.vector_load_idx %arg6[%get3A_514] : memref<100000xf32, #tpu.memory_space<vmem>>[vector<16xi32>], vector<16xf32>,
      %mul3A_516 = arith.constant 128 : i32
      %mul3A_517 = arith.muli %scan3A_476, %mul3A_516 : i32
      %add3A_518 = arith.constant 48 : i32
      %add3A_519 = arith.addi %mul3A_517, %add3A_518 : i32
      %swap3A_520 = arith.index_cast %add3A_519 : i32 to index
      %swap3A_521 = tpu.vector_load %arg7[%swap3A_520] {strides = array<i32>} : memref<8192xf32, #tpu.memory_space<vmem>>, vector<16xf32>,
      tpu.vector_store %arg7[%swap3A_520], %gather3A_515 {strides = array<i32>} : memref<8192xf32, #tpu.memory_space<vmem>>, vector<16xf32>,
      %add3A_522 = arith.constant 64 : i32
      %add3A_523 = arith.addi %mul3A_480, %add3A_522 : i32
      %get3A_524 = arith.index_cast %add3A_523 : i32 to index
      %get3A_525 = tpu.vector_load %arg5[%get3A_524] {strides = array<i32>} : memref<16384xi32, #tpu.memory_space<vmem>>, vector<16xi32>,
      %gather3A_526 = tpu.vector_load_idx %arg6[%get3A_525] : memref<100000xf32, #tpu.memory_space<vmem>>[vector<16xi32>], vector<16xf32>,
      %mul3A_527 = arith.constant 128 : i32
      %mul3A_528 = arith.muli %scan3A_476, %mul3A_527 : i32
      %add3A_529 = arith.constant 64 : i32
      %add3A_530 = arith.addi %mul3A_528, %add3A_529 : i32
      %swap3A_531 = arith.index_cast %add3A_530 : i32 to index
      %swap3A_532 = tpu.vector_load %arg7[%swap3A_531] {strides = array<i32>} : memref<8192xf32, #tpu.memory_space<vmem>>, vector<16xf32>,
      tpu.vector_store %arg7[%swap3A_531], %gather3A_526 {strides = array<i32>} : memref<8192xf32, #tpu.memory_space<vmem>>, vector<16xf32>,
      %add3A_533 = arith.constant 80 : i32
      %add3A_534 = arith.addi %mul3A_480, %add3A_533 : i32
      %get3A_535 = arith.index_cast %add3A_534 : i32 to index
      %get3A_536 = tpu.vector_load %arg5[%get3A_535] {strides = array<i32>} : memref<16384xi32, #tpu.memory_space<vmem>>, vector<16xi32>,
      %gather3A_537 = tpu.vector_load_idx %arg6[%get3A_536] : memref<100000xf32, #tpu.memory_space<vmem>>[vector<16xi32>], vector<16xf32>,
      %mul3A_538 = arith.constant 128 : i32
      %mul3A_539 = arith.muli %scan3A_476, %mul3A_538 : i32
      %add3A_540 = arith.constant 80 : i32
      %add3A_541 = arith.addi %mul3A_539, %add3A_540 : i32
      %swap3A_542 = arith.index_cast %add3A_541 : i32 to index
      %swap3A_543 = tpu.vector_load %arg7[%swap3A_542] {strides = array<i32>} : memref<8192xf32, #tpu.memory_space<vmem>>, vector<16xf32>,
      tpu.vector_store %arg7[%swap3A_542], %gather3A_537 {strides = array<i32>} : memref<8192xf32, #tpu.memory_space<vmem>>, vector<16xf32>,
      %add3A_544 = arith.constant 96 : i32
      %add3A_545 = arith.addi %mul3A_480, %add3A_544 : i32
      %get3A_546 = arith.index_cast %add3A_545 : i32 to index
      %get3A_547 = tpu.vector_load %arg5[%get3A_546] {strides = array<i32>} : memref<16384xi32, #tpu.memory_space<vmem>>, vector<16xi32>,
      %gather3A_548 = tpu.vector_load_idx %arg6[%get3A_547] : memref<100000xf32, #tpu.memory_space<vmem>>[vector<16xi32>], vector<16xf32>,
      %mul3A_549 = arith.constant 128 : i32
      %mul3A_550 = arith.muli %scan3A_476, %mul3A_549 : i32
      %add3A_551 = arith.constant 96 : i32
      %add3A_552 = arith.addi %mul3A_550, %add3A_551 : i32
      %swap3A_553 = arith.index_cast %add3A_552 : i32 to index
      %swap3A_554 = tpu.vector_load %arg7[%swap3A_553] {strides = array<i32>} : memref<8192xf32, #tpu.memory_space<vmem>>, vector<16xf32>,
      tpu.vector_store %arg7[%swap3A_553], %gather3A_548 {strides = array<i32>} : memref<8192xf32, #tpu.memory_space<vmem>>, vector<16xf32>,
      %add3A_555 = arith.constant 112 : i32
      %add3A_556 = arith.addi %mul3A_480, %add3A_555 : i32
      %get3A_557 = arith.index_cast %add3A_556 : i32 to index
      %get3A_558 = tpu.vector_load %arg5[%get3A_557] {strides = array<i32>} : memref<16384xi32, #tpu.memory_space<vmem>>, vector<16xi32>,
      %gather3A_559 = tpu.vector_load_idx %arg6[%get3A_558] : memref<100000xf32, #tpu.memory_space<vmem>>[vector<16xi32>], vector<16xf32>,
      %mul3A_560 = arith.constant 128 : i32
      %mul3A_561 = arith.muli %scan3A_476, %mul3A_560 : i32
      %add3A_562 = arith.constant 112 : i32
      %add3A_563 = arith.addi %mul3A_561, %add3A_562 : i32
      %swap3A_564 = arith.index_cast %add3A_563 : i32 to index
      %swap3A_565 = tpu.vector_load %arg7[%swap3A_564] {strides = array<i32>} : memref<8192xf32, #tpu.memory_space<vmem>>, vector<16xf32>,
      tpu.vector_store %arg7[%swap3A_564], %gather3A_559 {strides = array<i32>} : memref<8192xf32, #tpu.memory_space<vmem>>, vector<16xf32>,
      %mul3A_566 = arith.constant 128 : i32
      %mul3A_567 = arith.muli %scan3A_476, %mul3A_566 : i32
      %jit3A_568 = arith.constant 4 : i32
      %div3A_569 = arith.divsi %add3A_478, %jit3A_568 : i32
      %sign3A_570 = arith.constant 0 : i32
      %sign3A_571 = arith.cmpi sgt, %add3A_478, %sign3A_570 : i32
      %sign3A_572 = arith.extui %sign3A_571 : i1 to i32
      %sign3A_573 = arith.constant 0 : i32
      %sign3A_574 = arith.cmpi slt, %add3A_478, %sign3A_573 : i32
      %sign3A_575 = arith.extui %sign3A_574 : i1 to i32
      %sign3A_576 = arith.subi %sign3A_572, %sign3A_575 : i32
      %sign3A_577 = arith.constant 0 : i32
      %sign3A_578 = arith.cmpi sgt, %jit3A_568, %sign3A_577 : i32
      %sign3A_579 = arith.extui %sign3A_578 : i1 to i32
      %sign3A_580 = arith.constant 0 : i32
      %sign3A_581 = arith.cmpi slt, %jit3A_568, %sign3A_580 : i32
      %sign3A_582 = arith.extui %sign3A_581 : i1 to i32
      %sign3A_583 = arith.subi %sign3A_579, %sign3A_582 : i32
      %ne3A_584 = arith.cmpi ne, %sign3A_576, %sign3A_583 : i32
      %rem3A_585 = arith.remsi %add3A_478, %jit3A_568 : i32
      %ne3A_586 = arith.constant 0 : i32
      %ne3A_587 = arith.cmpi ne, %rem3A_585, %ne3A_586 : i32
      %and3A_588 = arith.andi %ne3A_584, %ne3A_587 : i1
      %sub3A_589 = arith.constant 1 : i32
      %sub3A_590 = arith.subi %div3A_569, %sub3A_589 : i32
      %select_n3A_591 = arith.select %and3A_588, %sub3A_590, %div3A_569 : i32
      %jit3A_592 = arith.constant 4 : i32
      %eq3A_593 = arith.constant 0 : i32
      %eq3A_594 = arith.cmpi eq, %jit3A_592, %eq3A_593 : i32
      %jit3A_595 = arith.constant 1 : i32
      %select_n3A_596 = arith.select %eq3A_594, %jit3A_595, %jit3A_592 : i32
      %rem3A_597 = arith.remsi %add3A_478, %select_n3A_596 : i32
      %ne3A_598 = arith.constant 0 : i32
      %ne3A_599 = arith.cmpi ne, %rem3A_597, %ne3A_598 : i32
      %lt3A_600 = arith.constant 0 : i32
      %lt3A_601 = arith.cmpi slt, %rem3A_597, %lt3A_600 : i32
      %lt3A_602 = arith.constant 0 : i32
      %lt3A_603 = arith.cmpi slt, %select_n3A_596, %lt3A_602 : i32
      %ne3A_604 = arith.xori %lt3A_601, %lt3A_603 : i1
      %and3A_605 = arith.andi %ne3A_604, %ne3A_599 : i1
      %add3A_606 = arith.addi %rem3A_597, %select_n3A_596 : i32
      %select_n3A_607 = arith.select %and3A_605, %add3A_606, %rem3A_597 : i32
      %dma_start3A_608 = tpu.memref_slice %arg7[%mul3A_567] : memref<8192xf32, #tpu.memory_space<vmem>> -> memref<128xf32, #tpu.memory_space<vmem>>
      %dma_start3A_609 = arith.constant 0 : i32
      %dma_start3A_610 = tpu.memref_slice %arg4[%select_n3A_373, %select_n3A_413, %select_n3A_591, %select_n3A_607, %select_n3A_429, %dma_start3A_609] : memref<8x2x32x4x8x128xf32, #tpu.memory_space<hbm>> -> memref<1x1x1x1x1x128xf32, #tpu.memory_space<hbm>>
      %dma_start3A_611 = tpu.memref_squeeze %dma_start3A_610 : memref<1x1x1x1x1x128xf32, #tpu.memory_space<hbm>> -> memref<128xf32, #tpu.memory_space<hbm>>
      %dma_start3A_612 = arith.constant 0 : i32
      %dma_start3A_613 = tpu.memref_slice %arg4[%select_n3A_373, %select_n3A_413, %select_n3A_591, %select_n3A_607, %select_n3A_429, %dma_start3A_612] : memref<8x2x32x4x8x128xf32, #tpu.memory_space<hbm>> -> memref<1x1x1x1x1x128xf32, #tpu.memory_space<hbm>>
      %dma_start3A_614 = tpu.memref_squeeze %dma_start3A_613 : memref<1x1x1x1x1x128xf32, #tpu.memory_space<hbm>> -> memref<128xf32, #tpu.memory_space<hbm>>
      %dma_start3A_615 = tpu.memref_slice %arg7[%mul3A_567] : memref<8192xf32, #tpu.memory_space<vmem>> -> memref<128xf32, #tpu.memory_space<vmem>>
      tpu.enqueue_dma source(%dma_start3A_615 : memref<128xf32, #tpu.memory_space<vmem>>) target(%dma_start3A_614 : memref<128xf32, #tpu.memory_space<hbm>>) target_semaphore(%arg8 : memref<!tpu.dma_semaphore, #tpu.memory_space<semaphore_mem>>)
      %scan3A_616 = arith.constant 1 : i32
      %scan3A_617 = arith.addi %scan3A_476, %scan3A_616 : i32
      %add3A_618 = arith.constant 64 : i32
      %add3A_619 = arith.addi %add3A_618, %scan3A_617 : i32
      %mul3A_620 = arith.constant 128 : i32
      %mul3A_621 = arith.muli %add3A_619, %mul3A_620 : i32
      %add3A_622 = arith.constant 0 : i32
      %add3A_623 = arith.addi %mul3A_621, %add3A_622 : i32
      %get3A_624 = arith.index_cast %add3A_623 : i32 to index
      %get3A_625 = tpu.vector_load %arg5[%get3A_624] {strides = array<i32>} : memref<16384xi32, #tpu.memory_space<vmem>>, vector<16xi32>,
      %gather3A_626 = tpu.vector_load_idx %arg6[%get3A_625] : memref<100000xf32, #tpu.memory_space<vmem>>[vector<16xi32>], vector<16xf32>,
      %mul3A_627 = arith.constant 128 : i32
      %mul3A_628 = arith.muli %scan3A_617, %mul3A_627 : i32
      %add3A_629 = arith.constant 0 : i32
      %add3A_630 = arith.addi %mul3A_628, %add3A_629 : i32
      %swap3A_631 = arith.index_cast %add3A_630 : i32 to index
      %swap3A_632 = tpu.vector_load %arg7[%swap3A_631] {strides = array<i32>} : memref<8192xf32, #tpu.memory_space<vmem>>, vector<16xf32>,
      tpu.vector_store %arg7[%swap3A_631], %gather3A_626 {strides = array<i32>} : memref<8192xf32, #tpu.memory_space<vmem>>, vector<16xf32>,
      %add3A_633 = arith.constant 16 : i32
      %add3A_634 = arith.addi %mul3A_621, %add3A_633 : i32
      %get3A_635 = arith.index_cast %add3A_634 : i32 to index
      %get3A_636 = tpu.vector_load %arg5[%get3A_635] {strides = array<i32>} : memref<16384xi32, #tpu.memory_space<vmem>>, vector<16xi32>,
      %gather3A_637 = tpu.vector_load_idx %arg6[%get3A_636] : memref<100000xf32, #tpu.memory_space<vmem>>[vector<16xi32>], vector<16xf32>,
      %mul3A_638 = arith.constant 128 : i32
      %mul3A_639 = arith.muli %scan3A_617, %mul3A_638 : i32
      %add3A_640 = arith.constant 16 : i32
      %add3A_641 = arith.addi %mul3A_639, %add3A_640 : i32
      %swap3A_642 = arith.index_cast %add3A_641 : i32 to index
      %swap3A_643 = tpu.vector_load %arg7[%swap3A_642] {strides = array<i32>} : memref<8192xf32, #tpu.memory_space<vmem>>, vector<16xf32>,
      tpu.vector_store %arg7[%swap3A_642], %gather3A_637 {strides = array<i32>} : memref<8192xf32, #tpu.memory_space<vmem>>, vector<16xf32>,
      %add3A_644 = arith.constant 32 : i32
      %add3A_645 = arith.addi %mul3A_621, %add3A_644 : i32
      %get3A_646 = arith.index_cast %add3A_645 : i32 to index
      %get3A_647 = tpu.vector_load %arg5[%get3A_646] {strides = array<i32>} : memref<16384xi32, #tpu.memory_space<vmem>>, vector<16xi32>,
      %gather3A_648 = tpu.vector_load_idx %arg6[%get3A_647] : memref<100000xf32, #tpu.memory_space<vmem>>[vector<16xi32>], vector<16xf32>,
      %mul3A_649 = arith.constant 128 : i32
      %mul3A_650 = arith.muli %scan3A_617, %mul3A_649 : i32
      %add3A_651 = arith.constant 32 : i32
      %add3A_652 = arith.addi %mul3A_650, %add3A_651 : i32
      %swap3A_653 = arith.index_cast %add3A_652 : i32 to index
      %swap3A_654 = tpu.vector_load %arg7[%swap3A_653] {strides = array<i32>} : memref<8192xf32, #tpu.memory_space<vmem>>, vector<16xf32>,
      tpu.vector_store %arg7[%swap3A_653], %gather3A_648 {strides = array<i32>} : memref<8192xf32, #tpu.memory_space<vmem>>, vector<16xf32>,
      %add3A_655 = arith.constant 48 : i32
      %add3A_656 = arith.addi %mul3A_621, %add3A_655 : i32
      %get3A_657 = arith.index_cast %add3A_656 : i32 to index
      %get3A_658 = tpu.vector_load %arg5[%get3A_657] {strides = array<i32>} : memref<16384xi32, #tpu.memory_space<vmem>>, vector<16xi32>,
      %gather3A_659 = tpu.vector_load_idx %arg6[%get3A_658] : memref<100000xf32, #tpu.memory_space<vmem>>[vector<16xi32>], vector<16xf32>,
      %mul3A_660 = arith.constant 128 : i32
      %mul3A_661 = arith.muli %scan3A_617, %mul3A_660 : i32
      %add3A_662 = arith.constant 48 : i32
      %add3A_663 = arith.addi %mul3A_661, %add3A_662 : i32
      %swap3A_664 = arith.index_cast %add3A_663 : i32 to index
      %swap3A_665 = tpu.vector_load %arg7[%swap3A_664] {strides = array<i32>} : memref<8192xf32, #tpu.memory_space<vmem>>, vector<16xf32>,
      tpu.vector_store %arg7[%swap3A_664], %gather3A_659 {strides = array<i32>} : memref<8192xf32, #tpu.memory_space<vmem>>, vector<16xf32>,
      %add3A_666 = arith.constant 64 : i32
      %add3A_667 = arith.addi %mul3A_621, %add3A_666 : i32
      %get3A_668 = arith.index_cast %add3A_667 : i32 to index
      %get3A_669 = tpu.vector_load %arg5[%get3A_668] {strides = array<i32>} : memref<16384xi32, #tpu.memory_space<vmem>>, vector<16xi32>,
      %gather3A_670 = tpu.vector_load_idx %arg6[%get3A_669] : memref<100000xf32, #tpu.memory_space<vmem>>[vector<16xi32>], vector<16xf32>,
      %mul3A_671 = arith.constant 128 : i32
      %mul3A_672 = arith.muli %scan3A_617, %mul3A_671 : i32
      %add3A_673 = arith.constant 64 : i32
      %add3A_674 = arith.addi %mul3A_672, %add3A_673 : i32
      %swap3A_675 = arith.index_cast %add3A_674 : i32 to index
      %swap3A_676 = tpu.vector_load %arg7[%swap3A_675] {strides = array<i32>} : memref<8192xf32, #tpu.memory_space<vmem>>, vector<16xf32>,
      tpu.vector_store %arg7[%swap3A_675], %gather3A_670 {strides = array<i32>} : memref<8192xf32, #tpu.memory_space<vmem>>, vector<16xf32>,
      %add3A_677 = arith.constant 80 : i32
      %add3A_678 = arith.addi %mul3A_621, %add3A_677 : i32
      %get3A_679 = arith.index_cast %add3A_678 : i32 to index
      %get3A_680 = tpu.vector_load %arg5[%get3A_679] {strides = array<i32>} : memref<16384xi32, #tpu.memory_space<vmem>>, vector<16xi32>,
      %gather3A_681 = tpu.vector_load_idx %arg6[%get3A_680] : memref<100000xf32, #tpu.memory_space<vmem>>[vector<16xi32>], vector<16xf32>,
      %mul3A_682 = arith.constant 128 : i32
      %mul3A_683 = arith.muli %scan3A_617, %mul3A_682 : i32
      %add3A_684 = arith.constant 80 : i32
      %add3A_685 = arith.addi %mul3A_683, %add3A_684 : i32
      %swap3A_686 = arith.index_cast %add3A_685 : i32 to index
      %swap3A_687 = tpu.vector_load %arg7[%swap3A_686] {strides = array<i32>} : memref<8192xf32, #tpu.memory_space<vmem>>, vector<16xf32>,
      tpu.vector_store %arg7[%swap3A_686], %gather3A_681 {strides = array<i32>} : memref<8192xf32, #tpu.memory_space<vmem>>, vector<16xf32>,
      %add3A_688 = arith.constant 96 : i32
      %add3A_689 = arith.addi %mul3A_621, %add3A_688 : i32
      %get3A_690 = arith.index_cast %add3A_689 : i32 to index
      %get3A_691 = tpu.vector_load %arg5[%get3A_690] {strides = array<i32>} : memref<16384xi32, #tpu.memory_space<vmem>>, vector<16xi32>,
      %gather3A_692 = tpu.vector_load_idx %arg6[%get3A_691] : memref<100000xf32, #tpu.memory_space<vmem>>[vector<16xi32>], vector<16xf32>,
      %mul3A_693 = arith.constant 128 : i32
      %mul3A_694 = arith.muli %scan3A_617, %mul3A_693 : i32
      %add3A_695 = arith.constant 96 : i32
      %add3A_696 = arith.addi %mul3A_694, %add3A_695 : i32
      %swap3A_697 = arith.index_cast %add3A_696 : i32 to index
      %swap3A_698 = tpu.vector_load %arg7[%swap3A_697] {strides = array<i32>} : memref<8192xf32, #tpu.memory_space<vmem>>, vector<16xf32>,
      tpu.vector_store %arg7[%swap3A_697], %gather3A_692 {strides = array<i32>} : memref<8192xf32, #tpu.memory_space<vmem>>, vector<16xf32>,
      %add3A_699 = arith.constant 112 : i32
      %add3A_700 = arith.addi %mul3A_621, %add3A_699 : i32
      %get3A_701 = arith.index_cast %add3A_700 : i32 to index
      %get3A_702 = tpu.vector_load %arg5[%get3A_701] {strides = array<i32>} : memref<16384xi32, #tpu.memory_space<vmem>>, vector<16xi32>,
      %gather3A_703 = tpu.vector_load_idx %arg6[%get3A_702] : memref<100000xf32, #tpu.memory_space<vmem>>[vector<16xi32>], vector<16xf32>,
      %mul3A_704 = arith.constant 128 : i32
      %mul3A_705 = arith.muli %scan3A_617, %mul3A_704 : i32
      %add3A_706 = arith.constant 112 : i32
      %add3A_707 = arith.addi %mul3A_705, %add3A_706 : i32
      %swap3A_708 = arith.index_cast %add3A_707 : i32 to index
      %swap3A_709 = tpu.vector_load %arg7[%swap3A_708] {strides = array<i32>} : memref<8192xf32, #tpu.memory_space<vmem>>, vector<16xf32>,
      tpu.vector_store %arg7[%swap3A_708], %gather3A_703 {strides = array<i32>} : memref<8192xf32, #tpu.memory_space<vmem>>, vector<16xf32>,
      %mul3A_710 = arith.constant 128 : i32
      %mul3A_711 = arith.muli %scan3A_617, %mul3A_710 : i32
      %jit3A_712 = arith.constant 4 : i32
      %div3A_713 = arith.divsi %add3A_619, %jit3A_712 : i32
      %sign3A_714 = arith.constant 0 : i32
      %sign3A_715 = arith.cmpi sgt, %add3A_619, %sign3A_714 : i32
      %sign3A_716 = arith.extui %sign3A_715 : i1 to i32
      %sign3A_717 = arith.constant 0 : i32
      %sign3A_718 = arith.cmpi slt, %add3A_619, %sign3A_717 : i32
      %sign3A_719 = arith.extui %sign3A_718 : i1 to i32
      %sign3A_720 = arith.subi %sign3A_716, %sign3A_719 : i32
      %sign3A_721 = arith.constant 0 : i32
      %sign3A_722 = arith.cmpi sgt, %jit3A_712, %sign3A_721 : i32
      %sign3A_723 = arith.extui %sign3A_722 : i1 to i32
      %sign3A_724 = arith.constant 0 : i32
      %sign3A_725 = arith.cmpi slt, %jit3A_712, %sign3A_724 : i32
      %sign3A_726 = arith.extui %sign3A_725 : i1 to i32
      %sign3A_727 = arith.subi %sign3A_723, %sign3A_726 : i32
      %ne3A_728 = arith.cmpi ne, %sign3A_720, %sign3A_727 : i32
      %rem3A_729 = arith.remsi %add3A_619, %jit3A_712 : i32
      %ne3A_730 = arith.constant 0 : i32
      %ne3A_731 = arith.cmpi ne, %rem3A_729, %ne3A_730 : i32
      %and3A_732 = arith.andi %ne3A_728, %ne3A_731 : i1
      %sub3A_733 = arith.constant 1 : i32
      %sub3A_734 = arith.subi %div3A_713, %sub3A_733 : i32
      %select_n3A_735 = arith.select %and3A_732, %sub3A_734, %div3A_713 : i32
      %jit3A_736 = arith.constant 4 : i32
      %eq3A_737 = arith.constant 0 : i32
      %eq3A_738 = arith.cmpi eq, %jit3A_736, %eq3A_737 : i32
      %jit3A_739 = arith.constant 1 : i32
      %select_n3A_740 = arith.select %eq3A_738, %jit3A_739, %jit3A_736 : i32
      %rem3A_741 = arith.remsi %add3A_619, %select_n3A_740 : i32
      %ne3A_742 = arith.constant 0 : i32
      %ne3A_743 = arith.cmpi ne, %rem3A_741, %ne3A_742 : i32
      %lt3A_744 = arith.constant 0 : i32
      %lt3A_745 = arith.cmpi slt, %rem3A_741, %lt3A_744 : i32
      %lt3A_746 = arith.constant 0 : i32
      %lt3A_747 = arith.cmpi slt, %select_n3A_740, %lt3A_746 : i32
      %ne3A_748 = arith.xori %lt3A_745, %lt3A_747 : i1
      %and3A_749 = arith.andi %ne3A_748, %ne3A_743 : i1
      %add3A_750 = arith.addi %rem3A_741, %select_n3A_740 : i32
      %select_n3A_751 = arith.select %and3A_749, %add3A_750, %rem3A_741 : i32
      %dma_start3A_752 = tpu.memref_slice %arg7[%mul3A_711] : memref<8192xf32, #tpu.memory_space<vmem>> -> memref<128xf32, #tpu.memory_space<vmem>>
      %dma_start3A_753 = arith.constant 0 : i32
      %dma_start3A_754 = tpu.memref_slice %arg4[%select_n3A_373, %select_n3A_413, %select_n3A_735, %select_n3A_751, %select_n3A_429, %dma_start3A_753] : memref<8x2x32x4x8x128xf32, #tpu.memory_space<hbm>> -> memref<1x1x1x1x1x128xf32, #tpu.memory_space<hbm>>
      %dma_start3A_755 = tpu.memref_squeeze %dma_start3A_754 : memref<1x1x1x1x1x128xf32, #tpu.memory_space<hbm>> -> memref<128xf32, #tpu.memory_space<hbm>>
      %dma_start3A_756 = arith.constant 0 : i32
      %dma_start3A_757 = tpu.memref_slice %arg4[%select_n3A_373, %select_n3A_413, %select_n3A_735, %select_n3A_751, %select_n3A_429, %dma_start3A_756] : memref<8x2x32x4x8x128xf32, #tpu.memory_space<hbm>> -> memref<1x1x1x1x1x128xf32, #tpu.memory_space<hbm>>
      %dma_start3A_758 = tpu.memref_squeeze %dma_start3A_757 : memref<1x1x1x1x1x128xf32, #tpu.memory_space<hbm>> -> memref<128xf32, #tpu.memory_space<hbm>>
      %dma_start3A_759 = tpu.memref_slice %arg7[%mul3A_711] : memref<8192xf32, #tpu.memory_space<vmem>> -> memref<128xf32, #tpu.memory_space<vmem>>
      tpu.enqueue_dma source(%dma_start3A_759 : memref<128xf32, #tpu.memory_space<vmem>>) target(%dma_start3A_758 : memref<128xf32, #tpu.memory_space<hbm>>) target_semaphore(%arg8 : memref<!tpu.dma_semaphore, #tpu.memory_space<semaphore_mem>>)
      %scan3A_760 = arith.constant 2 : i32
      %scan3A_761 = arith.addi %scan3A_476, %scan3A_760 : i32
      %add3A_762 = arith.constant 64 : i32
      %add3A_763 = arith.addi %add3A_762, %scan3A_761 : i32
      %mul3A_764 = arith.constant 128 : i32
      %mul3A_765 = arith.muli %add3A_763, %mul3A_764 : i32
      %add3A_766 = arith.constant 0 : i32
      %add3A_767 = arith.addi %mul3A_765, %add3A_766 : i32
      %get3A_768 = arith.index_cast %add3A_767 : i32 to index
      %get3A_769 = tpu.vector_load %arg5[%get3A_768] {strides = array<i32>} : memref<16384xi32, #tpu.memory_space<vmem>>, vector<16xi32>,
      %gather3A_770 = tpu.vector_load_idx %arg6[%get3A_769] : memref<100000xf32, #tpu.memory_space<vmem>>[vector<16xi32>], vector<16xf32>,
      %mul3A_771 = arith.constant 128 : i32
      %mul3A_772 = arith.muli %scan3A_761, %mul3A_771 : i32
      %add3A_773 = arith.constant 0 : i32
      %add3A_774 = arith.addi %mul3A_772, %add3A_773 : i32
      %swap3A_775 = arith.index_cast %add3A_774 : i32 to index
      %swap3A_776 = tpu.vector_load %arg7[%swap3A_775] {strides = array<i32>} : memref<8192xf32, #tpu.memory_space<vmem>>, vector<16xf32>,
      tpu.vector_store %arg7[%swap3A_775], %gather3A_770 {strides = array<i32>} : memref<8192xf32, #tpu.memory_space<vmem>>, vector<16xf32>,
      %add3A_777 = arith.constant 16 : i32
      %add3A_778 = arith.addi %mul3A_765, %add3A_777 : i32
      %get3A_779 = arith.index_cast %add3A_778 : i32 to index
      %get3A_780 = tpu.vector_load %arg5[%get3A_779] {strides = array<i32>} : memref<16384xi32, #tpu.memory_space<vmem>>, vector<16xi32>,
      %gather3A_781 = tpu.vector_load_idx %arg6[%get3A_780] : memref<100000xf32, #tpu.memory_space<vmem>>[vector<16xi32>], vector<16xf32>,
      %mul3A_782 = arith.constant 128 : i32
      %mul3A_783 = arith.muli %scan3A_761, %mul3A_782 : i32
      %add3A_784 = arith.constant 16 : i32
      %add3A_785 = arith.addi %mul3A_783, %add3A_784 : i32
      %swap3A_786 = arith.index_cast %add3A_785 : i32 to index
      %swap3A_787 = tpu.vector_load %arg7[%swap3A_786] {strides = array<i32>} : memref<8192xf32, #tpu.memory_space<vmem>>, vector<16xf32>,
      tpu.vector_store %arg7[%swap3A_786], %gather3A_781 {strides = array<i32>} : memref<8192xf32, #tpu.memory_space<vmem>>, vector<16xf32>,
      %add3A_788 = arith.constant 32 : i32
      %add3A_789 = arith.addi %mul3A_765, %add3A_788 : i32
      %get3A_790 = arith.index_cast %add3A_789 : i32 to index
      %get3A_791 = tpu.vector_load %arg5[%get3A_790] {strides = array<i32>} : memref<16384xi32, #tpu.memory_space<vmem>>, vector<16xi32>,
      %gather3A_792 = tpu.vector_load_idx %arg6[%get3A_791] : memref<100000xf32, #tpu.memory_space<vmem>>[vector<16xi32>], vector<16xf32>,
      %mul3A_793 = arith.constant 128 : i32
      %mul3A_794 = arith.muli %scan3A_761, %mul3A_793 : i32
      %add3A_795 = arith.constant 32 : i32
      %add3A_796 = arith.addi %mul3A_794, %add3A_795 : i32
      %swap3A_797 = arith.index_cast %add3A_796 : i32 to index
      %swap3A_798 = tpu.vector_load %arg7[%swap3A_797] {strides = array<i32>} : memref<8192xf32, #tpu.memory_space<vmem>>, vector<16xf32>,
      tpu.vector_store %arg7[%swap3A_797], %gather3A_792 {strides = array<i32>} : memref<8192xf32, #tpu.memory_space<vmem>>, vector<16xf32>,
      %add3A_799 = arith.constant 48 : i32
      %add3A_800 = arith.addi %mul3A_765, %add3A_799 : i32
      %get3A_801 = arith.index_cast %add3A_800 : i32 to index
      %get3A_802 = tpu.vector_load %arg5[%get3A_801] {strides = array<i32>} : memref<16384xi32, #tpu.memory_space<vmem>>, vector<16xi32>,
      %gather3A_803 = tpu.vector_load_idx %arg6[%get3A_802] : memref<100000xf32, #tpu.memory_space<vmem>>[vector<16xi32>], vector<16xf32>,
      %mul3A_804 = arith.constant 128 : i32
      %mul3A_805 = arith.muli %scan3A_761, %mul3A_804 : i32
      %add3A_806 = arith.constant 48 : i32
      %add3A_807 = arith.addi %mul3A_805, %add3A_806 : i32
      %swap3A_808 = arith.index_cast %add3A_807 : i32 to index
      %swap3A_809 = tpu.vector_load %arg7[%swap3A_808] {strides = array<i32>} : memref<8192xf32, #tpu.memory_space<vmem>>, vector<16xf32>,
      tpu.vector_store %arg7[%swap3A_808], %gather3A_803 {strides = array<i32>} : memref<8192xf32, #tpu.memory_space<vmem>>, vector<16xf32>,
      %add3A_810 = arith.constant 64 : i32
      %add3A_811 = arith.addi %mul3A_765, %add3A_810 : i32
      %get3A_812 = arith.index_cast %add3A_811 : i32 to index
      %get3A_813 = tpu.vector_load %arg5[%get3A_812] {strides = array<i32>} : memref<16384xi32, #tpu.memory_space<vmem>>, vector<16xi32>,
      %gather3A_814 = tpu.vector_load_idx %arg6[%get3A_813] : memref<100000xf32, #tpu.memory_space<vmem>>[vector<16xi32>], vector<16xf32>,
      %mul3A_815 = arith.constant 128 : i32
      %mul3A_816 = arith.muli %scan3A_761, %mul3A_815 : i32
      %add3A_817 = arith.constant 64 : i32
      %add3A_818 = arith.addi %mul3A_816, %add3A_817 : i32
      %swap3A_819 = arith.index_cast %add3A_818 : i32 to index
      %swap3A_820 = tpu.vector_load %arg7[%swap3A_819] {strides = array<i32>} : memref<8192xf32, #tpu.memory_space<vmem>>, vector<16xf32>,
      tpu.vector_store %arg7[%swap3A_819], %gather3A_814 {strides = array<i32>} : memref<8192xf32, #tpu.memory_space<vmem>>, vector<16xf32>,
      %add3A_821 = arith.constant 80 : i32
      %add3A_822 = arith.addi %mul3A_765, %add3A_821 : i32
      %get3A_823 = arith.index_cast %add3A_822 : i32 to index
      %get3A_824 = tpu.vector_load %arg5[%get3A_823] {strides = array<i32>} : memref<16384xi32, #tpu.memory_space<vmem>>, vector<16xi32>,
      %gather3A_825 = tpu.vector_load_idx %arg6[%get3A_824] : memref<100000xf32, #tpu.memory_space<vmem>>[vector<16xi32>], vector<16xf32>,
      %mul3A_826 = arith.constant 128 : i32
      %mul3A_827 = arith.muli %scan3A_761, %mul3A_826 : i32
      %add3A_828 = arith.constant 80 : i32
      %add3A_829 = arith.addi %mul3A_827, %add3A_828 : i32
      %swap3A_830 = arith.index_cast %add3A_829 : i32 to index
      %swap3A_831 = tpu.vector_load %arg7[%swap3A_830] {strides = array<i32>} : memref<8192xf32, #tpu.memory_space<vmem>>, vector<16xf32>,
      tpu.vector_store %arg7[%swap3A_830], %gather3A_825 {strides = array<i32>} : memref<8192xf32, #tpu.memory_space<vmem>>, vector<16xf32>,
      %add3A_832 = arith.constant 96 : i32
      %add3A_833 = arith.addi %mul3A_765, %add3A_832 : i32
      %get3A_834 = arith.index_cast %add3A_833 : i32 to index
      %get3A_835 = tpu.vector_load %arg5[%get3A_834] {strides = array<i32>} : memref<16384xi32, #tpu.memory_space<vmem>>, vector<16xi32>,
      %gather3A_836 = tpu.vector_load_idx %arg6[%get3A_835] : memref<100000xf32, #tpu.memory_space<vmem>>[vector<16xi32>], vector<16xf32>,
      %mul3A_837 = arith.constant 128 : i32
      %mul3A_838 = arith.muli %scan3A_761, %mul3A_837 : i32
      %add3A_839 = arith.constant 96 : i32
      %add3A_840 = arith.addi %mul3A_838, %add3A_839 : i32
      %swap3A_841 = arith.index_cast %add3A_840 : i32 to index
      %swap3A_842 = tpu.vector_load %arg7[%swap3A_841] {strides = array<i32>} : memref<8192xf32, #tpu.memory_space<vmem>>, vector<16xf32>,
      tpu.vector_store %arg7[%swap3A_841], %gather3A_836 {strides = array<i32>} : memref<8192xf32, #tpu.memory_space<vmem>>, vector<16xf32>,
      %add3A_843 = arith.constant 112 : i32
      %add3A_844 = arith.addi %mul3A_765, %add3A_843 : i32
      %get3A_845 = arith.index_cast %add3A_844 : i32 to index
      %get3A_846 = tpu.vector_load %arg5[%get3A_845] {strides = array<i32>} : memref<16384xi32, #tpu.memory_space<vmem>>, vector<16xi32>,
      %gather3A_847 = tpu.vector_load_idx %arg6[%get3A_846] : memref<100000xf32, #tpu.memory_space<vmem>>[vector<16xi32>], vector<16xf32>,
      %mul3A_848 = arith.constant 128 : i32
      %mul3A_849 = arith.muli %scan3A_761, %mul3A_848 : i32
      %add3A_850 = arith.constant 112 : i32
      %add3A_851 = arith.addi %mul3A_849, %add3A_850 : i32
      %swap3A_852 = arith.index_cast %add3A_851 : i32 to index
      %swap3A_853 = tpu.vector_load %arg7[%swap3A_852] {strides = array<i32>} : memref<8192xf32, #tpu.memory_space<vmem>>, vector<16xf32>,
      tpu.vector_store %arg7[%swap3A_852], %gather3A_847 {strides = array<i32>} : memref<8192xf32, #tpu.memory_space<vmem>>, vector<16xf32>,
      %mul3A_854 = arith.constant 128 : i32
      %mul3A_855 = arith.muli %scan3A_761, %mul3A_854 : i32
      %jit3A_856 = arith.constant 4 : i32
      %div3A_857 = arith.divsi %add3A_763, %jit3A_856 : i32
      %sign3A_858 = arith.constant 0 : i32
      %sign3A_859 = arith.cmpi sgt, %add3A_763, %sign3A_858 : i32
      %sign3A_860 = arith.extui %sign3A_859 : i1 to i32
      %sign3A_861 = arith.constant 0 : i32
      %sign3A_862 = arith.cmpi slt, %add3A_763, %sign3A_861 : i32
      %sign3A_863 = arith.extui %sign3A_862 : i1 to i32
      %sign3A_864 = arith.subi %sign3A_860, %sign3A_863 : i32
      %sign3A_865 = arith.constant 0 : i32
      %sign3A_866 = arith.cmpi sgt, %jit3A_856, %sign3A_865 : i32
      %sign3A_867 = arith.extui %sign3A_866 : i1 to i32
      %sign3A_868 = arith.constant 0 : i32
      %sign3A_869 = arith.cmpi slt, %jit3A_856, %sign3A_868 : i32
      %sign3A_870 = arith.extui %sign3A_869 : i1 to i32
      %sign3A_871 = arith.subi %sign3A_867, %sign3A_870 : i32
      %ne3A_872 = arith.cmpi ne, %sign3A_864, %sign3A_871 : i32
      %rem3A_873 = arith.remsi %add3A_763, %jit3A_856 : i32
      %ne3A_874 = arith.constant 0 : i32
      %ne3A_875 = arith.cmpi ne, %rem3A_873, %ne3A_874 : i32
      %and3A_876 = arith.andi %ne3A_872, %ne3A_875 : i1
      %sub3A_877 = arith.constant 1 : i32
      %sub3A_878 = arith.subi %div3A_857, %sub3A_877 : i32
      %select_n3A_879 = arith.select %and3A_876, %sub3A_878, %div3A_857 : i32
      %jit3A_880 = arith.constant 4 : i32
      %eq3A_881 = arith.constant 0 : i32
      %eq3A_882 = arith.cmpi eq, %jit3A_880, %eq3A_881 : i32
      %jit3A_883 = arith.constant 1 : i32
      %select_n3A_884 = arith.select %eq3A_882, %jit3A_883, %jit3A_880 : i32
      %rem3A_885 = arith.remsi %add3A_763, %select_n3A_884 : i32
      %ne3A_886 = arith.constant 0 : i32
      %ne3A_887 = arith.cmpi ne, %rem3A_885, %ne3A_886 : i32
      %lt3A_888 = arith.constant 0 : i32
      %lt3A_889 = arith.cmpi slt, %rem3A_885, %lt3A_888 : i32
      %lt3A_890 = arith.constant 0 : i32
      %lt3A_891 = arith.cmpi slt, %select_n3A_884, %lt3A_890 : i32
      %ne3A_892 = arith.xori %lt3A_889, %lt3A_891 : i1
      %and3A_893 = arith.andi %ne3A_892, %ne3A_887 : i1
      %add3A_894 = arith.addi %rem3A_885, %select_n3A_884 : i32
      %select_n3A_895 = arith.select %and3A_893, %add3A_894, %rem3A_885 : i32
      %dma_start3A_896 = tpu.memref_slice %arg7[%mul3A_855] : memref<8192xf32, #tpu.memory_space<vmem>> -> memref<128xf32, #tpu.memory_space<vmem>>
      %dma_start3A_897 = arith.constant 0 : i32
      %dma_start3A_898 = tpu.memref_slice %arg4[%select_n3A_373, %select_n3A_413, %select_n3A_879, %select_n3A_895, %select_n3A_429, %dma_start3A_897] : memref<8x2x32x4x8x128xf32, #tpu.memory_space<hbm>> -> memref<1x1x1x1x1x128xf32, #tpu.memory_space<hbm>>
      %dma_start3A_899 = tpu.memref_squeeze %dma_start3A_898 : memref<1x1x1x1x1x128xf32, #tpu.memory_space<hbm>> -> memref<128xf32, #tpu.memory_space<hbm>>
      %dma_start3A_900 = arith.constant 0 : i32
      %dma_start3A_901 = tpu.memref_slice %arg4[%select_n3A_373, %select_n3A_413, %select_n3A_879, %select_n3A_895, %select_n3A_429, %dma_start3A_900] : memref<8x2x32x4x8x128xf32, #tpu.memory_space<hbm>> -> memref<1x1x1x1x1x128xf32, #tpu.memory_space<hbm>>
      %dma_start3A_902 = tpu.memref_squeeze %dma_start3A_901 : memref<1x1x1x1x1x128xf32, #tpu.memory_space<hbm>> -> memref<128xf32, #tpu.memory_space<hbm>>
      %dma_start3A_903 = tpu.memref_slice %arg7[%mul3A_855] : memref<8192xf32, #tpu.memory_space<vmem>> -> memref<128xf32, #tpu.memory_space<vmem>>
      tpu.enqueue_dma source(%dma_start3A_903 : memref<128xf32, #tpu.memory_space<vmem>>) target(%dma_start3A_902 : memref<128xf32, #tpu.memory_space<hbm>>) target_semaphore(%arg8 : memref<!tpu.dma_semaphore, #tpu.memory_space<semaphore_mem>>)
      %scan3A_904 = arith.constant 3 : i32
      %scan3A_905 = arith.addi %scan3A_476, %scan3A_904 : i32
      %add3A_906 = arith.constant 64 : i32
      %add3A_907 = arith.addi %add3A_906, %scan3A_905 : i32
      %mul3A_908 = arith.constant 128 : i32
      %mul3A_909 = arith.muli %add3A_907, %mul3A_908 : i32
      %add3A_910 = arith.constant 0 : i32
      %add3A_911 = arith.addi %mul3A_909, %add3A_910 : i32
      %get3A_912 = arith.index_cast %add3A_911 : i32 to index
      %get3A_913 = tpu.vector_load %arg5[%get3A_912] {strides = array<i32>} : memref<16384xi32, #tpu.memory_space<vmem>>, vector<16xi32>,
      %gather3A_914 = tpu.vector_load_idx %arg6[%get3A_913] : memref<100000xf32, #tpu.memory_space<vmem>>[vector<16xi32>], vector<16xf32>,
      %mul3A_915 = arith.constant 128 : i32
      %mul3A_916 = arith.muli %scan3A_905, %mul3A_915 : i32
      %add3A_917 = arith.constant 0 : i32
      %add3A_918 = arith.addi %mul3A_916, %add3A_917 : i32
      %swap3A_919 = arith.index_cast %add3A_918 : i32 to index
      %swap3A_920 = tpu.vector_load %arg7[%swap3A_919] {strides = array<i32>} : memref<8192xf32, #tpu.memory_space<vmem>>, vector<16xf32>,
      tpu.vector_store %arg7[%swap3A_919], %gather3A_914 {strides = array<i32>} : memref<8192xf32, #tpu.memory_space<vmem>>, vector<16xf32>,
      %add3A_921 = arith.constant 16 : i32
      %add3A_922 = arith.addi %mul3A_909, %add3A_921 : i32
      %get3A_923 = arith.index_cast %add3A_922 : i32 to index
      %get3A_924 = tpu.vector_load %arg5[%get3A_923] {strides = array<i32>} : memref<16384xi32, #tpu.memory_space<vmem>>, vector<16xi32>,
      %gather3A_925 = tpu.vector_load_idx %arg6[%get3A_924] : memref<100000xf32, #tpu.memory_space<vmem>>[vector<16xi32>], vector<16xf32>,
      %mul3A_926 = arith.constant 128 : i32
      %mul3A_927 = arith.muli %scan3A_905, %mul3A_926 : i32
      %add3A_928 = arith.constant 16 : i32
      %add3A_929 = arith.addi %mul3A_927, %add3A_928 : i32
      %swap3A_930 = arith.index_cast %add3A_929 : i32 to index
      %swap3A_931 = tpu.vector_load %arg7[%swap3A_930] {strides = array<i32>} : memref<8192xf32, #tpu.memory_space<vmem>>, vector<16xf32>,
      tpu.vector_store %arg7[%swap3A_930], %gather3A_925 {strides = array<i32>} : memref<8192xf32, #tpu.memory_space<vmem>>, vector<16xf32>,
      %add3A_932 = arith.constant 32 : i32
      %add3A_933 = arith.addi %mul3A_909, %add3A_932 : i32
      %get3A_934 = arith.index_cast %add3A_933 : i32 to index
      %get3A_935 = tpu.vector_load %arg5[%get3A_934] {strides = array<i32>} : memref<16384xi32, #tpu.memory_space<vmem>>, vector<16xi32>,
      %gather3A_936 = tpu.vector_load_idx %arg6[%get3A_935] : memref<100000xf32, #tpu.memory_space<vmem>>[vector<16xi32>], vector<16xf32>,
      %mul3A_937 = arith.constant 128 : i32
      %mul3A_938 = arith.muli %scan3A_905, %mul3A_937 : i32
      %add3A_939 = arith.constant 32 : i32
      %add3A_940 = arith.addi %mul3A_938, %add3A_939 : i32
      %swap3A_941 = arith.index_cast %add3A_940 : i32 to index
      %swap3A_942 = tpu.vector_load %arg7[%swap3A_941] {strides = array<i32>} : memref<8192xf32, #tpu.memory_space<vmem>>, vector<16xf32>,
      tpu.vector_store %arg7[%swap3A_941], %gather3A_936 {strides = array<i32>} : memref<8192xf32, #tpu.memory_space<vmem>>, vector<16xf32>,
      %add3A_943 = arith.constant 48 : i32
      %add3A_944 = arith.addi %mul3A_909, %add3A_943 : i32
      %get3A_945 = arith.index_cast %add3A_944 : i32 to index
      %get3A_946 = tpu.vector_load %arg5[%get3A_945] {strides = array<i32>} : memref<16384xi32, #tpu.memory_space<vmem>>, vector<16xi32>,
      %gather3A_947 = tpu.vector_load_idx %arg6[%get3A_946] : memref<100000xf32, #tpu.memory_space<vmem>>[vector<16xi32>], vector<16xf32>,
      %mul3A_948 = arith.constant 128 : i32
      %mul3A_949 = arith.muli %scan3A_905, %mul3A_948 : i32
      %add3A_950 = arith.constant 48 : i32
      %add3A_951 = arith.addi %mul3A_949, %add3A_950 : i32
      %swap3A_952 = arith.index_cast %add3A_951 : i32 to index
      %swap3A_953 = tpu.vector_load %arg7[%swap3A_952] {strides = array<i32>} : memref<8192xf32, #tpu.memory_space<vmem>>, vector<16xf32>,
      tpu.vector_store %arg7[%swap3A_952], %gather3A_947 {strides = array<i32>} : memref<8192xf32, #tpu.memory_space<vmem>>, vector<16xf32>,
      %add3A_954 = arith.constant 64 : i32
      %add3A_955 = arith.addi %mul3A_909, %add3A_954 : i32
      %get3A_956 = arith.index_cast %add3A_955 : i32 to index
      %get3A_957 = tpu.vector_load %arg5[%get3A_956] {strides = array<i32>} : memref<16384xi32, #tpu.memory_space<vmem>>, vector<16xi32>,
      %gather3A_958 = tpu.vector_load_idx %arg6[%get3A_957] : memref<100000xf32, #tpu.memory_space<vmem>>[vector<16xi32>], vector<16xf32>,
      %mul3A_959 = arith.constant 128 : i32
      %mul3A_960 = arith.muli %scan3A_905, %mul3A_959 : i32
      %add3A_961 = arith.constant 64 : i32
      %add3A_962 = arith.addi %mul3A_960, %add3A_961 : i32
      %swap3A_963 = arith.index_cast %add3A_962 : i32 to index
      %swap3A_964 = tpu.vector_load %arg7[%swap3A_963] {strides = array<i32>} : memref<8192xf32, #tpu.memory_space<vmem>>, vector<16xf32>,
      tpu.vector_store %arg7[%swap3A_963], %gather3A_958 {strides = array<i32>} : memref<8192xf32, #tpu.memory_space<vmem>>, vector<16xf32>,
      %add3A_965 = arith.constant 80 : i32
      %add3A_966 = arith.addi %mul3A_909, %add3A_965 : i32
      %get3A_967 = arith.index_cast %add3A_966 : i32 to index
      %get3A_968 = tpu.vector_load %arg5[%get3A_967] {strides = array<i32>} : memref<16384xi32, #tpu.memory_space<vmem>>, vector<16xi32>,
      %gather3A_969 = tpu.vector_load_idx %arg6[%get3A_968] : memref<100000xf32, #tpu.memory_space<vmem>>[vector<16xi32>], vector<16xf32>,
      %mul3A_970 = arith.constant 128 : i32
      %mul3A_971 = arith.muli %scan3A_905, %mul3A_970 : i32
      %add3A_972 = arith.constant 80 : i32
      %add3A_973 = arith.addi %mul3A_971, %add3A_972 : i32
      %swap3A_974 = arith.index_cast %add3A_973 : i32 to index
      %swap3A_975 = tpu.vector_load %arg7[%swap3A_974] {strides = array<i32>} : memref<8192xf32, #tpu.memory_space<vmem>>, vector<16xf32>,
      tpu.vector_store %arg7[%swap3A_974], %gather3A_969 {strides = array<i32>} : memref<8192xf32, #tpu.memory_space<vmem>>, vector<16xf32>,
      %add3A_976 = arith.constant 96 : i32
      %add3A_977 = arith.addi %mul3A_909, %add3A_976 : i32
      %get3A_978 = arith.index_cast %add3A_977 : i32 to index
      %get3A_979 = tpu.vector_load %arg5[%get3A_978] {strides = array<i32>} : memref<16384xi32, #tpu.memory_space<vmem>>, vector<16xi32>,
      %gather3A_980 = tpu.vector_load_idx %arg6[%get3A_979] : memref<100000xf32, #tpu.memory_space<vmem>>[vector<16xi32>], vector<16xf32>,
      %mul3A_981 = arith.constant 128 : i32
      %mul3A_982 = arith.muli %scan3A_905, %mul3A_981 : i32
      %add3A_983 = arith.constant 96 : i32
      %add3A_984 = arith.addi %mul3A_982, %add3A_983 : i32
      %swap3A_985 = arith.index_cast %add3A_984 : i32 to index
      %swap3A_986 = tpu.vector_load %arg7[%swap3A_985] {strides = array<i32>} : memref<8192xf32, #tpu.memory_space<vmem>>, vector<16xf32>,
      tpu.vector_store %arg7[%swap3A_985], %gather3A_980 {strides = array<i32>} : memref<8192xf32, #tpu.memory_space<vmem>>, vector<16xf32>,
      %add3A_987 = arith.constant 112 : i32
      %add3A_988 = arith.addi %mul3A_909, %add3A_987 : i32
      %get3A_989 = arith.index_cast %add3A_988 : i32 to index
      %get3A_990 = tpu.vector_load %arg5[%get3A_989] {strides = array<i32>} : memref<16384xi32, #tpu.memory_space<vmem>>, vector<16xi32>,
      %gather3A_991 = tpu.vector_load_idx %arg6[%get3A_990] : memref<100000xf32, #tpu.memory_space<vmem>>[vector<16xi32>], vector<16xf32>,
      %mul3A_992 = arith.constant 128 : i32
      %mul3A_993 = arith.muli %scan3A_905, %mul3A_992 : i32
      %add3A_994 = arith.constant 112 : i32
      %add3A_995 = arith.addi %mul3A_993, %add3A_994 : i32
      %swap3A_996 = arith.index_cast %add3A_995 : i32 to index
      %swap3A_997 = tpu.vector_load %arg7[%swap3A_996] {strides = array<i32>} : memref<8192xf32, #tpu.memory_space<vmem>>, vector<16xf32>,
      tpu.vector_store %arg7[%swap3A_996], %gather3A_991 {strides = array<i32>} : memref<8192xf32, #tpu.memory_space<vmem>>, vector<16xf32>,
      %mul3A_998 = arith.constant 128 : i32
      %mul3A_999 = arith.muli %scan3A_905, %mul3A_998 : i32
      %jit3A_1000 = arith.constant 4 : i32
      %div3A_1001 = arith.divsi %add3A_907, %jit3A_1000 : i32
      %sign3A_1002 = arith.constant 0 : i32
      %sign3A_1003 = arith.cmpi sgt, %add3A_907, %sign3A_1002 : i32
      %sign3A_1004 = arith.extui %sign3A_1003 : i1 to i32
      %sign3A_1005 = arith.constant 0 : i32
      %sign3A_1006 = arith.cmpi slt, %add3A_907, %sign3A_1005 : i32
      %sign3A_1007 = arith.extui %sign3A_1006 : i1 to i32
      %sign3A_1008 = arith.subi %sign3A_1004, %sign3A_1007 : i32
      %sign3A_1009 = arith.constant 0 : i32
      %sign3A_1010 = arith.cmpi sgt, %jit3A_1000, %sign3A_1009 : i32
      %sign3A_1011 = arith.extui %sign3A_1010 : i1 to i32
      %sign3A_1012 = arith.constant 0 : i32
      %sign3A_1013 = arith.cmpi slt, %jit3A_1000, %sign3A_1012 : i32
      %sign3A_1014 = arith.extui %sign3A_1013 : i1 to i32
      %sign3A_1015 = arith.subi %sign3A_1011, %sign3A_1014 : i32
      %ne3A_1016 = arith.cmpi ne, %sign3A_1008, %sign3A_1015 : i32
      %rem3A_1017 = arith.remsi %add3A_907, %jit3A_1000 : i32
      %ne3A_1018 = arith.constant 0 : i32
      %ne3A_1019 = arith.cmpi ne, %rem3A_1017, %ne3A_1018 : i32
      %and3A_1020 = arith.andi %ne3A_1016, %ne3A_1019 : i1
      %sub3A_1021 = arith.constant 1 : i32
      %sub3A_1022 = arith.subi %div3A_1001, %sub3A_1021 : i32
      %select_n3A_1023 = arith.select %and3A_1020, %sub3A_1022, %div3A_1001 : i32
      %jit3A_1024 = arith.constant 4 : i32
      %eq3A_1025 = arith.constant 0 : i32
      %eq3A_1026 = arith.cmpi eq, %jit3A_1024, %eq3A_1025 : i32
      %jit3A_1027 = arith.constant 1 : i32
      %select_n3A_1028 = arith.select %eq3A_1026, %jit3A_1027, %jit3A_1024 : i32
      %rem3A_1029 = arith.remsi %add3A_907, %select_n3A_1028 : i32
      %ne3A_1030 = arith.constant 0 : i32
      %ne3A_1031 = arith.cmpi ne, %rem3A_1029, %ne3A_1030 : i32
      %lt3A_1032 = arith.constant 0 : i32
      %lt3A_1033 = arith.cmpi slt, %rem3A_1029, %lt3A_1032 : i32
      %lt3A_1034 = arith.constant 0 : i32
      %lt3A_1035 = arith.cmpi slt, %select_n3A_1028, %lt3A_1034 : i32
      %ne3A_1036 = arith.xori %lt3A_1033, %lt3A_1035 : i1
      %and3A_1037 = arith.andi %ne3A_1036, %ne3A_1031 : i1
      %add3A_1038 = arith.addi %rem3A_1029, %select_n3A_1028 : i32
      %select_n3A_1039 = arith.select %and3A_1037, %add3A_1038, %rem3A_1029 : i32
      %dma_start3A_1040 = tpu.memref_slice %arg7[%mul3A_999] : memref<8192xf32, #tpu.memory_space<vmem>> -> memref<128xf32, #tpu.memory_space<vmem>>
      %dma_start3A_1041 = arith.constant 0 : i32
      %dma_start3A_1042 = tpu.memref_slice %arg4[%select_n3A_373, %select_n3A_413, %select_n3A_1023, %select_n3A_1039, %select_n3A_429, %dma_start3A_1041] : memref<8x2x32x4x8x128xf32, #tpu.memory_space<hbm>> -> memref<1x1x1x1x1x128xf32, #tpu.memory_space<hbm>>
      %dma_start3A_1043 = tpu.memref_squeeze %dma_start3A_1042 : memref<1x1x1x1x1x128xf32, #tpu.memory_space<hbm>> -> memref<128xf32, #tpu.memory_space<hbm>>
      %dma_start3A_1044 = arith.constant 0 : i32
      %dma_start3A_1045 = tpu.memref_slice %arg4[%select_n3A_373, %select_n3A_413, %select_n3A_1023, %select_n3A_1039, %select_n3A_429, %dma_start3A_1044] : memref<8x2x32x4x8x128xf32, #tpu.memory_space<hbm>> -> memref<1x1x1x1x1x128xf32, #tpu.memory_space<hbm>>
      %dma_start3A_1046 = tpu.memref_squeeze %dma_start3A_1045 : memref<1x1x1x1x1x128xf32, #tpu.memory_space<hbm>> -> memref<128xf32, #tpu.memory_space<hbm>>
      %dma_start3A_1047 = tpu.memref_slice %arg7[%mul3A_999] : memref<8192xf32, #tpu.memory_space<vmem>> -> memref<128xf32, #tpu.memory_space<vmem>>
      tpu.enqueue_dma source(%dma_start3A_1047 : memref<128xf32, #tpu.memory_space<vmem>>) target(%dma_start3A_1046 : memref<128xf32, #tpu.memory_space<hbm>>) target_semaphore(%arg8 : memref<!tpu.dma_semaphore, #tpu.memory_space<semaphore_mem>>)
    }
    %scan3A_467 = arith.constant 64 : i32
    %dma_wait3A_468 = arith.constant 0 : i32
    %dma_wait3A_469 = tpu.memref_slice %arg5[%dma_wait3A_468] : memref<16384xi32, #tpu.memory_space<vmem>> -> memref<8192xi32, #tpu.memory_space<vmem>>
    %dma_wait3A_470 = arith.constant 0 : i32
    %dma_wait3A_471 = tpu.memref_slice %arg2[%dma_wait3A_470] : memref<16384xi32, #tpu.memory_space<hbm>> -> memref<8192xi32, #tpu.memory_space<hbm>>
    %dma_wait3A_472 = arith.constant 0 : i32
    %dma_wait3A_473 = tpu.memref_slice %arg5[%dma_wait3A_472] : memref<16384xi32, #tpu.memory_space<vmem>> -> memref<8192xi32, #tpu.memory_space<vmem>>
    %dma_wait3A_474 = arith.constant 0 : i32
    %dma_wait3A_475 = tpu.memref_slice %arg2[%dma_wait3A_474] : memref<16384xi32, #tpu.memory_space<hbm>> -> memref<8192xi32, #tpu.memory_space<hbm>>
    tpu.wait_dma2 semaphore(%arg8 : memref<!tpu.dma_semaphore, #tpu.memory_space<semaphore_mem>>) src(%dma_wait3A_475 : memref<8192xi32, #tpu.memory_space<hbm>>) dst(%dma_wait3A_473 : memref<8192xi32, #tpu.memory_space<vmem>>)
    return
  }
}

</mosaic_0001>

<sc_bundles>
// kernel: kernel.3.cloned.1.call-start
scs
__scs_entry_jumppad:
0x0: {  	(pc) =	sbr.rel $0x88, $3  }
0x1: {  	(tag) =	ssettag $0x0;
	lr =	simm.s32 $0x1  }
0x2: {  	[smem:$0x3F9F] =	sst lr;
	_ =	strace $0xD0000000  }
0x3: {  	_ = 	snop  }
0x4: {  	_ = 	snop  }
0x5: {  	_ = 	snop  }
0x6: {  	_ = 	snop  }
0x7: {  	_ = 	snop  }
__scs_overlays_trampoline_lowered:
0x8: {  	[smem:$0x3FAE] =	sst s0  }
0x9: {  	[smem:$0x3FAF] =	sst s1  }
0xa: {  	[smem:$0x3FB0] =	sst s2  }
0xb: {  	[smem:$0x3FB1] =	sst s3  }
0xc: {  	[smem:$0x3FB2] =	sst s4  }
0xd: {  	[smem:$0x3FB3] =	sst s5  }
0xe: {  	[smem:$0x3FB4] =	sst s6  }
0xf: {  	[smem:$0x3FB5] =	sst s7  }
0x10: {  	[smem:$0x3FB6] =	sst s8  }
0x11: {  	[smem:$0x3FB7] =	sst s9;
	s0 =	simm.s32 @!p0 $0x0  }
0x12: {  	s1 =	sld [smem:$0x3F9D];
	s0 =	simm.s32 @p0 $0x1  }
0x13: {  	[smem:$0x3FB8] =	sst s0;
	s0 =	simm.s32 @!p1 $0x0  }
0x14: {  	s2 =	sld [smem:$0x3F9C];
	s0 =	simm.s32 @p1 $0x1  }
0x15: {  	[smem:$0x3FB9] =	sst s0;
	s0 =	simm.s32 @!p2 $0x0  }
0x16: {  	s3 =	sld [smem:$0x3FDB];
	s0 =	simm.s32 @p2 $0x1  }
0x17: {  	s4 =	simm.s32 $0x1BF5;
	[smem:$0x3FBB] =	sst s0  }
0x18: {  	s0 =	sld [smem:$0x3F9E];
	_ =	swait.ge [sflag:s4], $0x0  }
0x19: {  	s7 =	sld [smem:$0x3F9F]  }
0x1a: {  	s8 =	sadd.s32 $0xFFFFE003, lr  }
0x1b: {  	s9 =	sadd.s32 $0xFFFFFEF7, lr;
	s5 =	simm.s32 $0xFFFFFFFF;
	p2 =	slt.u32 s8, $0xFFFFF086  }
0x1c: {  	p1 =	slt.u32 s9, $0xF7A;
	s5 =	simm.s32 @!p2 $0x0  }
0x1d: {  	s5 =	simm.s32 @p1 $0x1;
	p0 =	seq.s32 s7, s2  }
0x1e: {  	s7 =	smul.u32 @!p0 $0xF7A, s2;
	p2 =	seq.s32 @!p0 s5, $0x0  }
0x1f: {  	s9 =	smul.u32 $0xF7A, s1;
	s8 =	simm.s32 @!p0 $0x1BF5;
	p2 =	por !p2, p0  }
0x20: {  	[sflag:s8] =	ssyncset.s32 @!p0 $0xFFFFF086;
	s6 =	sadd.s32 @!p0 s3, s7;
	s7 =	simm.s32 @!p0 $0x108  }
0x21: {  	s3 =	sadd.s32 s3, s9;
	s6 =	sadd.s32 @!p0 $0x88, s6;
	s7 =	simm.s32 @p2 $0x1082  }
0x22: {  	[simem:s7], [sflag:s8] =	dma.local @!p0 [hbm:s6], $0xF7A  }
0x23: {  	s9 =	sor.u32 $0xD0000000, s2;
	s6 =	simm.s32 $0x108;
	_ =	swait.ge @!p0 [sflag:s8], $0x0  }
0x24: {  	s3 =	sadd.s32 $0x88, s3;
	s6 =	simm.s32 @!p1 $0x1082;
	[sflag:s4] =	ssyncset.s32 $0xFFFFF086  }
0x25: {  	[simem:s6], [sflag:s4] =	dma.local [hbm:s3], $0xF7A  }
0x26: {  	[smem:$0x3F9F] =	sst s1;
	(tag) =	ssettag s2;
	_ =	strace s9  }
0x27: {  	s1 =	sld [smem:$0x3FAF]  }
0x28: {  	s2 =	sld [smem:$0x3FB0]  }
0x29: {  	s4 =	sld [smem:$0x3FB2]  }
0x2a: {  	p0 =	seq.s32 s5, $0x0;
	s5 =	sld [smem:$0x3FB3]  }
0x2b: {  	s6 =	sld [smem:$0x3FB4]  }
0x2c: {  	s7 =	sld [smem:$0x3FB5]  }
0x2d: {  	s3 =	simm.s32 $0x108;
	s8 =	sld [smem:$0x3FB6]  }
0x2e: {  	s3 =	simm.s32 @!p0 $0x1082;
	s9 =	sld [smem:$0x3FB7]  }
0x2f: {  	lr =	sadd.s32 s0, s3;
	s0 =	sld [smem:$0x3FAE]  }
0x30: {  	s3 =	sld [smem:$0x3FB1]  }
0x31: {  	[smem:$0x3FBA] =	sst s10  }
0x32: {  	s10 =	sld [smem:$0x3FB8];
	_ =	sdelay $0x3  }
0x33: {  	p0 =	seq.s32 s10, $0x1;
	s10 =	sld [smem:$0x3FBA];
	_ =	sdelay $0x3  }
0x34: {  	[smem:$0x3FBA] =	sst s10  }
0x35: {  	s10 =	sld [smem:$0x3FB9];
	_ =	sdelay $0x3  }
0x36: {  	p1 =	seq.s32 s10, $0x1;
	s10 =	sld [smem:$0x3FBA];
	_ =	sdelay $0x3  }
0x37: {  	[smem:$0x3FBA] =	sst s10  }
0x38: {  	s10 =	sld [smem:$0x3FBB]  }
0x39: {  	_ = 	snop;
	(pc) =	sbr.ind lr, $3  }
0x3a: {  	_ = 	snop  }
0x3b: {  	_ = 	snop  }
0x3c: {  	p2 =	seq.s32 s10, $0x1;
	s10 =	sld [smem:$0x3FBA]  }
0x3d: {  	_ =	shalt  }
0x3e: {  	_ =	shalt  }
0x3f: {  	_ =	shalt  }
0x40: {  	_ =	shalt  }
0x41: {  	_ =	shalt  }
0x42: {  	_ =	shalt  }
0x43: {  	_ =	shalt  }
0x44: {  	_ =	shalt  }
0x45: {  	_ =	shalt  }
0x46: {  	_ =	shalt  }
0x47: {  	_ =	shalt  }
0x48: {  	_ =	shalt  }
0x49: {  	_ =	shalt  }
0x4a: {  	_ =	shalt  }
0x4b: {  	_ =	shalt  }
0x4c: {  	_ =	shalt  }
0x4d: {  	_ =	shalt  }
0x4e: {  	_ =	shalt  }
0x4f: {  	_ =	shalt  }
0x50: {  	_ =	shalt  }
0x51: {  	_ =	shalt  }
0x52: {  	_ =	shalt  }
0x53: {  	_ =	shalt  }
0x54: {  	_ =	shalt  }
0x55: {  	_ =	shalt  }
0x56: {  	_ =	shalt  }
0x57: {  	_ =	shalt  }
0x58: {  	_ =	shalt  }
0x59: {  	_ =	shalt  }
0x5a: {  	_ =	shalt  }
0x5b: {  	_ =	shalt  }
0x5c: {  	_ =	shalt  }
0x5d: {  	_ =	shalt  }
0x5e: {  	_ =	shalt  }
0x5f: {  	_ =	shalt  }
0x60: {  	_ =	shalt  }
0x61: {  	_ =	shalt  }
0x62: {  	_ =	shalt  }
0x63: {  	_ =	shalt  }
0x64: {  	_ =	shalt  }
0x65: {  	_ =	shalt  }
0x66: {  	_ =	shalt  }
0x67: {  	_ =	shalt  }
0x68: {  	_ =	shalt  }
0x69: {  	_ =	shalt  }
0x6a: {  	_ =	shalt  }
0x6b: {  	_ =	shalt  }
0x6c: {  	_ =	shalt  }
0x6d: {  	_ =	shalt  }
0x6e: {  	_ =	shalt  }
0x6f: {  	_ =	shalt  }
0x70: {  	_ =	shalt  }
0x71: {  	_ =	shalt  }
0x72: {  	_ =	shalt  }
0x73: {  	_ =	shalt  }
0x74: {  	_ =	shalt  }
0x75: {  	_ =	shalt  }
0x76: {  	_ =	shalt  }
0x77: {  	_ =	shalt  }
0x78: {  	_ =	shalt  }
0x79: {  	_ =	shalt  }
0x7a: {  	_ =	shalt  }
0x7b: {  	_ =	shalt  }
0x7c: {  	_ =	shalt  }
0x7d: {  	_ =	shalt  }
0x7e: {  	_ =	shalt  }
0x7f: {  	_ =	shalt  }
0x80: {  	_ =	shalt  }
0x81: {  	_ =	shalt  }
0x82: {  	_ =	shalt  }
0x83: {  	_ =	shalt  }
0x84: {  	_ =	shalt  }
0x85: {  	_ =	shalt  }
0x86: {  	_ =	shalt  }
0x87: {  	_ =	shalt  }
.Lfunc_end0:
.L_simem_size_0:
called_computation_lowered:
.L_overlay_start_0:
0x88: {  	s2 =	sld [smem:$0x3FD9]  }
0x89: {  	s3 =	sld [smem:$0x3FFE];
	_ =	sdelay $0x1  }
0x8a: {  	s1 =	srdreg.scid  }
0x8b: {  	s0 =	sand.u32 $0x1, s1  }
0x8c: {  	s18 =	sshll.u32 s0, $0xA;
	s2 =	sadd.s32 s3, s2  }
0x8d: {  	s2 =	sadd.s32 s2, s18  }
0x8e: {  	[smem:$0x3FC6] =	sst s2  }
0x8f: {  	_ = 	snop  }
0x90: {  	s2 =	sld [smem:$0x3FC9]  }
0x91: {  	s19 =	sld [smem:$0x3FC8]  }
0x92: {  	s4 =	sld [smem:$0x3FD0];
	(tm) =	ssettm $0x1  }
0x93: {  	s5 =	sld [smem:$0x3FFB];
	_ =	sdelay $0x3  }
0x94: {  	_ =	strace s5  }
0x95: {  	s5 =	sld [smem:$0x3FFC];
	_ =	sdelay $0x3  }
0x96: {  	_ =	strace s5  }
0x97: {  	s5 =	sld [smem:$0x3FFD];
	_ =	sdelay $0x3  }
0x98: {  	_ =	strace s5  }
0x99: {  	_ =	strace $0x8FFFFFFF  }
0x9a: {  	s20 =	sld [smem:$0x3FDB];
	_ =	sdelay $0x1  }
0x9b: {  	s6 =	simm.s32 $_scs_section_size  }
0x9c: {  	s7 =	simm.s32 $_size__tile_overlayer_lowered;
	s8 =	simm.s32 $_tile_overlayer_lowered  }
0x9d: {  	s23 =	simm.s32 $0x1BFF;
	s22 =	sshll.u32 s8, $0x1;
	s5 =	sadd.s32 s6, s20  }
0x9e: {  	s9 =	simm.s32 $0x0;
	s21 =	sshll.u32 s7, $0x1;
	s7 =	sadd.s32 s22, s5  }
0x9f: {  	[timem:s9], [sflag:s23] =	dma.local [hbm:s7], s21  }
0xa0: {  	_ =	swait.ge [sflag:s23], s21  }
0xa1: {  	s6 =	ssub.s32 $0x0, s21;
	[sflag:s23] =	ssyncset.done $0x0  }
0xa2: {  	[sflag:s23] =	ssyncadd.s32 s6;
	_ =	sdelay $0x1  }
0xa3: {  	s24 =	simm.s32 $0x1B8B  }
0xa4: {  	_ =	swait.ge [sflag:s24], $0x1  }
0xa5: {  	[sflag:s24] =	ssyncset.done $0x0  }
0xa6: {  	s25 =	simm.s32 $0x1B8E;
	[sflag:s24] =	ssyncadd.s32 $0xFFFFFFFF  }
0xa7: {  	s26 =	simm.s32 $execute0_lowered;
	[smem:$0x3FD2] =	sst s25  }
0xa8: {  	s6 =	sshll.u32 s26, $0x1;
	_ =	strace $0x80000046;
	[dreg:$0x1] =	wrdreg $0xFFFFFFFF  }
0xa9: {  	s28 =	simm.s32 $_size_execute0_lowered;
	s5 =	sadd.s32 s5, s6;
	[dreg:$0x0] =	wrdreg $0x0  }
0xaa: {  	s6 =	sshll.u32 s28, $0x1;
	[dreg:$0x2] =	wrdreg s5  }
0xab: {  	[dreg:$0x3] =	wrdreg s6  }
0xac: {  	[dreg:$0x4] =	wrdreg $0xC0  }
0xad: {  	_ =	task [dreg:s9], $0x5FFFF  }
0xae: {  	[dreg:$0x1] =	wrdreg $0xFFFFFFFF  }
0xaf: {  	[dreg:$0x0] =	wrdreg $0x60  }
0xb0: {  	[dreg:$0x2] =	wrdreg s2  }
0xb1: {  	[dreg:$0x3] =	wrdreg s19  }
0xb2: {  	[dreg:$0x4] =	wrdreg s4  }
0xb3: {  	[dreg:$0x5] =	wrdreg $0x9  }
0xb4: {  	_ =	task.clear_ibuf [dreg:s9], $0x6FFFF;
	_ =	strace $0x90000046  }
0xb5: {  	s29 =	simm.s32 $0x9;
	_ =	strace $0x80000048  }
0xb6: {  	_ =	swait.ge [sflag:s29], $0x1  }
0xb7: {  	[sflag:s29] =	ssyncadd.s32 $0xFFFFFFFF  }
0xb8: {  	_ =	strace $0x90000048  }
0xb9: {  	_ =	sfence  }
0xba: {  	s30 =	sld [smem:$0x0];
	_ =	sdelay $0x2  }
0xbb: {  	s31 =	sshll.u32 s1, $0xD;
	s1 =	sshrl.u32 s1, $0x2  }
0xbc: {  	s3 =	sand.u32 $0x4000, s31;
	s1 =	sadd.s32 s1, s30  }
0xbd: {  	s0 =	sor.u32 s3, s0;
	s1 =	sshll.u32 s1, $0x11  }
0xbe: {  	s0 =	sor.u32 s1, s0  }
0xbf: {  	s0 =	sadd.s32 $0x8F2B, s0  }
0xc0: {  	[sflag:s0] =	ssyncadd.remote.s32 $0x1  }
0xc1: {  	_ =	sfence.sel $0xFFFF  }
0xc2: {  	[dreg:$0x0] =	wrdreg $0xFFFFFFFF;
	(pc) =	sbr.abs _section_cstart, $3  }
0xc3: {  	[dreg:$0x1] =	wrdreg $0xFFFFFFFF  }
0xc4: {  	_ =	task.clear_ibuf [dreg:s9], $0x2FFFF;
	_ =	strace $0x9FFFFFFF  }
0xc5: {  	(tm) =	ssettm $0x7FFFFFFF  }
tec
execute0_lowered:
.L_overlay_start_1:
0x0: {  	(tag) =	ssettag $0x1  }
0x1: {  	s2 =	rddreg [dreg:$0x0]  }
0x2: {  	s7 =	rddreg [dreg:$0x1]  }
0x3: {  	s14 =	rddreg [dreg:$0x2]  }
0x4: {  	s1 =	stileid.u32;
	s0 =	rddreg [dreg:$0x3];
	s3 =	simm.s32 $0x0  }
0x5: {  	s4 =	srdreg.scid;
	s5 =	sshrl.u32 s1, $0x1;
	s6 =	sand.u32 $0x1, s1  }
0x6: {  	[smem:$0x7FF] =	sst s3;
	s9 =	sand.u32 $0x1, s4;
	s8 =	smul.u32 $0x187000, s5  }
0x7: {  	s18 =	sshll.u32 s1, $0x3;
	s17 =	smul.u32 $0xC3800, s6;
	_ =	strace $0x80000047  }
0x8: {  	s10 =	ssub.s32 $0x2, s9;
	s12 =	sshll.u32 s9, $0x9;
	s13 =	sshll.u32 s9, $0x2  }
0x9: {  	s21 =	sshll.u32 s5, $0xF;
	s16 =	sshll.u32 s6, $0xE;
	s9 =	sshll.u32 s9, $0x6  }
0xa: {  	s11 =	sshrl.u32 s10, $0x1;
	s19 =	sor.u32 s13, s18;
	s18 =	sshll.u32 s5, $0x12  }
0xb: {  	s13 =	sadd.s32 s21, s14;
	s21 =	simm.s32 $0x1;
	s8 =	sadd.s32 s17, s8  }
0xc: {  	s10 =	ssub.s32 s10, s11;
	s11 =	sor.u32 $0x2, s19;
	s19 =	sshll.u32 s6, $0x11  }
0xd: {  	s13 =	sadd.s32 s16, s13;
	s15 =	sor.u32 s12, s8;
	s17 =	sshll.u32 s11, $0x7  }
0xe: {  	s25 =	sor.u32 s19, s18;
	s9 =	sadd.s32 s9, s13;
	s11 =	sshrl.u32 s11, $0x1  }
0xf: {  	s18 =	simm.s32 $0x400;
	s19 =	simm.s32 $0x4000;
	s20 =	sshrl.u32 s15, $0x3  }
0x10: {  	s22 =	sor.u32 $0x80, s15;
	s17 =	sand.u32 $0x300, s17;
	s24 =	sor.u32 $0x180, s15  }
0x11: {  	s26 =	sor.u32 s12, s25;
	s29 =	sand.u32 $0x3, s11;
	s11 =	sadd.s32 $0x110, s9  }
0x12: {  	s4 =	sadd.s32 s7, s20;
	s5 =	sshrl.u32 s22, $0x3;
	s23 =	sor.u32 s8, s17  }
0x13: {  	s8 =	sshrl.u32 s24, $0x3;
	s28 =	sor.u32 $0x10000, s26;
	s12 =	sor.u32 $0x10080, s26  }
0x14: {  	s30 =	sshll.u32 s29, $0x8;
	s17 =	sor.u32 $0x10180, s26;
	s16 =	sshll.u32 s29, $0x5  }
0x15: {  	s20 =	simm.s32 $0x2;
	s22 =	simm.s32 $0x0;
	s5 =	sadd.s32 s7, s5  }
0x16: {  	s6 =	sshrl.u32 s23, $0x3;
	s12 =	sshrl.u32 s12, $0x3;
	s15 =	sor.u32 s30, s25  }
0x17: {  	s17 =	sshrl.u32 s17, $0x3;
	s13 =	sadd.s32 s16, s13;
	s6 =	sadd.s32 s7, s6  }
0x18: {  	s7 =	sadd.s32 s7, s8;
	s8 =	smax.u32 s10, $0x1;
	s10 =	sshrl.u32 s28, $0x3  }
0x19: {  	s12 =	sadd.s32 s12, s14;
	s15 =	sor.u32 $0x10000, s15;
	s31 =	sadd.s32 s17, s14  }
0x1a: {  	s17 =	simm.s32 $0x80;
	s10 =	sadd.s32 s10, s14;
	s15 =	sshrl.u32 s15, $0x3  }
0x1b: {  	s12 =	sadd.s32 $0x180, s12;
	s16 =	sadd.s32 $0x180, s31;
	s15 =	sadd.s32 s15, s14  }
0x1c: {  	s10 =	sadd.s32 $0x180, s10;
	s14 =	sadd.s32 $0x180, s15;
	s15 =	sadd.s32 $0x130, s9  }
.LBB2_1:
0x1d: {  	[tilespmem:s3], [sflag:$0x2] =	stream.linear.gather [hbm4b:s2+s3], $0x4000, $0x38;
	[tilespmem:$0x1E700] =	vst v63  }
0x1e: {  	_ = 	snop  }
0x1f: {  	[tilespmem:s19], [sflag:$0x2] =	stream.strided.gather [hbm4b:s4+s17], $0x18700, s18, s17, $0x38;
	[tilespmem:$0x1E700] =	vst v63  }
0x20: {  	_ =	swait.ge [sflag:s20], $0x4000  }
0x21: {  	[sflag:s20] =	ssyncset.done $0x0  }
0x22: {  	[sflag:s20] =	ssyncadd.s32 $0xFFFFC000  }
0x23: {  	_ =	swait.ge [sflag:s20], $0x18700  }
0x24: {  	s23 =	simm.s32 $0xFFFFFFFC;
	[sflag:s20] =	ssyncset.done $0x0  }
0x25: {  	s24 =	smov.u32 s9;
	s25 =	simm.s32 $0x0;
	[sflag:s20] =	ssyncadd.s32 $0xFFFE7900  }
.LBB2_2:
0x26: {  	s26 =	sshra.s32 s25, $0x2  }
0x27: {  	v0 =	vld [tilespmem:s26+$0x0];
	_ =	sdelay $0x5  }
0x28: {  	v1 =	vld [tilespmem:s26+$0x10];
	_ =	sdelay $0x1  }
0x29: {  	v0 =	vld.idx.msk [tilespmem:v0+s19+$0x0], $0xffff;
	_ =	sdelay $0x3  }
0x2a: {  	v2 =	vld [tilespmem:s26+$0x20]  }
0x2b: {  	[tilespmem:s26+$0x1C700] =	vst v0  }
0x2c: {  	v0 =	vld.idx.msk [tilespmem:v1+s19+$0x0], $0xffff;
	_ =	sdelay $0x3  }
0x2d: {  	v35 =	vld [tilespmem:s26+$0x30]  }
0x2e: {  	[tilespmem:s26+$0x1C710] =	vst v0  }
0x2f: {  	v0 =	vld.idx.msk [tilespmem:v2+s19+$0x0], $0xffff;
	_ =	sdelay $0x3  }
0x30: {  	v36 =	vld [tilespmem:s26+$0x40]  }
0x31: {  	[tilespmem:s26+$0x1C720] =	vst v0  }
0x32: {  	v0 =	vld.idx.msk [tilespmem:v35+s19+$0x0], $0xffff;
	_ =	sdelay $0x3  }
0x33: {  	v37 =	vld [tilespmem:s26+$0x50]  }
0x34: {  	[tilespmem:s26+$0x1C730] =	vst v0  }
0x35: {  	v0 =	vld.idx.msk [tilespmem:v36+s19+$0x0], $0xffff;
	_ =	sdelay $0x3  }
0x36: {  	v38 =	vld [tilespmem:s26+$0x60]  }
0x37: {  	[tilespmem:s26+$0x1C740] =	vst v0  }
0x38: {  	v0 =	vld.idx.msk [tilespmem:v37+s19+$0x0], $0xffff;
	_ =	sdelay $0x3  }
0x39: {  	v39 =	vld [tilespmem:s26+$0x70]  }
0x3a: {  	[tilespmem:s26+$0x1C750] =	vst v0  }
0x3b: {  	v0 =	vld.idx.msk [tilespmem:v38+s19+$0x0], $0xffff;
	_ =	sdelay $0x4  }
0x3c: {  	[tilespmem:s26+$0x1C760] =	vst v0  }
0x3d: {  	v0 =	vld.idx.msk [tilespmem:v39+s19+$0x0], $0xffff;
	_ =	sdelay $0x4  }
0x3e: {  	s28 =	sadd.s32 $0x1C700, s26;
	[tilespmem:s26+$0x1C770] =	vst v0  }
0x3f: {  	[hbm4b:s24+s3] =	stream.linear.scatter [tilespmem:s28], [sflag:$0x1], $0x80, $0x38;
	[tilespmem:$0x1E700] =	vst v63  }
0x40: {  	v40 =	vld [tilespmem:s26+$0x80];
	_ =	sdelay $0x5  }
0x41: {  	v41 =	vld [tilespmem:s26+$0x90];
	_ =	sdelay $0x1  }
0x42: {  	v0 =	vld.idx.msk [tilespmem:v40+s19+$0x0], $0xffff;
	_ =	sdelay $0x3  }
0x43: {  	v42 =	vld [tilespmem:s26+$0xA0]  }
0x44: {  	[tilespmem:s26+$0x1C780] =	vst v0  }
0x45: {  	v0 =	vld.idx.msk [tilespmem:v41+s19+$0x0], $0xffff;
	_ =	sdelay $0x3  }
0x46: {  	v43 =	vld [tilespmem:s26+$0xB0]  }
0x47: {  	[tilespmem:s26+$0x1C790] =	vst v0  }
0x48: {  	v0 =	vld.idx.msk [tilespmem:v42+s19+$0x0], $0xffff;
	_ =	sdelay $0x3  }
0x49: {  	v44 =	vld [tilespmem:s26+$0xC0]  }
0x4a: {  	[tilespmem:s26+$0x1C7A0] =	vst v0  }
0x4b: {  	v0 =	vld.idx.msk [tilespmem:v43+s19+$0x0], $0xffff;
	_ =	sdelay $0x3  }
0x4c: {  	v45 =	vld [tilespmem:s26+$0xD0]  }
0x4d: {  	[tilespmem:s26+$0x1C7B0] =	vst v0  }
0x4e: {  	v0 =	vld.idx.msk [tilespmem:v44+s19+$0x0], $0xffff;
	_ =	sdelay $0x3  }
0x4f: {  	v46 =	vld [tilespmem:s26+$0xE0]  }
0x50: {  	[tilespmem:s26+$0x1C7C0] =	vst v0  }
0x51: {  	v0 =	vld.idx.msk [tilespmem:v45+s19+$0x0], $0xffff;
	_ =	sdelay $0x3  }
0x52: {  	v47 =	vld [tilespmem:s26+$0xF0]  }
0x53: {  	[tilespmem:s26+$0x1C7D0] =	vst v0  }
0x54: {  	v0 =	vld.idx.msk [tilespmem:v46+s19+$0x0], $0xffff;
	_ =	sdelay $0x4  }
0x55: {  	[tilespmem:s26+$0x1C7E0] =	vst v0  }
0x56: {  	v0 =	vld.idx.msk [tilespmem:v47+s19+$0x0], $0xffff;
	_ =	sdelay $0x4  }
0x57: {  	s29 =	sadd.s32 $0x80, s24;
	s31 =	sadd.s32 $0x1C780, s26;
	[tilespmem:s26+$0x1C7F0] =	vst v0  }
0x58: {  	[hbm4b:s29+s3] =	stream.linear.scatter [tilespmem:s31], [sflag:$0x1], $0x80, $0x38;
	[tilespmem:$0x1E700] =	vst v63  }
0x59: {  	v48 =	vld [tilespmem:s26+$0x100];
	_ =	sdelay $0x5  }
0x5a: {  	v49 =	vld [tilespmem:s26+$0x110];
	_ =	sdelay $0x1  }
0x5b: {  	v0 =	vld.idx.msk [tilespmem:v48+s19+$0x0], $0xffff;
	_ =	sdelay $0x3  }
0x5c: {  	v50 =	vld [tilespmem:s26+$0x120]  }
0x5d: {  	[tilespmem:s26+$0x1C800] =	vst v0  }
0x5e: {  	v0 =	vld.idx.msk [tilespmem:v49+s19+$0x0], $0xffff;
	_ =	sdelay $0x3  }
0x5f: {  	v51 =	vld [tilespmem:s26+$0x130]  }
0x60: {  	[tilespmem:s26+$0x1C810] =	vst v0  }
0x61: {  	v0 =	vld.idx.msk [tilespmem:v50+s19+$0x0], $0xffff;
	_ =	sdelay $0x3  }
0x62: {  	v52 =	vld [tilespmem:s26+$0x140]  }
0x63: {  	[tilespmem:s26+$0x1C820] =	vst v0  }
0x64: {  	v0 =	vld.idx.msk [tilespmem:v51+s19+$0x0], $0xffff;
	_ =	sdelay $0x3  }
0x65: {  	v53 =	vld [tilespmem:s26+$0x150]  }
0x66: {  	[tilespmem:s26+$0x1C830] =	vst v0  }
0x67: {  	v0 =	vld.idx.msk [tilespmem:v52+s19+$0x0], $0xffff;
	_ =	sdelay $0x3  }
0x68: {  	v54 =	vld [tilespmem:s26+$0x160]  }
0x69: {  	[tilespmem:s26+$0x1C840] =	vst v0  }
0x6a: {  	v0 =	vld.idx.msk [tilespmem:v53+s19+$0x0], $0xffff;
	_ =	sdelay $0x3  }
0x6b: {  	v55 =	vld [tilespmem:s26+$0x170]  }
0x6c: {  	[tilespmem:s26+$0x1C850] =	vst v0  }
0x6d: {  	v0 =	vld.idx.msk [tilespmem:v54+s19+$0x0], $0xffff;
	_ =	sdelay $0x4  }
0x6e: {  	[tilespmem:s26+$0x1C860] =	vst v0  }
0x6f: {  	v0 =	vld.idx.msk [tilespmem:v55+s19+$0x0], $0xffff;
	_ =	sdelay $0x4  }
0x70: {  	s30 =	sadd.s32 $0x1C800, s26;
	s31 =	sadd.s32 $0x100, s24;
	[tilespmem:s26+$0x1C870] =	vst v0  }
0x71: {  	[hbm4b:s31+s3] =	stream.linear.scatter [tilespmem:s30], [sflag:$0x1], $0x80, $0x38;
	[tilespmem:$0x1E700] =	vst v63  }
0x72: {  	v56 =	vld [tilespmem:s26+$0x180];
	_ =	sdelay $0x5  }
0x73: {  	v57 =	vld [tilespmem:s26+$0x190];
	_ =	sdelay $0x1  }
0x74: {  	v0 =	vld.idx.msk [tilespmem:v56+s19+$0x0], $0xffff;
	_ =	sdelay $0x3  }
0x75: {  	v58 =	vld [tilespmem:s26+$0x1A0]  }
0x76: {  	[tilespmem:s26+$0x1C880] =	vst v0  }
0x77: {  	v0 =	vld.idx.msk [tilespmem:v57+s19+$0x0], $0xffff;
	_ =	sdelay $0x3  }
0x78: {  	v59 =	vld [tilespmem:s26+$0x1B0]  }
0x79: {  	[tilespmem:s26+$0x1C890] =	vst v0  }
0x7a: {  	v0 =	vld.idx.msk [tilespmem:v58+s19+$0x0], $0xffff;
	_ =	sdelay $0x3  }
0x7b: {  	v60 =	vld [tilespmem:s26+$0x1C0]  }
0x7c: {  	[tilespmem:s26+$0x1C8A0] =	vst v0  }
0x7d: {  	v0 =	vld.idx.msk [tilespmem:v59+s19+$0x0], $0xffff;
	_ =	sdelay $0x3  }
0x7e: {  	v61 =	vld [tilespmem:s26+$0x1D0]  }
0x7f: {  	[tilespmem:s26+$0x1C8B0] =	vst v0  }
0x80: {  	v0 =	vld.idx.msk [tilespmem:v60+s19+$0x0], $0xffff;
	_ =	sdelay $0x3  }
0x81: {  	v62 =	vld [tilespmem:s26+$0x1E0]  }
0x82: {  	[tilespmem:s26+$0x1C8C0] =	vst v0  }
0x83: {  	v0 =	vld.idx.msk [tilespmem:v61+s19+$0x0], $0xffff;
	_ =	sdelay $0x3  }
0x84: {  	v63 =	vld [tilespmem:s26+$0x1F0]  }
0x85: {  	[tilespmem:s26+$0x1C8D0] =	vst v0  }
0x86: {  	v0 =	vld.idx.msk [tilespmem:v62+s19+$0x0], $0xffff;
	_ =	sdelay $0x4  }
0x87: {  	[tilespmem:s26+$0x1C8E0] =	vst v0  }
0x88: {  	s23 =	sadd.s32 $0x4, s23;
	v0 =	vld.idx.msk [tilespmem:v63+s19+$0x0], $0xffff  }
0x89: {  	p0 =	slt.u32 s23, $0x3C  }
.Ltmp0:
0x8a: {  	_ = 	snop;
	(pc) =	sbr.rel @p0 .LBB2_2-.Ltmp0, $4  }
0x8b: {  	_ = 	snop  }
0x8c: {  	s25 =	sadd.s32 $0x800, s25  }
0x8d: {  	s30 =	sadd.s32 $0x1C880, s26;
	s31 =	sadd.s32 $0x180, s24;
	s24 =	sadd.s32 $0x200, s24;
	[tilespmem:s26+$0x1C8F0] =	vst v0  }
0x8e: {  	[hbm4b:s31+s3] =	stream.linear.scatter [tilespmem:s30], [sflag:$0x1], $0x80, $0x38;
	[tilespmem:$0x1E700] =	vst v63  }
0x8f: {  	_ =	swait.ge [sflag:s21], $0x2000  }
0x90: {  	s23 =	simm.s32 $0xFFFFFFFC;
	[sflag:s21] =	ssyncset.done $0x0  }
0x91: {  	s24 =	simm.s32 $0x0;
	s25 =	smov.u32 s10;
	[sflag:s21] =	ssyncadd.s32 $0xFFFFE000  }
.LBB2_4:
0x92: {  	s26 =	sshra.s32 s24, $0x2  }
0x93: {  	v0 =	vld [tilespmem:s26+$0x2000];
	_ =	sdelay $0x5  }
0x94: {  	v1 =	vld [tilespmem:s26+$0x2010];
	_ =	sdelay $0x1  }
0x95: {  	v0 =	vld.idx.msk [tilespmem:v0+s19+$0x0], $0xffff;
	_ =	sdelay $0x3  }
0x96: {  	v2 =	vld [tilespmem:s26+$0x2020]  }
0x97: {  	[tilespmem:s26+$0x1C700] =	vst v0  }
0x98: {  	v0 =	vld.idx.msk [tilespmem:v1+s19+$0x0], $0xffff;
	_ =	sdelay $0x3  }
0x99: {  	v35 =	vld [tilespmem:s26+$0x2030]  }
0x9a: {  	[tilespmem:s26+$0x1C710] =	vst v0  }
0x9b: {  	v0 =	vld.idx.msk [tilespmem:v2+s19+$0x0], $0xffff;
	_ =	sdelay $0x3  }
0x9c: {  	v36 =	vld [tilespmem:s26+$0x2040]  }
0x9d: {  	[tilespmem:s26+$0x1C720] =	vst v0  }
0x9e: {  	v0 =	vld.idx.msk [tilespmem:v35+s19+$0x0], $0xffff;
	_ =	sdelay $0x3  }
0x9f: {  	v37 =	vld [tilespmem:s26+$0x2050]  }
0xa0: {  	[tilespmem:s26+$0x1C730] =	vst v0  }
0xa1: {  	v0 =	vld.idx.msk [tilespmem:v36+s19+$0x0], $0xffff;
	_ =	sdelay $0x3  }
0xa2: {  	v38 =	vld [tilespmem:s26+$0x2060]  }
0xa3: {  	[tilespmem:s26+$0x1C740] =	vst v0  }
0xa4: {  	v0 =	vld.idx.msk [tilespmem:v37+s19+$0x0], $0xffff;
	_ =	sdelay $0x3  }
0xa5: {  	v39 =	vld [tilespmem:s26+$0x2070]  }
0xa6: {  	[tilespmem:s26+$0x1C750] =	vst v0  }
0xa7: {  	v0 =	vld.idx.msk [tilespmem:v38+s19+$0x0], $0xffff;
	_ =	sdelay $0x4  }
0xa8: {  	[tilespmem:s26+$0x1C760] =	vst v0  }
0xa9: {  	v0 =	vld.idx.msk [tilespmem:v39+s19+$0x0], $0xffff;
	_ =	sdelay $0x4  }
0xaa: {  	s29 =	sadd.s32 $0xFFFFFE80, s25;
	s28 =	sadd.s32 $0x1C700, s26;
	[tilespmem:s26+$0x1C770] =	vst v0  }
0xab: {  	[hbm4b:s29+s3] =	stream.linear.scatter [tilespmem:s28], [sflag:$0x1], $0x80, $0x38;
	[tilespmem:$0x1E700] =	vst v63  }
0xac: {  	v40 =	vld [tilespmem:s26+$0x2080];
	_ =	sdelay $0x5  }
0xad: {  	v41 =	vld [tilespmem:s26+$0x2090];
	_ =	sdelay $0x1  }
0xae: {  	v0 =	vld.idx.msk [tilespmem:v40+s19+$0x0], $0xffff;
	_ =	sdelay $0x3  }
0xaf: {  	v42 =	vld [tilespmem:s26+$0x20A0]  }
0xb0: {  	[tilespmem:s26+$0x1C780] =	vst v0  }
0xb1: {  	v0 =	vld.idx.msk [tilespmem:v41+s19+$0x0], $0xffff;
	_ =	sdelay $0x3  }
0xb2: {  	v43 =	vld [tilespmem:s26+$0x20B0]  }
0xb3: {  	[tilespmem:s26+$0x1C790] =	vst v0  }
0xb4: {  	v0 =	vld.idx.msk [tilespmem:v42+s19+$0x0], $0xffff;
	_ =	sdelay $0x3  }
0xb5: {  	v44 =	vld [tilespmem:s26+$0x20C0]  }
0xb6: {  	[tilespmem:s26+$0x1C7A0] =	vst v0  }
0xb7: {  	v0 =	vld.idx.msk [tilespmem:v43+s19+$0x0], $0xffff;
	_ =	sdelay $0x3  }
0xb8: {  	v45 =	vld [tilespmem:s26+$0x20D0]  }
0xb9: {  	[tilespmem:s26+$0x1C7B0] =	vst v0  }
0xba: {  	v0 =	vld.idx.msk [tilespmem:v44+s19+$0x0], $0xffff;
	_ =	sdelay $0x3  }
0xbb: {  	v46 =	vld [tilespmem:s26+$0x20E0]  }
0xbc: {  	[tilespmem:s26+$0x1C7C0] =	vst v0  }
0xbd: {  	v0 =	vld.idx.msk [tilespmem:v45+s19+$0x0], $0xffff;
	_ =	sdelay $0x3  }
0xbe: {  	v47 =	vld [tilespmem:s26+$0x20F0]  }
0xbf: {  	[tilespmem:s26+$0x1C7D0] =	vst v0  }
0xc0: {  	v0 =	vld.idx.msk [tilespmem:v46+s19+$0x0], $0xffff;
	_ =	sdelay $0x4  }
0xc1: {  	[tilespmem:s26+$0x1C7E0] =	vst v0  }
0xc2: {  	v0 =	vld.idx.msk [tilespmem:v47+s19+$0x0], $0xffff;
	_ =	sdelay $0x4  }
0xc3: {  	s30 =	sadd.s32 $0xFFFFFF00, s25;
	s31 =	sadd.s32 $0x1C780, s26;
	[tilespmem:s26+$0x1C7F0] =	vst v0  }
0xc4: {  	[hbm4b:s30+s3] =	stream.linear.scatter [tilespmem:s31], [sflag:$0x1], $0x80, $0x38;
	[tilespmem:$0x1E700] =	vst v63  }
0xc5: {  	v48 =	vld [tilespmem:s26+$0x2100];
	_ =	sdelay $0x5  }
0xc6: {  	v49 =	vld [tilespmem:s26+$0x2110];
	_ =	sdelay $0x1  }
0xc7: {  	v0 =	vld.idx.msk [tilespmem:v48+s19+$0x0], $0xffff;
	_ =	sdelay $0x3  }
0xc8: {  	v50 =	vld [tilespmem:s26+$0x2120]  }
0xc9: {  	[tilespmem:s26+$0x1C800] =	vst v0  }
0xca: {  	v0 =	vld.idx.msk [tilespmem:v49+s19+$0x0], $0xffff;
	_ =	sdelay $0x3  }
0xcb: {  	v51 =	vld [tilespmem:s26+$0x2130]  }
0xcc: {  	[tilespmem:s26+$0x1C810] =	vst v0  }
0xcd: {  	v0 =	vld.idx.msk [tilespmem:v50+s19+$0x0], $0xffff;
	_ =	sdelay $0x3  }
0xce: {  	v52 =	vld [tilespmem:s26+$0x2140]  }
0xcf: {  	[tilespmem:s26+$0x1C820] =	vst v0  }
0xd0: {  	v0 =	vld.idx.msk [tilespmem:v51+s19+$0x0], $0xffff;
	_ =	sdelay $0x3  }
0xd1: {  	v53 =	vld [tilespmem:s26+$0x2150]  }
0xd2: {  	[tilespmem:s26+$0x1C830] =	vst v0  }
0xd3: {  	v0 =	vld.idx.msk [tilespmem:v52+s19+$0x0], $0xffff;
	_ =	sdelay $0x3  }
0xd4: {  	v54 =	vld [tilespmem:s26+$0x2160]  }
0xd5: {  	[tilespmem:s26+$0x1C840] =	vst v0  }
0xd6: {  	v0 =	vld.idx.msk [tilespmem:v53+s19+$0x0], $0xffff;
	_ =	sdelay $0x3  }
0xd7: {  	v55 =	vld [tilespmem:s26+$0x2170]  }
0xd8: {  	[tilespmem:s26+$0x1C850] =	vst v0  }
0xd9: {  	v0 =	vld.idx.msk [tilespmem:v54+s19+$0x0], $0xffff;
	_ =	sdelay $0x4  }
0xda: {  	[tilespmem:s26+$0x1C860] =	vst v0  }
0xdb: {  	v0 =	vld.idx.msk [tilespmem:v55+s19+$0x0], $0xffff;
	_ =	sdelay $0x4  }
0xdc: {  	s31 =	sadd.s32 $0x1C800, s26;
	s30 =	sadd.s32 $0xFFFFFF80, s25;
	[tilespmem:s26+$0x1C870] =	vst v0  }
0xdd: {  	[hbm4b:s30+s3] =	stream.linear.scatter [tilespmem:s31], [sflag:$0x1], $0x80, $0x38;
	[tilespmem:$0x1E700] =	vst v63  }
0xde: {  	v56 =	vld [tilespmem:s26+$0x2180];
	_ =	sdelay $0x5  }
0xdf: {  	v57 =	vld [tilespmem:s26+$0x2190];
	_ =	sdelay $0x1  }
0xe0: {  	v0 =	vld.idx.msk [tilespmem:v56+s19+$0x0], $0xffff;
	_ =	sdelay $0x3  }
0xe1: {  	v58 =	vld [tilespmem:s26+$0x21A0]  }
0xe2: {  	[tilespmem:s26+$0x1C880] =	vst v0  }
0xe3: {  	v0 =	vld.idx.msk [tilespmem:v57+s19+$0x0], $0xffff;
	_ =	sdelay $0x3  }
0xe4: {  	v59 =	vld [tilespmem:s26+$0x21B0]  }
0xe5: {  	[tilespmem:s26+$0x1C890] =	vst v0  }
0xe6: {  	v0 =	vld.idx.msk [tilespmem:v58+s19+$0x0], $0xffff;
	_ =	sdelay $0x3  }
0xe7: {  	v60 =	vld [tilespmem:s26+$0x21C0]  }
0xe8: {  	[tilespmem:s26+$0x1C8A0] =	vst v0  }
0xe9: {  	v0 =	vld.idx.msk [tilespmem:v59+s19+$0x0], $0xffff;
	_ =	sdelay $0x3  }
0xea: {  	v61 =	vld [tilespmem:s26+$0x21D0]  }
0xeb: {  	[tilespmem:s26+$0x1C8B0] =	vst v0  }
0xec: {  	v0 =	vld.idx.msk [tilespmem:v60+s19+$0x0], $0xffff;
	_ =	sdelay $0x3  }
0xed: {  	v62 =	vld [tilespmem:s26+$0x21E0]  }
0xee: {  	[tilespmem:s26+$0x1C8C0] =	vst v0  }
0xef: {  	v0 =	vld.idx.msk [tilespmem:v61+s19+$0x0], $0xffff;
	_ =	sdelay $0x3  }
0xf0: {  	v63 =	vld [tilespmem:s26+$0x21F0]  }
0xf1: {  	[tilespmem:s26+$0x1C8D0] =	vst v0  }
0xf2: {  	v0 =	vld.idx.msk [tilespmem:v62+s19+$0x0], $0xffff;
	_ =	sdelay $0x4  }
0xf3: {  	[tilespmem:s26+$0x1C8E0] =	vst v0  }
0xf4: {  	v0 =	vld.idx.msk [tilespmem:v63+s19+$0x0], $0xffff  }
0xf5: {  	s23 =	sadd.s32 $0x4, s23  }
0xf6: {  	p0 =	slt.u32 s23, $0x3C  }
.Ltmp1:
0xf7: {  	_ = 	snop;
	(pc) =	sbr.rel @p0 .LBB2_4-.Ltmp1, $4  }
0xf8: {  	_ = 	snop  }
0xf9: {  	s31 =	sadd.s32 $0x1C880, s26;
	[tilespmem:s26+$0x1C8F0] =	vst v0  }
0xfa: {  	[hbm4b:s25+s3] =	stream.linear.scatter [tilespmem:s31], [sflag:$0x1], $0x80, $0x38;
	[tilespmem:$0x1E700] =	vst v63  }
0xfb: {  	s24 =	sadd.s32 $0x800, s24;
	s25 =	sadd.s32 $0x200, s25  }
0xfc: {  	[tilespmem:s19], [sflag:$0x2] =	stream.strided.gather [hbm4b:s5+s17], $0x18700, s18, s17, $0x38;
	[tilespmem:$0x1E700] =	vst v63  }
0xfd: {  	_ =	swait.ge [sflag:s20], $0x18700  }
0xfe: {  	[sflag:s20] =	ssyncset.done $0x0  }
0xff: {  	[sflag:s20] =	ssyncadd.s32 $0xFFFE7900  }
0x100: {  	_ =	swait.ge [sflag:s21], $0x2000  }
0x101: {  	s23 =	simm.s32 $0xFFFFFFFC;
	[sflag:s21] =	ssyncset.done $0x0  }
0x102: {  	s24 =	simm.s32 $0x0;
	s25 =	smov.u32 s11;
	[sflag:s21] =	ssyncadd.s32 $0xFFFFE000  }
.LBB2_6:
0x103: {  	s26 =	sshra.s32 s24, $0x2  }
0x104: {  	v0 =	vld [tilespmem:s26+$0x0];
	_ =	sdelay $0x5  }
0x105: {  	v1 =	vld [tilespmem:s26+$0x10];
	_ =	sdelay $0x1  }
0x106: {  	v0 =	vld.idx.msk [tilespmem:v0+s19+$0x0], $0xffff;
	_ =	sdelay $0x3  }
0x107: {  	v2 =	vld [tilespmem:s26+$0x20]  }
0x108: {  	[tilespmem:s26+$0x1C700] =	vst v0  }
0x109: {  	v0 =	vld.idx.msk [tilespmem:v1+s19+$0x0], $0xffff;
	_ =	sdelay $0x3  }
0x10a: {  	v35 =	vld [tilespmem:s26+$0x30]  }
0x10b: {  	[tilespmem:s26+$0x1C710] =	vst v0  }
0x10c: {  	v0 =	vld.idx.msk [tilespmem:v2+s19+$0x0], $0xffff;
	_ =	sdelay $0x3  }
0x10d: {  	v36 =	vld [tilespmem:s26+$0x40]  }
0x10e: {  	[tilespmem:s26+$0x1C720] =	vst v0  }
0x10f: {  	v0 =	vld.idx.msk [tilespmem:v35+s19+$0x0], $0xffff;
	_ =	sdelay $0x3  }
0x110: {  	v37 =	vld [tilespmem:s26+$0x50]  }
0x111: {  	[tilespmem:s26+$0x1C730] =	vst v0  }
0x112: {  	v0 =	vld.idx.msk [tilespmem:v36+s19+$0x0], $0xffff;
	_ =	sdelay $0x3  }
0x113: {  	v38 =	vld [tilespmem:s26+$0x60]  }
0x114: {  	[tilespmem:s26+$0x1C740] =	vst v0  }
0x115: {  	v0 =	vld.idx.msk [tilespmem:v37+s19+$0x0], $0xffff;
	_ =	sdelay $0x3  }
0x116: {  	v39 =	vld [tilespmem:s26+$0x70]  }
0x117: {  	[tilespmem:s26+$0x1C750] =	vst v0  }
0x118: {  	v0 =	vld.idx.msk [tilespmem:v38+s19+$0x0], $0xffff;
	_ =	sdelay $0x4  }
0x119: {  	[tilespmem:s26+$0x1C760] =	vst v0  }
0x11a: {  	v0 =	vld.idx.msk [tilespmem:v39+s19+$0x0], $0xffff;
	_ =	sdelay $0x4  }
0x11b: {  	s29 =	sadd.s32 $0xFFFFFF00, s25;
	s28 =	sadd.s32 $0x1C700, s26;
	[tilespmem:s26+$0x1C770] =	vst v0  }
0x11c: {  	[hbm4b:s29+s3] =	stream.linear.scatter [tilespmem:s28], [sflag:$0x1], $0x80, $0x38;
	[tilespmem:$0x1E700] =	vst v63  }
0x11d: {  	v40 =	vld [tilespmem:s26+$0x80];
	_ =	sdelay $0x5  }
0x11e: {  	v41 =	vld [tilespmem:s26+$0x90];
	_ =	sdelay $0x1  }
0x11f: {  	v0 =	vld.idx.msk [tilespmem:v40+s19+$0x0], $0xffff;
	_ =	sdelay $0x3  }
0x120: {  	v42 =	vld [tilespmem:s26+$0xA0]  }
0x121: {  	[tilespmem:s26+$0x1C780] =	vst v0  }
0x122: {  	v0 =	vld.idx.msk [tilespmem:v41+s19+$0x0], $0xffff;
	_ =	sdelay $0x3  }
0x123: {  	v43 =	vld [tilespmem:s26+$0xB0]  }
0x124: {  	[tilespmem:s26+$0x1C790] =	vst v0  }
0x125: {  	v0 =	vld.idx.msk [tilespmem:v42+s19+$0x0], $0xffff;
	_ =	sdelay $0x3  }
0x126: {  	v44 =	vld [tilespmem:s26+$0xC0]  }
0x127: {  	[tilespmem:s26+$0x1C7A0] =	vst v0  }
0x128: {  	v0 =	vld.idx.msk [tilespmem:v43+s19+$0x0], $0xffff;
	_ =	sdelay $0x3  }
0x129: {  	v45 =	vld [tilespmem:s26+$0xD0]  }
0x12a: {  	[tilespmem:s26+$0x1C7B0] =	vst v0  }
0x12b: {  	v0 =	vld.idx.msk [tilespmem:v44+s19+$0x0], $0xffff;
	_ =	sdelay $0x3  }
0x12c: {  	v46 =	vld [tilespmem:s26+$0xE0]  }
0x12d: {  	[tilespmem:s26+$0x1C7C0] =	vst v0  }
0x12e: {  	v0 =	vld.idx.msk [tilespmem:v45+s19+$0x0], $0xffff;
	_ =	sdelay $0x3  }
0x12f: {  	v47 =	vld [tilespmem:s26+$0xF0]  }
0x130: {  	[tilespmem:s26+$0x1C7D0] =	vst v0  }
0x131: {  	v0 =	vld.idx.msk [tilespmem:v46+s19+$0x0], $0xffff;
	_ =	sdelay $0x4  }
0x132: {  	[tilespmem:s26+$0x1C7E0] =	vst v0  }
0x133: {  	v0 =	vld.idx.msk [tilespmem:v47+s19+$0x0], $0xffff;
	_ =	sdelay $0x4  }
0x134: {  	s31 =	sadd.s32 $0xFFFFFF80, s25;
	s30 =	sadd.s32 $0x1C780, s26;
	[tilespmem:s26+$0x1C7F0] =	vst v0  }
0x135: {  	[hbm4b:s31+s3] =	stream.linear.scatter [tilespmem:s30], [sflag:$0x1], $0x80, $0x38;
	[tilespmem:$0x1E700] =	vst v63  }
0x136: {  	v48 =	vld [tilespmem:s26+$0x100];
	_ =	sdelay $0x5  }
0x137: {  	v49 =	vld [tilespmem:s26+$0x110];
	_ =	sdelay $0x1  }
0x138: {  	v0 =	vld.idx.msk [tilespmem:v48+s19+$0x0], $0xffff;
	_ =	sdelay $0x3  }
0x139: {  	v50 =	vld [tilespmem:s26+$0x120]  }
0x13a: {  	[tilespmem:s26+$0x1C800] =	vst v0  }
0x13b: {  	v0 =	vld.idx.msk [tilespmem:v49+s19+$0x0], $0xffff;
	_ =	sdelay $0x3  }
0x13c: {  	v51 =	vld [tilespmem:s26+$0x130]  }
0x13d: {  	[tilespmem:s26+$0x1C810] =	vst v0  }
0x13e: {  	v0 =	vld.idx.msk [tilespmem:v50+s19+$0x0], $0xffff;
	_ =	sdelay $0x3  }
0x13f: {  	v52 =	vld [tilespmem:s26+$0x140]  }
0x140: {  	[tilespmem:s26+$0x1C820] =	vst v0  }
0x141: {  	v0 =	vld.idx.msk [tilespmem:v51+s19+$0x0], $0xffff;
	_ =	sdelay $0x3  }
0x142: {  	v53 =	vld [tilespmem:s26+$0x150]  }
0x143: {  	[tilespmem:s26+$0x1C830] =	vst v0  }
0x144: {  	v0 =	vld.idx.msk [tilespmem:v52+s19+$0x0], $0xffff;
	_ =	sdelay $0x3  }
0x145: {  	v54 =	vld [tilespmem:s26+$0x160]  }
0x146: {  	[tilespmem:s26+$0x1C840] =	vst v0  }
0x147: {  	v0 =	vld.idx.msk [tilespmem:v53+s19+$0x0], $0xffff;
	_ =	sdelay $0x3  }
0x148: {  	v55 =	vld [tilespmem:s26+$0x170]  }
0x149: {  	[tilespmem:s26+$0x1C850] =	vst v0  }
0x14a: {  	v0 =	vld.idx.msk [tilespmem:v54+s19+$0x0], $0xffff;
	_ =	sdelay $0x4  }
0x14b: {  	[tilespmem:s26+$0x1C860] =	vst v0  }
0x14c: {  	v0 =	vld.idx.msk [tilespmem:v55+s19+$0x0], $0xffff;
	_ =	sdelay $0x4  }
0x14d: {  	s29 =	sadd.s32 $0x1C800, s26;
	[tilespmem:s26+$0x1C870] =	vst v0  }
0x14e: {  	[hbm4b:s25+s3] =	stream.linear.scatter [tilespmem:s29], [sflag:$0x1], $0x80, $0x38;
	[tilespmem:$0x1E700] =	vst v63  }
0x14f: {  	v56 =	vld [tilespmem:s26+$0x180];
	_ =	sdelay $0x5  }
0x150: {  	v57 =	vld [tilespmem:s26+$0x190];
	_ =	sdelay $0x1  }
0x151: {  	v0 =	vld.idx.msk [tilespmem:v56+s19+$0x0], $0xffff;
	_ =	sdelay $0x3  }
0x152: {  	v58 =	vld [tilespmem:s26+$0x1A0]  }
0x153: {  	[tilespmem:s26+$0x1C880] =	vst v0  }
0x154: {  	v0 =	vld.idx.msk [tilespmem:v57+s19+$0x0], $0xffff;
	_ =	sdelay $0x3  }
0x155: {  	v59 =	vld [tilespmem:s26+$0x1B0]  }
0x156: {  	[tilespmem:s26+$0x1C890] =	vst v0  }
0x157: {  	v0 =	vld.idx.msk [tilespmem:v58+s19+$0x0], $0xffff;
	_ =	sdelay $0x3  }
0x158: {  	v60 =	vld [tilespmem:s26+$0x1C0]  }
0x159: {  	[tilespmem:s26+$0x1C8A0] =	vst v0  }
0x15a: {  	v0 =	vld.idx.msk [tilespmem:v59+s19+$0x0], $0xffff;
	_ =	sdelay $0x3  }
0x15b: {  	v61 =	vld [tilespmem:s26+$0x1D0]  }
0x15c: {  	[tilespmem:s26+$0x1C8B0] =	vst v0  }
0x15d: {  	v0 =	vld.idx.msk [tilespmem:v60+s19+$0x0], $0xffff;
	_ =	sdelay $0x3  }
0x15e: {  	v62 =	vld [tilespmem:s26+$0x1E0]  }
0x15f: {  	[tilespmem:s26+$0x1C8C0] =	vst v0  }
0x160: {  	v0 =	vld.idx.msk [tilespmem:v61+s19+$0x0], $0xffff;
	_ =	sdelay $0x3  }
0x161: {  	v63 =	vld [tilespmem:s26+$0x1F0]  }
0x162: {  	[tilespmem:s26+$0x1C8D0] =	vst v0  }
0x163: {  	v0 =	vld.idx.msk [tilespmem:v62+s19+$0x0], $0xffff;
	_ =	sdelay $0x4  }
0x164: {  	[tilespmem:s26+$0x1C8E0] =	vst v0  }
0x165: {  	s23 =	sadd.s32 $0x4, s23;
	v0 =	vld.idx.msk [tilespmem:v63+s19+$0x0], $0xffff  }
0x166: {  	p0 =	slt.u32 s23, $0x3C  }
.Ltmp2:
0x167: {  	_ = 	snop;
	(pc) =	sbr.rel @p0 .LBB2_6-.Ltmp2, $4  }
0x168: {  	_ = 	snop  }
0x169: {  	s24 =	sadd.s32 $0x800, s24  }
0x16a: {  	s30 =	sadd.s32 $0x1C880, s26;
	s31 =	sadd.s32 $0x80, s25;
	s25 =	sadd.s32 $0x200, s25;
	[tilespmem:s26+$0x1C8F0] =	vst v0  }
0x16b: {  	[hbm4b:s31+s3] =	stream.linear.scatter [tilespmem:s30], [sflag:$0x1], $0x80, $0x38;
	[tilespmem:$0x1E700] =	vst v63  }
0x16c: {  	_ =	swait.ge [sflag:s21], $0x2000  }
0x16d: {  	s23 =	simm.s32 $0xFFFFFFFC;
	[sflag:s21] =	ssyncset.done $0x0  }
0x16e: {  	s24 =	simm.s32 $0x0;
	s25 =	smov.u32 s12;
	[sflag:s21] =	ssyncadd.s32 $0xFFFFE000  }
.LBB2_8:
0x16f: {  	s26 =	sshra.s32 s24, $0x2  }
0x170: {  	v0 =	vld [tilespmem:s26+$0x2000];
	_ =	sdelay $0x5  }
0x171: {  	v1 =	vld [tilespmem:s26+$0x2010];
	_ =	sdelay $0x1  }
0x172: {  	v0 =	vld.idx.msk [tilespmem:v0+s19+$0x0], $0xffff;
	_ =	sdelay $0x3  }
0x173: {  	v2 =	vld [tilespmem:s26+$0x2020]  }
0x174: {  	[tilespmem:s26+$0x1C700] =	vst v0  }
0x175: {  	v0 =	vld.idx.msk [tilespmem:v1+s19+$0x0], $0xffff;
	_ =	sdelay $0x3  }
0x176: {  	v35 =	vld [tilespmem:s26+$0x2030]  }
0x177: {  	[tilespmem:s26+$0x1C710] =	vst v0  }
0x178: {  	v0 =	vld.idx.msk [tilespmem:v2+s19+$0x0], $0xffff;
	_ =	sdelay $0x3  }
0x179: {  	v36 =	vld [tilespmem:s26+$0x2040]  }
0x17a: {  	[tilespmem:s26+$0x1C720] =	vst v0  }
0x17b: {  	v0 =	vld.idx.msk [tilespmem:v35+s19+$0x0], $0xffff;
	_ =	sdelay $0x3  }
0x17c: {  	v37 =	vld [tilespmem:s26+$0x2050]  }
0x17d: {  	[tilespmem:s26+$0x1C730] =	vst v0  }
0x17e: {  	v0 =	vld.idx.msk [tilespmem:v36+s19+$0x0], $0xffff;
	_ =	sdelay $0x3  }
0x17f: {  	v38 =	vld [tilespmem:s26+$0x2060]  }
0x180: {  	[tilespmem:s26+$0x1C740] =	vst v0  }
0x181: {  	v0 =	vld.idx.msk [tilespmem:v37+s19+$0x0], $0xffff;
	_ =	sdelay $0x3  }
0x182: {  	v39 =	vld [tilespmem:s26+$0x2070]  }
0x183: {  	[tilespmem:s26+$0x1C750] =	vst v0  }
0x184: {  	v0 =	vld.idx.msk [tilespmem:v38+s19+$0x0], $0xffff;
	_ =	sdelay $0x4  }
0x185: {  	[tilespmem:s26+$0x1C760] =	vst v0  }
0x186: {  	v0 =	vld.idx.msk [tilespmem:v39+s19+$0x0], $0xffff;
	_ =	sdelay $0x4  }
0x187: {  	s29 =	sadd.s32 $0xFFFFFE80, s25;
	s28 =	sadd.s32 $0x1C700, s26;
	[tilespmem:s26+$0x1C770] =	vst v0  }
0x188: {  	[hbm4b:s29+s3] =	stream.linear.scatter [tilespmem:s28], [sflag:$0x1], $0x80, $0x38;
	[tilespmem:$0x1E700] =	vst v63  }
0x189: {  	v40 =	vld [tilespmem:s26+$0x2080];
	_ =	sdelay $0x5  }
0x18a: {  	v41 =	vld [tilespmem:s26+$0x2090];
	_ =	sdelay $0x1  }
0x18b: {  	v0 =	vld.idx.msk [tilespmem:v40+s19+$0x0], $0xffff;
	_ =	sdelay $0x3  }
0x18c: {  	v42 =	vld [tilespmem:s26+$0x20A0]  }
0x18d: {  	[tilespmem:s26+$0x1C780] =	vst v0  }
0x18e: {  	v0 =	vld.idx.msk [tilespmem:v41+s19+$0x0], $0xffff;
	_ =	sdelay $0x3  }
0x18f: {  	v43 =	vld [tilespmem:s26+$0x20B0]  }
0x190: {  	[tilespmem:s26+$0x1C790] =	vst v0  }
0x191: {  	v0 =	vld.idx.msk [tilespmem:v42+s19+$0x0], $0xffff;
	_ =	sdelay $0x3  }
0x192: {  	v44 =	vld [tilespmem:s26+$0x20C0]  }
0x193: {  	[tilespmem:s26+$0x1C7A0] =	vst v0  }
0x194: {  	v0 =	vld.idx.msk [tilespmem:v43+s19+$0x0], $0xffff;
	_ =	sdelay $0x3  }
0x195: {  	v45 =	vld [tilespmem:s26+$0x20D0]  }
0x196: {  	[tilespmem:s26+$0x1C7B0] =	vst v0  }
0x197: {  	v0 =	vld.idx.msk [tilespmem:v44+s19+$0x0], $0xffff;
	_ =	sdelay $0x3  }
0x198: {  	v46 =	vld [tilespmem:s26+$0x20E0]  }
0x199: {  	[tilespmem:s26+$0x1C7C0] =	vst v0  }
0x19a: {  	v0 =	vld.idx.msk [tilespmem:v45+s19+$0x0], $0xffff;
	_ =	sdelay $0x3  }
0x19b: {  	v47 =	vld [tilespmem:s26+$0x20F0]  }
0x19c: {  	[tilespmem:s26+$0x1C7D0] =	vst v0  }
0x19d: {  	v0 =	vld.idx.msk [tilespmem:v46+s19+$0x0], $0xffff;
	_ =	sdelay $0x4  }
0x19e: {  	[tilespmem:s26+$0x1C7E0] =	vst v0  }
0x19f: {  	v0 =	vld.idx.msk [tilespmem:v47+s19+$0x0], $0xffff;
	_ =	sdelay $0x4  }
0x1a0: {  	s30 =	sadd.s32 $0xFFFFFF00, s25;
	s31 =	sadd.s32 $0x1C780, s26;
	[tilespmem:s26+$0x1C7F0] =	vst v0  }
0x1a1: {  	[hbm4b:s30+s3] =	stream.linear.scatter [tilespmem:s31], [sflag:$0x1], $0x80, $0x38;
	[tilespmem:$0x1E700] =	vst v63  }
0x1a2: {  	v48 =	vld [tilespmem:s26+$0x2100];
	_ =	sdelay $0x5  }
0x1a3: {  	v49 =	vld [tilespmem:s26+$0x2110];
	_ =	sdelay $0x1  }
0x1a4: {  	v0 =	vld.idx.msk [tilespmem:v48+s19+$0x0], $0xffff;
	_ =	sdelay $0x3  }
0x1a5: {  	v50 =	vld [tilespmem:s26+$0x2120]  }
0x1a6: {  	[tilespmem:s26+$0x1C800] =	vst v0  }
0x1a7: {  	v0 =	vld.idx.msk [tilespmem:v49+s19+$0x0], $0xffff;
	_ =	sdelay $0x3  }
0x1a8: {  	v51 =	vld [tilespmem:s26+$0x2130]  }
0x1a9: {  	[tilespmem:s26+$0x1C810] =	vst v0  }
0x1aa: {  	v0 =	vld.idx.msk [tilespmem:v50+s19+$0x0], $0xffff;
	_ =	sdelay $0x3  }
0x1ab: {  	v52 =	vld [tilespmem:s26+$0x2140]  }
0x1ac: {  	[tilespmem:s26+$0x1C820] =	vst v0  }
0x1ad: {  	v0 =	vld.idx.msk [tilespmem:v51+s19+$0x0], $0xffff;
	_ =	sdelay $0x3  }
0x1ae: {  	v53 =	vld [tilespmem:s26+$0x2150]  }
0x1af: {  	[tilespmem:s26+$0x1C830] =	vst v0  }
0x1b0: {  	v0 =	vld.idx.msk [tilespmem:v52+s19+$0x0], $0xffff;
	_ =	sdelay $0x3  }
0x1b1: {  	v54 =	vld [tilespmem:s26+$0x2160]  }
0x1b2: {  	[tilespmem:s26+$0x1C840] =	vst v0  }
0x1b3: {  	v0 =	vld.idx.msk [tilespmem:v53+s19+$0x0], $0xffff;
	_ =	sdelay $0x3  }
0x1b4: {  	v55 =	vld [tilespmem:s26+$0x2170]  }
0x1b5: {  	[tilespmem:s26+$0x1C850] =	vst v0  }
0x1b6: {  	v0 =	vld.idx.msk [tilespmem:v54+s19+$0x0], $0xffff;
	_ =	sdelay $0x4  }
0x1b7: {  	[tilespmem:s26+$0x1C860] =	vst v0  }
0x1b8: {  	v0 =	vld.idx.msk [tilespmem:v55+s19+$0x0], $0xffff;
	_ =	sdelay $0x4  }
0x1b9: {  	s31 =	sadd.s32 $0x1C800, s26;
	s30 =	sadd.s32 $0xFFFFFF80, s25;
	[tilespmem:s26+$0x1C870] =	vst v0  }
0x1ba: {  	[hbm4b:s30+s3] =	stream.linear.scatter [tilespmem:s31], [sflag:$0x1], $0x80, $0x38;
	[tilespmem:$0x1E700] =	vst v63  }
0x1bb: {  	v56 =	vld [tilespmem:s26+$0x2180];
	_ =	sdelay $0x5  }
0x1bc: {  	v57 =	vld [tilespmem:s26+$0x2190];
	_ =	sdelay $0x1  }
0x1bd: {  	v0 =	vld.idx.msk [tilespmem:v56+s19+$0x0], $0xffff;
	_ =	sdelay $0x3  }
0x1be: {  	v58 =	vld [tilespmem:s26+$0x21A0]  }
0x1bf: {  	[tilespmem:s26+$0x1C880] =	vst v0  }
0x1c0: {  	v0 =	vld.idx.msk [tilespmem:v57+s19+$0x0], $0xffff;
	_ =	sdelay $0x3  }
0x1c1: {  	v59 =	vld [tilespmem:s26+$0x21B0]  }
0x1c2: {  	[tilespmem:s26+$0x1C890] =	vst v0  }
0x1c3: {  	v0 =	vld.idx.msk [tilespmem:v58+s19+$0x0], $0xffff;
	_ =	sdelay $0x3  }
0x1c4: {  	v60 =	vld [tilespmem:s26+$0x21C0]  }
0x1c5: {  	[tilespmem:s26+$0x1C8A0] =	vst v0  }
0x1c6: {  	v0 =	vld.idx.msk [tilespmem:v59+s19+$0x0], $0xffff;
	_ =	sdelay $0x3  }
0x1c7: {  	v61 =	vld [tilespmem:s26+$0x21D0]  }
0x1c8: {  	[tilespmem:s26+$0x1C8B0] =	vst v0  }
0x1c9: {  	v0 =	vld.idx.msk [tilespmem:v60+s19+$0x0], $0xffff;
	_ =	sdelay $0x3  }
0x1ca: {  	v62 =	vld [tilespmem:s26+$0x21E0]  }
0x1cb: {  	[tilespmem:s26+$0x1C8C0] =	vst v0  }
0x1cc: {  	v0 =	vld.idx.msk [tilespmem:v61+s19+$0x0], $0xffff;
	_ =	sdelay $0x3  }
0x1cd: {  	v63 =	vld [tilespmem:s26+$0x21F0]  }
0x1ce: {  	[tilespmem:s26+$0x1C8D0] =	vst v0  }
0x1cf: {  	v0 =	vld.idx.msk [tilespmem:v62+s19+$0x0], $0xffff;
	_ =	sdelay $0x4  }
0x1d0: {  	[tilespmem:s26+$0x1C8E0] =	vst v0  }
0x1d1: {  	v0 =	vld.idx.msk [tilespmem:v63+s19+$0x0], $0xffff  }
0x1d2: {  	s23 =	sadd.s32 $0x4, s23  }
0x1d3: {  	p0 =	slt.u32 s23, $0x3C  }
.Ltmp3:
0x1d4: {  	_ = 	snop;
	(pc) =	sbr.rel @p0 .LBB2_8-.Ltmp3, $4  }
0x1d5: {  	_ = 	snop  }
0x1d6: {  	s31 =	sadd.s32 $0x1C880, s26;
	[tilespmem:s26+$0x1C8F0] =	vst v0  }
0x1d7: {  	[hbm4b:s25+s3] =	stream.linear.scatter [tilespmem:s31], [sflag:$0x1], $0x80, $0x38;
	[tilespmem:$0x1E700] =	vst v63  }
0x1d8: {  	s24 =	sadd.s32 $0x800, s24;
	s25 =	sadd.s32 $0x200, s25  }
0x1d9: {  	[tilespmem:s19], [sflag:$0x2] =	stream.strided.gather [hbm4b:s6+s17], $0x18700, s18, s17, $0x38;
	[tilespmem:$0x1E700] =	vst v63  }
0x1da: {  	_ =	swait.ge [sflag:s20], $0x18700  }
0x1db: {  	[sflag:s20] =	ssyncset.done $0x0  }
0x1dc: {  	[sflag:s20] =	ssyncadd.s32 $0xFFFE7900  }
0x1dd: {  	_ =	swait.ge [sflag:s21], $0x2000  }
0x1de: {  	s23 =	simm.s32 $0xFFFFFFFC;
	[sflag:s21] =	ssyncset.done $0x0  }
0x1df: {  	s24 =	simm.s32 $0x0;
	s25 =	smov.u32 s13;
	[sflag:s21] =	ssyncadd.s32 $0xFFFFE000  }
.LBB2_10:
0x1e0: {  	s26 =	sshra.s32 s24, $0x2  }
0x1e1: {  	v0 =	vld [tilespmem:s26+$0x0];
	_ =	sdelay $0x5  }
0x1e2: {  	v1 =	vld [tilespmem:s26+$0x10];
	_ =	sdelay $0x1  }
0x1e3: {  	v0 =	vld.idx.msk [tilespmem:v0+s19+$0x0], $0xffff;
	_ =	sdelay $0x3  }
0x1e4: {  	v2 =	vld [tilespmem:s26+$0x20]  }
0x1e5: {  	[tilespmem:s26+$0x1C700] =	vst v0  }
0x1e6: {  	v0 =	vld.idx.msk [tilespmem:v1+s19+$0x0], $0xffff;
	_ =	sdelay $0x3  }
0x1e7: {  	v35 =	vld [tilespmem:s26+$0x30]  }
0x1e8: {  	[tilespmem:s26+$0x1C710] =	vst v0  }
0x1e9: {  	v0 =	vld.idx.msk [tilespmem:v2+s19+$0x0], $0xffff;
	_ =	sdelay $0x3  }
0x1ea: {  	v36 =	vld [tilespmem:s26+$0x40]  }
0x1eb: {  	[tilespmem:s26+$0x1C720] =	vst v0  }
0x1ec: {  	v0 =	vld.idx.msk [tilespmem:v35+s19+$0x0], $0xffff;
	_ =	sdelay $0x3  }
0x1ed: {  	v37 =	vld [tilespmem:s26+$0x50]  }
0x1ee: {  	[tilespmem:s26+$0x1C730] =	vst v0  }
0x1ef: {  	v0 =	vld.idx.msk [tilespmem:v36+s19+$0x0], $0xffff;
	_ =	sdelay $0x3  }
0x1f0: {  	v38 =	vld [tilespmem:s26+$0x60]  }
0x1f1: {  	[tilespmem:s26+$0x1C740] =	vst v0  }
0x1f2: {  	v0 =	vld.idx.msk [tilespmem:v37+s19+$0x0], $0xffff;
	_ =	sdelay $0x3  }
0x1f3: {  	v39 =	vld [tilespmem:s26+$0x70]  }
0x1f4: {  	[tilespmem:s26+$0x1C750] =	vst v0  }
0x1f5: {  	v0 =	vld.idx.msk [tilespmem:v38+s19+$0x0], $0xffff;
	_ =	sdelay $0x4  }
0x1f6: {  	[tilespmem:s26+$0x1C760] =	vst v0  }
0x1f7: {  	v0 =	vld.idx.msk [tilespmem:v39+s19+$0x0], $0xffff;
	_ =	sdelay $0x4  }
0x1f8: {  	s28 =	sadd.s32 $0x1C700, s26;
	[tilespmem:s26+$0x1C770] =	vst v0  }
0x1f9: {  	[hbm4b:s25+s3] =	stream.linear.scatter [tilespmem:s28], [sflag:$0x1], $0x80, $0x38;
	[tilespmem:$0x1E700] =	vst v63  }
0x1fa: {  	v40 =	vld [tilespmem:s26+$0x80];
	_ =	sdelay $0x5  }
0x1fb: {  	v41 =	vld [tilespmem:s26+$0x90];
	_ =	sdelay $0x1  }
0x1fc: {  	v0 =	vld.idx.msk [tilespmem:v40+s19+$0x0], $0xffff;
	_ =	sdelay $0x3  }
0x1fd: {  	v42 =	vld [tilespmem:s26+$0xA0]  }
0x1fe: {  	[tilespmem:s26+$0x1C780] =	vst v0  }
0x1ff: {  	v0 =	vld.idx.msk [tilespmem:v41+s19+$0x0], $0xffff;
	_ =	sdelay $0x3  }
0x200: {  	v43 =	vld [tilespmem:s26+$0xB0]  }
0x201: {  	[tilespmem:s26+$0x1C790] =	vst v0  }
0x202: {  	v0 =	vld.idx.msk [tilespmem:v42+s19+$0x0], $0xffff;
	_ =	sdelay $0x3  }
0x203: {  	v44 =	vld [tilespmem:s26+$0xC0]  }
0x204: {  	[tilespmem:s26+$0x1C7A0] =	vst v0  }
0x205: {  	v0 =	vld.idx.msk [tilespmem:v43+s19+$0x0], $0xffff;
	_ =	sdelay $0x3  }
0x206: {  	v45 =	vld [tilespmem:s26+$0xD0]  }
0x207: {  	[tilespmem:s26+$0x1C7B0] =	vst v0  }
0x208: {  	v0 =	vld.idx.msk [tilespmem:v44+s19+$0x0], $0xffff;
	_ =	sdelay $0x3  }
0x209: {  	v46 =	vld [tilespmem:s26+$0xE0]  }
0x20a: {  	[tilespmem:s26+$0x1C7C0] =	vst v0  }
0x20b: {  	v0 =	vld.idx.msk [tilespmem:v45+s19+$0x0], $0xffff;
	_ =	sdelay $0x3  }
0x20c: {  	v47 =	vld [tilespmem:s26+$0xF0]  }
0x20d: {  	[tilespmem:s26+$0x1C7D0] =	vst v0  }
0x20e: {  	v0 =	vld.idx.msk [tilespmem:v46+s19+$0x0], $0xffff;
	_ =	sdelay $0x4  }
0x20f: {  	[tilespmem:s26+$0x1C7E0] =	vst v0  }
0x210: {  	v0 =	vld.idx.msk [tilespmem:v47+s19+$0x0], $0xffff;
	_ =	sdelay $0x4  }
0x211: {  	s29 =	sadd.s32 $0x80, s25;
	s31 =	sadd.s32 $0x1C780, s26;
	[tilespmem:s26+$0x1C7F0] =	vst v0  }
0x212: {  	[hbm4b:s29+s3] =	stream.linear.scatter [tilespmem:s31], [sflag:$0x1], $0x80, $0x38;
	[tilespmem:$0x1E700] =	vst v63  }
0x213: {  	v48 =	vld [tilespmem:s26+$0x100];
	_ =	sdelay $0x5  }
0x214: {  	v49 =	vld [tilespmem:s26+$0x110];
	_ =	sdelay $0x1  }
0x215: {  	v0 =	vld.idx.msk [tilespmem:v48+s19+$0x0], $0xffff;
	_ =	sdelay $0x3  }
0x216: {  	v50 =	vld [tilespmem:s26+$0x120]  }
0x217: {  	[tilespmem:s26+$0x1C800] =	vst v0  }
0x218: {  	v0 =	vld.idx.msk [tilespmem:v49+s19+$0x0], $0xffff;
	_ =	sdelay $0x3  }
0x219: {  	v51 =	vld [tilespmem:s26+$0x130]  }
0x21a: {  	[tilespmem:s26+$0x1C810] =	vst v0  }
0x21b: {  	v0 =	vld.idx.msk [tilespmem:v50+s19+$0x0], $0xffff;
	_ =	sdelay $0x3  }
0x21c: {  	v52 =	vld [tilespmem:s26+$0x140]  }
0x21d: {  	[tilespmem:s26+$0x1C820] =	vst v0  }
0x21e: {  	v0 =	vld.idx.msk [tilespmem:v51+s19+$0x0], $0xffff;
	_ =	sdelay $0x3  }
0x21f: {  	v53 =	vld [tilespmem:s26+$0x150]  }
0x220: {  	[tilespmem:s26+$0x1C830] =	vst v0  }
0x221: {  	v0 =	vld.idx.msk [tilespmem:v52+s19+$0x0], $0xffff;
	_ =	sdelay $0x3  }
0x222: {  	v54 =	vld [tilespmem:s26+$0x160]  }
0x223: {  	[tilespmem:s26+$0x1C840] =	vst v0  }
0x224: {  	v0 =	vld.idx.msk [tilespmem:v53+s19+$0x0], $0xffff;
	_ =	sdelay $0x3  }
0x225: {  	v55 =	vld [tilespmem:s26+$0x170]  }
0x226: {  	[tilespmem:s26+$0x1C850] =	vst v0  }
0x227: {  	v0 =	vld.idx.msk [tilespmem:v54+s19+$0x0], $0xffff;
	_ =	sdelay $0x4  }
0x228: {  	[tilespmem:s26+$0x1C860] =	vst v0  }
0x229: {  	v0 =	vld.idx.msk [tilespmem:v55+s19+$0x0], $0xffff;
	_ =	sdelay $0x4  }
0x22a: {  	s30 =	sadd.s32 $0x1C800, s26;
	s31 =	sadd.s32 $0x100, s25;
	[tilespmem:s26+$0x1C870] =	vst v0  }
0x22b: {  	[hbm4b:s31+s3] =	stream.linear.scatter [tilespmem:s30], [sflag:$0x1], $0x80, $0x38;
	[tilespmem:$0x1E700] =	vst v63  }
0x22c: {  	v56 =	vld [tilespmem:s26+$0x180];
	_ =	sdelay $0x5  }
0x22d: {  	v57 =	vld [tilespmem:s26+$0x190];
	_ =	sdelay $0x1  }
0x22e: {  	v0 =	vld.idx.msk [tilespmem:v56+s19+$0x0], $0xffff;
	_ =	sdelay $0x3  }
0x22f: {  	v58 =	vld [tilespmem:s26+$0x1A0]  }
0x230: {  	[tilespmem:s26+$0x1C880] =	vst v0  }
0x231: {  	v0 =	vld.idx.msk [tilespmem:v57+s19+$0x0], $0xffff;
	_ =	sdelay $0x3  }
0x232: {  	v59 =	vld [tilespmem:s26+$0x1B0]  }
0x233: {  	[tilespmem:s26+$0x1C890] =	vst v0  }
0x234: {  	v0 =	vld.idx.msk [tilespmem:v58+s19+$0x0], $0xffff;
	_ =	sdelay $0x3  }
0x235: {  	v60 =	vld [tilespmem:s26+$0x1C0]  }
0x236: {  	[tilespmem:s26+$0x1C8A0] =	vst v0  }
0x237: {  	v0 =	vld.idx.msk [tilespmem:v59+s19+$0x0], $0xffff;
	_ =	sdelay $0x3  }
0x238: {  	v61 =	vld [tilespmem:s26+$0x1D0]  }
0x239: {  	[tilespmem:s26+$0x1C8B0] =	vst v0  }
0x23a: {  	v0 =	vld.idx.msk [tilespmem:v60+s19+$0x0], $0xffff;
	_ =	sdelay $0x3  }
0x23b: {  	v62 =	vld [tilespmem:s26+$0x1E0]  }
0x23c: {  	[tilespmem:s26+$0x1C8C0] =	vst v0  }
0x23d: {  	v0 =	vld.idx.msk [tilespmem:v61+s19+$0x0], $0xffff;
	_ =	sdelay $0x3  }
0x23e: {  	v63 =	vld [tilespmem:s26+$0x1F0]  }
0x23f: {  	[tilespmem:s26+$0x1C8D0] =	vst v0  }
0x240: {  	v0 =	vld.idx.msk [tilespmem:v62+s19+$0x0], $0xffff;
	_ =	sdelay $0x4  }
0x241: {  	[tilespmem:s26+$0x1C8E0] =	vst v0  }
0x242: {  	s23 =	sadd.s32 $0x4, s23;
	v0 =	vld.idx.msk [tilespmem:v63+s19+$0x0], $0xffff  }
0x243: {  	p0 =	slt.u32 s23, $0x3C  }
.Ltmp4:
0x244: {  	_ = 	snop;
	(pc) =	sbr.rel @p0 .LBB2_10-.Ltmp4, $4  }
0x245: {  	_ = 	snop  }
0x246: {  	s24 =	sadd.s32 $0x800, s24  }
0x247: {  	s30 =	sadd.s32 $0x1C880, s26;
	s31 =	sadd.s32 $0x180, s25;
	s25 =	sadd.s32 $0x200, s25;
	[tilespmem:s26+$0x1C8F0] =	vst v0  }
0x248: {  	[hbm4b:s31+s3] =	stream.linear.scatter [tilespmem:s30], [sflag:$0x1], $0x80, $0x38;
	[tilespmem:$0x1E700] =	vst v63  }
0x249: {  	_ =	swait.ge [sflag:s21], $0x2000  }
0x24a: {  	s23 =	simm.s32 $0xFFFFFFFC;
	[sflag:s21] =	ssyncset.done $0x0  }
0x24b: {  	s24 =	simm.s32 $0x0;
	s25 =	smov.u32 s14;
	[sflag:s21] =	ssyncadd.s32 $0xFFFFE000  }
.LBB2_12:
0x24c: {  	s26 =	sshra.s32 s24, $0x2  }
0x24d: {  	v0 =	vld [tilespmem:s26+$0x2000];
	_ =	sdelay $0x5  }
0x24e: {  	v1 =	vld [tilespmem:s26+$0x2010];
	_ =	sdelay $0x1  }
0x24f: {  	v0 =	vld.idx.msk [tilespmem:v0+s19+$0x0], $0xffff;
	_ =	sdelay $0x3  }
0x250: {  	v2 =	vld [tilespmem:s26+$0x2020]  }
0x251: {  	[tilespmem:s26+$0x1C700] =	vst v0  }
0x252: {  	v0 =	vld.idx.msk [tilespmem:v1+s19+$0x0], $0xffff;
	_ =	sdelay $0x3  }
0x253: {  	v35 =	vld [tilespmem:s26+$0x2030]  }
0x254: {  	[tilespmem:s26+$0x1C710] =	vst v0  }
0x255: {  	v0 =	vld.idx.msk [tilespmem:v2+s19+$0x0], $0xffff;
	_ =	sdelay $0x3  }
0x256: {  	v36 =	vld [tilespmem:s26+$0x2040]  }
0x257: {  	[tilespmem:s26+$0x1C720] =	vst v0  }
0x258: {  	v0 =	vld.idx.msk [tilespmem:v35+s19+$0x0], $0xffff;
	_ =	sdelay $0x3  }
0x259: {  	v37 =	vld [tilespmem:s26+$0x2050]  }
0x25a: {  	[tilespmem:s26+$0x1C730] =	vst v0  }
0x25b: {  	v0 =	vld.idx.msk [tilespmem:v36+s19+$0x0], $0xffff;
	_ =	sdelay $0x3  }
0x25c: {  	v38 =	vld [tilespmem:s26+$0x2060]  }
0x25d: {  	[tilespmem:s26+$0x1C740] =	vst v0  }
0x25e: {  	v0 =	vld.idx.msk [tilespmem:v37+s19+$0x0], $0xffff;
	_ =	sdelay $0x3  }
0x25f: {  	v39 =	vld [tilespmem:s26+$0x2070]  }
0x260: {  	[tilespmem:s26+$0x1C750] =	vst v0  }
0x261: {  	v0 =	vld.idx.msk [tilespmem:v38+s19+$0x0], $0xffff;
	_ =	sdelay $0x4  }
0x262: {  	[tilespmem:s26+$0x1C760] =	vst v0  }
0x263: {  	v0 =	vld.idx.msk [tilespmem:v39+s19+$0x0], $0xffff;
	_ =	sdelay $0x4  }
0x264: {  	s29 =	sadd.s32 $0xFFFFFE80, s25;
	s28 =	sadd.s32 $0x1C700, s26;
	[tilespmem:s26+$0x1C770] =	vst v0  }
0x265: {  	[hbm4b:s29+s3] =	stream.linear.scatter [tilespmem:s28], [sflag:$0x1], $0x80, $0x38;
	[tilespmem:$0x1E700] =	vst v63  }
0x266: {  	v40 =	vld [tilespmem:s26+$0x2080];
	_ =	sdelay $0x5  }
0x267: {  	v41 =	vld [tilespmem:s26+$0x2090];
	_ =	sdelay $0x1  }
0x268: {  	v0 =	vld.idx.msk [tilespmem:v40+s19+$0x0], $0xffff;
	_ =	sdelay $0x3  }
0x269: {  	v42 =	vld [tilespmem:s26+$0x20A0]  }
0x26a: {  	[tilespmem:s26+$0x1C780] =	vst v0  }
0x26b: {  	v0 =	vld.idx.msk [tilespmem:v41+s19+$0x0], $0xffff;
	_ =	sdelay $0x3  }
0x26c: {  	v43 =	vld [tilespmem:s26+$0x20B0]  }
0x26d: {  	[tilespmem:s26+$0x1C790] =	vst v0  }
0x26e: {  	v0 =	vld.idx.msk [tilespmem:v42+s19+$0x0], $0xffff;
	_ =	sdelay $0x3  }
0x26f: {  	v44 =	vld [tilespmem:s26+$0x20C0]  }
0x270: {  	[tilespmem:s26+$0x1C7A0] =	vst v0  }
0x271: {  	v0 =	vld.idx.msk [tilespmem:v43+s19+$0x0], $0xffff;
	_ =	sdelay $0x3  }
0x272: {  	v45 =	vld [tilespmem:s26+$0x20D0]  }
0x273: {  	[tilespmem:s26+$0x1C7B0] =	vst v0  }
0x274: {  	v0 =	vld.idx.msk [tilespmem:v44+s19+$0x0], $0xffff;
	_ =	sdelay $0x3  }
0x275: {  	v46 =	vld [tilespmem:s26+$0x20E0]  }
0x276: {  	[tilespmem:s26+$0x1C7C0] =	vst v0  }
0x277: {  	v0 =	vld.idx.msk [tilespmem:v45+s19+$0x0], $0xffff;
	_ =	sdelay $0x3  }
0x278: {  	v47 =	vld [tilespmem:s26+$0x20F0]  }
0x279: {  	[tilespmem:s26+$0x1C7D0] =	vst v0  }
0x27a: {  	v0 =	vld.idx.msk [tilespmem:v46+s19+$0x0], $0xffff;
	_ =	sdelay $0x4  }
0x27b: {  	[tilespmem:s26+$0x1C7E0] =	vst v0  }
0x27c: {  	v0 =	vld.idx.msk [tilespmem:v47+s19+$0x0], $0xffff;
	_ =	sdelay $0x4  }
0x27d: {  	s30 =	sadd.s32 $0xFFFFFF00, s25;
	s31 =	sadd.s32 $0x1C780, s26;
	[tilespmem:s26+$0x1C7F0] =	vst v0  }
0x27e: {  	[hbm4b:s30+s3] =	stream.linear.scatter [tilespmem:s31], [sflag:$0x1], $0x80, $0x38;
	[tilespmem:$0x1E700] =	vst v63  }
0x27f: {  	v48 =	vld [tilespmem:s26+$0x2100];
	_ =	sdelay $0x5  }
0x280: {  	v49 =	vld [tilespmem:s26+$0x2110];
	_ =	sdelay $0x1  }
0x281: {  	v0 =	vld.idx.msk [tilespmem:v48+s19+$0x0], $0xffff;
	_ =	sdelay $0x3  }
0x282: {  	v50 =	vld [tilespmem:s26+$0x2120]  }
0x283: {  	[tilespmem:s26+$0x1C800] =	vst v0  }
0x284: {  	v0 =	vld.idx.msk [tilespmem:v49+s19+$0x0], $0xffff;
	_ =	sdelay $0x3  }
0x285: {  	v51 =	vld [tilespmem:s26+$0x2130]  }
0x286: {  	[tilespmem:s26+$0x1C810] =	vst v0  }
0x287: {  	v0 =	vld.idx.msk [tilespmem:v50+s19+$0x0], $0xffff;
	_ =	sdelay $0x3  }
0x288: {  	v52 =	vld [tilespmem:s26+$0x2140]  }
0x289: {  	[tilespmem:s26+$0x1C820] =	vst v0  }
0x28a: {  	v0 =	vld.idx.msk [tilespmem:v51+s19+$0x0], $0xffff;
	_ =	sdelay $0x3  }
0x28b: {  	v53 =	vld [tilespmem:s26+$0x2150]  }
0x28c: {  	[tilespmem:s26+$0x1C830] =	vst v0  }
0x28d: {  	v0 =	vld.idx.msk [tilespmem:v52+s19+$0x0], $0xffff;
	_ =	sdelay $0x3  }
0x28e: {  	v54 =	vld [tilespmem:s26+$0x2160]  }
0x28f: {  	[tilespmem:s26+$0x1C840] =	vst v0  }
0x290: {  	v0 =	vld.idx.msk [tilespmem:v53+s19+$0x0], $0xffff;
	_ =	sdelay $0x3  }
0x291: {  	v55 =	vld [tilespmem:s26+$0x2170]  }
0x292: {  	[tilespmem:s26+$0x1C850] =	vst v0  }
0x293: {  	v0 =	vld.idx.msk [tilespmem:v54+s19+$0x0], $0xffff;
	_ =	sdelay $0x4  }
0x294: {  	[tilespmem:s26+$0x1C860] =	vst v0  }
0x295: {  	v0 =	vld.idx.msk [tilespmem:v55+s19+$0x0], $0xffff;
	_ =	sdelay $0x4  }
0x296: {  	s31 =	sadd.s32 $0x1C800, s26;
	s30 =	sadd.s32 $0xFFFFFF80, s25;
	[tilespmem:s26+$0x1C870] =	vst v0  }
0x297: {  	[hbm4b:s30+s3] =	stream.linear.scatter [tilespmem:s31], [sflag:$0x1], $0x80, $0x38;
	[tilespmem:$0x1E700] =	vst v63  }
0x298: {  	v56 =	vld [tilespmem:s26+$0x2180];
	_ =	sdelay $0x5  }
0x299: {  	v57 =	vld [tilespmem:s26+$0x2190];
	_ =	sdelay $0x1  }
0x29a: {  	v0 =	vld.idx.msk [tilespmem:v56+s19+$0x0], $0xffff;
	_ =	sdelay $0x3  }
0x29b: {  	v58 =	vld [tilespmem:s26+$0x21A0]  }
0x29c: {  	[tilespmem:s26+$0x1C880] =	vst v0  }
0x29d: {  	v0 =	vld.idx.msk [tilespmem:v57+s19+$0x0], $0xffff;
	_ =	sdelay $0x3  }
0x29e: {  	v59 =	vld [tilespmem:s26+$0x21B0]  }
0x29f: {  	[tilespmem:s26+$0x1C890] =	vst v0  }
0x2a0: {  	v0 =	vld.idx.msk [tilespmem:v58+s19+$0x0], $0xffff;
	_ =	sdelay $0x3  }
0x2a1: {  	v60 =	vld [tilespmem:s26+$0x21C0]  }
0x2a2: {  	[tilespmem:s26+$0x1C8A0] =	vst v0  }
0x2a3: {  	v0 =	vld.idx.msk [tilespmem:v59+s19+$0x0], $0xffff;
	_ =	sdelay $0x3  }
0x2a4: {  	v61 =	vld [tilespmem:s26+$0x21D0]  }
0x2a5: {  	[tilespmem:s26+$0x1C8B0] =	vst v0  }
0x2a6: {  	v0 =	vld.idx.msk [tilespmem:v60+s19+$0x0], $0xffff;
	_ =	sdelay $0x3  }
0x2a7: {  	v62 =	vld [tilespmem:s26+$0x21E0]  }
0x2a8: {  	[tilespmem:s26+$0x1C8C0] =	vst v0  }
0x2a9: {  	v0 =	vld.idx.msk [tilespmem:v61+s19+$0x0], $0xffff;
	_ =	sdelay $0x3  }
0x2aa: {  	v63 =	vld [tilespmem:s26+$0x21F0]  }
0x2ab: {  	[tilespmem:s26+$0x1C8D0] =	vst v0  }
0x2ac: {  	v0 =	vld.idx.msk [tilespmem:v62+s19+$0x0], $0xffff;
	_ =	sdelay $0x4  }
0x2ad: {  	[tilespmem:s26+$0x1C8E0] =	vst v0  }
0x2ae: {  	v0 =	vld.idx.msk [tilespmem:v63+s19+$0x0], $0xffff  }
0x2af: {  	s23 =	sadd.s32 $0x4, s23  }
0x2b0: {  	p0 =	slt.u32 s23, $0x3C  }
.Ltmp5:
0x2b1: {  	_ = 	snop;
	(pc) =	sbr.rel @p0 .LBB2_12-.Ltmp5, $4  }
0x2b2: {  	_ = 	snop  }
0x2b3: {  	s31 =	sadd.s32 $0x1C880, s26;
	[tilespmem:s26+$0x1C8F0] =	vst v0  }
0x2b4: {  	[hbm4b:s25+s3] =	stream.linear.scatter [tilespmem:s31], [sflag:$0x1], $0x80, $0x38;
	[tilespmem:$0x1E700] =	vst v63  }
0x2b5: {  	s24 =	sadd.s32 $0x800, s24;
	s25 =	sadd.s32 $0x200, s25  }
0x2b6: {  	[tilespmem:s19], [sflag:$0x2] =	stream.strided.gather [hbm4b:s7+s17], $0x18700, s18, s17, $0x38;
	[tilespmem:$0x1E700] =	vst v63  }
0x2b7: {  	_ =	swait.ge [sflag:s20], $0x18700  }
0x2b8: {  	[sflag:s20] =	ssyncset.done $0x0  }
0x2b9: {  	[sflag:s20] =	ssyncadd.s32 $0xFFFE7900  }
0x2ba: {  	_ =	swait.ge [sflag:s21], $0x2000  }
0x2bb: {  	s23 =	simm.s32 $0xFFFFFFFC;
	[sflag:s21] =	ssyncset.done $0x0  }
0x2bc: {  	s24 =	simm.s32 $0x0;
	s25 =	smov.u32 s15;
	[sflag:s21] =	ssyncadd.s32 $0xFFFFE000  }
.LBB2_14:
0x2bd: {  	s26 =	sshra.s32 s24, $0x2  }
0x2be: {  	v0 =	vld [tilespmem:s26+$0x0];
	_ =	sdelay $0x5  }
0x2bf: {  	v1 =	vld [tilespmem:s26+$0x10];
	_ =	sdelay $0x1  }
0x2c0: {  	v0 =	vld.idx.msk [tilespmem:v0+s19+$0x0], $0xffff;
	_ =	sdelay $0x3  }
0x2c1: {  	v2 =	vld [tilespmem:s26+$0x20]  }
0x2c2: {  	[tilespmem:s26+$0x1C700] =	vst v0  }
0x2c3: {  	v0 =	vld.idx.msk [tilespmem:v1+s19+$0x0], $0xffff;
	_ =	sdelay $0x3  }
0x2c4: {  	v35 =	vld [tilespmem:s26+$0x30]  }
0x2c5: {  	[tilespmem:s26+$0x1C710] =	vst v0  }
0x2c6: {  	v0 =	vld.idx.msk [tilespmem:v2+s19+$0x0], $0xffff;
	_ =	sdelay $0x3  }
0x2c7: {  	v36 =	vld [tilespmem:s26+$0x40]  }
0x2c8: {  	[tilespmem:s26+$0x1C720] =	vst v0  }
0x2c9: {  	v0 =	vld.idx.msk [tilespmem:v35+s19+$0x0], $0xffff;
	_ =	sdelay $0x3  }
0x2ca: {  	v37 =	vld [tilespmem:s26+$0x50]  }
0x2cb: {  	[tilespmem:s26+$0x1C730] =	vst v0  }
0x2cc: {  	v0 =	vld.idx.msk [tilespmem:v36+s19+$0x0], $0xffff;
	_ =	sdelay $0x3  }
0x2cd: {  	v38 =	vld [tilespmem:s26+$0x60]  }
0x2ce: {  	[tilespmem:s26+$0x1C740] =	vst v0  }
0x2cf: {  	v0 =	vld.idx.msk [tilespmem:v37+s19+$0x0], $0xffff;
	_ =	sdelay $0x3  }
0x2d0: {  	v39 =	vld [tilespmem:s26+$0x70]  }
0x2d1: {  	[tilespmem:s26+$0x1C750] =	vst v0  }
0x2d2: {  	v0 =	vld.idx.msk [tilespmem:v38+s19+$0x0], $0xffff;
	_ =	sdelay $0x4  }
0x2d3: {  	[tilespmem:s26+$0x1C760] =	vst v0  }
0x2d4: {  	v0 =	vld.idx.msk [tilespmem:v39+s19+$0x0], $0xffff;
	_ =	sdelay $0x4  }
0x2d5: {  	s29 =	sadd.s32 $0xFFFFFF00, s25;
	s28 =	sadd.s32 $0x1C700, s26;
	[tilespmem:s26+$0x1C770] =	vst v0  }
0x2d6: {  	[hbm4b:s29+s3] =	stream.linear.scatter [tilespmem:s28], [sflag:$0x1], $0x80, $0x38;
	[tilespmem:$0x1E700] =	vst v63  }
0x2d7: {  	v40 =	vld [tilespmem:s26+$0x80];
	_ =	sdelay $0x5  }
0x2d8: {  	v41 =	vld [tilespmem:s26+$0x90];
	_ =	sdelay $0x1  }
0x2d9: {  	v0 =	vld.idx.msk [tilespmem:v40+s19+$0x0], $0xffff;
	_ =	sdelay $0x3  }
0x2da: {  	v42 =	vld [tilespmem:s26+$0xA0]  }
0x2db: {  	[tilespmem:s26+$0x1C780] =	vst v0  }
0x2dc: {  	v0 =	vld.idx.msk [tilespmem:v41+s19+$0x0], $0xffff;
	_ =	sdelay $0x3  }
0x2dd: {  	v43 =	vld [tilespmem:s26+$0xB0]  }
0x2de: {  	[tilespmem:s26+$0x1C790] =	vst v0  }
0x2df: {  	v0 =	vld.idx.msk [tilespmem:v42+s19+$0x0], $0xffff;
	_ =	sdelay $0x3  }
0x2e0: {  	v44 =	vld [tilespmem:s26+$0xC0]  }
0x2e1: {  	[tilespmem:s26+$0x1C7A0] =	vst v0  }
0x2e2: {  	v0 =	vld.idx.msk [tilespmem:v43+s19+$0x0], $0xffff;
	_ =	sdelay $0x3  }
0x2e3: {  	v45 =	vld [tilespmem:s26+$0xD0]  }
0x2e4: {  	[tilespmem:s26+$0x1C7B0] =	vst v0  }
0x2e5: {  	v0 =	vld.idx.msk [tilespmem:v44+s19+$0x0], $0xffff;
	_ =	sdelay $0x3  }
0x2e6: {  	v46 =	vld [tilespmem:s26+$0xE0]  }
0x2e7: {  	[tilespmem:s26+$0x1C7C0] =	vst v0  }
0x2e8: {  	v0 =	vld.idx.msk [tilespmem:v45+s19+$0x0], $0xffff;
	_ =	sdelay $0x3  }
0x2e9: {  	v47 =	vld [tilespmem:s26+$0xF0]  }
0x2ea: {  	[tilespmem:s26+$0x1C7D0] =	vst v0  }
0x2eb: {  	v0 =	vld.idx.msk [tilespmem:v46+s19+$0x0], $0xffff;
	_ =	sdelay $0x4  }
0x2ec: {  	[tilespmem:s26+$0x1C7E0] =	vst v0  }
0x2ed: {  	v0 =	vld.idx.msk [tilespmem:v47+s19+$0x0], $0xffff;
	_ =	sdelay $0x4  }
0x2ee: {  	s31 =	sadd.s32 $0xFFFFFF80, s25;
	s30 =	sadd.s32 $0x1C780, s26;
	[tilespmem:s26+$0x1C7F0] =	vst v0  }
0x2ef: {  	[hbm4b:s31+s3] =	stream.linear.scatter [tilespmem:s30], [sflag:$0x1], $0x80, $0x38;
	[tilespmem:$0x1E700] =	vst v63  }
0x2f0: {  	v48 =	vld [tilespmem:s26+$0x100];
	_ =	sdelay $0x5  }
0x2f1: {  	v49 =	vld [tilespmem:s26+$0x110];
	_ =	sdelay $0x1  }
0x2f2: {  	v0 =	vld.idx.msk [tilespmem:v48+s19+$0x0], $0xffff;
	_ =	sdelay $0x3  }
0x2f3: {  	v50 =	vld [tilespmem:s26+$0x120]  }
0x2f4: {  	[tilespmem:s26+$0x1C800] =	vst v0  }
0x2f5: {  	v0 =	vld.idx.msk [tilespmem:v49+s19+$0x0], $0xffff;
	_ =	sdelay $0x3  }
0x2f6: {  	v51 =	vld [tilespmem:s26+$0x130]  }
0x2f7: {  	[tilespmem:s26+$0x1C810] =	vst v0  }
0x2f8: {  	v0 =	vld.idx.msk [tilespmem:v50+s19+$0x0], $0xffff;
	_ =	sdelay $0x3  }
0x2f9: {  	v52 =	vld [tilespmem:s26+$0x140]  }
0x2fa: {  	[tilespmem:s26+$0x1C820] =	vst v0  }
0x2fb: {  	v0 =	vld.idx.msk [tilespmem:v51+s19+$0x0], $0xffff;
	_ =	sdelay $0x3  }
0x2fc: {  	v53 =	vld [tilespmem:s26+$0x150]  }
0x2fd: {  	[tilespmem:s26+$0x1C830] =	vst v0  }
0x2fe: {  	v0 =	vld.idx.msk [tilespmem:v52+s19+$0x0], $0xffff;
	_ =	sdelay $0x3  }
0x2ff: {  	v54 =	vld [tilespmem:s26+$0x160]  }
0x300: {  	[tilespmem:s26+$0x1C840] =	vst v0  }
0x301: {  	v0 =	vld.idx.msk [tilespmem:v53+s19+$0x0], $0xffff;
	_ =	sdelay $0x3  }
0x302: {  	v55 =	vld [tilespmem:s26+$0x170]  }
0x303: {  	[tilespmem:s26+$0x1C850] =	vst v0  }
0x304: {  	v0 =	vld.idx.msk [tilespmem:v54+s19+$0x0], $0xffff;
	_ =	sdelay $0x4  }
0x305: {  	[tilespmem:s26+$0x1C860] =	vst v0  }
0x306: {  	v0 =	vld.idx.msk [tilespmem:v55+s19+$0x0], $0xffff;
	_ =	sdelay $0x4  }
0x307: {  	s29 =	sadd.s32 $0x1C800, s26;
	[tilespmem:s26+$0x1C870] =	vst v0  }
0x308: {  	[hbm4b:s25+s3] =	stream.linear.scatter [tilespmem:s29], [sflag:$0x1], $0x80, $0x38;
	[tilespmem:$0x1E700] =	vst v63  }
0x309: {  	v56 =	vld [tilespmem:s26+$0x180];
	_ =	sdelay $0x5  }
0x30a: {  	v57 =	vld [tilespmem:s26+$0x190];
	_ =	sdelay $0x1  }
0x30b: {  	v0 =	vld.idx.msk [tilespmem:v56+s19+$0x0], $0xffff;
	_ =	sdelay $0x3  }
0x30c: {  	v58 =	vld [tilespmem:s26+$0x1A0]  }
0x30d: {  	[tilespmem:s26+$0x1C880] =	vst v0  }
0x30e: {  	v0 =	vld.idx.msk [tilespmem:v57+s19+$0x0], $0xffff;
	_ =	sdelay $0x3  }
0x30f: {  	v59 =	vld [tilespmem:s26+$0x1B0]  }
0x310: {  	[tilespmem:s26+$0x1C890] =	vst v0  }
0x311: {  	v0 =	vld.idx.msk [tilespmem:v58+s19+$0x0], $0xffff;
	_ =	sdelay $0x3  }
0x312: {  	v60 =	vld [tilespmem:s26+$0x1C0]  }
0x313: {  	[tilespmem:s26+$0x1C8A0] =	vst v0  }
0x314: {  	v0 =	vld.idx.msk [tilespmem:v59+s19+$0x0], $0xffff;
	_ =	sdelay $0x3  }
0x315: {  	v61 =	vld [tilespmem:s26+$0x1D0]  }
0x316: {  	[tilespmem:s26+$0x1C8B0] =	vst v0  }
0x317: {  	v0 =	vld.idx.msk [tilespmem:v60+s19+$0x0], $0xffff;
	_ =	sdelay $0x3  }
0x318: {  	v62 =	vld [tilespmem:s26+$0x1E0]  }
0x319: {  	[tilespmem:s26+$0x1C8C0] =	vst v0  }
0x31a: {  	v0 =	vld.idx.msk [tilespmem:v61+s19+$0x0], $0xffff;
	_ =	sdelay $0x3  }
0x31b: {  	v63 =	vld [tilespmem:s26+$0x1F0]  }
0x31c: {  	[tilespmem:s26+$0x1C8D0] =	vst v0  }
0x31d: {  	v0 =	vld.idx.msk [tilespmem:v62+s19+$0x0], $0xffff;
	_ =	sdelay $0x4  }
0x31e: {  	[tilespmem:s26+$0x1C8E0] =	vst v0  }
0x31f: {  	s23 =	sadd.s32 $0x4, s23;
	v0 =	vld.idx.msk [tilespmem:v63+s19+$0x0], $0xffff  }
0x320: {  	p0 =	slt.u32 s23, $0x3C  }
.Ltmp6:
0x321: {  	_ = 	snop;
	(pc) =	sbr.rel @p0 .LBB2_14-.Ltmp6, $4  }
0x322: {  	_ = 	snop  }
0x323: {  	s24 =	sadd.s32 $0x800, s24  }
0x324: {  	s30 =	sadd.s32 $0x1C880, s26;
	s31 =	sadd.s32 $0x80, s25;
	s25 =	sadd.s32 $0x200, s25;
	[tilespmem:s26+$0x1C8F0] =	vst v0  }
0x325: {  	[hbm4b:s31+s3] =	stream.linear.scatter [tilespmem:s30], [sflag:$0x1], $0x80, $0x38;
	[tilespmem:$0x1E700] =	vst v63  }
0x326: {  	_ =	swait.ge [sflag:s21], $0x2000  }
0x327: {  	s23 =	simm.s32 $0xFFFFFFFC;
	[sflag:s21] =	ssyncset.done $0x0  }
0x328: {  	s24 =	simm.s32 $0x0;
	s25 =	smov.u32 s16;
	[sflag:s21] =	ssyncadd.s32 $0xFFFFE000  }
.LBB2_16:
0x329: {  	s26 =	sshra.s32 s24, $0x2  }
0x32a: {  	v0 =	vld [tilespmem:s26+$0x2000];
	_ =	sdelay $0x5  }
0x32b: {  	v1 =	vld [tilespmem:s26+$0x2010];
	_ =	sdelay $0x1  }
0x32c: {  	v0 =	vld.idx.msk [tilespmem:v0+s19+$0x0], $0xffff;
	_ =	sdelay $0x3  }
0x32d: {  	v2 =	vld [tilespmem:s26+$0x2020]  }
0x32e: {  	[tilespmem:s26+$0x1C700] =	vst v0  }
0x32f: {  	v0 =	vld.idx.msk [tilespmem:v1+s19+$0x0], $0xffff;
	_ =	sdelay $0x3  }
0x330: {  	v35 =	vld [tilespmem:s26+$0x2030]  }
0x331: {  	[tilespmem:s26+$0x1C710] =	vst v0  }
0x332: {  	v0 =	vld.idx.msk [tilespmem:v2+s19+$0x0], $0xffff;
	_ =	sdelay $0x3  }
0x333: {  	v36 =	vld [tilespmem:s26+$0x2040]  }
0x334: {  	[tilespmem:s26+$0x1C720] =	vst v0  }
0x335: {  	v0 =	vld.idx.msk [tilespmem:v35+s19+$0x0], $0xffff;
	_ =	sdelay $0x3  }
0x336: {  	v37 =	vld [tilespmem:s26+$0x2050]  }
0x337: {  	[tilespmem:s26+$0x1C730] =	vst v0  }
0x338: {  	v0 =	vld.idx.msk [tilespmem:v36+s19+$0x0], $0xffff;
	_ =	sdelay $0x3  }
0x339: {  	v38 =	vld [tilespmem:s26+$0x2060]  }
0x33a: {  	[tilespmem:s26+$0x1C740] =	vst v0  }
0x33b: {  	v0 =	vld.idx.msk [tilespmem:v37+s19+$0x0], $0xffff;
	_ =	sdelay $0x3  }
0x33c: {  	v39 =	vld [tilespmem:s26+$0x2070]  }
0x33d: {  	[tilespmem:s26+$0x1C750] =	vst v0  }
0x33e: {  	v0 =	vld.idx.msk [tilespmem:v38+s19+$0x0], $0xffff;
	_ =	sdelay $0x4  }
0x33f: {  	[tilespmem:s26+$0x1C760] =	vst v0  }
0x340: {  	v0 =	vld.idx.msk [tilespmem:v39+s19+$0x0], $0xffff;
	_ =	sdelay $0x4  }
0x341: {  	s29 =	sadd.s32 $0xFFFFFE80, s25;
	s28 =	sadd.s32 $0x1C700, s26;
	[tilespmem:s26+$0x1C770] =	vst v0  }
0x342: {  	[hbm4b:s29+s3] =	stream.linear.scatter [tilespmem:s28], [sflag:$0x1], $0x80, $0x38;
	[tilespmem:$0x1E700] =	vst v63  }
0x343: {  	v40 =	vld [tilespmem:s26+$0x2080];
	_ =	sdelay $0x5  }
0x344: {  	v41 =	vld [tilespmem:s26+$0x2090];
	_ =	sdelay $0x1  }
0x345: {  	v0 =	vld.idx.msk [tilespmem:v40+s19+$0x0], $0xffff;
	_ =	sdelay $0x3  }
0x346: {  	v42 =	vld [tilespmem:s26+$0x20A0]  }
0x347: {  	[tilespmem:s26+$0x1C780] =	vst v0  }
0x348: {  	v0 =	vld.idx.msk [tilespmem:v41+s19+$0x0], $0xffff;
	_ =	sdelay $0x3  }
0x349: {  	v43 =	vld [tilespmem:s26+$0x20B0]  }
0x34a: {  	[tilespmem:s26+$0x1C790] =	vst v0  }
0x34b: {  	v0 =	vld.idx.msk [tilespmem:v42+s19+$0x0], $0xffff;
	_ =	sdelay $0x3  }
0x34c: {  	v44 =	vld [tilespmem:s26+$0x20C0]  }
0x34d: {  	[tilespmem:s26+$0x1C7A0] =	vst v0  }
0x34e: {  	v0 =	vld.idx.msk [tilespmem:v43+s19+$0x0], $0xffff;
	_ =	sdelay $0x3  }
0x34f: {  	v45 =	vld [tilespmem:s26+$0x20D0]  }
0x350: {  	[tilespmem:s26+$0x1C7B0] =	vst v0  }
0x351: {  	v0 =	vld.idx.msk [tilespmem:v44+s19+$0x0], $0xffff;
	_ =	sdelay $0x3  }
0x352: {  	v46 =	vld [tilespmem:s26+$0x20E0]  }
0x353: {  	[tilespmem:s26+$0x1C7C0] =	vst v0  }
0x354: {  	v0 =	vld.idx.msk [tilespmem:v45+s19+$0x0], $0xffff;
	_ =	sdelay $0x3  }
0x355: {  	v47 =	vld [tilespmem:s26+$0x20F0]  }
0x356: {  	[tilespmem:s26+$0x1C7D0] =	vst v0  }
0x357: {  	v0 =	vld.idx.msk [tilespmem:v46+s19+$0x0], $0xffff;
	_ =	sdelay $0x4  }
0x358: {  	[tilespmem:s26+$0x1C7E0] =	vst v0  }
0x359: {  	v0 =	vld.idx.msk [tilespmem:v47+s19+$0x0], $0xffff;
	_ =	sdelay $0x4  }
0x35a: {  	s30 =	sadd.s32 $0xFFFFFF00, s25;
	s31 =	sadd.s32 $0x1C780, s26;
	[tilespmem:s26+$0x1C7F0] =	vst v0  }
0x35b: {  	[hbm4b:s30+s3] =	stream.linear.scatter [tilespmem:s31], [sflag:$0x1], $0x80, $0x38;
	[tilespmem:$0x1E700] =	vst v63  }
0x35c: {  	v48 =	vld [tilespmem:s26+$0x2100];
	_ =	sdelay $0x5  }
0x35d: {  	v49 =	vld [tilespmem:s26+$0x2110];
	_ =	sdelay $0x1  }
0x35e: {  	v0 =	vld.idx.msk [tilespmem:v48+s19+$0x0], $0xffff;
	_ =	sdelay $0x3  }
0x35f: {  	v50 =	vld [tilespmem:s26+$0x2120]  }
0x360: {  	[tilespmem:s26+$0x1C800] =	vst v0  }
0x361: {  	v0 =	vld.idx.msk [tilespmem:v49+s19+$0x0], $0xffff;
	_ =	sdelay $0x3  }
0x362: {  	v51 =	vld [tilespmem:s26+$0x2130]  }
0x363: {  	[tilespmem:s26+$0x1C810] =	vst v0  }
0x364: {  	v0 =	vld.idx.msk [tilespmem:v50+s19+$0x0], $0xffff;
	_ =	sdelay $0x3  }
0x365: {  	v52 =	vld [tilespmem:s26+$0x2140]  }
0x366: {  	[tilespmem:s26+$0x1C820] =	vst v0  }
0x367: {  	v0 =	vld.idx.msk [tilespmem:v51+s19+$0x0], $0xffff;
	_ =	sdelay $0x3  }
0x368: {  	v53 =	vld [tilespmem:s26+$0x2150]  }
0x369: {  	[tilespmem:s26+$0x1C830] =	vst v0  }
0x36a: {  	v0 =	vld.idx.msk [tilespmem:v52+s19+$0x0], $0xffff;
	_ =	sdelay $0x3  }
0x36b: {  	v54 =	vld [tilespmem:s26+$0x2160]  }
0x36c: {  	[tilespmem:s26+$0x1C840] =	vst v0  }
0x36d: {  	v0 =	vld.idx.msk [tilespmem:v53+s19+$0x0], $0xffff;
	_ =	sdelay $0x3  }
0x36e: {  	v55 =	vld [tilespmem:s26+$0x2170]  }
0x36f: {  	[tilespmem:s26+$0x1C850] =	vst v0  }
0x370: {  	v0 =	vld.idx.msk [tilespmem:v54+s19+$0x0], $0xffff;
	_ =	sdelay $0x4  }
0x371: {  	[tilespmem:s26+$0x1C860] =	vst v0  }
0x372: {  	v0 =	vld.idx.msk [tilespmem:v55+s19+$0x0], $0xffff;
	_ =	sdelay $0x4  }
0x373: {  	s31 =	sadd.s32 $0x1C800, s26;
	s30 =	sadd.s32 $0xFFFFFF80, s25;
	[tilespmem:s26+$0x1C870] =	vst v0  }
0x374: {  	[hbm4b:s30+s3] =	stream.linear.scatter [tilespmem:s31], [sflag:$0x1], $0x80, $0x38;
	[tilespmem:$0x1E700] =	vst v63  }
0x375: {  	v56 =	vld [tilespmem:s26+$0x2180];
	_ =	sdelay $0x5  }
0x376: {  	v57 =	vld [tilespmem:s26+$0x2190];
	_ =	sdelay $0x1  }
0x377: {  	v0 =	vld.idx.msk [tilespmem:v56+s19+$0x0], $0xffff;
	_ =	sdelay $0x3  }
0x378: {  	v58 =	vld [tilespmem:s26+$0x21A0]  }
0x379: {  	[tilespmem:s26+$0x1C880] =	vst v0  }
0x37a: {  	v0 =	vld.idx.msk [tilespmem:v57+s19+$0x0], $0xffff;
	_ =	sdelay $0x3  }
0x37b: {  	v59 =	vld [tilespmem:s26+$0x21B0]  }
0x37c: {  	[tilespmem:s26+$0x1C890] =	vst v0  }
0x37d: {  	v0 =	vld.idx.msk [tilespmem:v58+s19+$0x0], $0xffff;
	_ =	sdelay $0x3  }
0x37e: {  	v60 =	vld [tilespmem:s26+$0x21C0]  }
0x37f: {  	[tilespmem:s26+$0x1C8A0] =	vst v0  }
0x380: {  	v0 =	vld.idx.msk [tilespmem:v59+s19+$0x0], $0xffff;
	_ =	sdelay $0x3  }
0x381: {  	v61 =	vld [tilespmem:s26+$0x21D0]  }
0x382: {  	[tilespmem:s26+$0x1C8B0] =	vst v0  }
0x383: {  	v0 =	vld.idx.msk [tilespmem:v60+s19+$0x0], $0xffff;
	_ =	sdelay $0x3  }
0x384: {  	v62 =	vld [tilespmem:s26+$0x21E0]  }
0x385: {  	[tilespmem:s26+$0x1C8C0] =	vst v0  }
0x386: {  	v0 =	vld.idx.msk [tilespmem:v61+s19+$0x0], $0xffff;
	_ =	sdelay $0x3  }
0x387: {  	v63 =	vld [tilespmem:s26+$0x21F0]  }
0x388: {  	[tilespmem:s26+$0x1C8D0] =	vst v0  }
0x389: {  	v0 =	vld.idx.msk [tilespmem:v62+s19+$0x0], $0xffff;
	_ =	sdelay $0x4  }
0x38a: {  	[tilespmem:s26+$0x1C8E0] =	vst v0  }
0x38b: {  	v0 =	vld.idx.msk [tilespmem:v63+s19+$0x0], $0xffff  }
0x38c: {  	s23 =	sadd.s32 $0x4, s23  }
0x38d: {  	p0 =	slt.u32 s23, $0x3C  }
.Ltmp7:
0x38e: {  	_ = 	snop;
	(pc) =	sbr.rel @p0 .LBB2_16-.Ltmp7, $4  }
0x38f: {  	_ = 	snop  }
0x390: {  	s31 =	sadd.s32 $0x1C880, s26;
	[tilespmem:s26+$0x1C8F0] =	vst v0  }
0x391: {  	[hbm4b:s25+s3] =	stream.linear.scatter [tilespmem:s31], [sflag:$0x1], $0x80, $0x38;
	[tilespmem:$0x1E700] =	vst v63  }
0x392: {  	s24 =	sadd.s32 $0x800, s24;
	s25 =	sadd.s32 $0x200, s25  }
0x393: {  	s22 =	sadd.s32 $0x1, s22  }
0x394: {  	p0 =	sne.s32 s22, s8  }
.Ltmp8:
0x395: {  	_ = 	snop;
	(pc) =	sbr.rel @p0 .LBB2_1-.Ltmp8, $4  }
0x396: {  	_ = 	snop  }
0x397: {  	_ =	swait.ge [sflag:s21], $0x2000  }
0x398: {  	[sflag:s21] =	ssyncset.done $0x0  }
0x399: {  	[sflag:s21] =	ssyncadd.s32 $0xFFFFE000  }
0x39a: {  	_ =	sfence.sel $0x180000  }
0x39b: {  	[bflag:$0x0] =	sbarrier.arrive $0xFFFF  }
0x39c: {  	p0 =	sne.s32 s1, $0x0;
	_ =	strace $0x90000047  }
0x39d: {  	s0 =	sadd.s32 @!p0 $0x100000, s0;
	[bflag:$0x2] =	sbarrier.arrive $0xFFFF  }
0x39e: {  	[sflag:s0] =	ssyncadd.tile.s32 @!p0 $0x1;
	_ =	shalt  }
.Lfunc_end2:
_tile_overlayer_lowered:
.L_overlay_start_2:
0x39f: {  	(tag) =	ssettag $0x2  }
0x3a0: {  	s0 =	rddreg [dreg:$0x0];
	s2 =	stileid.u32  }
0x3a1: {  	s1 =	rddreg [dreg:$0x1];
	p0 =	sne.s32 s2, $0x0  }
0x3a2: {  	s3 =	rddreg [dreg:$0x2];
	[bflag:$0x3] =	sbarrier.arrive $0xFFFF;
	s2 =	simm.s32 @!p0 $0x1C03  }
0x3a3: {  	[timem:s3], [sflag:s2] =	dma.local @!p0 [hbm:s0], s1  }
0x3a4: {  	s0 =	simm.s32 @!p0 $0x3  }
0x3a5: {  	_ =	swait.ge @!p0 [sflag:s0], s1  }
0x3a6: {  	s1 =	ssub.s32 @!p0 $0x0, s1;
	[sflag:s0] =	ssyncset.done @!p0 $0x0  }
0x3a7: {  	[sflag:s0] =	ssyncadd.s32 @!p0 s1  }
0x3a8: {  	[bflag:$0x3] =	sbarrier.arrive $0xFFFF  }
0x3a9: {  	_ =	shalt  }

</sc_bundles>
